<compile_context>
chip_gen: v7x
topology: tpu7x:2x2x1
jax: 0.10.2.dev20260603
libtpu: 0.0.44.dev20260713+nightly
codegen_flags: <defaults>
</compile_context>

<pallas_src>
import functools

import jax
import jax.numpy as jnp
from jax import lax
from jax.experimental import pallas as pl
from jax.experimental.pallas import tpu as pltpu
from jax.experimental.pallas import tpu_sc as plsc

NC, NS, LANES = 2, 16, 16
NROW = 10000
NP = 10240
NEDGE = 320000
CHUNK = 128
NCHUNK = NEDGE // CHUNK
CPT = -(-NCHUNK // (NC * NS))
CPT2 = -(-NCHUNK // NS)
D = 128
DH = D // 2
BLK = 5000
NB = 5
PRE = 4



def _sc_deg_body(edges, o0, o1, idxc, buf, acc, sem):
    c = lax.axis_index("c")
    s = lax.axis_index("s")
    tid = c * NS + s
    tile_base = NCHUNK + tid * CPT
    last = NCHUNK - (NC * NS - 1) * CPT

    def fill(val):
        def body(i, _):
            buf[i] = jnp.full((LANES,), val, jnp.float32)
            return 0
        lax.fori_loop(0, CHUNK, body, 0)

    fill(0.0)
    for k in range(NP // NS // CHUNK):
        pltpu.sync_copy(buf, acc.at[pl.ds(s * (NP // NS) + k * CHUNK, CHUNK)])
    fill(1.0)

    @pl.when(tid < NC * NS - 1)
    def _stage_full():
        pltpu.sync_copy(edges.at[pl.ds(tile_base, CPT)], idxc.at[pl.ds(0, CPT)])

    @pl.when(tid == NC * NS - 1)
    def _stage_last():
        pltpu.sync_copy(edges.at[pl.ds(tile_base, last)], idxc.at[pl.ds(0, last)])

    plsc.subcore_barrier()

    def fire(t, _):
        @pl.when(tid * CPT + t < NCHUNK)
        def _():
            pltpu.async_copy(buf, acc.at[idxc.at[t]], sem, add=True)
        return 0
    lax.fori_loop(0, CPT, fire, 0)

    def drain(t, _):
        @pl.when(tid * CPT + t < NCHUNK)
        def _():
            pltpu.make_async_copy(buf, acc.at[idxc.at[0]], sem).wait()
        return 0
    lax.fori_loop(0, CPT, drain, 0)

    plsc.subcore_barrier()
    nrt = NP // NS

    @pl.when(c == 0)
    def _out0():
        pltpu.sync_copy(acc.at[pl.ds(s * nrt, nrt)], o0.at[pl.ds(s * nrt, nrt)])

    @pl.when(c == 1)
    def _out1():
        pltpu.sync_copy(acc.at[pl.ds(s * nrt, nrt)], o1.at[pl.ds(s * nrt, nrt)])


def _sc_agg_body(y0, y1, rowi, coli, o0, o1, idxr, idxc,
                 b0, b1, b2, b3, b4, acc,
                 g0, g1, g2, g3, g4, s0, s1, s2, s3, s4):
    bufs = (b0, b1, b2, b3, b4)
    gsem = (g0, g1, g2, g3, g4)
    ssem = (s0, s1, s2, s3, s4)
    c = lax.axis_index("c")
    s = lax.axis_index("s")
    tile_base = s * CPT2
    last = NCHUNK - (NS - 1) * CPT2
    ec = jnp.where(s == NS - 1, last, CPT2)
    nrt = NP // NS

    def zrow(i, _):
        def zcol(j, _):
            b0[i, pl.ds(j * LANES, LANES)] = jnp.zeros((LANES,), jnp.float32)
            return 0
        return lax.fori_loop(0, DH // LANES, zcol, 0)
    lax.fori_loop(0, CHUNK, zrow, 0)
    for k in range(nrt // CHUNK):
        pltpu.async_copy(b0, acc.at[pl.ds(s * nrt + k * CHUNK, CHUNK)], s0)
    for k in range(nrt // CHUNK):
        pltpu.make_async_copy(b0, acc.at[pl.ds(s * nrt, CHUNK)], s0).wait()

    @pl.when(s < NS - 1)
    def _stage_full():
        pltpu.sync_copy(rowi.at[pl.ds(tile_base, CPT2)],
                        idxr.at[pl.ds(0, CPT2)])
        pltpu.sync_copy(coli.at[pl.ds(tile_base, CPT2)],
                        idxc.at[pl.ds(0, CPT2)])

    @pl.when(s == NS - 1)
    def _stage_last():
        pltpu.sync_copy(rowi.at[pl.ds(tile_base, last)],
                        idxr.at[pl.ds(0, last)])
        pltpu.sync_copy(coli.at[pl.ds(tile_base, last)],
                        idxc.at[pl.ds(0, last)])

    plsc.subcore_barrier()

    def run(tab):
        for j in range(PRE):
            pltpu.async_copy(tab.at[idxr.at[j]], bufs[j], gsem[j])

        def group(gi, _):
            for u in range(NB):
                tt = gi * NB + u
                sj = (u + PRE) % NB

                @pl.when(tt + PRE < ec)
                def _fire():
                    @pl.when(tt >= NB - PRE)
                    def _recycle():
                        pltpu.make_async_copy(
                            bufs[sj], acc.at[idxc.at[0]], ssem[sj]).wait()
                    pltpu.async_copy(tab.at[idxr.at[tt + PRE]], bufs[sj],
                                     gsem[sj])

                @pl.when(tt < ec)
                def _consume():
                    pltpu.make_async_copy(tab.at[idxr.at[0]], bufs[u],
                                          gsem[u]).wait()
                    pltpu.async_copy(bufs[u], acc.at[idxc.at[tt]], ssem[u],
                                     add=True)
            return 0
        lax.fori_loop(0, -(-CPT2 // NB), group, 0)

        for u in range(NB):
            pltpu.make_async_copy(bufs[u], acc.at[idxc.at[0]], ssem[u]).wait()

    @pl.when(c == 0)
    def _run0():
        run(y0)

    @pl.when(c == 1)
    def _run1():
        run(y1)

    plsc.subcore_barrier()

    @pl.when(c == 0)
    def _out0():
        pltpu.sync_copy(acc.at[pl.ds(s * nrt, nrt)], o0.at[pl.ds(s * nrt, nrt)])

    @pl.when(c == 1)
    def _out1():
        pltpu.sync_copy(acc.at[pl.ds(s * nrt, nrt)], o1.at[pl.ds(s * nrt, nrt)])


@functools.lru_cache(maxsize=None)
def _sc_kernels():
    mesh = plsc.VectorSubcoreMesh(
        core_axis_name="c", subcore_axis_name="s", num_cores=NC, num_subcores=NS)
    sc_deg = pl.kernel(
        _sc_deg_body,
        out_type=[jax.ShapeDtypeStruct((NP, 16), jnp.float32),
                  jax.ShapeDtypeStruct((NP, 16), jnp.float32)],
        mesh=mesh,
        scratch_types=[
            pltpu.VMEM((CPT, CHUNK), jnp.int32),
            pltpu.VMEM((CHUNK, 16), jnp.float32),
            pltpu.VMEM_SHARED((NP, 16), jnp.float32),
            pltpu.SemaphoreType.DMA,
        ],
        compiler_params=pltpu.CompilerParams(use_tc_tiling_on_sc=False))
    sc_agg = pl.kernel(
        _sc_agg_body,
        out_type=[jax.ShapeDtypeStruct((NP, DH), jnp.float32),
                  jax.ShapeDtypeStruct((NP, DH), jnp.float32)],
        mesh=mesh,
        scratch_types=[
            pltpu.VMEM((CPT2, CHUNK), jnp.int32),
            pltpu.VMEM((CPT2, CHUNK), jnp.int32),
        ] + [pltpu.VMEM((CHUNK, DH), jnp.float32)] * NB + [
            pltpu.VMEM_SHARED((NP, DH), jnp.float32),
        ] + [pltpu.SemaphoreType.DMA] * (2 * NB),
        compiler_params=pltpu.CompilerParams(use_tc_tiling_on_sc=False))
    return sc_deg, sc_agg



def _dinv_of(d0, d1):
    deg = d0[:, :1] + d1[:, :1] + 1.0
    return lax.rsqrt(deg)


def _k1_body(x, d0, d1, wg, wl1, bl1, wl2, bl2, ylo, yhi, hlin):
    dinv = _dinv_of(d0, d1)
    xv = x[...]
    y = dinv * jnp.dot(xv, wg[...], preferred_element_type=jnp.float32)
    ylo[...] = y[:, :DH]
    yhi[...] = y[:, DH:]
    t = jnp.maximum(
        jnp.dot(xv, wl1[...], preferred_element_type=jnp.float32) + bl1[...], 0.0)
    hlin[...] = jnp.dot(t, wl2[...], preferred_element_type=jnp.float32) + bl2[...]


def _k3_body(alo, ahi, ylo, yhi, d0, d1, w, b, y2lo, y2hi):
    dinv = _dinv_of(d0, d1)
    h = jnp.concatenate([alo[...] + ylo[...], ahi[...] + yhi[...]], axis=1)
    h1 = jnp.maximum(dinv * h + b[...], 0.0)
    y2 = dinv * jnp.dot(h1, w[...], preferred_element_type=jnp.float32)
    y2lo[...] = y2[:, :DH]
    y2hi[...] = y2[:, DH:]


def _k5_body(alo, ahi, ylo, yhi, d0, d1, b2, hlin, wf, bf, logits, probs):
    dinv = _dinv_of(d0, d1)
    h = jnp.concatenate([alo[...] + ylo[...], ahi[...] + yhi[...]], axis=1)
    hg = jnp.maximum(dinv * h + b2[...], 0.0)
    hl = jnp.maximum(hlin[...], 0.0)
    wf_v = wf[...]
    lg = (jnp.dot(hg, wf_v[:D], preferred_element_type=jnp.float32)
          + jnp.dot(hl, wf_v[D:], preferred_element_type=jnp.float32) + bf[...])
    m = jnp.max(lg, axis=1, keepdims=True)
    e = jnp.exp(lg - m)
    logits[...] = lg
    probs[...] = e / jnp.sum(e, axis=1, keepdims=True)


def _row_spec(cols):
    return pl.BlockSpec((BLK, cols), lambda i: (i, 0))


def _full_spec(r, c):
    return pl.BlockSpec((r, c), lambda i: (0, 0))


_GRID = NROW // BLK

_k1 = pl.pallas_call(
    _k1_body, grid=(_GRID,),
    in_specs=[_row_spec(D), _row_spec(16), _row_spec(16), _full_spec(D, D),
              _full_spec(D, D), _full_spec(1, D), _full_spec(D, D),
              _full_spec(1, D)],
    out_specs=[_row_spec(DH), _row_spec(DH), _row_spec(D)],
    out_shape=[jax.ShapeDtypeStruct((NROW, DH), jnp.float32),
               jax.ShapeDtypeStruct((NROW, DH), jnp.float32),
               jax.ShapeDtypeStruct((NROW, D), jnp.float32)])

_k3 = pl.pallas_call(
    _k3_body, grid=(_GRID,),
    in_specs=[_row_spec(DH), _row_spec(DH), _row_spec(DH), _row_spec(DH),
              _row_spec(16), _row_spec(16), _full_spec(D, D), _full_spec(1, D)],
    out_specs=[_row_spec(DH), _row_spec(DH)],
    out_shape=[jax.ShapeDtypeStruct((NROW, DH), jnp.float32),
               jax.ShapeDtypeStruct((NROW, DH), jnp.float32)])

_k5 = pl.pallas_call(
    _k5_body, grid=(_GRID,),
    in_specs=[_row_spec(DH), _row_spec(DH), _row_spec(DH), _row_spec(DH),
              _row_spec(16), _row_spec(16), _full_spec(1, D), _row_spec(D),
              _full_spec(2 * D, 40), _full_spec(1, 40)],
    out_specs=[_row_spec(40), _row_spec(40)],
    out_shape=[jax.ShapeDtypeStruct((NROW, 40), jnp.float32),
               jax.ShapeDtypeStruct((NROW, 40), jnp.float32)])



def kernel(x, edge_index, Wg1, bg1, Wg2, bg2, Wl1, bl1, Wl2, bl2, Wf, bf):
    edges = edge_index.reshape(2 * NCHUNK, CHUNK)
    rowp = edges[:NCHUNK]
    colp = edges[NCHUNK:]

    sc_deg, sc_agg = _sc_kernels()
    d0, d1 = sc_deg(edges)

    y1lo, y1hi, hlin = _k1(x, d0, d1, Wg1, Wl1, bl1.reshape(1, D), Wl2,
                           bl2.reshape(1, D))
    a1lo, a1hi = sc_agg(y1lo, y1hi, rowp, colp)
    y2lo, y2hi = _k3(a1lo, a1hi, y1lo, y1hi, d0, d1, Wg2, bg1.reshape(1, D))
    a2lo, a2hi = sc_agg(y2lo, y2hi, rowp, colp)
    logits, probs = _k5(a2lo, a2hi, y2lo, y2hi, d0, d1, bg2.reshape(1, D),
                        hlin, Wf, bf.reshape(1, 40))
    return logits, probs

# --- scband reference (transcript-rebuilt; emitter-appended) ---
"""Pipeline reference for scband-lin-gcn-64424509440205 (READ-ONLY COPY).

The authoritative reference and input builder live on the scoring server;
editing this copy changes nothing except your own understanding.
"""

import jax, jax.numpy as jnp
import numpy as np

N = 10000
E = 320000

def gcn_conv(x, edge_index, W, b):
    # PyG GCNConv (improved=False): add self-loops, symmetric normalization,
    # message = norm * (x @ W)[row], aggregate sum at col (dst), then + bias.
    n = x.shape[0]
    loop = jnp.arange(n, dtype=edge_index.dtype)
    row = jnp.concatenate([edge_index[0], loop])
    col = jnp.concatenate([edge_index[1], loop])
    deg = jnp.zeros((n,), x.dtype).at[col].add(1.0)
    dinv = jnp.where(deg > 0, jax.lax.rsqrt(deg), 0.0)
    norm = dinv[row] * dinv[col]
    xw = x @ W
    out = jnp.zeros_like(xw).at[col].add(xw[row] * norm[:, None])
    return out + b

def setup_inputs(seed: int = 0):
    key = jax.random.key(seed)
    ks = jax.random.split(key, 8)
    d_in, h1, h2, d_out = 128, 128, 128, 40
    x = jax.random.normal(ks[0], (N, d_in), jnp.float32)
    edge_index = jax.random.randint(ks[1], (2, E), 0, N, dtype=jnp.int32)
    def lin(k, fi, fo):
        return (jax.random.normal(k, (fi, fo), jnp.float32) / np.sqrt(fi)).astype(jnp.float32)
    return {
        "x": x, "edge_index": edge_index,
        "Wg1": lin(ks[2], d_in, h1), "bg1": jnp.zeros((h1,), jnp.float32),
        "Wg2": lin(ks[3], h1, h2), "bg2": jnp.zeros((h2,), jnp.float32),
        "Wl1": lin(ks[4], d_in, h1), "bl1": jnp.zeros((h1,), jnp.float32),
        "Wl2": lin(ks[5], h1, h2), "bl2": jnp.zeros((h2,), jnp.float32),
        "Wf": lin(ks[6], 2 * h2, d_out), "bf": jnp.zeros((d_out,), jnp.float32),
    }

def reference(x, edge_index, Wg1, bg1, Wg2, bg2, Wl1, bl1, Wl2, bl2, Wf, bf):
    # dropout p = 0.0 -> no-op; to_transform defaults to False -> transform skipped
    h_gcn = gcn_conv(x, edge_index, Wg1, bg1)
    h_gcn = jax.nn.relu(h_gcn)
    h_gcn = gcn_conv(h_gcn, edge_index, Wg2, bg2)
    h_lin = jax.nn.relu(x @ Wl1 + bl1)
    h_lin = h_lin @ Wl2 + bl2
    h = jax.nn.relu(jnp.concatenate([h_gcn, h_lin], axis=1))
    logits = h @ Wf + bf
    return (logits, jax.nn.softmax(logits, axis=1))

if __name__ == "__main__":
    import jax
    _d = setup_inputs()
    print(jax.jit(kernel)(*tuple(_d.values())))

</pallas_src>

<mosaic_0001>
#map = affine_map<(d0, d1) -> (0, 0)>
module attributes {stable_mosaic.version = 14 : i64} {
  func.func @_sc_deg_body(%arg0: i32, %arg1: i32, %arg2: memref<5000x128xi32, #tpu.memory_space<hbm>>, %arg3: memref<10240x16xf32, #tpu.memory_space<hbm>>, %arg4: memref<10240x16xf32, #tpu.memory_space<hbm>>, %arg5: memref<79x128xi32, #tpu.memory_space<vmem>>, %arg6: memref<128x16xf32, #tpu.memory_space<vmem>>, %arg7: memref<10240x16xf32, #tpu.memory_space<vmem_shared>>, %arg8: memref<!tpu.dma_semaphore, #tpu.memory_space<semaphore_mem>>) attributes {dimension_semantics = [#tpu.dimension_semantics<core_parallel>, #tpu.dimension_semantics<subcore_parallel>], iteration_bounds = array<i64: 2, 16>, scalar_prefetch = 0 : i64, scratch_operands = 4 : i64, tpu.core_type = #tpu.core_type<sc_vector_subcore>, window_params = [{transform_indices = #map}, {transform_indices = #map}, {transform_indices = #map}]} {
    %mul3A = arith.constant 16 : i32
    %mul3A_0 = arith.muli %arg0, %mul3A : i32
    %add3A = arith.addi %mul3A_0, %arg1 : i32
    %mul3A_1 = arith.constant 79 : i32
    %mul3A_2 = arith.muli %add3A, %mul3A_1 : i32
    %add3A_3 = arith.constant 2500 : i32
    %add3A_4 = arith.addi %add3A_3, %mul3A_2 : i32
    %scan3A = arith.constant 0 : i32
    %scan3A_5 = arith.constant 0 : i32
    %scan3A_6 = arith.constant 128 : i32
    %scan3A_7 = arith.addi %scan3A_5, %scan3A_6 : i32
    %scan3A_8 = arith.constant 1 : i32
    %scan3A_9 = scf.for %scan3A_69 = %scan3A_5 to %scan3A_7 step %scan3A_8 iter_args(%scan3A_70 = %scan3A) -> (i32)  : i32 {
      %broadcast_in_dim3A = arith.constant 0.000000e+00 : f32
      %broadcast_in_dim3A_71 = vector.broadcast %broadcast_in_dim3A : f32 to vector<16xf32>
      %swap3A = arith.index_cast %scan3A_69 : i32 to index
      %swap3A_72 = arith.constant 0 : index
      %swap3A_73 = tpu.vector_load %arg6[%swap3A, %swap3A_72] {strides = array<i32>} : memref<128x16xf32, #tpu.memory_space<vmem>>, vector<1x16xf32>,
      %swap3A_74 = vector.shape_cast %swap3A_73 : vector<1x16xf32> to vector<16xf32>
      %swap3A_75 = vector.shape_cast %broadcast_in_dim3A_71 : vector<16xf32> to vector<1x16xf32>
      tpu.vector_store %arg6[%swap3A, %swap3A_72], %swap3A_75 {strides = array<i32>} : memref<128x16xf32, #tpu.memory_space<vmem>>, vector<1x16xf32>,
      %scan3A_76 = arith.constant 0 : i32
      scf.yield %scan3A_76 : i32
    }
    %scan3A_10 = arith.constant 128 : i32
    %mul3A_11 = arith.constant 640 : i32
    %mul3A_12 = arith.muli %arg1, %mul3A_11 : i32
    %add3A_13 = arith.constant 0 : i32
    %add3A_14 = arith.addi %mul3A_12, %add3A_13 : i32
    "tpu.region"() ({
      %run_scoped3A = tpu.sem_alloc : memref<!tpu.dma_semaphore, #tpu.memory_space<semaphore_mem>>
      %dma_start3A = arith.constant 0 : i32
      %dma_start3A_69 = tpu.memref_slice %arg7[%add3A_14, %dma_start3A] : memref<10240x16xf32, #tpu.memory_space<vmem_shared>> -> memref<128x16xf32, #tpu.memory_space<vmem_shared>>
      %dma_start3A_70 = arith.constant 0 : i32
      %dma_start3A_71 = tpu.memref_slice %arg7[%add3A_14, %dma_start3A_70] : memref<10240x16xf32, #tpu.memory_space<vmem_shared>> -> memref<128x16xf32, #tpu.memory_space<vmem_shared>>
      tpu.enqueue_dma source(%arg6 : memref<128x16xf32, #tpu.memory_space<vmem>>) target(%dma_start3A_71 : memref<128x16xf32, #tpu.memory_space<vmem_shared>>) target_semaphore(%run_scoped3A : memref<!tpu.dma_semaphore, #tpu.memory_space<semaphore_mem>>)
      %dma_wait3A = arith.constant 0 : i32
      %dma_wait3A_72 = tpu.memref_slice %arg7[%add3A_14, %dma_wait3A] : memref<10240x16xf32, #tpu.memory_space<vmem_shared>> -> memref<128x16xf32, #tpu.memory_space<vmem_shared>>
      %dma_wait3A_73 = arith.constant 0 : i32
      %dma_wait3A_74 = tpu.memref_slice %arg7[%add3A_14, %dma_wait3A_73] : memref<10240x16xf32, #tpu.memory_space<vmem_shared>> -> memref<128x16xf32, #tpu.memory_space<vmem_shared>>
      tpu.wait_dma2 semaphore(%run_scoped3A : memref<!tpu.dma_semaphore, #tpu.memory_space<semaphore_mem>>) src(%arg6 : memref<128x16xf32, #tpu.memory_space<vmem>>) dst(%dma_wait3A_74 : memref<128x16xf32, #tpu.memory_space<vmem_shared>>)
      tpu.yield
    }) : () -> ()
    %mul3A_15 = arith.constant 640 : i32
    %mul3A_16 = arith.muli %arg1, %mul3A_15 : i32
    %add3A_17 = arith.constant 128 : i32
    %add3A_18 = arith.addi %mul3A_16, %add3A_17 : i32
    "tpu.region"() ({
      %run_scoped3A = tpu.sem_alloc : memref<!tpu.dma_semaphore, #tpu.memory_space<semaphore_mem>>
      %dma_start3A = arith.constant 0 : i32
      %dma_start3A_69 = tpu.memref_slice %arg7[%add3A_18, %dma_start3A] : memref<10240x16xf32, #tpu.memory_space<vmem_shared>> -> memref<128x16xf32, #tpu.memory_space<vmem_shared>>
      %dma_start3A_70 = arith.constant 0 : i32
      %dma_start3A_71 = tpu.memref_slice %arg7[%add3A_18, %dma_start3A_70] : memref<10240x16xf32, #tpu.memory_space<vmem_shared>> -> memref<128x16xf32, #tpu.memory_space<vmem_shared>>
      tpu.enqueue_dma source(%arg6 : memref<128x16xf32, #tpu.memory_space<vmem>>) target(%dma_start3A_71 : memref<128x16xf32, #tpu.memory_space<vmem_shared>>) target_semaphore(%run_scoped3A : memref<!tpu.dma_semaphore, #tpu.memory_space<semaphore_mem>>)
      %dma_wait3A = arith.constant 0 : i32
      %dma_wait3A_72 = tpu.memref_slice %arg7[%add3A_18, %dma_wait3A] : memref<10240x16xf32, #tpu.memory_space<vmem_shared>> -> memref<128x16xf32, #tpu.memory_space<vmem_shared>>
      %dma_wait3A_73 = arith.constant 0 : i32
      %dma_wait3A_74 = tpu.memref_slice %arg7[%add3A_18, %dma_wait3A_73] : memref<10240x16xf32, #tpu.memory_space<vmem_shared>> -> memref<128x16xf32, #tpu.memory_space<vmem_shared>>
      tpu.wait_dma2 semaphore(%run_scoped3A : memref<!tpu.dma_semaphore, #tpu.memory_space<semaphore_mem>>) src(%arg6 : memref<128x16xf32, #tpu.memory_space<vmem>>) dst(%dma_wait3A_74 : memref<128x16xf32, #tpu.memory_space<vmem_shared>>)
      tpu.yield
    }) : () -> ()
    %mul3A_19 = arith.constant 640 : i32
    %mul3A_20 = arith.muli %arg1, %mul3A_19 : i32
    %add3A_21 = arith.constant 256 : i32
    %add3A_22 = arith.addi %mul3A_20, %add3A_21 : i32
    "tpu.region"() ({
      %run_scoped3A = tpu.sem_alloc : memref<!tpu.dma_semaphore, #tpu.memory_space<semaphore_mem>>
      %dma_start3A = arith.constant 0 : i32
      %dma_start3A_69 = tpu.memref_slice %arg7[%add3A_22, %dma_start3A] : memref<10240x16xf32, #tpu.memory_space<vmem_shared>> -> memref<128x16xf32, #tpu.memory_space<vmem_shared>>
      %dma_start3A_70 = arith.constant 0 : i32
      %dma_start3A_71 = tpu.memref_slice %arg7[%add3A_22, %dma_start3A_70] : memref<10240x16xf32, #tpu.memory_space<vmem_shared>> -> memref<128x16xf32, #tpu.memory_space<vmem_shared>>
      tpu.enqueue_dma source(%arg6 : memref<128x16xf32, #tpu.memory_space<vmem>>) target(%dma_start3A_71 : memref<128x16xf32, #tpu.memory_space<vmem_shared>>) target_semaphore(%run_scoped3A : memref<!tpu.dma_semaphore, #tpu.memory_space<semaphore_mem>>)
      %dma_wait3A = arith.constant 0 : i32
      %dma_wait3A_72 = tpu.memref_slice %arg7[%add3A_22, %dma_wait3A] : memref<10240x16xf32, #tpu.memory_space<vmem_shared>> -> memref<128x16xf32, #tpu.memory_space<vmem_shared>>
      %dma_wait3A_73 = arith.constant 0 : i32
      %dma_wait3A_74 = tpu.memref_slice %arg7[%add3A_22, %dma_wait3A_73] : memref<10240x16xf32, #tpu.memory_space<vmem_shared>> -> memref<128x16xf32, #tpu.memory_space<vmem_shared>>
      tpu.wait_dma2 semaphore(%run_scoped3A : memref<!tpu.dma_semaphore, #tpu.memory_space<semaphore_mem>>) src(%arg6 : memref<128x16xf32, #tpu.memory_space<vmem>>) dst(%dma_wait3A_74 : memref<128x16xf32, #tpu.memory_space<vmem_shared>>)
      tpu.yield
    }) : () -> ()
    %mul3A_23 = arith.constant 640 : i32
    %mul3A_24 = arith.muli %arg1, %mul3A_23 : i32
    %add3A_25 = arith.constant 384 : i32
    %add3A_26 = arith.addi %mul3A_24, %add3A_25 : i32
    "tpu.region"() ({
      %run_scoped3A = tpu.sem_alloc : memref<!tpu.dma_semaphore, #tpu.memory_space<semaphore_mem>>
      %dma_start3A = arith.constant 0 : i32
      %dma_start3A_69 = tpu.memref_slice %arg7[%add3A_26, %dma_start3A] : memref<10240x16xf32, #tpu.memory_space<vmem_shared>> -> memref<128x16xf32, #tpu.memory_space<vmem_shared>>
      %dma_start3A_70 = arith.constant 0 : i32
      %dma_start3A_71 = tpu.memref_slice %arg7[%add3A_26, %dma_start3A_70] : memref<10240x16xf32, #tpu.memory_space<vmem_shared>> -> memref<128x16xf32, #tpu.memory_space<vmem_shared>>
      tpu.enqueue_dma source(%arg6 : memref<128x16xf32, #tpu.memory_space<vmem>>) target(%dma_start3A_71 : memref<128x16xf32, #tpu.memory_space<vmem_shared>>) target_semaphore(%run_scoped3A : memref<!tpu.dma_semaphore, #tpu.memory_space<semaphore_mem>>)
      %dma_wait3A = arith.constant 0 : i32
      %dma_wait3A_72 = tpu.memref_slice %arg7[%add3A_26, %dma_wait3A] : memref<10240x16xf32, #tpu.memory_space<vmem_shared>> -> memref<128x16xf32, #tpu.memory_space<vmem_shared>>
      %dma_wait3A_73 = arith.constant 0 : i32
      %dma_wait3A_74 = tpu.memref_slice %arg7[%add3A_26, %dma_wait3A_73] : memref<10240x16xf32, #tpu.memory_space<vmem_shared>> -> memref<128x16xf32, #tpu.memory_space<vmem_shared>>
      tpu.wait_dma2 semaphore(%run_scoped3A : memref<!tpu.dma_semaphore, #tpu.memory_space<semaphore_mem>>) src(%arg6 : memref<128x16xf32, #tpu.memory_space<vmem>>) dst(%dma_wait3A_74 : memref<128x16xf32, #tpu.memory_space<vmem_shared>>)
      tpu.yield
    }) : () -> ()
    %mul3A_27 = arith.constant 640 : i32
    %mul3A_28 = arith.muli %arg1, %mul3A_27 : i32
    %add3A_29 = arith.constant 512 : i32
    %add3A_30 = arith.addi %mul3A_28, %add3A_29 : i32
    "tpu.region"() ({
      %run_scoped3A = tpu.sem_alloc : memref<!tpu.dma_semaphore, #tpu.memory_space<semaphore_mem>>
      %dma_start3A = arith.constant 0 : i32
      %dma_start3A_69 = tpu.memref_slice %arg7[%add3A_30, %dma_start3A] : memref<10240x16xf32, #tpu.memory_space<vmem_shared>> -> memref<128x16xf32, #tpu.memory_space<vmem_shared>>
      %dma_start3A_70 = arith.constant 0 : i32
      %dma_start3A_71 = tpu.memref_slice %arg7[%add3A_30, %dma_start3A_70] : memref<10240x16xf32, #tpu.memory_space<vmem_shared>> -> memref<128x16xf32, #tpu.memory_space<vmem_shared>>
      tpu.enqueue_dma source(%arg6 : memref<128x16xf32, #tpu.memory_space<vmem>>) target(%dma_start3A_71 : memref<128x16xf32, #tpu.memory_space<vmem_shared>>) target_semaphore(%run_scoped3A : memref<!tpu.dma_semaphore, #tpu.memory_space<semaphore_mem>>)
      %dma_wait3A = arith.constant 0 : i32
      %dma_wait3A_72 = tpu.memref_slice %arg7[%add3A_30, %dma_wait3A] : memref<10240x16xf32, #tpu.memory_space<vmem_shared>> -> memref<128x16xf32, #tpu.memory_space<vmem_shared>>
      %dma_wait3A_73 = arith.constant 0 : i32
      %dma_wait3A_74 = tpu.memref_slice %arg7[%add3A_30, %dma_wait3A_73] : memref<10240x16xf32, #tpu.memory_space<vmem_shared>> -> memref<128x16xf32, #tpu.memory_space<vmem_shared>>
      tpu.wait_dma2 semaphore(%run_scoped3A : memref<!tpu.dma_semaphore, #tpu.memory_space<semaphore_mem>>) src(%arg6 : memref<128x16xf32, #tpu.memory_space<vmem>>) dst(%dma_wait3A_74 : memref<128x16xf32, #tpu.memory_space<vmem_shared>>)
      tpu.yield
    }) : () -> ()
    %scan3A_31 = arith.constant 0 : i32
    %scan3A_32 = arith.constant 0 : i32
    %scan3A_33 = arith.constant 128 : i32
    %scan3A_34 = arith.addi %scan3A_32, %scan3A_33 : i32
    %scan3A_35 = arith.constant 1 : i32
    %scan3A_36 = scf.for %scan3A_69 = %scan3A_32 to %scan3A_34 step %scan3A_35 iter_args(%scan3A_70 = %scan3A_31) -> (i32)  : i32 {
      %broadcast_in_dim3A = arith.constant 1.000000e+00 : f32
      %broadcast_in_dim3A_71 = vector.broadcast %broadcast_in_dim3A : f32 to vector<16xf32>
      %swap3A = arith.index_cast %scan3A_69 : i32 to index
      %swap3A_72 = arith.constant 0 : index
      %swap3A_73 = tpu.vector_load %arg6[%swap3A, %swap3A_72] {strides = array<i32>} : memref<128x16xf32, #tpu.memory_space<vmem>>, vector<1x16xf32>,
      %swap3A_74 = vector.shape_cast %swap3A_73 : vector<1x16xf32> to vector<16xf32>
      %swap3A_75 = vector.shape_cast %broadcast_in_dim3A_71 : vector<16xf32> to vector<1x16xf32>
      tpu.vector_store %arg6[%swap3A, %swap3A_72], %swap3A_75 {strides = array<i32>} : memref<128x16xf32, #tpu.memory_space<vmem>>, vector<1x16xf32>,
      %scan3A_76 = arith.constant 0 : i32
      scf.yield %scan3A_76 : i32
    }
    %scan3A_37 = arith.constant 128 : i32
    %lt3A = arith.constant 31 : i32
    %lt3A_38 = arith.cmpi slt, %add3A, %lt3A : i32
    %convert_element_type3A = arith.extui %lt3A_38 : i1 to i32
    %cond3A = arith.constant 0 : i32
    %cond3A_39 = arith.cmpi ne, %convert_element_type3A, %cond3A : i32
    scf.if %cond3A_39 {
      "tpu.region"() ({
        %run_scoped3A = tpu.sem_alloc : memref<!tpu.dma_semaphore, #tpu.memory_space<semaphore_mem>>
        %dma_start3A = arith.constant 0 : i32
        %dma_start3A_69 = arith.constant 0 : i32
        %dma_start3A_70 = tpu.memref_slice %arg5[%dma_start3A, %dma_start3A_69] : memref<79x128xi32, #tpu.memory_space<vmem>> -> memref<79x128xi32, #tpu.memory_space<vmem>>
        %dma_start3A_71 = arith.constant 0 : i32
        %dma_start3A_72 = tpu.memref_slice %arg2[%add3A_4, %dma_start3A_71] : memref<5000x128xi32, #tpu.memory_space<hbm>> -> memref<79x128xi32, #tpu.memory_space<hbm>>
        %dma_start3A_73 = arith.constant 0 : i32
        %dma_start3A_74 = arith.constant 0 : i32
        %dma_start3A_75 = tpu.memref_slice %arg5[%dma_start3A_73, %dma_start3A_74] : memref<79x128xi32, #tpu.memory_space<vmem>> -> memref<79x128xi32, #tpu.memory_space<vmem>>
        %dma_start3A_76 = arith.constant 0 : i32
        %dma_start3A_77 = tpu.memref_slice %arg2[%add3A_4, %dma_start3A_76] : memref<5000x128xi32, #tpu.memory_space<hbm>> -> memref<79x128xi32, #tpu.memory_space<hbm>>
        tpu.enqueue_dma source(%dma_start3A_77 : memref<79x128xi32, #tpu.memory_space<hbm>>) target(%dma_start3A_75 : memref<79x128xi32, #tpu.memory_space<vmem>>) target_semaphore(%run_scoped3A : memref<!tpu.dma_semaphore, #tpu.memory_space<semaphore_mem>>)
        %dma_wait3A = arith.constant 0 : i32
        %dma_wait3A_78 = arith.constant 0 : i32
        %dma_wait3A_79 = tpu.memref_slice %arg5[%dma_wait3A, %dma_wait3A_78] : memref<79x128xi32, #tpu.memory_space<vmem>> -> memref<79x128xi32, #tpu.memory_space<vmem>>
        %dma_wait3A_80 = arith.constant 0 : i32
        %dma_wait3A_81 = tpu.memref_slice %arg2[%add3A_4, %dma_wait3A_80] : memref<5000x128xi32, #tpu.memory_space<hbm>> -> memref<79x128xi32, #tpu.memory_space<hbm>>
        %dma_wait3A_82 = arith.constant 0 : i32
        %dma_wait3A_83 = arith.constant 0 : i32
        %dma_wait3A_84 = tpu.memref_slice %arg5[%dma_wait3A_82, %dma_wait3A_83] : memref<79x128xi32, #tpu.memory_space<vmem>> -> memref<79x128xi32, #tpu.memory_space<vmem>>
        %dma_wait3A_85 = arith.constant 0 : i32
        %dma_wait3A_86 = tpu.memref_slice %arg2[%add3A_4, %dma_wait3A_85] : memref<5000x128xi32, #tpu.memory_space<hbm>> -> memref<79x128xi32, #tpu.memory_space<hbm>>
        tpu.wait_dma2 semaphore(%run_scoped3A : memref<!tpu.dma_semaphore, #tpu.memory_space<semaphore_mem>>) src(%dma_wait3A_86 : memref<79x128xi32, #tpu.memory_space<hbm>>) dst(%dma_wait3A_84 : memref<79x128xi32, #tpu.memory_space<vmem>>)
        tpu.yield
      }) : () -> ()
    } else {
    }
    %eq3A = arith.constant 31 : i32
    %eq3A_40 = arith.cmpi eq, %add3A, %eq3A : i32
    %convert_element_type3A_41 = arith.extui %eq3A_40 : i1 to i32
    %cond3A_42 = arith.constant 0 : i32
    %cond3A_43 = arith.cmpi ne, %convert_element_type3A_41, %cond3A_42 : i32
    scf.if %cond3A_43 {
      "tpu.region"() ({
        %run_scoped3A = tpu.sem_alloc : memref<!tpu.dma_semaphore, #tpu.memory_space<semaphore_mem>>
        %dma_start3A = arith.constant 0 : i32
        %dma_start3A_69 = arith.constant 0 : i32
        %dma_start3A_70 = tpu.memref_slice %arg5[%dma_start3A, %dma_start3A_69] : memref<79x128xi32, #tpu.memory_space<vmem>> -> memref<51x128xi32, #tpu.memory_space<vmem>>
        %dma_start3A_71 = arith.constant 0 : i32
        %dma_start3A_72 = tpu.memref_slice %arg2[%add3A_4, %dma_start3A_71] : memref<5000x128xi32, #tpu.memory_space<hbm>> -> memref<51x128xi32, #tpu.memory_space<hbm>>
        %dma_start3A_73 = arith.constant 0 : i32
        %dma_start3A_74 = arith.constant 0 : i32
        %dma_start3A_75 = tpu.memref_slice %arg5[%dma_start3A_73, %dma_start3A_74] : memref<79x128xi32, #tpu.memory_space<vmem>> -> memref<51x128xi32, #tpu.memory_space<vmem>>
        %dma_start3A_76 = arith.constant 0 : i32
        %dma_start3A_77 = tpu.memref_slice %arg2[%add3A_4, %dma_start3A_76] : memref<5000x128xi32, #tpu.memory_space<hbm>> -> memref<51x128xi32, #tpu.memory_space<hbm>>
        tpu.enqueue_dma source(%dma_start3A_77 : memref<51x128xi32, #tpu.memory_space<hbm>>) target(%dma_start3A_75 : memref<51x128xi32, #tpu.memory_space<vmem>>) target_semaphore(%run_scoped3A : memref<!tpu.dma_semaphore, #tpu.memory_space<semaphore_mem>>)
        %dma_wait3A = arith.constant 0 : i32
        %dma_wait3A_78 = arith.constant 0 : i32
        %dma_wait3A_79 = tpu.memref_slice %arg5[%dma_wait3A, %dma_wait3A_78] : memref<79x128xi32, #tpu.memory_space<vmem>> -> memref<51x128xi32, #tpu.memory_space<vmem>>
        %dma_wait3A_80 = arith.constant 0 : i32
        %dma_wait3A_81 = tpu.memref_slice %arg2[%add3A_4, %dma_wait3A_80] : memref<5000x128xi32, #tpu.memory_space<hbm>> -> memref<51x128xi32, #tpu.memory_space<hbm>>
        %dma_wait3A_82 = arith.constant 0 : i32
        %dma_wait3A_83 = arith.constant 0 : i32
        %dma_wait3A_84 = tpu.memref_slice %arg5[%dma_wait3A_82, %dma_wait3A_83] : memref<79x128xi32, #tpu.memory_space<vmem>> -> memref<51x128xi32, #tpu.memory_space<vmem>>
        %dma_wait3A_85 = arith.constant 0 : i32
        %dma_wait3A_86 = tpu.memref_slice %arg2[%add3A_4, %dma_wait3A_85] : memref<5000x128xi32, #tpu.memory_space<hbm>> -> memref<51x128xi32, #tpu.memory_space<hbm>>
        tpu.wait_dma2 semaphore(%run_scoped3A : memref<!tpu.dma_semaphore, #tpu.memory_space<semaphore_mem>>) src(%dma_wait3A_86 : memref<51x128xi32, #tpu.memory_space<hbm>>) dst(%dma_wait3A_84 : memref<51x128xi32, #tpu.memory_space<vmem>>)
        tpu.yield
      }) : () -> ()
    } else {
    }
    %barrier3A = arith.constant 0 : index
    tpu.barrier barrier_id(%barrier3A)
    %scan3A_44 = arith.constant 0 : i32
    %scan3A_45 = arith.constant 0 : i32
    %scan3A_46 = arith.constant 79 : i32
    %scan3A_47 = arith.addi %scan3A_45, %scan3A_46 : i32
    %scan3A_48 = arith.constant 1 : i32
    %scan3A_49 = scf.for %scan3A_69 = %scan3A_45 to %scan3A_47 step %scan3A_48 iter_args(%scan3A_70 = %scan3A_44) -> (i32)  : i32 {
      %mul3A_71 = arith.constant 79 : i32
      %mul3A_72 = arith.muli %add3A, %mul3A_71 : i32
      %add3A_73 = arith.addi %mul3A_72, %scan3A_69 : i32
      %lt3A_74 = arith.constant 2500 : i32
      %lt3A_75 = arith.cmpi slt, %add3A_73, %lt3A_74 : i32
      %convert_element_type3A_76 = arith.extui %lt3A_75 : i1 to i32
      %cond3A_77 = arith.constant 0 : i32
      %cond3A_78 = arith.cmpi ne, %convert_element_type3A_76, %cond3A_77 : i32
      scf.if %cond3A_78 {
        %dma_start3A = arith.constant 0 : i32
        %dma_start3A_80 = tpu.memref_slice %arg5[%scan3A_69, %dma_start3A] : memref<79x128xi32, #tpu.memory_space<vmem>> -> memref<1x128xi32, #tpu.memory_space<vmem>>
        %dma_start3A_81 = tpu.memref_squeeze %dma_start3A_80 : memref<1x128xi32, #tpu.memory_space<vmem>> -> memref<128xi32, #tpu.memory_space<vmem>>
        %dma_start3A_82 = arith.constant 0 : i32
        %dma_start3A_83 = arith.constant 0 : i32
        %dma_start3A_84 = tpu.memref_slice %arg7[%dma_start3A_82, %dma_start3A_83] : memref<10240x16xf32, #tpu.memory_space<vmem_shared>> -> memref<10240x16xf32, #tpu.memory_space<vmem_shared>>
        tpu.enqueue_indirect_dma source(%arg6 : memref<128x16xf32, #tpu.memory_space<vmem>>) target(%dma_start3A_84 : memref<10240x16xf32, #tpu.memory_space<vmem_shared>>) offsets(%dma_start3A_81 : memref<128xi32, #tpu.memory_space<vmem>>) semaphore(%arg8 : memref<!tpu.dma_semaphore, #tpu.memory_space<semaphore_mem>>) {add = true}
      } else {
      }
      %scan3A_79 = arith.constant 0 : i32
      scf.yield %scan3A_79 : i32
    }
    %scan3A_50 = arith.constant 79 : i32
    %scan3A_51 = arith.constant 0 : i32
    %scan3A_52 = arith.constant 0 : i32
    %scan3A_53 = arith.constant 79 : i32
    %scan3A_54 = arith.addi %scan3A_52, %scan3A_53 : i32
    %scan3A_55 = arith.constant 1 : i32
    %scan3A_56 = scf.for %scan3A_69 = %scan3A_52 to %scan3A_54 step %scan3A_55 iter_args(%scan3A_70 = %scan3A_51) -> (i32)  : i32 {
      %mul3A_71 = arith.constant 79 : i32
      %mul3A_72 = arith.muli %add3A, %mul3A_71 : i32
      %add3A_73 = arith.addi %mul3A_72, %scan3A_69 : i32
      %lt3A_74 = arith.constant 2500 : i32
      %lt3A_75 = arith.cmpi slt, %add3A_73, %lt3A_74 : i32
      %convert_element_type3A_76 = arith.extui %lt3A_75 : i1 to i32
      %cond3A_77 = arith.constant 0 : i32
      %cond3A_78 = arith.cmpi ne, %convert_element_type3A_76, %cond3A_77 : i32
      scf.if %cond3A_78 {
        %dma_wait3A = arith.constant 0 : i32
        %dma_wait3A_80 = arith.constant 0 : i32
        %dma_wait3A_81 = tpu.memref_slice %arg5[%dma_wait3A, %dma_wait3A_80] : memref<79x128xi32, #tpu.memory_space<vmem>> -> memref<1x128xi32, #tpu.memory_space<vmem>>
        %dma_wait3A_82 = tpu.memref_squeeze %dma_wait3A_81 : memref<1x128xi32, #tpu.memory_space<vmem>> -> memref<128xi32, #tpu.memory_space<vmem>>
        %dma_wait3A_83 = arith.constant 0 : i32
        %dma_wait3A_84 = arith.constant 0 : i32
        %dma_wait3A_85 = tpu.memref_slice %arg7[%dma_wait3A_83, %dma_wait3A_84] : memref<10240x16xf32, #tpu.memory_space<vmem_shared>> -> memref<10240x16xf32, #tpu.memory_space<vmem_shared>>
        tpu.wait_indirect_dma semaphore(%arg8 : memref<!tpu.dma_semaphore, #tpu.memory_space<semaphore_mem>>) src(%arg6 : memref<128x16xf32, #tpu.memory_space<vmem>>) dst(%dma_wait3A_85 : memref<10240x16xf32, #tpu.memory_space<vmem_shared>>)
      } else {
      }
      %scan3A_79 = arith.constant 0 : i32
      scf.yield %scan3A_79 : i32
    }
    %scan3A_57 = arith.constant 79 : i32
    %barrier3A_58 = arith.constant 0 : index
    tpu.barrier barrier_id(%barrier3A_58)
    %eq3A_59 = arith.constant 0 : i32
    %eq3A_60 = arith.cmpi eq, %arg0, %eq3A_59 : i32
    %convert_element_type3A_61 = arith.extui %eq3A_60 : i1 to i32
    %cond3A_62 = arith.constant 0 : i32
    %cond3A_63 = arith.cmpi ne, %convert_element_type3A_61, %cond3A_62 : i32
    scf.if %cond3A_63 {
      %mul3A_69 = arith.constant 640 : i32
      %mul3A_70 = arith.muli %arg1, %mul3A_69 : i32
      %mul3A_71 = arith.constant 640 : i32
      %mul3A_72 = arith.muli %arg1, %mul3A_71 : i32
      "tpu.region"() ({
        %run_scoped3A = tpu.sem_alloc : memref<!tpu.dma_semaphore, #tpu.memory_space<semaphore_mem>>
        %dma_start3A = arith.constant 0 : i32
        %dma_start3A_73 = tpu.memref_slice %arg3[%mul3A_72, %dma_start3A] : memref<10240x16xf32, #tpu.memory_space<hbm>> -> memref<640x16xf32, #tpu.memory_space<hbm>>
        %dma_start3A_74 = arith.constant 0 : i32
        %dma_start3A_75 = tpu.memref_slice %arg7[%mul3A_70, %dma_start3A_74] : memref<10240x16xf32, #tpu.memory_space<vmem_shared>> -> memref<640x16xf32, #tpu.memory_space<vmem_shared>>
        tpu.enqueue_dma source(%dma_start3A_75 : memref<640x16xf32, #tpu.memory_space<vmem_shared>>) target(%dma_start3A_73 : memref<640x16xf32, #tpu.memory_space<hbm>>) target_semaphore(%run_scoped3A : memref<!tpu.dma_semaphore, #tpu.memory_space<semaphore_mem>>)
        %dma_wait3A = arith.constant 0 : i32
        %dma_wait3A_76 = tpu.memref_slice %arg3[%mul3A_72, %dma_wait3A] : memref<10240x16xf32, #tpu.memory_space<hbm>> -> memref<640x16xf32, #tpu.memory_space<hbm>>
        %dma_wait3A_77 = arith.constant 0 : i32
        %dma_wait3A_78 = tpu.memref_slice %arg7[%mul3A_70, %dma_wait3A_77] : memref<10240x16xf32, #tpu.memory_space<vmem_shared>> -> memref<640x16xf32, #tpu.memory_space<vmem_shared>>
        tpu.wait_dma2 semaphore(%run_scoped3A : memref<!tpu.dma_semaphore, #tpu.memory_space<semaphore_mem>>) src(%dma_wait3A_78 : memref<640x16xf32, #tpu.memory_space<vmem_shared>>) dst(%dma_wait3A_76 : memref<640x16xf32, #tpu.memory_space<hbm>>)
        tpu.yield
      }) : () -> ()
    } else {
    }
    %eq3A_64 = arith.constant 1 : i32
    %eq3A_65 = arith.cmpi eq, %arg0, %eq3A_64 : i32
    %convert_element_type3A_66 = arith.extui %eq3A_65 : i1 to i32
    %cond3A_67 = arith.constant 0 : i32
    %cond3A_68 = arith.cmpi ne, %convert_element_type3A_66, %cond3A_67 : i32
    scf.if %cond3A_68 {
      %mul3A_69 = arith.constant 640 : i32
      %mul3A_70 = arith.muli %arg1, %mul3A_69 : i32
      %mul3A_71 = arith.constant 640 : i32
      %mul3A_72 = arith.muli %arg1, %mul3A_71 : i32
      "tpu.region"() ({
        %run_scoped3A = tpu.sem_alloc : memref<!tpu.dma_semaphore, #tpu.memory_space<semaphore_mem>>
        %dma_start3A = arith.constant 0 : i32
        %dma_start3A_73 = tpu.memref_slice %arg4[%mul3A_72, %dma_start3A] : memref<10240x16xf32, #tpu.memory_space<hbm>> -> memref<640x16xf32, #tpu.memory_space<hbm>>
        %dma_start3A_74 = arith.constant 0 : i32
        %dma_start3A_75 = tpu.memref_slice %arg7[%mul3A_70, %dma_start3A_74] : memref<10240x16xf32, #tpu.memory_space<vmem_shared>> -> memref<640x16xf32, #tpu.memory_space<vmem_shared>>
        tpu.enqueue_dma source(%dma_start3A_75 : memref<640x16xf32, #tpu.memory_space<vmem_shared>>) target(%dma_start3A_73 : memref<640x16xf32, #tpu.memory_space<hbm>>) target_semaphore(%run_scoped3A : memref<!tpu.dma_semaphore, #tpu.memory_space<semaphore_mem>>)
        %dma_wait3A = arith.constant 0 : i32
        %dma_wait3A_76 = tpu.memref_slice %arg4[%mul3A_72, %dma_wait3A] : memref<10240x16xf32, #tpu.memory_space<hbm>> -> memref<640x16xf32, #tpu.memory_space<hbm>>
        %dma_wait3A_77 = arith.constant 0 : i32
        %dma_wait3A_78 = tpu.memref_slice %arg7[%mul3A_70, %dma_wait3A_77] : memref<10240x16xf32, #tpu.memory_space<vmem_shared>> -> memref<640x16xf32, #tpu.memory_space<vmem_shared>>
        tpu.wait_dma2 semaphore(%run_scoped3A : memref<!tpu.dma_semaphore, #tpu.memory_space<semaphore_mem>>) src(%dma_wait3A_78 : memref<640x16xf32, #tpu.memory_space<vmem_shared>>) dst(%dma_wait3A_76 : memref<640x16xf32, #tpu.memory_space<hbm>>)
        tpu.yield
      }) : () -> ()
    } else {
    }
    return
  }
}

#map = affine_map<(d0, d1) -> (0, 0)>
module attributes {stable_mosaic.version = 14 : i64} {
  func.func @_sc_agg_body(%arg0: i32, %arg1: i32, %arg2: memref<10000x64xf32, #tpu.memory_space<hbm>>, %arg3: memref<10000x64xf32, #tpu.memory_space<hbm>>, %arg4: memref<2500x128xi32, #tpu.memory_space<hbm>>, %arg5: memref<2500x128xi32, #tpu.memory_space<hbm>>, %arg6: memref<10240x64xf32, #tpu.memory_space<hbm>>, %arg7: memref<10240x64xf32, #tpu.memory_space<hbm>>, %arg8: memref<157x128xi32, #tpu.memory_space<vmem>>, %arg9: memref<157x128xi32, #tpu.memory_space<vmem>>, %arg10: memref<128x64xf32, #tpu.memory_space<vmem>>, %arg11: memref<128x64xf32, #tpu.memory_space<vmem>>, %arg12: memref<128x64xf32, #tpu.memory_space<vmem>>, %arg13: memref<128x64xf32, #tpu.memory_space<vmem>>, %arg14: memref<128x64xf32, #tpu.memory_space<vmem>>, %arg15: memref<10240x64xf32, #tpu.memory_space<vmem_shared>>, %arg16: memref<!tpu.dma_semaphore, #tpu.memory_space<semaphore_mem>>, %arg17: memref<!tpu.dma_semaphore, #tpu.memory_space<semaphore_mem>>, %arg18: memref<!tpu.dma_semaphore, #tpu.memory_space<semaphore_mem>>, %arg19: memref<!tpu.dma_semaphore, #tpu.memory_space<semaphore_mem>>, %arg20: memref<!tpu.dma_semaphore, #tpu.memory_space<semaphore_mem>>, %arg21: memref<!tpu.dma_semaphore, #tpu.memory_space<semaphore_mem>>, %arg22: memref<!tpu.dma_semaphore, #tpu.memory_space<semaphore_mem>>, %arg23: memref<!tpu.dma_semaphore, #tpu.memory_space<semaphore_mem>>, %arg24: memref<!tpu.dma_semaphore, #tpu.memory_space<semaphore_mem>>, %arg25: memref<!tpu.dma_semaphore, #tpu.memory_space<semaphore_mem>>) attributes {dimension_semantics = [#tpu.dimension_semantics<core_parallel>, #tpu.dimension_semantics<subcore_parallel>], iteration_bounds = array<i64: 2, 16>, scalar_prefetch = 0 : i64, scratch_operands = 18 : i64, tpu.core_type = #tpu.core_type<sc_vector_subcore>, window_params = [{transform_indices = #map}, {transform_indices = #map}, {transform_indices = #map}, {transform_indices = #map}, {transform_indices = #map}, {transform_indices = #map}]} {
    %mul3A = arith.constant 157 : i32
    %mul3A_0 = arith.muli %arg1, %mul3A : i32
    %eq3A = arith.constant 15 : i32
    %eq3A_1 = arith.cmpi eq, %arg1, %eq3A : i32
    %jit3A = arith.constant 145 : i32
    %jit3A_2 = arith.constant 157 : i32
    %select_n3A = arith.select %eq3A_1, %jit3A, %jit3A_2 : i32
    %scan3A = arith.constant 0 : i32
    %scan3A_3 = arith.constant 0 : i32
    %scan3A_4 = arith.constant 128 : i32
    %scan3A_5 = arith.addi %scan3A_3, %scan3A_4 : i32
    %scan3A_6 = arith.constant 1 : i32
    %scan3A_7 = scf.for %scan3A_104 = %scan3A_3 to %scan3A_5 step %scan3A_6 iter_args(%scan3A_105 = %scan3A) -> (i32)  : i32 {
      %scan3A_106 = arith.constant 0 : i32
      %scan3A_107 = arith.constant 0 : i32
      %scan3A_108 = arith.constant 4 : i32
      %scan3A_109 = arith.addi %scan3A_107, %scan3A_108 : i32
      %scan3A_110 = arith.constant 1 : i32
      %scan3A_111 = scf.for %scan3A_113 = %scan3A_107 to %scan3A_109 step %scan3A_110 iter_args(%scan3A_114 = %scan3A_106) -> (i32)  : i32 {
        %broadcast_in_dim3A = arith.constant 0.000000e+00 : f32
        %broadcast_in_dim3A_115 = vector.broadcast %broadcast_in_dim3A : f32 to vector<16xf32>
        %mul3A_116 = arith.constant 16 : i32
        %mul3A_117 = arith.muli %scan3A_113, %mul3A_116 : i32
        %swap3A = arith.index_cast %scan3A_104 : i32 to index
        %swap3A_118 = arith.index_cast %mul3A_117 : i32 to index
        %swap3A_119 = tpu.vector_load %arg10[%swap3A, %swap3A_118] {strides = array<i32>} : memref<128x64xf32, #tpu.memory_space<vmem>>, vector<1x16xf32>,
        %swap3A_120 = vector.shape_cast %swap3A_119 : vector<1x16xf32> to vector<16xf32>
        %swap3A_121 = vector.shape_cast %broadcast_in_dim3A_115 : vector<16xf32> to vector<1x16xf32>
        tpu.vector_store %arg10[%swap3A, %swap3A_118], %swap3A_121 {strides = array<i32>} : memref<128x64xf32, #tpu.memory_space<vmem>>, vector<1x16xf32>,
        %scan3A_122 = arith.constant 0 : i32
        scf.yield %scan3A_122 : i32
      }
      %scan3A_112 = arith.constant 4 : i32
      scf.yield %scan3A_111 : i32
    }
    %scan3A_8 = arith.constant 128 : i32
    %mul3A_9 = arith.constant 640 : i32
    %mul3A_10 = arith.muli %arg1, %mul3A_9 : i32
    %add3A = arith.constant 0 : i32
    %add3A_11 = arith.addi %mul3A_10, %add3A : i32
    %dma_start3A = arith.constant 0 : i32
    %dma_start3A_12 = tpu.memref_slice %arg15[%add3A_11, %dma_start3A] : memref<10240x64xf32, #tpu.memory_space<vmem_shared>> -> memref<128x64xf32, #tpu.memory_space<vmem_shared>>
    %dma_start3A_13 = arith.constant 0 : i32
    %dma_start3A_14 = tpu.memref_slice %arg15[%add3A_11, %dma_start3A_13] : memref<10240x64xf32, #tpu.memory_space<vmem_shared>> -> memref<128x64xf32, #tpu.memory_space<vmem_shared>>
    tpu.enqueue_dma source(%arg10 : memref<128x64xf32, #tpu.memory_space<vmem>>) target(%dma_start3A_14 : memref<128x64xf32, #tpu.memory_space<vmem_shared>>) target_semaphore(%arg21 : memref<!tpu.dma_semaphore, #tpu.memory_space<semaphore_mem>>)
    %mul3A_15 = arith.constant 640 : i32
    %mul3A_16 = arith.muli %arg1, %mul3A_15 : i32
    %add3A_17 = arith.constant 128 : i32
    %add3A_18 = arith.addi %mul3A_16, %add3A_17 : i32
    %dma_start3A_19 = arith.constant 0 : i32
    %dma_start3A_20 = tpu.memref_slice %arg15[%add3A_18, %dma_start3A_19] : memref<10240x64xf32, #tpu.memory_space<vmem_shared>> -> memref<128x64xf32, #tpu.memory_space<vmem_shared>>
    %dma_start3A_21 = arith.constant 0 : i32
    %dma_start3A_22 = tpu.memref_slice %arg15[%add3A_18, %dma_start3A_21] : memref<10240x64xf32, #tpu.memory_space<vmem_shared>> -> memref<128x64xf32, #tpu.memory_space<vmem_shared>>
    tpu.enqueue_dma source(%arg10 : memref<128x64xf32, #tpu.memory_space<vmem>>) target(%dma_start3A_22 : memref<128x64xf32, #tpu.memory_space<vmem_shared>>) target_semaphore(%arg21 : memref<!tpu.dma_semaphore, #tpu.memory_space<semaphore_mem>>)
    %mul3A_23 = arith.constant 640 : i32
    %mul3A_24 = arith.muli %arg1, %mul3A_23 : i32
    %add3A_25 = arith.constant 256 : i32
    %add3A_26 = arith.addi %mul3A_24, %add3A_25 : i32
    %dma_start3A_27 = arith.constant 0 : i32
    %dma_start3A_28 = tpu.memref_slice %arg15[%add3A_26, %dma_start3A_27] : memref<10240x64xf32, #tpu.memory_space<vmem_shared>> -> memref<128x64xf32, #tpu.memory_space<vmem_shared>>
    %dma_start3A_29 = arith.constant 0 : i32
    %dma_start3A_30 = tpu.memref_slice %arg15[%add3A_26, %dma_start3A_29] : memref<10240x64xf32, #tpu.memory_space<vmem_shared>> -> memref<128x64xf32, #tpu.memory_space<vmem_shared>>
    tpu.enqueue_dma source(%arg10 : memref<128x64xf32, #tpu.memory_space<vmem>>) target(%dma_start3A_30 : memref<128x64xf32, #tpu.memory_space<vmem_shared>>) target_semaphore(%arg21 : memref<!tpu.dma_semaphore, #tpu.memory_space<semaphore_mem>>)
    %mul3A_31 = arith.constant 640 : i32
    %mul3A_32 = arith.muli %arg1, %mul3A_31 : i32
    %add3A_33 = arith.constant 384 : i32
    %add3A_34 = arith.addi %mul3A_32, %add3A_33 : i32
    %dma_start3A_35 = arith.constant 0 : i32
    %dma_start3A_36 = tpu.memref_slice %arg15[%add3A_34, %dma_start3A_35] : memref<10240x64xf32, #tpu.memory_space<vmem_shared>> -> memref<128x64xf32, #tpu.memory_space<vmem_shared>>
    %dma_start3A_37 = arith.constant 0 : i32
    %dma_start3A_38 = tpu.memref_slice %arg15[%add3A_34, %dma_start3A_37] : memref<10240x64xf32, #tpu.memory_space<vmem_shared>> -> memref<128x64xf32, #tpu.memory_space<vmem_shared>>
    tpu.enqueue_dma source(%arg10 : memref<128x64xf32, #tpu.memory_space<vmem>>) target(%dma_start3A_38 : memref<128x64xf32, #tpu.memory_space<vmem_shared>>) target_semaphore(%arg21 : memref<!tpu.dma_semaphore, #tpu.memory_space<semaphore_mem>>)
    %mul3A_39 = arith.constant 640 : i32
    %mul3A_40 = arith.muli %arg1, %mul3A_39 : i32
    %add3A_41 = arith.constant 512 : i32
    %add3A_42 = arith.addi %mul3A_40, %add3A_41 : i32
    %dma_start3A_43 = arith.constant 0 : i32
    %dma_start3A_44 = tpu.memref_slice %arg15[%add3A_42, %dma_start3A_43] : memref<10240x64xf32, #tpu.memory_space<vmem_shared>> -> memref<128x64xf32, #tpu.memory_space<vmem_shared>>
    %dma_start3A_45 = arith.constant 0 : i32
    %dma_start3A_46 = tpu.memref_slice %arg15[%add3A_42, %dma_start3A_45] : memref<10240x64xf32, #tpu.memory_space<vmem_shared>> -> memref<128x64xf32, #tpu.memory_space<vmem_shared>>
    tpu.enqueue_dma source(%arg10 : memref<128x64xf32, #tpu.memory_space<vmem>>) target(%dma_start3A_46 : memref<128x64xf32, #tpu.memory_space<vmem_shared>>) target_semaphore(%arg21 : memref<!tpu.dma_semaphore, #tpu.memory_space<semaphore_mem>>)
    %mul3A_47 = arith.constant 640 : i32
    %mul3A_48 = arith.muli %arg1, %mul3A_47 : i32
    %dma_wait3A = arith.constant 0 : i32
    %dma_wait3A_49 = tpu.memref_slice %arg15[%mul3A_48, %dma_wait3A] : memref<10240x64xf32, #tpu.memory_space<vmem_shared>> -> memref<128x64xf32, #tpu.memory_space<vmem_shared>>
    %dma_wait3A_50 = arith.constant 0 : i32
    %dma_wait3A_51 = tpu.memref_slice %arg15[%mul3A_48, %dma_wait3A_50] : memref<10240x64xf32, #tpu.memory_space<vmem_shared>> -> memref<128x64xf32, #tpu.memory_space<vmem_shared>>
    tpu.wait_dma2 semaphore(%arg21 : memref<!tpu.dma_semaphore, #tpu.memory_space<semaphore_mem>>) src(%arg10 : memref<128x64xf32, #tpu.memory_space<vmem>>) dst(%dma_wait3A_51 : memref<128x64xf32, #tpu.memory_space<vmem_shared>>)
    %mul3A_52 = arith.constant 640 : i32
    %mul3A_53 = arith.muli %arg1, %mul3A_52 : i32
    %dma_wait3A_54 = arith.constant 0 : i32
    %dma_wait3A_55 = tpu.memref_slice %arg15[%mul3A_53, %dma_wait3A_54] : memref<10240x64xf32, #tpu.memory_space<vmem_shared>> -> memref<128x64xf32, #tpu.memory_space<vmem_shared>>
    %dma_wait3A_56 = arith.constant 0 : i32
    %dma_wait3A_57 = tpu.memref_slice %arg15[%mul3A_53, %dma_wait3A_56] : memref<10240x64xf32, #tpu.memory_space<vmem_shared>> -> memref<128x64xf32, #tpu.memory_space<vmem_shared>>
    tpu.wait_dma2 semaphore(%arg21 : memref<!tpu.dma_semaphore, #tpu.memory_space<semaphore_mem>>) src(%arg10 : memref<128x64xf32, #tpu.memory_space<vmem>>) dst(%dma_wait3A_57 : memref<128x64xf32, #tpu.memory_space<vmem_shared>>)
    %mul3A_58 = arith.constant 640 : i32
    %mul3A_59 = arith.muli %arg1, %mul3A_58 : i32
    %dma_wait3A_60 = arith.constant 0 : i32
    %dma_wait3A_61 = tpu.memref_slice %arg15[%mul3A_59, %dma_wait3A_60] : memref<10240x64xf32, #tpu.memory_space<vmem_shared>> -> memref<128x64xf32, #tpu.memory_space<vmem_shared>>
    %dma_wait3A_62 = arith.constant 0 : i32
    %dma_wait3A_63 = tpu.memref_slice %arg15[%mul3A_59, %dma_wait3A_62] : memref<10240x64xf32, #tpu.memory_space<vmem_shared>> -> memref<128x64xf32, #tpu.memory_space<vmem_shared>>
    tpu.wait_dma2 semaphore(%arg21 : memref<!tpu.dma_semaphore, #tpu.memory_space<semaphore_mem>>) src(%arg10 : memref<128x64xf32, #tpu.memory_space<vmem>>) dst(%dma_wait3A_63 : memref<128x64xf32, #tpu.memory_space<vmem_shared>>)
    %mul3A_64 = arith.constant 640 : i32
    %mul3A_65 = arith.muli %arg1, %mul3A_64 : i32
    %dma_wait3A_66 = arith.constant 0 : i32
    %dma_wait3A_67 = tpu.memref_slice %arg15[%mul3A_65, %dma_wait3A_66] : memref<10240x64xf32, #tpu.memory_space<vmem_shared>> -> memref<128x64xf32, #tpu.memory_space<vmem_shared>>
    %dma_wait3A_68 = arith.constant 0 : i32
    %dma_wait3A_69 = tpu.memref_slice %arg15[%mul3A_65, %dma_wait3A_68] : memref<10240x64xf32, #tpu.memory_space<vmem_shared>> -> memref<128x64xf32, #tpu.memory_space<vmem_shared>>
    tpu.wait_dma2 semaphore(%arg21 : memref<!tpu.dma_semaphore, #tpu.memory_space<semaphore_mem>>) src(%arg10 : memref<128x64xf32, #tpu.memory_space<vmem>>) dst(%dma_wait3A_69 : memref<128x64xf32, #tpu.memory_space<vmem_shared>>)
    %mul3A_70 = arith.constant 640 : i32
    %mul3A_71 = arith.muli %arg1, %mul3A_70 : i32
    %dma_wait3A_72 = arith.constant 0 : i32
    %dma_wait3A_73 = tpu.memref_slice %arg15[%mul3A_71, %dma_wait3A_72] : memref<10240x64xf32, #tpu.memory_space<vmem_shared>> -> memref<128x64xf32, #tpu.memory_space<vmem_shared>>
    %dma_wait3A_74 = arith.constant 0 : i32
    %dma_wait3A_75 = tpu.memref_slice %arg15[%mul3A_71, %dma_wait3A_74] : memref<10240x64xf32, #tpu.memory_space<vmem_shared>> -> memref<128x64xf32, #tpu.memory_space<vmem_shared>>
    tpu.wait_dma2 semaphore(%arg21 : memref<!tpu.dma_semaphore, #tpu.memory_space<semaphore_mem>>) src(%arg10 : memref<128x64xf32, #tpu.memory_space<vmem>>) dst(%dma_wait3A_75 : memref<128x64xf32, #tpu.memory_space<vmem_shared>>)
    %lt3A = arith.constant 15 : i32
    %lt3A_76 = arith.cmpi slt, %arg1, %lt3A : i32
    %convert_element_type3A = arith.extui %lt3A_76 : i1 to i32
    %cond3A = arith.constant 0 : i32
    %cond3A_77 = arith.cmpi ne, %convert_element_type3A, %cond3A : i32
    scf.if %cond3A_77 {
      "tpu.region"() ({
        %run_scoped3A = tpu.sem_alloc : memref<!tpu.dma_semaphore, #tpu.memory_space<semaphore_mem>>
        %dma_start3A_104 = arith.constant 0 : i32
        %dma_start3A_105 = arith.constant 0 : i32
        %dma_start3A_106 = tpu.memref_slice %arg8[%dma_start3A_104, %dma_start3A_105] : memref<157x128xi32, #tpu.memory_space<vmem>> -> memref<157x128xi32, #tpu.memory_space<vmem>>
        %dma_start3A_107 = arith.constant 0 : i32
        %dma_start3A_108 = tpu.memref_slice %arg4[%mul3A_0, %dma_start3A_107] : memref<2500x128xi32, #tpu.memory_space<hbm>> -> memref<157x128xi32, #tpu.memory_space<hbm>>
        %dma_start3A_109 = arith.constant 0 : i32
        %dma_start3A_110 = arith.constant 0 : i32
        %dma_start3A_111 = tpu.memref_slice %arg8[%dma_start3A_109, %dma_start3A_110] : memref<157x128xi32, #tpu.memory_space<vmem>> -> memref<157x128xi32, #tpu.memory_space<vmem>>
        %dma_start3A_112 = arith.constant 0 : i32
        %dma_start3A_113 = tpu.memref_slice %arg4[%mul3A_0, %dma_start3A_112] : memref<2500x128xi32, #tpu.memory_space<hbm>> -> memref<157x128xi32, #tpu.memory_space<hbm>>
        tpu.enqueue_dma source(%dma_start3A_113 : memref<157x128xi32, #tpu.memory_space<hbm>>) target(%dma_start3A_111 : memref<157x128xi32, #tpu.memory_space<vmem>>) target_semaphore(%run_scoped3A : memref<!tpu.dma_semaphore, #tpu.memory_space<semaphore_mem>>)
        %dma_wait3A_114 = arith.constant 0 : i32
        %dma_wait3A_115 = arith.constant 0 : i32
        %dma_wait3A_116 = tpu.memref_slice %arg8[%dma_wait3A_114, %dma_wait3A_115] : memref<157x128xi32, #tpu.memory_space<vmem>> -> memref<157x128xi32, #tpu.memory_space<vmem>>
        %dma_wait3A_117 = arith.constant 0 : i32
        %dma_wait3A_118 = tpu.memref_slice %arg4[%mul3A_0, %dma_wait3A_117] : memref<2500x128xi32, #tpu.memory_space<hbm>> -> memref<157x128xi32, #tpu.memory_space<hbm>>
        %dma_wait3A_119 = arith.constant 0 : i32
        %dma_wait3A_120 = arith.constant 0 : i32
        %dma_wait3A_121 = tpu.memref_slice %arg8[%dma_wait3A_119, %dma_wait3A_120] : memref<157x128xi32, #tpu.memory_space<vmem>> -> memref<157x128xi32, #tpu.memory_space<vmem>>
        %dma_wait3A_122 = arith.constant 0 : i32
        %dma_wait3A_123 = tpu.memref_slice %arg4[%mul3A_0, %dma_wait3A_122] : memref<2500x128xi32, #tpu.memory_space<hbm>> -> memref<157x128xi32, #tpu.memory_space<hbm>>
        tpu.wait_dma2 semaphore(%run_scoped3A : memref<!tpu.dma_semaphore, #tpu.memory_space<semaphore_mem>>) src(%dma_wait3A_123 : memref<157x128xi32, #tpu.memory_space<hbm>>) dst(%dma_wait3A_121 : memref<157x128xi32, #tpu.memory_space<vmem>>)
        tpu.yield
      }) : () -> ()
      "tpu.region"() ({
        %run_scoped3A = tpu.sem_alloc : memref<!tpu.dma_semaphore, #tpu.memory_space<semaphore_mem>>
        %dma_start3A_104 = arith.constant 0 : i32
        %dma_start3A_105 = arith.constant 0 : i32
        %dma_start3A_106 = tpu.memref_slice %arg9[%dma_start3A_104, %dma_start3A_105] : memref<157x128xi32, #tpu.memory_space<vmem>> -> memref<157x128xi32, #tpu.memory_space<vmem>>
        %dma_start3A_107 = arith.constant 0 : i32
        %dma_start3A_108 = tpu.memref_slice %arg5[%mul3A_0, %dma_start3A_107] : memref<2500x128xi32, #tpu.memory_space<hbm>> -> memref<157x128xi32, #tpu.memory_space<hbm>>
        %dma_start3A_109 = arith.constant 0 : i32
        %dma_start3A_110 = arith.constant 0 : i32
        %dma_start3A_111 = tpu.memref_slice %arg9[%dma_start3A_109, %dma_start3A_110] : memref<157x128xi32, #tpu.memory_space<vmem>> -> memref<157x128xi32, #tpu.memory_space<vmem>>
        %dma_start3A_112 = arith.constant 0 : i32
        %dma_start3A_113 = tpu.memref_slice %arg5[%mul3A_0, %dma_start3A_112] : memref<2500x128xi32, #tpu.memory_space<hbm>> -> memref<157x128xi32, #tpu.memory_space<hbm>>
        tpu.enqueue_dma source(%dma_start3A_113 : memref<157x128xi32, #tpu.memory_space<hbm>>) target(%dma_start3A_111 : memref<157x128xi32, #tpu.memory_space<vmem>>) target_semaphore(%run_scoped3A : memref<!tpu.dma_semaphore, #tpu.memory_space<semaphore_mem>>)
        %dma_wait3A_114 = arith.constant 0 : i32
        %dma_wait3A_115 = arith.constant 0 : i32
        %dma_wait3A_116 = tpu.memref_slice %arg9[%dma_wait3A_114, %dma_wait3A_115] : memref<157x128xi32, #tpu.memory_space<vmem>> -> memref<157x128xi32, #tpu.memory_space<vmem>>
        %dma_wait3A_117 = arith.constant 0 : i32
        %dma_wait3A_118 = tpu.memref_slice %arg5[%mul3A_0, %dma_wait3A_117] : memref<2500x128xi32, #tpu.memory_space<hbm>> -> memref<157x128xi32, #tpu.memory_space<hbm>>
        %dma_wait3A_119 = arith.constant 0 : i32
        %dma_wait3A_120 = arith.constant 0 : i32
        %dma_wait3A_121 = tpu.memref_slice %arg9[%dma_wait3A_119, %dma_wait3A_120] : memref<157x128xi32, #tpu.memory_space<vmem>> -> memref<157x128xi32, #tpu.memory_space<vmem>>
        %dma_wait3A_122 = arith.constant 0 : i32
        %dma_wait3A_123 = tpu.memref_slice %arg5[%mul3A_0, %dma_wait3A_122] : memref<2500x128xi32, #tpu.memory_space<hbm>> -> memref<157x128xi32, #tpu.memory_space<hbm>>
        tpu.wait_dma2 semaphore(%run_scoped3A : memref<!tpu.dma_semaphore, #tpu.memory_space<semaphore_mem>>) src(%dma_wait3A_123 : memref<157x128xi32, #tpu.memory_space<hbm>>) dst(%dma_wait3A_121 : memref<157x128xi32, #tpu.memory_space<vmem>>)
        tpu.yield
      }) : () -> ()
    } else {
    }
    %eq3A_78 = arith.constant 15 : i32
    %eq3A_79 = arith.cmpi eq, %arg1, %eq3A_78 : i32
    %convert_element_type3A_80 = arith.extui %eq3A_79 : i1 to i32
    %cond3A_81 = arith.constant 0 : i32
    %cond3A_82 = arith.cmpi ne, %convert_element_type3A_80, %cond3A_81 : i32
    scf.if %cond3A_82 {
      "tpu.region"() ({
        %run_scoped3A = tpu.sem_alloc : memref<!tpu.dma_semaphore, #tpu.memory_space<semaphore_mem>>
        %dma_start3A_104 = arith.constant 0 : i32
        %dma_start3A_105 = arith.constant 0 : i32
        %dma_start3A_106 = tpu.memref_slice %arg8[%dma_start3A_104, %dma_start3A_105] : memref<157x128xi32, #tpu.memory_space<vmem>> -> memref<145x128xi32, #tpu.memory_space<vmem>>
        %dma_start3A_107 = arith.constant 0 : i32
        %dma_start3A_108 = tpu.memref_slice %arg4[%mul3A_0, %dma_start3A_107] : memref<2500x128xi32, #tpu.memory_space<hbm>> -> memref<145x128xi32, #tpu.memory_space<hbm>>
        %dma_start3A_109 = arith.constant 0 : i32
        %dma_start3A_110 = arith.constant 0 : i32
        %dma_start3A_111 = tpu.memref_slice %arg8[%dma_start3A_109, %dma_start3A_110] : memref<157x128xi32, #tpu.memory_space<vmem>> -> memref<145x128xi32, #tpu.memory_space<vmem>>
        %dma_start3A_112 = arith.constant 0 : i32
        %dma_start3A_113 = tpu.memref_slice %arg4[%mul3A_0, %dma_start3A_112] : memref<2500x128xi32, #tpu.memory_space<hbm>> -> memref<145x128xi32, #tpu.memory_space<hbm>>
        tpu.enqueue_dma source(%dma_start3A_113 : memref<145x128xi32, #tpu.memory_space<hbm>>) target(%dma_start3A_111 : memref<145x128xi32, #tpu.memory_space<vmem>>) target_semaphore(%run_scoped3A : memref<!tpu.dma_semaphore, #tpu.memory_space<semaphore_mem>>)
        %dma_wait3A_114 = arith.constant 0 : i32
        %dma_wait3A_115 = arith.constant 0 : i32
        %dma_wait3A_116 = tpu.memref_slice %arg8[%dma_wait3A_114, %dma_wait3A_115] : memref<157x128xi32, #tpu.memory_space<vmem>> -> memref<145x128xi32, #tpu.memory_space<vmem>>
        %dma_wait3A_117 = arith.constant 0 : i32
        %dma_wait3A_118 = tpu.memref_slice %arg4[%mul3A_0, %dma_wait3A_117] : memref<2500x128xi32, #tpu.memory_space<hbm>> -> memref<145x128xi32, #tpu.memory_space<hbm>>
        %dma_wait3A_119 = arith.constant 0 : i32
        %dma_wait3A_120 = arith.constant 0 : i32
        %dma_wait3A_121 = tpu.memref_slice %arg8[%dma_wait3A_119, %dma_wait3A_120] : memref<157x128xi32, #tpu.memory_space<vmem>> -> memref<145x128xi32, #tpu.memory_space<vmem>>
        %dma_wait3A_122 = arith.constant 0 : i32
        %dma_wait3A_123 = tpu.memref_slice %arg4[%mul3A_0, %dma_wait3A_122] : memref<2500x128xi32, #tpu.memory_space<hbm>> -> memref<145x128xi32, #tpu.memory_space<hbm>>
        tpu.wait_dma2 semaphore(%run_scoped3A : memref<!tpu.dma_semaphore, #tpu.memory_space<semaphore_mem>>) src(%dma_wait3A_123 : memref<145x128xi32, #tpu.memory_space<hbm>>) dst(%dma_wait3A_121 : memref<145x128xi32, #tpu.memory_space<vmem>>)
        tpu.yield
      }) : () -> ()
      "tpu.region"() ({
        %run_scoped3A = tpu.sem_alloc : memref<!tpu.dma_semaphore, #tpu.memory_space<semaphore_mem>>
        %dma_start3A_104 = arith.constant 0 : i32
        %dma_start3A_105 = arith.constant 0 : i32
        %dma_start3A_106 = tpu.memref_slice %arg9[%dma_start3A_104, %dma_start3A_105] : memref<157x128xi32, #tpu.memory_space<vmem>> -> memref<145x128xi32, #tpu.memory_space<vmem>>
        %dma_start3A_107 = arith.constant 0 : i32
        %dma_start3A_108 = tpu.memref_slice %arg5[%mul3A_0, %dma_start3A_107] : memref<2500x128xi32, #tpu.memory_space<hbm>> -> memref<145x128xi32, #tpu.memory_space<hbm>>
        %dma_start3A_109 = arith.constant 0 : i32
        %dma_start3A_110 = arith.constant 0 : i32
        %dma_start3A_111 = tpu.memref_slice %arg9[%dma_start3A_109, %dma_start3A_110] : memref<157x128xi32, #tpu.memory_space<vmem>> -> memref<145x128xi32, #tpu.memory_space<vmem>>
        %dma_start3A_112 = arith.constant 0 : i32
        %dma_start3A_113 = tpu.memref_slice %arg5[%mul3A_0, %dma_start3A_112] : memref<2500x128xi32, #tpu.memory_space<hbm>> -> memref<145x128xi32, #tpu.memory_space<hbm>>
        tpu.enqueue_dma source(%dma_start3A_113 : memref<145x128xi32, #tpu.memory_space<hbm>>) target(%dma_start3A_111 : memref<145x128xi32, #tpu.memory_space<vmem>>) target_semaphore(%run_scoped3A : memref<!tpu.dma_semaphore, #tpu.memory_space<semaphore_mem>>)
        %dma_wait3A_114 = arith.constant 0 : i32
        %dma_wait3A_115 = arith.constant 0 : i32
        %dma_wait3A_116 = tpu.memref_slice %arg9[%dma_wait3A_114, %dma_wait3A_115] : memref<157x128xi32, #tpu.memory_space<vmem>> -> memref<145x128xi32, #tpu.memory_space<vmem>>
        %dma_wait3A_117 = arith.constant 0 : i32
        %dma_wait3A_118 = tpu.memref_slice %arg5[%mul3A_0, %dma_wait3A_117] : memref<2500x128xi32, #tpu.memory_space<hbm>> -> memref<145x128xi32, #tpu.memory_space<hbm>>
        %dma_wait3A_119 = arith.constant 0 : i32
        %dma_wait3A_120 = arith.constant 0 : i32
        %dma_wait3A_121 = tpu.memref_slice %arg9[%dma_wait3A_119, %dma_wait3A_120] : memref<157x128xi32, #tpu.memory_space<vmem>> -> memref<145x128xi32, #tpu.memory_space<vmem>>
        %dma_wait3A_122 = arith.constant 0 : i32
        %dma_wait3A_123 = tpu.memref_slice %arg5[%mul3A_0, %dma_wait3A_122] : memref<2500x128xi32, #tpu.memory_space<hbm>> -> memref<145x128xi32, #tpu.memory_space<hbm>>
        tpu.wait_dma2 semaphore(%run_scoped3A : memref<!tpu.dma_semaphore, #tpu.memory_space<semaphore_mem>>) src(%dma_wait3A_123 : memref<145x128xi32, #tpu.memory_space<hbm>>) dst(%dma_wait3A_121 : memref<145x128xi32, #tpu.memory_space<vmem>>)
        tpu.yield
      }) : () -> ()
    } else {
    }
    %barrier3A = arith.constant 0 : index
    tpu.barrier barrier_id(%barrier3A)
    %eq3A_83 = arith.constant 0 : i32
    %eq3A_84 = arith.cmpi eq, %arg0, %eq3A_83 : i32
    %convert_element_type3A_85 = arith.extui %eq3A_84 : i1 to i32
    %cond3A_86 = arith.constant 0 : i32
    %cond3A_87 = arith.cmpi ne, %convert_element_type3A_85, %cond3A_86 : i32
    scf.if %cond3A_87 {
      %dma_start3A_104 = arith.constant 0 : i32
      %dma_start3A_105 = arith.constant 0 : i32
      %dma_start3A_106 = tpu.memref_slice %arg8[%dma_start3A_104, %dma_start3A_105] : memref<157x128xi32, #tpu.memory_space<vmem>> -> memref<1x128xi32, #tpu.memory_space<vmem>>
      %dma_start3A_107 = tpu.memref_squeeze %dma_start3A_106 : memref<1x128xi32, #tpu.memory_space<vmem>> -> memref<128xi32, #tpu.memory_space<vmem>>
      %dma_start3A_108 = arith.constant 0 : i32
      %dma_start3A_109 = arith.constant 0 : i32
      %dma_start3A_110 = tpu.memref_slice %arg2[%dma_start3A_108, %dma_start3A_109] : memref<10000x64xf32, #tpu.memory_space<hbm>> -> memref<10000x64xf32, #tpu.memory_space<hbm>>
      tpu.enqueue_indirect_dma source(%dma_start3A_110 : memref<10000x64xf32, #tpu.memory_space<hbm>>) target(%arg10 : memref<128x64xf32, #tpu.memory_space<vmem>>) offsets(%dma_start3A_107 : memref<128xi32, #tpu.memory_space<vmem>>) semaphore(%arg16 : memref<!tpu.dma_semaphore, #tpu.memory_space<semaphore_mem>>)
      %dma_start3A_111 = arith.constant 1 : i32
      %dma_start3A_112 = arith.constant 0 : i32
      %dma_start3A_113 = tpu.memref_slice %arg8[%dma_start3A_111, %dma_start3A_112] : memref<157x128xi32, #tpu.memory_space<vmem>> -> memref<1x128xi32, #tpu.memory_space<vmem>>
      %dma_start3A_114 = tpu.memref_squeeze %dma_start3A_113 : memref<1x128xi32, #tpu.memory_space<vmem>> -> memref<128xi32, #tpu.memory_space<vmem>>
      %dma_start3A_115 = arith.constant 0 : i32
      %dma_start3A_116 = arith.constant 0 : i32
      %dma_start3A_117 = tpu.memref_slice %arg2[%dma_start3A_115, %dma_start3A_116] : memref<10000x64xf32, #tpu.memory_space<hbm>> -> memref<10000x64xf32, #tpu.memory_space<hbm>>
      tpu.enqueue_indirect_dma source(%dma_start3A_117 : memref<10000x64xf32, #tpu.memory_space<hbm>>) target(%arg11 : memref<128x64xf32, #tpu.memory_space<vmem>>) offsets(%dma_start3A_114 : memref<128xi32, #tpu.memory_space<vmem>>) semaphore(%arg17 : memref<!tpu.dma_semaphore, #tpu.memory_space<semaphore_mem>>)
      %dma_start3A_118 = arith.constant 2 : i32
      %dma_start3A_119 = arith.constant 0 : i32
      %dma_start3A_120 = tpu.memref_slice %arg8[%dma_start3A_118, %dma_start3A_119] : memref<157x128xi32, #tpu.memory_space<vmem>> -> memref<1x128xi32, #tpu.memory_space<vmem>>
      %dma_start3A_121 = tpu.memref_squeeze %dma_start3A_120 : memref<1x128xi32, #tpu.memory_space<vmem>> -> memref<128xi32, #tpu.memory_space<vmem>>
      %dma_start3A_122 = arith.constant 0 : i32
      %dma_start3A_123 = arith.constant 0 : i32
      %dma_start3A_124 = tpu.memref_slice %arg2[%dma_start3A_122, %dma_start3A_123] : memref<10000x64xf32, #tpu.memory_space<hbm>> -> memref<10000x64xf32, #tpu.memory_space<hbm>>
      tpu.enqueue_indirect_dma source(%dma_start3A_124 : memref<10000x64xf32, #tpu.memory_space<hbm>>) target(%arg12 : memref<128x64xf32, #tpu.memory_space<vmem>>) offsets(%dma_start3A_121 : memref<128xi32, #tpu.memory_space<vmem>>) semaphore(%arg18 : memref<!tpu.dma_semaphore, #tpu.memory_space<semaphore_mem>>)
      %dma_start3A_125 = arith.constant 3 : i32
      %dma_start3A_126 = arith.constant 0 : i32
      %dma_start3A_127 = tpu.memref_slice %arg8[%dma_start3A_125, %dma_start3A_126] : memref<157x128xi32, #tpu.memory_space<vmem>> -> memref<1x128xi32, #tpu.memory_space<vmem>>
      %dma_start3A_128 = tpu.memref_squeeze %dma_start3A_127 : memref<1x128xi32, #tpu.memory_space<vmem>> -> memref<128xi32, #tpu.memory_space<vmem>>
      %dma_start3A_129 = arith.constant 0 : i32
      %dma_start3A_130 = arith.constant 0 : i32
      %dma_start3A_131 = tpu.memref_slice %arg2[%dma_start3A_129, %dma_start3A_130] : memref<10000x64xf32, #tpu.memory_space<hbm>> -> memref<10000x64xf32, #tpu.memory_space<hbm>>
      tpu.enqueue_indirect_dma source(%dma_start3A_131 : memref<10000x64xf32, #tpu.memory_space<hbm>>) target(%arg13 : memref<128x64xf32, #tpu.memory_space<vmem>>) offsets(%dma_start3A_128 : memref<128xi32, #tpu.memory_space<vmem>>) semaphore(%arg19 : memref<!tpu.dma_semaphore, #tpu.memory_space<semaphore_mem>>)
      %scan3A_132 = arith.constant 0 : i32
      %scan3A_133 = arith.constant 0 : i32
      %scan3A_134 = arith.constant 32 : i32
      %scan3A_135 = arith.addi %scan3A_133, %scan3A_134 : i32
      %scan3A_136 = arith.constant 1 : i32
      %scan3A_137 = scf.for %scan3A_174 = %scan3A_133 to %scan3A_135 step %scan3A_136 iter_args(%scan3A_175 = %scan3A_132) -> (i32)  : i32 {
        %mul3A_176 = arith.constant 5 : i32
        %mul3A_177 = arith.muli %scan3A_174, %mul3A_176 : i32
        %add3A_178 = arith.constant 0 : i32
        %add3A_179 = arith.addi %mul3A_177, %add3A_178 : i32
        %add3A_180 = arith.constant 4 : i32
        %add3A_181 = arith.addi %add3A_179, %add3A_180 : i32
        %lt3A_182 = arith.cmpi slt, %add3A_181, %select_n3A : i32
        %convert_element_type3A_183 = arith.extui %lt3A_182 : i1 to i32
        %cond3A_184 = arith.constant 0 : i32
        %cond3A_185 = arith.cmpi ne, %convert_element_type3A_183, %cond3A_184 : i32
        scf.if %cond3A_185 {
          %ge3A = arith.constant 1 : i32
          %ge3A_247 = arith.cmpi sge, %add3A_179, %ge3A : i32
          %convert_element_type3A_248 = arith.extui %ge3A_247 : i1 to i32
          %cond3A_249 = arith.constant 0 : i32
          %cond3A_250 = arith.cmpi ne, %convert_element_type3A_248, %cond3A_249 : i32
          scf.if %cond3A_250 {
            %dma_wait3A_259 = arith.constant 0 : i32
            %dma_wait3A_260 = arith.constant 0 : i32
            %dma_wait3A_261 = tpu.memref_slice %arg9[%dma_wait3A_259, %dma_wait3A_260] : memref<157x128xi32, #tpu.memory_space<vmem>> -> memref<1x128xi32, #tpu.memory_space<vmem>>
            %dma_wait3A_262 = tpu.memref_squeeze %dma_wait3A_261 : memref<1x128xi32, #tpu.memory_space<vmem>> -> memref<128xi32, #tpu.memory_space<vmem>>
            %dma_wait3A_263 = arith.constant 0 : i32
            %dma_wait3A_264 = arith.constant 0 : i32
            %dma_wait3A_265 = tpu.memref_slice %arg15[%dma_wait3A_263, %dma_wait3A_264] : memref<10240x64xf32, #tpu.memory_space<vmem_shared>> -> memref<10240x64xf32, #tpu.memory_space<vmem_shared>>
            tpu.wait_indirect_dma semaphore(%arg25 : memref<!tpu.dma_semaphore, #tpu.memory_space<semaphore_mem>>) src(%arg14 : memref<128x64xf32, #tpu.memory_space<vmem>>) dst(%dma_wait3A_265 : memref<10240x64xf32, #tpu.memory_space<vmem_shared>>)
          } else {
          }
          %add3A_251 = arith.constant 4 : i32
          %add3A_252 = arith.addi %add3A_179, %add3A_251 : i32
          %dma_start3A_253 = arith.constant 0 : i32
          %dma_start3A_254 = tpu.memref_slice %arg8[%add3A_252, %dma_start3A_253] : memref<157x128xi32, #tpu.memory_space<vmem>> -> memref<1x128xi32, #tpu.memory_space<vmem>>
          %dma_start3A_255 = tpu.memref_squeeze %dma_start3A_254 : memref<1x128xi32, #tpu.memory_space<vmem>> -> memref<128xi32, #tpu.memory_space<vmem>>
          %dma_start3A_256 = arith.constant 0 : i32
          %dma_start3A_257 = arith.constant 0 : i32
          %dma_start3A_258 = tpu.memref_slice %arg2[%dma_start3A_256, %dma_start3A_257] : memref<10000x64xf32, #tpu.memory_space<hbm>> -> memref<10000x64xf32, #tpu.memory_space<hbm>>
          tpu.enqueue_indirect_dma source(%dma_start3A_258 : memref<10000x64xf32, #tpu.memory_space<hbm>>) target(%arg14 : memref<128x64xf32, #tpu.memory_space<vmem>>) offsets(%dma_start3A_255 : memref<128xi32, #tpu.memory_space<vmem>>) semaphore(%arg20 : memref<!tpu.dma_semaphore, #tpu.memory_space<semaphore_mem>>)
        } else {
        }
        %lt3A_186 = arith.cmpi slt, %add3A_179, %select_n3A : i32
        %convert_element_type3A_187 = arith.extui %lt3A_186 : i1 to i32
        %cond3A_188 = arith.constant 0 : i32
        %cond3A_189 = arith.cmpi ne, %convert_element_type3A_187, %cond3A_188 : i32
        scf.if %cond3A_189 {
          %dma_wait3A_247 = arith.constant 0 : i32
          %dma_wait3A_248 = arith.constant 0 : i32
          %dma_wait3A_249 = tpu.memref_slice %arg8[%dma_wait3A_247, %dma_wait3A_248] : memref<157x128xi32, #tpu.memory_space<vmem>> -> memref<1x128xi32, #tpu.memory_space<vmem>>
          %dma_wait3A_250 = tpu.memref_squeeze %dma_wait3A_249 : memref<1x128xi32, #tpu.memory_space<vmem>> -> memref<128xi32, #tpu.memory_space<vmem>>
          %dma_wait3A_251 = arith.constant 0 : i32
          %dma_wait3A_252 = arith.constant 0 : i32
          %dma_wait3A_253 = tpu.memref_slice %arg2[%dma_wait3A_251, %dma_wait3A_252] : memref<10000x64xf32, #tpu.memory_space<hbm>> -> memref<10000x64xf32, #tpu.memory_space<hbm>>
          tpu.wait_indirect_dma semaphore(%arg16 : memref<!tpu.dma_semaphore, #tpu.memory_space<semaphore_mem>>) src(%dma_wait3A_253 : memref<10000x64xf32, #tpu.memory_space<hbm>>) dst(%arg10 : memref<128x64xf32, #tpu.memory_space<vmem>>)
          %dma_start3A_254 = arith.constant 0 : i32
          %dma_start3A_255 = tpu.memref_slice %arg9[%add3A_179, %dma_start3A_254] : memref<157x128xi32, #tpu.memory_space<vmem>> -> memref<1x128xi32, #tpu.memory_space<vmem>>
          %dma_start3A_256 = tpu.memref_squeeze %dma_start3A_255 : memref<1x128xi32, #tpu.memory_space<vmem>> -> memref<128xi32, #tpu.memory_space<vmem>>
          %dma_start3A_257 = arith.constant 0 : i32
          %dma_start3A_258 = arith.constant 0 : i32
          %dma_start3A_259 = tpu.memref_slice %arg15[%dma_start3A_257, %dma_start3A_258] : memref<10240x64xf32, #tpu.memory_space<vmem_shared>> -> memref<10240x64xf32, #tpu.memory_space<vmem_shared>>
          tpu.enqueue_indirect_dma source(%arg10 : memref<128x64xf32, #tpu.memory_space<vmem>>) target(%dma_start3A_259 : memref<10240x64xf32, #tpu.memory_space<vmem_shared>>) offsets(%dma_start3A_256 : memref<128xi32, #tpu.memory_space<vmem>>) semaphore(%arg21 : memref<!tpu.dma_semaphore, #tpu.memory_space<semaphore_mem>>) {add = true}
        } else {
        }
        %mul3A_190 = arith.constant 5 : i32
        %mul3A_191 = arith.muli %scan3A_174, %mul3A_190 : i32
        %add3A_192 = arith.constant 1 : i32
        %add3A_193 = arith.addi %mul3A_191, %add3A_192 : i32
        %add3A_194 = arith.constant 4 : i32
        %add3A_195 = arith.addi %add3A_193, %add3A_194 : i32
        %lt3A_196 = arith.cmpi slt, %add3A_195, %select_n3A : i32
        %convert_element_type3A_197 = arith.extui %lt3A_196 : i1 to i32
        %cond3A_198 = arith.constant 0 : i32
        %cond3A_199 = arith.cmpi ne, %convert_element_type3A_197, %cond3A_198 : i32
        scf.if %cond3A_199 {
          %ge3A = arith.constant 1 : i32
          %ge3A_247 = arith.cmpi sge, %add3A_193, %ge3A : i32
          %convert_element_type3A_248 = arith.extui %ge3A_247 : i1 to i32
          %cond3A_249 = arith.constant 0 : i32
          %cond3A_250 = arith.cmpi ne, %convert_element_type3A_248, %cond3A_249 : i32
          scf.if %cond3A_250 {
            %dma_wait3A_259 = arith.constant 0 : i32
            %dma_wait3A_260 = arith.constant 0 : i32
            %dma_wait3A_261 = tpu.memref_slice %arg9[%dma_wait3A_259, %dma_wait3A_260] : memref<157x128xi32, #tpu.memory_space<vmem>> -> memref<1x128xi32, #tpu.memory_space<vmem>>
            %dma_wait3A_262 = tpu.memref_squeeze %dma_wait3A_261 : memref<1x128xi32, #tpu.memory_space<vmem>> -> memref<128xi32, #tpu.memory_space<vmem>>
            %dma_wait3A_263 = arith.constant 0 : i32
            %dma_wait3A_264 = arith.constant 0 : i32
            %dma_wait3A_265 = tpu.memref_slice %arg15[%dma_wait3A_263, %dma_wait3A_264] : memref<10240x64xf32, #tpu.memory_space<vmem_shared>> -> memref<10240x64xf32, #tpu.memory_space<vmem_shared>>
            tpu.wait_indirect_dma semaphore(%arg21 : memref<!tpu.dma_semaphore, #tpu.memory_space<semaphore_mem>>) src(%arg10 : memref<128x64xf32, #tpu.memory_space<vmem>>) dst(%dma_wait3A_265 : memref<10240x64xf32, #tpu.memory_space<vmem_shared>>)
          } else {
          }
          %add3A_251 = arith.constant 4 : i32
          %add3A_252 = arith.addi %add3A_193, %add3A_251 : i32
          %dma_start3A_253 = arith.constant 0 : i32
          %dma_start3A_254 = tpu.memref_slice %arg8[%add3A_252, %dma_start3A_253] : memref<157x128xi32, #tpu.memory_space<vmem>> -> memref<1x128xi32, #tpu.memory_space<vmem>>
          %dma_start3A_255 = tpu.memref_squeeze %dma_start3A_254 : memref<1x128xi32, #tpu.memory_space<vmem>> -> memref<128xi32, #tpu.memory_space<vmem>>
          %dma_start3A_256 = arith.constant 0 : i32
          %dma_start3A_257 = arith.constant 0 : i32
          %dma_start3A_258 = tpu.memref_slice %arg2[%dma_start3A_256, %dma_start3A_257] : memref<10000x64xf32, #tpu.memory_space<hbm>> -> memref<10000x64xf32, #tpu.memory_space<hbm>>
          tpu.enqueue_indirect_dma source(%dma_start3A_258 : memref<10000x64xf32, #tpu.memory_space<hbm>>) target(%arg10 : memref<128x64xf32, #tpu.memory_space<vmem>>) offsets(%dma_start3A_255 : memref<128xi32, #tpu.memory_space<vmem>>) semaphore(%arg16 : memref<!tpu.dma_semaphore, #tpu.memory_space<semaphore_mem>>)
        } else {
        }
        %lt3A_200 = arith.cmpi slt, %add3A_193, %select_n3A : i32
        %convert_element_type3A_201 = arith.extui %lt3A_200 : i1 to i32
        %cond3A_202 = arith.constant 0 : i32
        %cond3A_203 = arith.cmpi ne, %convert_element_type3A_201, %cond3A_202 : i32
        scf.if %cond3A_203 {
          %dma_wait3A_247 = arith.constant 0 : i32
          %dma_wait3A_248 = arith.constant 0 : i32
          %dma_wait3A_249 = tpu.memref_slice %arg8[%dma_wait3A_247, %dma_wait3A_248] : memref<157x128xi32, #tpu.memory_space<vmem>> -> memref<1x128xi32, #tpu.memory_space<vmem>>
          %dma_wait3A_250 = tpu.memref_squeeze %dma_wait3A_249 : memref<1x128xi32, #tpu.memory_space<vmem>> -> memref<128xi32, #tpu.memory_space<vmem>>
          %dma_wait3A_251 = arith.constant 0 : i32
          %dma_wait3A_252 = arith.constant 0 : i32
          %dma_wait3A_253 = tpu.memref_slice %arg2[%dma_wait3A_251, %dma_wait3A_252] : memref<10000x64xf32, #tpu.memory_space<hbm>> -> memref<10000x64xf32, #tpu.memory_space<hbm>>
          tpu.wait_indirect_dma semaphore(%arg17 : memref<!tpu.dma_semaphore, #tpu.memory_space<semaphore_mem>>) src(%dma_wait3A_253 : memref<10000x64xf32, #tpu.memory_space<hbm>>) dst(%arg11 : memref<128x64xf32, #tpu.memory_space<vmem>>)
          %dma_start3A_254 = arith.constant 0 : i32
          %dma_start3A_255 = tpu.memref_slice %arg9[%add3A_193, %dma_start3A_254] : memref<157x128xi32, #tpu.memory_space<vmem>> -> memref<1x128xi32, #tpu.memory_space<vmem>>
          %dma_start3A_256 = tpu.memref_squeeze %dma_start3A_255 : memref<1x128xi32, #tpu.memory_space<vmem>> -> memref<128xi32, #tpu.memory_space<vmem>>
          %dma_start3A_257 = arith.constant 0 : i32
          %dma_start3A_258 = arith.constant 0 : i32
          %dma_start3A_259 = tpu.memref_slice %arg15[%dma_start3A_257, %dma_start3A_258] : memref<10240x64xf32, #tpu.memory_space<vmem_shared>> -> memref<10240x64xf32, #tpu.memory_space<vmem_shared>>
          tpu.enqueue_indirect_dma source(%arg11 : memref<128x64xf32, #tpu.memory_space<vmem>>) target(%dma_start3A_259 : memref<10240x64xf32, #tpu.memory_space<vmem_shared>>) offsets(%dma_start3A_256 : memref<128xi32, #tpu.memory_space<vmem>>) semaphore(%arg22 : memref<!tpu.dma_semaphore, #tpu.memory_space<semaphore_mem>>) {add = true}
        } else {
        }
        %mul3A_204 = arith.constant 5 : i32
        %mul3A_205 = arith.muli %scan3A_174, %mul3A_204 : i32
        %add3A_206 = arith.constant 2 : i32
        %add3A_207 = arith.addi %mul3A_205, %add3A_206 : i32
        %add3A_208 = arith.constant 4 : i32
        %add3A_209 = arith.addi %add3A_207, %add3A_208 : i32
        %lt3A_210 = arith.cmpi slt, %add3A_209, %select_n3A : i32
        %convert_element_type3A_211 = arith.extui %lt3A_210 : i1 to i32
        %cond3A_212 = arith.constant 0 : i32
        %cond3A_213 = arith.cmpi ne, %convert_element_type3A_211, %cond3A_212 : i32
        scf.if %cond3A_213 {
          %ge3A = arith.constant 1 : i32
          %ge3A_247 = arith.cmpi sge, %add3A_207, %ge3A : i32
          %convert_element_type3A_248 = arith.extui %ge3A_247 : i1 to i32
          %cond3A_249 = arith.constant 0 : i32
          %cond3A_250 = arith.cmpi ne, %convert_element_type3A_248, %cond3A_249 : i32
          scf.if %cond3A_250 {
            %dma_wait3A_259 = arith.constant 0 : i32
            %dma_wait3A_260 = arith.constant 0 : i32
            %dma_wait3A_261 = tpu.memref_slice %arg9[%dma_wait3A_259, %dma_wait3A_260] : memref<157x128xi32, #tpu.memory_space<vmem>> -> memref<1x128xi32, #tpu.memory_space<vmem>>
            %dma_wait3A_262 = tpu.memref_squeeze %dma_wait3A_261 : memref<1x128xi32, #tpu.memory_space<vmem>> -> memref<128xi32, #tpu.memory_space<vmem>>
            %dma_wait3A_263 = arith.constant 0 : i32
            %dma_wait3A_264 = arith.constant 0 : i32
            %dma_wait3A_265 = tpu.memref_slice %arg15[%dma_wait3A_263, %dma_wait3A_264] : memref<10240x64xf32, #tpu.memory_space<vmem_shared>> -> memref<10240x64xf32, #tpu.memory_space<vmem_shared>>
            tpu.wait_indirect_dma semaphore(%arg22 : memref<!tpu.dma_semaphore, #tpu.memory_space<semaphore_mem>>) src(%arg11 : memref<128x64xf32, #tpu.memory_space<vmem>>) dst(%dma_wait3A_265 : memref<10240x64xf32, #tpu.memory_space<vmem_shared>>)
          } else {
          }
          %add3A_251 = arith.constant 4 : i32
          %add3A_252 = arith.addi %add3A_207, %add3A_251 : i32
          %dma_start3A_253 = arith.constant 0 : i32
          %dma_start3A_254 = tpu.memref_slice %arg8[%add3A_252, %dma_start3A_253] : memref<157x128xi32, #tpu.memory_space<vmem>> -> memref<1x128xi32, #tpu.memory_space<vmem>>
          %dma_start3A_255 = tpu.memref_squeeze %dma_start3A_254 : memref<1x128xi32, #tpu.memory_space<vmem>> -> memref<128xi32, #tpu.memory_space<vmem>>
          %dma_start3A_256 = arith.constant 0 : i32
          %dma_start3A_257 = arith.constant 0 : i32
          %dma_start3A_258 = tpu.memref_slice %arg2[%dma_start3A_256, %dma_start3A_257] : memref<10000x64xf32, #tpu.memory_space<hbm>> -> memref<10000x64xf32, #tpu.memory_space<hbm>>
          tpu.enqueue_indirect_dma source(%dma_start3A_258 : memref<10000x64xf32, #tpu.memory_space<hbm>>) target(%arg11 : memref<128x64xf32, #tpu.memory_space<vmem>>) offsets(%dma_start3A_255 : memref<128xi32, #tpu.memory_space<vmem>>) semaphore(%arg17 : memref<!tpu.dma_semaphore, #tpu.memory_space<semaphore_mem>>)
        } else {
        }
        %lt3A_214 = arith.cmpi slt, %add3A_207, %select_n3A : i32
        %convert_element_type3A_215 = arith.extui %lt3A_214 : i1 to i32
        %cond3A_216 = arith.constant 0 : i32
        %cond3A_217 = arith.cmpi ne, %convert_element_type3A_215, %cond3A_216 : i32
        scf.if %cond3A_217 {
          %dma_wait3A_247 = arith.constant 0 : i32
          %dma_wait3A_248 = arith.constant 0 : i32
          %dma_wait3A_249 = tpu.memref_slice %arg8[%dma_wait3A_247, %dma_wait3A_248] : memref<157x128xi32, #tpu.memory_space<vmem>> -> memref<1x128xi32, #tpu.memory_space<vmem>>
          %dma_wait3A_250 = tpu.memref_squeeze %dma_wait3A_249 : memref<1x128xi32, #tpu.memory_space<vmem>> -> memref<128xi32, #tpu.memory_space<vmem>>
          %dma_wait3A_251 = arith.constant 0 : i32
          %dma_wait3A_252 = arith.constant 0 : i32
          %dma_wait3A_253 = tpu.memref_slice %arg2[%dma_wait3A_251, %dma_wait3A_252] : memref<10000x64xf32, #tpu.memory_space<hbm>> -> memref<10000x64xf32, #tpu.memory_space<hbm>>
          tpu.wait_indirect_dma semaphore(%arg18 : memref<!tpu.dma_semaphore, #tpu.memory_space<semaphore_mem>>) src(%dma_wait3A_253 : memref<10000x64xf32, #tpu.memory_space<hbm>>) dst(%arg12 : memref<128x64xf32, #tpu.memory_space<vmem>>)
          %dma_start3A_254 = arith.constant 0 : i32
          %dma_start3A_255 = tpu.memref_slice %arg9[%add3A_207, %dma_start3A_254] : memref<157x128xi32, #tpu.memory_space<vmem>> -> memref<1x128xi32, #tpu.memory_space<vmem>>
          %dma_start3A_256 = tpu.memref_squeeze %dma_start3A_255 : memref<1x128xi32, #tpu.memory_space<vmem>> -> memref<128xi32, #tpu.memory_space<vmem>>
          %dma_start3A_257 = arith.constant 0 : i32
          %dma_start3A_258 = arith.constant 0 : i32
          %dma_start3A_259 = tpu.memref_slice %arg15[%dma_start3A_257, %dma_start3A_258] : memref<10240x64xf32, #tpu.memory_space<vmem_shared>> -> memref<10240x64xf32, #tpu.memory_space<vmem_shared>>
          tpu.enqueue_indirect_dma source(%arg12 : memref<128x64xf32, #tpu.memory_space<vmem>>) target(%dma_start3A_259 : memref<10240x64xf32, #tpu.memory_space<vmem_shared>>) offsets(%dma_start3A_256 : memref<128xi32, #tpu.memory_space<vmem>>) semaphore(%arg23 : memref<!tpu.dma_semaphore, #tpu.memory_space<semaphore_mem>>) {add = true}
        } else {
        }
        %mul3A_218 = arith.constant 5 : i32
        %mul3A_219 = arith.muli %scan3A_174, %mul3A_218 : i32
        %add3A_220 = arith.constant 3 : i32
        %add3A_221 = arith.addi %mul3A_219, %add3A_220 : i32
        %add3A_222 = arith.constant 4 : i32
        %add3A_223 = arith.addi %add3A_221, %add3A_222 : i32
        %lt3A_224 = arith.cmpi slt, %add3A_223, %select_n3A : i32
        %convert_element_type3A_225 = arith.extui %lt3A_224 : i1 to i32
        %cond3A_226 = arith.constant 0 : i32
        %cond3A_227 = arith.cmpi ne, %convert_element_type3A_225, %cond3A_226 : i32
        scf.if %cond3A_227 {
          %ge3A = arith.constant 1 : i32
          %ge3A_247 = arith.cmpi sge, %add3A_221, %ge3A : i32
          %convert_element_type3A_248 = arith.extui %ge3A_247 : i1 to i32
          %cond3A_249 = arith.constant 0 : i32
          %cond3A_250 = arith.cmpi ne, %convert_element_type3A_248, %cond3A_249 : i32
          scf.if %cond3A_250 {
            %dma_wait3A_259 = arith.constant 0 : i32
            %dma_wait3A_260 = arith.constant 0 : i32
            %dma_wait3A_261 = tpu.memref_slice %arg9[%dma_wait3A_259, %dma_wait3A_260] : memref<157x128xi32, #tpu.memory_space<vmem>> -> memref<1x128xi32, #tpu.memory_space<vmem>>
            %dma_wait3A_262 = tpu.memref_squeeze %dma_wait3A_261 : memref<1x128xi32, #tpu.memory_space<vmem>> -> memref<128xi32, #tpu.memory_space<vmem>>
            %dma_wait3A_263 = arith.constant 0 : i32
            %dma_wait3A_264 = arith.constant 0 : i32
            %dma_wait3A_265 = tpu.memref_slice %arg15[%dma_wait3A_263, %dma_wait3A_264] : memref<10240x64xf32, #tpu.memory_space<vmem_shared>> -> memref<10240x64xf32, #tpu.memory_space<vmem_shared>>
            tpu.wait_indirect_dma semaphore(%arg23 : memref<!tpu.dma_semaphore, #tpu.memory_space<semaphore_mem>>) src(%arg12 : memref<128x64xf32, #tpu.memory_space<vmem>>) dst(%dma_wait3A_265 : memref<10240x64xf32, #tpu.memory_space<vmem_shared>>)
          } else {
          }
          %add3A_251 = arith.constant 4 : i32
          %add3A_252 = arith.addi %add3A_221, %add3A_251 : i32
          %dma_start3A_253 = arith.constant 0 : i32
          %dma_start3A_254 = tpu.memref_slice %arg8[%add3A_252, %dma_start3A_253] : memref<157x128xi32, #tpu.memory_space<vmem>> -> memref<1x128xi32, #tpu.memory_space<vmem>>
          %dma_start3A_255 = tpu.memref_squeeze %dma_start3A_254 : memref<1x128xi32, #tpu.memory_space<vmem>> -> memref<128xi32, #tpu.memory_space<vmem>>
          %dma_start3A_256 = arith.constant 0 : i32
          %dma_start3A_257 = arith.constant 0 : i32
          %dma_start3A_258 = tpu.memref_slice %arg2[%dma_start3A_256, %dma_start3A_257] : memref<10000x64xf32, #tpu.memory_space<hbm>> -> memref<10000x64xf32, #tpu.memory_space<hbm>>
          tpu.enqueue_indirect_dma source(%dma_start3A_258 : memref<10000x64xf32, #tpu.memory_space<hbm>>) target(%arg12 : memref<128x64xf32, #tpu.memory_space<vmem>>) offsets(%dma_start3A_255 : memref<128xi32, #tpu.memory_space<vmem>>) semaphore(%arg18 : memref<!tpu.dma_semaphore, #tpu.memory_space<semaphore_mem>>)
        } else {
        }
        %lt3A_228 = arith.cmpi slt, %add3A_221, %select_n3A : i32
        %convert_element_type3A_229 = arith.extui %lt3A_228 : i1 to i32
        %cond3A_230 = arith.constant 0 : i32
        %cond3A_231 = arith.cmpi ne, %convert_element_type3A_229, %cond3A_230 : i32
        scf.if %cond3A_231 {
          %dma_wait3A_247 = arith.constant 0 : i32
          %dma_wait3A_248 = arith.constant 0 : i32
          %dma_wait3A_249 = tpu.memref_slice %arg8[%dma_wait3A_247, %dma_wait3A_248] : memref<157x128xi32, #tpu.memory_space<vmem>> -> memref<1x128xi32, #tpu.memory_space<vmem>>
          %dma_wait3A_250 = tpu.memref_squeeze %dma_wait3A_249 : memref<1x128xi32, #tpu.memory_space<vmem>> -> memref<128xi32, #tpu.memory_space<vmem>>
          %dma_wait3A_251 = arith.constant 0 : i32
          %dma_wait3A_252 = arith.constant 0 : i32
          %dma_wait3A_253 = tpu.memref_slice %arg2[%dma_wait3A_251, %dma_wait3A_252] : memref<10000x64xf32, #tpu.memory_space<hbm>> -> memref<10000x64xf32, #tpu.memory_space<hbm>>
          tpu.wait_indirect_dma semaphore(%arg19 : memref<!tpu.dma_semaphore, #tpu.memory_space<semaphore_mem>>) src(%dma_wait3A_253 : memref<10000x64xf32, #tpu.memory_space<hbm>>) dst(%arg13 : memref<128x64xf32, #tpu.memory_space<vmem>>)
          %dma_start3A_254 = arith.constant 0 : i32
          %dma_start3A_255 = tpu.memref_slice %arg9[%add3A_221, %dma_start3A_254] : memref<157x128xi32, #tpu.memory_space<vmem>> -> memref<1x128xi32, #tpu.memory_space<vmem>>
          %dma_start3A_256 = tpu.memref_squeeze %dma_start3A_255 : memref<1x128xi32, #tpu.memory_space<vmem>> -> memref<128xi32, #tpu.memory_space<vmem>>
          %dma_start3A_257 = arith.constant 0 : i32
          %dma_start3A_258 = arith.constant 0 : i32
          %dma_start3A_259 = tpu.memref_slice %arg15[%dma_start3A_257, %dma_start3A_258] : memref<10240x64xf32, #tpu.memory_space<vmem_shared>> -> memref<10240x64xf32, #tpu.memory_space<vmem_shared>>
          tpu.enqueue_indirect_dma source(%arg13 : memref<128x64xf32, #tpu.memory_space<vmem>>) target(%dma_start3A_259 : memref<10240x64xf32, #tpu.memory_space<vmem_shared>>) offsets(%dma_start3A_256 : memref<128xi32, #tpu.memory_space<vmem>>) semaphore(%arg24 : memref<!tpu.dma_semaphore, #tpu.memory_space<semaphore_mem>>) {add = true}
        } else {
        }
        %mul3A_232 = arith.constant 5 : i32
        %mul3A_233 = arith.muli %scan3A_174, %mul3A_232 : i32
        %add3A_234 = arith.constant 4 : i32
        %add3A_235 = arith.addi %mul3A_233, %add3A_234 : i32
        %add3A_236 = arith.constant 4 : i32
        %add3A_237 = arith.addi %add3A_235, %add3A_236 : i32
        %lt3A_238 = arith.cmpi slt, %add3A_237, %select_n3A : i32
        %convert_element_type3A_239 = arith.extui %lt3A_238 : i1 to i32
        %cond3A_240 = arith.constant 0 : i32
        %cond3A_241 = arith.cmpi ne, %convert_element_type3A_239, %cond3A_240 : i32
        scf.if %cond3A_241 {
          %ge3A = arith.constant 1 : i32
          %ge3A_247 = arith.cmpi sge, %add3A_235, %ge3A : i32
          %convert_element_type3A_248 = arith.extui %ge3A_247 : i1 to i32
          %cond3A_249 = arith.constant 0 : i32
          %cond3A_250 = arith.cmpi ne, %convert_element_type3A_248, %cond3A_249 : i32
          scf.if %cond3A_250 {
            %dma_wait3A_259 = arith.constant 0 : i32
            %dma_wait3A_260 = arith.constant 0 : i32
            %dma_wait3A_261 = tpu.memref_slice %arg9[%dma_wait3A_259, %dma_wait3A_260] : memref<157x128xi32, #tpu.memory_space<vmem>> -> memref<1x128xi32, #tpu.memory_space<vmem>>
            %dma_wait3A_262 = tpu.memref_squeeze %dma_wait3A_261 : memref<1x128xi32, #tpu.memory_space<vmem>> -> memref<128xi32, #tpu.memory_space<vmem>>
            %dma_wait3A_263 = arith.constant 0 : i32
            %dma_wait3A_264 = arith.constant 0 : i32
            %dma_wait3A_265 = tpu.memref_slice %arg15[%dma_wait3A_263, %dma_wait3A_264] : memref<10240x64xf32, #tpu.memory_space<vmem_shared>> -> memref<10240x64xf32, #tpu.memory_space<vmem_shared>>
            tpu.wait_indirect_dma semaphore(%arg24 : memref<!tpu.dma_semaphore, #tpu.memory_space<semaphore_mem>>) src(%arg13 : memref<128x64xf32, #tpu.memory_space<vmem>>) dst(%dma_wait3A_265 : memref<10240x64xf32, #tpu.memory_space<vmem_shared>>)
          } else {
          }
          %add3A_251 = arith.constant 4 : i32
          %add3A_252 = arith.addi %add3A_235, %add3A_251 : i32
          %dma_start3A_253 = arith.constant 0 : i32
          %dma_start3A_254 = tpu.memref_slice %arg8[%add3A_252, %dma_start3A_253] : memref<157x128xi32, #tpu.memory_space<vmem>> -> memref<1x128xi32, #tpu.memory_space<vmem>>
          %dma_start3A_255 = tpu.memref_squeeze %dma_start3A_254 : memref<1x128xi32, #tpu.memory_space<vmem>> -> memref<128xi32, #tpu.memory_space<vmem>>
          %dma_start3A_256 = arith.constant 0 : i32
          %dma_start3A_257 = arith.constant 0 : i32
          %dma_start3A_258 = tpu.memref_slice %arg2[%dma_start3A_256, %dma_start3A_257] : memref<10000x64xf32, #tpu.memory_space<hbm>> -> memref<10000x64xf32, #tpu.memory_space<hbm>>
          tpu.enqueue_indirect_dma source(%dma_start3A_258 : memref<10000x64xf32, #tpu.memory_space<hbm>>) target(%arg13 : memref<128x64xf32, #tpu.memory_space<vmem>>) offsets(%dma_start3A_255 : memref<128xi32, #tpu.memory_space<vmem>>) semaphore(%arg19 : memref<!tpu.dma_semaphore, #tpu.memory_space<semaphore_mem>>)
        } else {
        }
        %lt3A_242 = arith.cmpi slt, %add3A_235, %select_n3A : i32
        %convert_element_type3A_243 = arith.extui %lt3A_242 : i1 to i32
        %cond3A_244 = arith.constant 0 : i32
        %cond3A_245 = arith.cmpi ne, %convert_element_type3A_243, %cond3A_244 : i32
        scf.if %cond3A_245 {
          %dma_wait3A_247 = arith.constant 0 : i32
          %dma_wait3A_248 = arith.constant 0 : i32
          %dma_wait3A_249 = tpu.memref_slice %arg8[%dma_wait3A_247, %dma_wait3A_248] : memref<157x128xi32, #tpu.memory_space<vmem>> -> memref<1x128xi32, #tpu.memory_space<vmem>>
          %dma_wait3A_250 = tpu.memref_squeeze %dma_wait3A_249 : memref<1x128xi32, #tpu.memory_space<vmem>> -> memref<128xi32, #tpu.memory_space<vmem>>
          %dma_wait3A_251 = arith.constant 0 : i32
          %dma_wait3A_252 = arith.constant 0 : i32
          %dma_wait3A_253 = tpu.memref_slice %arg2[%dma_wait3A_251, %dma_wait3A_252] : memref<10000x64xf32, #tpu.memory_space<hbm>> -> memref<10000x64xf32, #tpu.memory_space<hbm>>
          tpu.wait_indirect_dma semaphore(%arg20 : memref<!tpu.dma_semaphore, #tpu.memory_space<semaphore_mem>>) src(%dma_wait3A_253 : memref<10000x64xf32, #tpu.memory_space<hbm>>) dst(%arg14 : memref<128x64xf32, #tpu.memory_space<vmem>>)
          %dma_start3A_254 = arith.constant 0 : i32
          %dma_start3A_255 = tpu.memref_slice %arg9[%add3A_235, %dma_start3A_254] : memref<157x128xi32, #tpu.memory_space<vmem>> -> memref<1x128xi32, #tpu.memory_space<vmem>>
          %dma_start3A_256 = tpu.memref_squeeze %dma_start3A_255 : memref<1x128xi32, #tpu.memory_space<vmem>> -> memref<128xi32, #tpu.memory_space<vmem>>
          %dma_start3A_257 = arith.constant 0 : i32
          %dma_start3A_258 = arith.constant 0 : i32
          %dma_start3A_259 = tpu.memref_slice %arg15[%dma_start3A_257, %dma_start3A_258] : memref<10240x64xf32, #tpu.memory_space<vmem_shared>> -> memref<10240x64xf32, #tpu.memory_space<vmem_shared>>
          tpu.enqueue_indirect_dma source(%arg14 : memref<128x64xf32, #tpu.memory_space<vmem>>) target(%dma_start3A_259 : memref<10240x64xf32, #tpu.memory_space<vmem_shared>>) offsets(%dma_start3A_256 : memref<128xi32, #tpu.memory_space<vmem>>) semaphore(%arg25 : memref<!tpu.dma_semaphore, #tpu.memory_space<semaphore_mem>>) {add = true}
        } else {
        }
        %scan3A_246 = arith.constant 0 : i32
        scf.yield %scan3A_246 : i32
      }
      %scan3A_138 = arith.constant 32 : i32
      %dma_wait3A_139 = arith.constant 0 : i32
      %dma_wait3A_140 = arith.constant 0 : i32
      %dma_wait3A_141 = tpu.memref_slice %arg9[%dma_wait3A_139, %dma_wait3A_140] : memref<157x128xi32, #tpu.memory_space<vmem>> -> memref<1x128xi32, #tpu.memory_space<vmem>>
      %dma_wait3A_142 = tpu.memref_squeeze %dma_wait3A_141 : memref<1x128xi32, #tpu.memory_space<vmem>> -> memref<128xi32, #tpu.memory_space<vmem>>
      %dma_wait3A_143 = arith.constant 0 : i32
      %dma_wait3A_144 = arith.constant 0 : i32
      %dma_wait3A_145 = tpu.memref_slice %arg15[%dma_wait3A_143, %dma_wait3A_144] : memref<10240x64xf32, #tpu.memory_space<vmem_shared>> -> memref<10240x64xf32, #tpu.memory_space<vmem_shared>>
      tpu.wait_indirect_dma semaphore(%arg21 : memref<!tpu.dma_semaphore, #tpu.memory_space<semaphore_mem>>) src(%arg10 : memref<128x64xf32, #tpu.memory_space<vmem>>) dst(%dma_wait3A_145 : memref<10240x64xf32, #tpu.memory_space<vmem_shared>>)
      %dma_wait3A_146 = arith.constant 0 : i32
      %dma_wait3A_147 = arith.constant 0 : i32
      %dma_wait3A_148 = tpu.memref_slice %arg9[%dma_wait3A_146, %dma_wait3A_147] : memref<157x128xi32, #tpu.memory_space<vmem>> -> memref<1x128xi32, #tpu.memory_space<vmem>>
      %dma_wait3A_149 = tpu.memref_squeeze %dma_wait3A_148 : memref<1x128xi32, #tpu.memory_space<vmem>> -> memref<128xi32, #tpu.memory_space<vmem>>
      %dma_wait3A_150 = arith.constant 0 : i32
      %dma_wait3A_151 = arith.constant 0 : i32
      %dma_wait3A_152 = tpu.memref_slice %arg15[%dma_wait3A_150, %dma_wait3A_151] : memref<10240x64xf32, #tpu.memory_space<vmem_shared>> -> memref<10240x64xf32, #tpu.memory_space<vmem_shared>>
      tpu.wait_indirect_dma semaphore(%arg22 : memref<!tpu.dma_semaphore, #tpu.memory_space<semaphore_mem>>) src(%arg11 : memref<128x64xf32, #tpu.memory_space<vmem>>) dst(%dma_wait3A_152 : memref<10240x64xf32, #tpu.memory_space<vmem_shared>>)
      %dma_wait3A_153 = arith.constant 0 : i32
      %dma_wait3A_154 = arith.constant 0 : i32
      %dma_wait3A_155 = tpu.memref_slice %arg9[%dma_wait3A_153, %dma_wait3A_154] : memref<157x128xi32, #tpu.memory_space<vmem>> -> memref<1x128xi32, #tpu.memory_space<vmem>>
      %dma_wait3A_156 = tpu.memref_squeeze %dma_wait3A_155 : memref<1x128xi32, #tpu.memory_space<vmem>> -> memref<128xi32, #tpu.memory_space<vmem>>
      %dma_wait3A_157 = arith.constant 0 : i32
      %dma_wait3A_158 = arith.constant 0 : i32
      %dma_wait3A_159 = tpu.memref_slice %arg15[%dma_wait3A_157, %dma_wait3A_158] : memref<10240x64xf32, #tpu.memory_space<vmem_shared>> -> memref<10240x64xf32, #tpu.memory_space<vmem_shared>>
      tpu.wait_indirect_dma semaphore(%arg23 : memref<!tpu.dma_semaphore, #tpu.memory_space<semaphore_mem>>) src(%arg12 : memref<128x64xf32, #tpu.memory_space<vmem>>) dst(%dma_wait3A_159 : memref<10240x64xf32, #tpu.memory_space<vmem_shared>>)
      %dma_wait3A_160 = arith.constant 0 : i32
      %dma_wait3A_161 = arith.constant 0 : i32
      %dma_wait3A_162 = tpu.memref_slice %arg9[%dma_wait3A_160, %dma_wait3A_161] : memref<157x128xi32, #tpu.memory_space<vmem>> -> memref<1x128xi32, #tpu.memory_space<vmem>>
      %dma_wait3A_163 = tpu.memref_squeeze %dma_wait3A_162 : memref<1x128xi32, #tpu.memory_space<vmem>> -> memref<128xi32, #tpu.memory_space<vmem>>
      %dma_wait3A_164 = arith.constant 0 : i32
      %dma_wait3A_165 = arith.constant 0 : i32
      %dma_wait3A_166 = tpu.memref_slice %arg15[%dma_wait3A_164, %dma_wait3A_165] : memref<10240x64xf32, #tpu.memory_space<vmem_shared>> -> memref<10240x64xf32, #tpu.memory_space<vmem_shared>>
      tpu.wait_indirect_dma semaphore(%arg24 : memref<!tpu.dma_semaphore, #tpu.memory_space<semaphore_mem>>) src(%arg13 : memref<128x64xf32, #tpu.memory_space<vmem>>) dst(%dma_wait3A_166 : memref<10240x64xf32, #tpu.memory_space<vmem_shared>>)
      %dma_wait3A_167 = arith.constant 0 : i32
      %dma_wait3A_168 = arith.constant 0 : i32
      %dma_wait3A_169 = tpu.memref_slice %arg9[%dma_wait3A_167, %dma_wait3A_168] : memref<157x128xi32, #tpu.memory_space<vmem>> -> memref<1x128xi32, #tpu.memory_space<vmem>>
      %dma_wait3A_170 = tpu.memref_squeeze %dma_wait3A_169 : memref<1x128xi32, #tpu.memory_space<vmem>> -> memref<128xi32, #tpu.memory_space<vmem>>
      %dma_wait3A_171 = arith.constant 0 : i32
      %dma_wait3A_172 = arith.constant 0 : i32
      %dma_wait3A_173 = tpu.memref_slice %arg15[%dma_wait3A_171, %dma_wait3A_172] : memref<10240x64xf32, #tpu.memory_space<vmem_shared>> -> memref<10240x64xf32, #tpu.memory_space<vmem_shared>>
      tpu.wait_indirect_dma semaphore(%arg25 : memref<!tpu.dma_semaphore, #tpu.memory_space<semaphore_mem>>) src(%arg14 : memref<128x64xf32, #tpu.memory_space<vmem>>) dst(%dma_wait3A_173 : memref<10240x64xf32, #tpu.memory_space<vmem_shared>>)
    } else {
    }
    %eq3A_88 = arith.constant 1 : i32
    %eq3A_89 = arith.cmpi eq, %arg0, %eq3A_88 : i32
    %convert_element_type3A_90 = arith.extui %eq3A_89 : i1 to i32
    %cond3A_91 = arith.constant 0 : i32
    %cond3A_92 = arith.cmpi ne, %convert_element_type3A_90, %cond3A_91 : i32
    scf.if %cond3A_92 {
      %dma_start3A_104 = arith.constant 0 : i32
      %dma_start3A_105 = arith.constant 0 : i32
      %dma_start3A_106 = tpu.memref_slice %arg8[%dma_start3A_104, %dma_start3A_105] : memref<157x128xi32, #tpu.memory_space<vmem>> -> memref<1x128xi32, #tpu.memory_space<vmem>>
      %dma_start3A_107 = tpu.memref_squeeze %dma_start3A_106 : memref<1x128xi32, #tpu.memory_space<vmem>> -> memref<128xi32, #tpu.memory_space<vmem>>
      %dma_start3A_108 = arith.constant 0 : i32
      %dma_start3A_109 = arith.constant 0 : i32
      %dma_start3A_110 = tpu.memref_slice %arg3[%dma_start3A_108, %dma_start3A_109] : memref<10000x64xf32, #tpu.memory_space<hbm>> -> memref<10000x64xf32, #tpu.memory_space<hbm>>
      tpu.enqueue_indirect_dma source(%dma_start3A_110 : memref<10000x64xf32, #tpu.memory_space<hbm>>) target(%arg10 : memref<128x64xf32, #tpu.memory_space<vmem>>) offsets(%dma_start3A_107 : memref<128xi32, #tpu.memory_space<vmem>>) semaphore(%arg16 : memref<!tpu.dma_semaphore, #tpu.memory_space<semaphore_mem>>)
      %dma_start3A_111 = arith.constant 1 : i32
      %dma_start3A_112 = arith.constant 0 : i32
      %dma_start3A_113 = tpu.memref_slice %arg8[%dma_start3A_111, %dma_start3A_112] : memref<157x128xi32, #tpu.memory_space<vmem>> -> memref<1x128xi32, #tpu.memory_space<vmem>>
      %dma_start3A_114 = tpu.memref_squeeze %dma_start3A_113 : memref<1x128xi32, #tpu.memory_space<vmem>> -> memref<128xi32, #tpu.memory_space<vmem>>
      %dma_start3A_115 = arith.constant 0 : i32
      %dma_start3A_116 = arith.constant 0 : i32
      %dma_start3A_117 = tpu.memref_slice %arg3[%dma_start3A_115, %dma_start3A_116] : memref<10000x64xf32, #tpu.memory_space<hbm>> -> memref<10000x64xf32, #tpu.memory_space<hbm>>
      tpu.enqueue_indirect_dma source(%dma_start3A_117 : memref<10000x64xf32, #tpu.memory_space<hbm>>) target(%arg11 : memref<128x64xf32, #tpu.memory_space<vmem>>) offsets(%dma_start3A_114 : memref<128xi32, #tpu.memory_space<vmem>>) semaphore(%arg17 : memref<!tpu.dma_semaphore, #tpu.memory_space<semaphore_mem>>)
      %dma_start3A_118 = arith.constant 2 : i32
      %dma_start3A_119 = arith.constant 0 : i32
      %dma_start3A_120 = tpu.memref_slice %arg8[%dma_start3A_118, %dma_start3A_119] : memref<157x128xi32, #tpu.memory_space<vmem>> -> memref<1x128xi32, #tpu.memory_space<vmem>>
      %dma_start3A_121 = tpu.memref_squeeze %dma_start3A_120 : memref<1x128xi32, #tpu.memory_space<vmem>> -> memref<128xi32, #tpu.memory_space<vmem>>
      %dma_start3A_122 = arith.constant 0 : i32
      %dma_start3A_123 = arith.constant 0 : i32
      %dma_start3A_124 = tpu.memref_slice %arg3[%dma_start3A_122, %dma_start3A_123] : memref<10000x64xf32, #tpu.memory_space<hbm>> -> memref<10000x64xf32, #tpu.memory_space<hbm>>
      tpu.enqueue_indirect_dma source(%dma_start3A_124 : memref<10000x64xf32, #tpu.memory_space<hbm>>) target(%arg12 : memref<128x64xf32, #tpu.memory_space<vmem>>) offsets(%dma_start3A_121 : memref<128xi32, #tpu.memory_space<vmem>>) semaphore(%arg18 : memref<!tpu.dma_semaphore, #tpu.memory_space<semaphore_mem>>)
      %dma_start3A_125 = arith.constant 3 : i32
      %dma_start3A_126 = arith.constant 0 : i32
      %dma_start3A_127 = tpu.memref_slice %arg8[%dma_start3A_125, %dma_start3A_126] : memref<157x128xi32, #tpu.memory_space<vmem>> -> memref<1x128xi32, #tpu.memory_space<vmem>>
      %dma_start3A_128 = tpu.memref_squeeze %dma_start3A_127 : memref<1x128xi32, #tpu.memory_space<vmem>> -> memref<128xi32, #tpu.memory_space<vmem>>
      %dma_start3A_129 = arith.constant 0 : i32
      %dma_start3A_130 = arith.constant 0 : i32
      %dma_start3A_131 = tpu.memref_slice %arg3[%dma_start3A_129, %dma_start3A_130] : memref<10000x64xf32, #tpu.memory_space<hbm>> -> memref<10000x64xf32, #tpu.memory_space<hbm>>
      tpu.enqueue_indirect_dma source(%dma_start3A_131 : memref<10000x64xf32, #tpu.memory_space<hbm>>) target(%arg13 : memref<128x64xf32, #tpu.memory_space<vmem>>) offsets(%dma_start3A_128 : memref<128xi32, #tpu.memory_space<vmem>>) semaphore(%arg19 : memref<!tpu.dma_semaphore, #tpu.memory_space<semaphore_mem>>)
      %scan3A_132 = arith.constant 0 : i32
      %scan3A_133 = arith.constant 0 : i32
      %scan3A_134 = arith.constant 32 : i32
      %scan3A_135 = arith.addi %scan3A_133, %scan3A_134 : i32
      %scan3A_136 = arith.constant 1 : i32
      %scan3A_137 = scf.for %scan3A_174 = %scan3A_133 to %scan3A_135 step %scan3A_136 iter_args(%scan3A_175 = %scan3A_132) -> (i32)  : i32 {
        %mul3A_176 = arith.constant 5 : i32
        %mul3A_177 = arith.muli %scan3A_174, %mul3A_176 : i32
        %add3A_178 = arith.constant 0 : i32
        %add3A_179 = arith.addi %mul3A_177, %add3A_178 : i32
        %add3A_180 = arith.constant 4 : i32
        %add3A_181 = arith.addi %add3A_179, %add3A_180 : i32
        %lt3A_182 = arith.cmpi slt, %add3A_181, %select_n3A : i32
        %convert_element_type3A_183 = arith.extui %lt3A_182 : i1 to i32
        %cond3A_184 = arith.constant 0 : i32
        %cond3A_185 = arith.cmpi ne, %convert_element_type3A_183, %cond3A_184 : i32
        scf.if %cond3A_185 {
          %ge3A = arith.constant 1 : i32
          %ge3A_247 = arith.cmpi sge, %add3A_179, %ge3A : i32
          %convert_element_type3A_248 = arith.extui %ge3A_247 : i1 to i32
          %cond3A_249 = arith.constant 0 : i32
          %cond3A_250 = arith.cmpi ne, %convert_element_type3A_248, %cond3A_249 : i32
          scf.if %cond3A_250 {
            %dma_wait3A_259 = arith.constant 0 : i32
            %dma_wait3A_260 = arith.constant 0 : i32
            %dma_wait3A_261 = tpu.memref_slice %arg9[%dma_wait3A_259, %dma_wait3A_260] : memref<157x128xi32, #tpu.memory_space<vmem>> -> memref<1x128xi32, #tpu.memory_space<vmem>>
            %dma_wait3A_262 = tpu.memref_squeeze %dma_wait3A_261 : memref<1x128xi32, #tpu.memory_space<vmem>> -> memref<128xi32, #tpu.memory_space<vmem>>
            %dma_wait3A_263 = arith.constant 0 : i32
            %dma_wait3A_264 = arith.constant 0 : i32
            %dma_wait3A_265 = tpu.memref_slice %arg15[%dma_wait3A_263, %dma_wait3A_264] : memref<10240x64xf32, #tpu.memory_space<vmem_shared>> -> memref<10240x64xf32, #tpu.memory_space<vmem_shared>>
            tpu.wait_indirect_dma semaphore(%arg25 : memref<!tpu.dma_semaphore, #tpu.memory_space<semaphore_mem>>) src(%arg14 : memref<128x64xf32, #tpu.memory_space<vmem>>) dst(%dma_wait3A_265 : memref<10240x64xf32, #tpu.memory_space<vmem_shared>>)
          } else {
          }
          %add3A_251 = arith.constant 4 : i32
          %add3A_252 = arith.addi %add3A_179, %add3A_251 : i32
          %dma_start3A_253 = arith.constant 0 : i32
          %dma_start3A_254 = tpu.memref_slice %arg8[%add3A_252, %dma_start3A_253] : memref<157x128xi32, #tpu.memory_space<vmem>> -> memref<1x128xi32, #tpu.memory_space<vmem>>
          %dma_start3A_255 = tpu.memref_squeeze %dma_start3A_254 : memref<1x128xi32, #tpu.memory_space<vmem>> -> memref<128xi32, #tpu.memory_space<vmem>>
          %dma_start3A_256 = arith.constant 0 : i32
          %dma_start3A_257 = arith.constant 0 : i32
          %dma_start3A_258 = tpu.memref_slice %arg3[%dma_start3A_256, %dma_start3A_257] : memref<10000x64xf32, #tpu.memory_space<hbm>> -> memref<10000x64xf32, #tpu.memory_space<hbm>>
          tpu.enqueue_indirect_dma source(%dma_start3A_258 : memref<10000x64xf32, #tpu.memory_space<hbm>>) target(%arg14 : memref<128x64xf32, #tpu.memory_space<vmem>>) offsets(%dma_start3A_255 : memref<128xi32, #tpu.memory_space<vmem>>) semaphore(%arg20 : memref<!tpu.dma_semaphore, #tpu.memory_space<semaphore_mem>>)
        } else {
        }
        %lt3A_186 = arith.cmpi slt, %add3A_179, %select_n3A : i32
        %convert_element_type3A_187 = arith.extui %lt3A_186 : i1 to i32
        %cond3A_188 = arith.constant 0 : i32
        %cond3A_189 = arith.cmpi ne, %convert_element_type3A_187, %cond3A_188 : i32
        scf.if %cond3A_189 {
          %dma_wait3A_247 = arith.constant 0 : i32
          %dma_wait3A_248 = arith.constant 0 : i32
          %dma_wait3A_249 = tpu.memref_slice %arg8[%dma_wait3A_247, %dma_wait3A_248] : memref<157x128xi32, #tpu.memory_space<vmem>> -> memref<1x128xi32, #tpu.memory_space<vmem>>
          %dma_wait3A_250 = tpu.memref_squeeze %dma_wait3A_249 : memref<1x128xi32, #tpu.memory_space<vmem>> -> memref<128xi32, #tpu.memory_space<vmem>>
          %dma_wait3A_251 = arith.constant 0 : i32
          %dma_wait3A_252 = arith.constant 0 : i32
          %dma_wait3A_253 = tpu.memref_slice %arg3[%dma_wait3A_251, %dma_wait3A_252] : memref<10000x64xf32, #tpu.memory_space<hbm>> -> memref<10000x64xf32, #tpu.memory_space<hbm>>
          tpu.wait_indirect_dma semaphore(%arg16 : memref<!tpu.dma_semaphore, #tpu.memory_space<semaphore_mem>>) src(%dma_wait3A_253 : memref<10000x64xf32, #tpu.memory_space<hbm>>) dst(%arg10 : memref<128x64xf32, #tpu.memory_space<vmem>>)
          %dma_start3A_254 = arith.constant 0 : i32
          %dma_start3A_255 = tpu.memref_slice %arg9[%add3A_179, %dma_start3A_254] : memref<157x128xi32, #tpu.memory_space<vmem>> -> memref<1x128xi32, #tpu.memory_space<vmem>>
          %dma_start3A_256 = tpu.memref_squeeze %dma_start3A_255 : memref<1x128xi32, #tpu.memory_space<vmem>> -> memref<128xi32, #tpu.memory_space<vmem>>
          %dma_start3A_257 = arith.constant 0 : i32
          %dma_start3A_258 = arith.constant 0 : i32
          %dma_start3A_259 = tpu.memref_slice %arg15[%dma_start3A_257, %dma_start3A_258] : memref<10240x64xf32, #tpu.memory_space<vmem_shared>> -> memref<10240x64xf32, #tpu.memory_space<vmem_shared>>
          tpu.enqueue_indirect_dma source(%arg10 : memref<128x64xf32, #tpu.memory_space<vmem>>) target(%dma_start3A_259 : memref<10240x64xf32, #tpu.memory_space<vmem_shared>>) offsets(%dma_start3A_256 : memref<128xi32, #tpu.memory_space<vmem>>) semaphore(%arg21 : memref<!tpu.dma_semaphore, #tpu.memory_space<semaphore_mem>>) {add = true}
        } else {
        }
        %mul3A_190 = arith.constant 5 : i32
        %mul3A_191 = arith.muli %scan3A_174, %mul3A_190 : i32
        %add3A_192 = arith.constant 1 : i32
        %add3A_193 = arith.addi %mul3A_191, %add3A_192 : i32
        %add3A_194 = arith.constant 4 : i32
        %add3A_195 = arith.addi %add3A_193, %add3A_194 : i32
        %lt3A_196 = arith.cmpi slt, %add3A_195, %select_n3A : i32
        %convert_element_type3A_197 = arith.extui %lt3A_196 : i1 to i32
        %cond3A_198 = arith.constant 0 : i32
        %cond3A_199 = arith.cmpi ne, %convert_element_type3A_197, %cond3A_198 : i32
        scf.if %cond3A_199 {
          %ge3A = arith.constant 1 : i32
          %ge3A_247 = arith.cmpi sge, %add3A_193, %ge3A : i32
          %convert_element_type3A_248 = arith.extui %ge3A_247 : i1 to i32
          %cond3A_249 = arith.constant 0 : i32
          %cond3A_250 = arith.cmpi ne, %convert_element_type3A_248, %cond3A_249 : i32
          scf.if %cond3A_250 {
            %dma_wait3A_259 = arith.constant 0 : i32
            %dma_wait3A_260 = arith.constant 0 : i32
            %dma_wait3A_261 = tpu.memref_slice %arg9[%dma_wait3A_259, %dma_wait3A_260] : memref<157x128xi32, #tpu.memory_space<vmem>> -> memref<1x128xi32, #tpu.memory_space<vmem>>
            %dma_wait3A_262 = tpu.memref_squeeze %dma_wait3A_261 : memref<1x128xi32, #tpu.memory_space<vmem>> -> memref<128xi32, #tpu.memory_space<vmem>>
            %dma_wait3A_263 = arith.constant 0 : i32
            %dma_wait3A_264 = arith.constant 0 : i32
            %dma_wait3A_265 = tpu.memref_slice %arg15[%dma_wait3A_263, %dma_wait3A_264] : memref<10240x64xf32, #tpu.memory_space<vmem_shared>> -> memref<10240x64xf32, #tpu.memory_space<vmem_shared>>
            tpu.wait_indirect_dma semaphore(%arg21 : memref<!tpu.dma_semaphore, #tpu.memory_space<semaphore_mem>>) src(%arg10 : memref<128x64xf32, #tpu.memory_space<vmem>>) dst(%dma_wait3A_265 : memref<10240x64xf32, #tpu.memory_space<vmem_shared>>)
          } else {
          }
          %add3A_251 = arith.constant 4 : i32
          %add3A_252 = arith.addi %add3A_193, %add3A_251 : i32
          %dma_start3A_253 = arith.constant 0 : i32
          %dma_start3A_254 = tpu.memref_slice %arg8[%add3A_252, %dma_start3A_253] : memref<157x128xi32, #tpu.memory_space<vmem>> -> memref<1x128xi32, #tpu.memory_space<vmem>>
          %dma_start3A_255 = tpu.memref_squeeze %dma_start3A_254 : memref<1x128xi32, #tpu.memory_space<vmem>> -> memref<128xi32, #tpu.memory_space<vmem>>
          %dma_start3A_256 = arith.constant 0 : i32
          %dma_start3A_257 = arith.constant 0 : i32
          %dma_start3A_258 = tpu.memref_slice %arg3[%dma_start3A_256, %dma_start3A_257] : memref<10000x64xf32, #tpu.memory_space<hbm>> -> memref<10000x64xf32, #tpu.memory_space<hbm>>
          tpu.enqueue_indirect_dma source(%dma_start3A_258 : memref<10000x64xf32, #tpu.memory_space<hbm>>) target(%arg10 : memref<128x64xf32, #tpu.memory_space<vmem>>) offsets(%dma_start3A_255 : memref<128xi32, #tpu.memory_space<vmem>>) semaphore(%arg16 : memref<!tpu.dma_semaphore, #tpu.memory_space<semaphore_mem>>)
        } else {
        }
        %lt3A_200 = arith.cmpi slt, %add3A_193, %select_n3A : i32
        %convert_element_type3A_201 = arith.extui %lt3A_200 : i1 to i32
        %cond3A_202 = arith.constant 0 : i32
        %cond3A_203 = arith.cmpi ne, %convert_element_type3A_201, %cond3A_202 : i32
        scf.if %cond3A_203 {
          %dma_wait3A_247 = arith.constant 0 : i32
          %dma_wait3A_248 = arith.constant 0 : i32
          %dma_wait3A_249 = tpu.memref_slice %arg8[%dma_wait3A_247, %dma_wait3A_248] : memref<157x128xi32, #tpu.memory_space<vmem>> -> memref<1x128xi32, #tpu.memory_space<vmem>>
          %dma_wait3A_250 = tpu.memref_squeeze %dma_wait3A_249 : memref<1x128xi32, #tpu.memory_space<vmem>> -> memref<128xi32, #tpu.memory_space<vmem>>
          %dma_wait3A_251 = arith.constant 0 : i32
          %dma_wait3A_252 = arith.constant 0 : i32
          %dma_wait3A_253 = tpu.memref_slice %arg3[%dma_wait3A_251, %dma_wait3A_252] : memref<10000x64xf32, #tpu.memory_space<hbm>> -> memref<10000x64xf32, #tpu.memory_space<hbm>>
          tpu.wait_indirect_dma semaphore(%arg17 : memref<!tpu.dma_semaphore, #tpu.memory_space<semaphore_mem>>) src(%dma_wait3A_253 : memref<10000x64xf32, #tpu.memory_space<hbm>>) dst(%arg11 : memref<128x64xf32, #tpu.memory_space<vmem>>)
          %dma_start3A_254 = arith.constant 0 : i32
          %dma_start3A_255 = tpu.memref_slice %arg9[%add3A_193, %dma_start3A_254] : memref<157x128xi32, #tpu.memory_space<vmem>> -> memref<1x128xi32, #tpu.memory_space<vmem>>
          %dma_start3A_256 = tpu.memref_squeeze %dma_start3A_255 : memref<1x128xi32, #tpu.memory_space<vmem>> -> memref<128xi32, #tpu.memory_space<vmem>>
          %dma_start3A_257 = arith.constant 0 : i32
          %dma_start3A_258 = arith.constant 0 : i32
          %dma_start3A_259 = tpu.memref_slice %arg15[%dma_start3A_257, %dma_start3A_258] : memref<10240x64xf32, #tpu.memory_space<vmem_shared>> -> memref<10240x64xf32, #tpu.memory_space<vmem_shared>>
          tpu.enqueue_indirect_dma source(%arg11 : memref<128x64xf32, #tpu.memory_space<vmem>>) target(%dma_start3A_259 : memref<10240x64xf32, #tpu.memory_space<vmem_shared>>) offsets(%dma_start3A_256 : memref<128xi32, #tpu.memory_space<vmem>>) semaphore(%arg22 : memref<!tpu.dma_semaphore, #tpu.memory_space<semaphore_mem>>) {add = true}
        } else {
        }
        %mul3A_204 = arith.constant 5 : i32
        %mul3A_205 = arith.muli %scan3A_174, %mul3A_204 : i32
        %add3A_206 = arith.constant 2 : i32
        %add3A_207 = arith.addi %mul3A_205, %add3A_206 : i32
        %add3A_208 = arith.constant 4 : i32
        %add3A_209 = arith.addi %add3A_207, %add3A_208 : i32
        %lt3A_210 = arith.cmpi slt, %add3A_209, %select_n3A : i32
        %convert_element_type3A_211 = arith.extui %lt3A_210 : i1 to i32
        %cond3A_212 = arith.constant 0 : i32
        %cond3A_213 = arith.cmpi ne, %convert_element_type3A_211, %cond3A_212 : i32
        scf.if %cond3A_213 {
          %ge3A = arith.constant 1 : i32
          %ge3A_247 = arith.cmpi sge, %add3A_207, %ge3A : i32
          %convert_element_type3A_248 = arith.extui %ge3A_247 : i1 to i32
          %cond3A_249 = arith.constant 0 : i32
          %cond3A_250 = arith.cmpi ne, %convert_element_type3A_248, %cond3A_249 : i32
          scf.if %cond3A_250 {
            %dma_wait3A_259 = arith.constant 0 : i32
            %dma_wait3A_260 = arith.constant 0 : i32
            %dma_wait3A_261 = tpu.memref_slice %arg9[%dma_wait3A_259, %dma_wait3A_260] : memref<157x128xi32, #tpu.memory_space<vmem>> -> memref<1x128xi32, #tpu.memory_space<vmem>>
            %dma_wait3A_262 = tpu.memref_squeeze %dma_wait3A_261 : memref<1x128xi32, #tpu.memory_space<vmem>> -> memref<128xi32, #tpu.memory_space<vmem>>
            %dma_wait3A_263 = arith.constant 0 : i32
            %dma_wait3A_264 = arith.constant 0 : i32
            %dma_wait3A_265 = tpu.memref_slice %arg15[%dma_wait3A_263, %dma_wait3A_264] : memref<10240x64xf32, #tpu.memory_space<vmem_shared>> -> memref<10240x64xf32, #tpu.memory_space<vmem_shared>>
            tpu.wait_indirect_dma semaphore(%arg22 : memref<!tpu.dma_semaphore, #tpu.memory_space<semaphore_mem>>) src(%arg11 : memref<128x64xf32, #tpu.memory_space<vmem>>) dst(%dma_wait3A_265 : memref<10240x64xf32, #tpu.memory_space<vmem_shared>>)
          } else {
          }
          %add3A_251 = arith.constant 4 : i32
          %add3A_252 = arith.addi %add3A_207, %add3A_251 : i32
          %dma_start3A_253 = arith.constant 0 : i32
          %dma_start3A_254 = tpu.memref_slice %arg8[%add3A_252, %dma_start3A_253] : memref<157x128xi32, #tpu.memory_space<vmem>> -> memref<1x128xi32, #tpu.memory_space<vmem>>
          %dma_start3A_255 = tpu.memref_squeeze %dma_start3A_254 : memref<1x128xi32, #tpu.memory_space<vmem>> -> memref<128xi32, #tpu.memory_space<vmem>>
          %dma_start3A_256 = arith.constant 0 : i32
          %dma_start3A_257 = arith.constant 0 : i32
          %dma_start3A_258 = tpu.memref_slice %arg3[%dma_start3A_256, %dma_start3A_257] : memref<10000x64xf32, #tpu.memory_space<hbm>> -> memref<10000x64xf32, #tpu.memory_space<hbm>>
          tpu.enqueue_indirect_dma source(%dma_start3A_258 : memref<10000x64xf32, #tpu.memory_space<hbm>>) target(%arg11 : memref<128x64xf32, #tpu.memory_space<vmem>>) offsets(%dma_start3A_255 : memref<128xi32, #tpu.memory_space<vmem>>) semaphore(%arg17 : memref<!tpu.dma_semaphore, #tpu.memory_space<semaphore_mem>>)
        } else {
        }
        %lt3A_214 = arith.cmpi slt, %add3A_207, %select_n3A : i32
        %convert_element_type3A_215 = arith.extui %lt3A_214 : i1 to i32
        %cond3A_216 = arith.constant 0 : i32
        %cond3A_217 = arith.cmpi ne, %convert_element_type3A_215, %cond3A_216 : i32
        scf.if %cond3A_217 {
          %dma_wait3A_247 = arith.constant 0 : i32
          %dma_wait3A_248 = arith.constant 0 : i32
          %dma_wait3A_249 = tpu.memref_slice %arg8[%dma_wait3A_247, %dma_wait3A_248] : memref<157x128xi32, #tpu.memory_space<vmem>> -> memref<1x128xi32, #tpu.memory_space<vmem>>
          %dma_wait3A_250 = tpu.memref_squeeze %dma_wait3A_249 : memref<1x128xi32, #tpu.memory_space<vmem>> -> memref<128xi32, #tpu.memory_space<vmem>>
          %dma_wait3A_251 = arith.constant 0 : i32
          %dma_wait3A_252 = arith.constant 0 : i32
          %dma_wait3A_253 = tpu.memref_slice %arg3[%dma_wait3A_251, %dma_wait3A_252] : memref<10000x64xf32, #tpu.memory_space<hbm>> -> memref<10000x64xf32, #tpu.memory_space<hbm>>
          tpu.wait_indirect_dma semaphore(%arg18 : memref<!tpu.dma_semaphore, #tpu.memory_space<semaphore_mem>>) src(%dma_wait3A_253 : memref<10000x64xf32, #tpu.memory_space<hbm>>) dst(%arg12 : memref<128x64xf32, #tpu.memory_space<vmem>>)
          %dma_start3A_254 = arith.constant 0 : i32
          %dma_start3A_255 = tpu.memref_slice %arg9[%add3A_207, %dma_start3A_254] : memref<157x128xi32, #tpu.memory_space<vmem>> -> memref<1x128xi32, #tpu.memory_space<vmem>>
          %dma_start3A_256 = tpu.memref_squeeze %dma_start3A_255 : memref<1x128xi32, #tpu.memory_space<vmem>> -> memref<128xi32, #tpu.memory_space<vmem>>
          %dma_start3A_257 = arith.constant 0 : i32
          %dma_start3A_258 = arith.constant 0 : i32
          %dma_start3A_259 = tpu.memref_slice %arg15[%dma_start3A_257, %dma_start3A_258] : memref<10240x64xf32, #tpu.memory_space<vmem_shared>> -> memref<10240x64xf32, #tpu.memory_space<vmem_shared>>
          tpu.enqueue_indirect_dma source(%arg12 : memref<128x64xf32, #tpu.memory_space<vmem>>) target(%dma_start3A_259 : memref<10240x64xf32, #tpu.memory_space<vmem_shared>>) offsets(%dma_start3A_256 : memref<128xi32, #tpu.memory_space<vmem>>) semaphore(%arg23 : memref<!tpu.dma_semaphore, #tpu.memory_space<semaphore_mem>>) {add = true}
        } else {
        }
        %mul3A_218 = arith.constant 5 : i32
        %mul3A_219 = arith.muli %scan3A_174, %mul3A_218 : i32
        %add3A_220 = arith.constant 3 : i32
        %add3A_221 = arith.addi %mul3A_219, %add3A_220 : i32
        %add3A_222 = arith.constant 4 : i32
        %add3A_223 = arith.addi %add3A_221, %add3A_222 : i32
        %lt3A_224 = arith.cmpi slt, %add3A_223, %select_n3A : i32
        %convert_element_type3A_225 = arith.extui %lt3A_224 : i1 to i32
        %cond3A_226 = arith.constant 0 : i32
        %cond3A_227 = arith.cmpi ne, %convert_element_type3A_225, %cond3A_226 : i32
        scf.if %cond3A_227 {
          %ge3A = arith.constant 1 : i32
          %ge3A_247 = arith.cmpi sge, %add3A_221, %ge3A : i32
          %convert_element_type3A_248 = arith.extui %ge3A_247 : i1 to i32
          %cond3A_249 = arith.constant 0 : i32
          %cond3A_250 = arith.cmpi ne, %convert_element_type3A_248, %cond3A_249 : i32
          scf.if %cond3A_250 {
            %dma_wait3A_259 = arith.constant 0 : i32
            %dma_wait3A_260 = arith.constant 0 : i32
            %dma_wait3A_261 = tpu.memref_slice %arg9[%dma_wait3A_259, %dma_wait3A_260] : memref<157x128xi32, #tpu.memory_space<vmem>> -> memref<1x128xi32, #tpu.memory_space<vmem>>
            %dma_wait3A_262 = tpu.memref_squeeze %dma_wait3A_261 : memref<1x128xi32, #tpu.memory_space<vmem>> -> memref<128xi32, #tpu.memory_space<vmem>>
            %dma_wait3A_263 = arith.constant 0 : i32
            %dma_wait3A_264 = arith.constant 0 : i32
            %dma_wait3A_265 = tpu.memref_slice %arg15[%dma_wait3A_263, %dma_wait3A_264] : memref<10240x64xf32, #tpu.memory_space<vmem_shared>> -> memref<10240x64xf32, #tpu.memory_space<vmem_shared>>
            tpu.wait_indirect_dma semaphore(%arg23 : memref<!tpu.dma_semaphore, #tpu.memory_space<semaphore_mem>>) src(%arg12 : memref<128x64xf32, #tpu.memory_space<vmem>>) dst(%dma_wait3A_265 : memref<10240x64xf32, #tpu.memory_space<vmem_shared>>)
          } else {
          }
          %add3A_251 = arith.constant 4 : i32
          %add3A_252 = arith.addi %add3A_221, %add3A_251 : i32
          %dma_start3A_253 = arith.constant 0 : i32
          %dma_start3A_254 = tpu.memref_slice %arg8[%add3A_252, %dma_start3A_253] : memref<157x128xi32, #tpu.memory_space<vmem>> -> memref<1x128xi32, #tpu.memory_space<vmem>>
          %dma_start3A_255 = tpu.memref_squeeze %dma_start3A_254 : memref<1x128xi32, #tpu.memory_space<vmem>> -> memref<128xi32, #tpu.memory_space<vmem>>
          %dma_start3A_256 = arith.constant 0 : i32
          %dma_start3A_257 = arith.constant 0 : i32
          %dma_start3A_258 = tpu.memref_slice %arg3[%dma_start3A_256, %dma_start3A_257] : memref<10000x64xf32, #tpu.memory_space<hbm>> -> memref<10000x64xf32, #tpu.memory_space<hbm>>
          tpu.enqueue_indirect_dma source(%dma_start3A_258 : memref<10000x64xf32, #tpu.memory_space<hbm>>) target(%arg12 : memref<128x64xf32, #tpu.memory_space<vmem>>) offsets(%dma_start3A_255 : memref<128xi32, #tpu.memory_space<vmem>>) semaphore(%arg18 : memref<!tpu.dma_semaphore, #tpu.memory_space<semaphore_mem>>)
        } else {
        }
        %lt3A_228 = arith.cmpi slt, %add3A_221, %select_n3A : i32
        %convert_element_type3A_229 = arith.extui %lt3A_228 : i1 to i32
        %cond3A_230 = arith.constant 0 : i32
        %cond3A_231 = arith.cmpi ne, %convert_element_type3A_229, %cond3A_230 : i32
        scf.if %cond3A_231 {
          %dma_wait3A_247 = arith.constant 0 : i32
          %dma_wait3A_248 = arith.constant 0 : i32
          %dma_wait3A_249 = tpu.memref_slice %arg8[%dma_wait3A_247, %dma_wait3A_248] : memref<157x128xi32, #tpu.memory_space<vmem>> -> memref<1x128xi32, #tpu.memory_space<vmem>>
          %dma_wait3A_250 = tpu.memref_squeeze %dma_wait3A_249 : memref<1x128xi32, #tpu.memory_space<vmem>> -> memref<128xi32, #tpu.memory_space<vmem>>
          %dma_wait3A_251 = arith.constant 0 : i32
          %dma_wait3A_252 = arith.constant 0 : i32
          %dma_wait3A_253 = tpu.memref_slice %arg3[%dma_wait3A_251, %dma_wait3A_252] : memref<10000x64xf32, #tpu.memory_space<hbm>> -> memref<10000x64xf32, #tpu.memory_space<hbm>>
          tpu.wait_indirect_dma semaphore(%arg19 : memref<!tpu.dma_semaphore, #tpu.memory_space<semaphore_mem>>) src(%dma_wait3A_253 : memref<10000x64xf32, #tpu.memory_space<hbm>>) dst(%arg13 : memref<128x64xf32, #tpu.memory_space<vmem>>)
          %dma_start3A_254 = arith.constant 0 : i32
          %dma_start3A_255 = tpu.memref_slice %arg9[%add3A_221, %dma_start3A_254] : memref<157x128xi32, #tpu.memory_space<vmem>> -> memref<1x128xi32, #tpu.memory_space<vmem>>
          %dma_start3A_256 = tpu.memref_squeeze %dma_start3A_255 : memref<1x128xi32, #tpu.memory_space<vmem>> -> memref<128xi32, #tpu.memory_space<vmem>>
          %dma_start3A_257 = arith.constant 0 : i32
          %dma_start3A_258 = arith.constant 0 : i32
          %dma_start3A_259 = tpu.memref_slice %arg15[%dma_start3A_257, %dma_start3A_258] : memref<10240x64xf32, #tpu.memory_space<vmem_shared>> -> memref<10240x64xf32, #tpu.memory_space<vmem_shared>>
          tpu.enqueue_indirect_dma source(%arg13 : memref<128x64xf32, #tpu.memory_space<vmem>>) target(%dma_start3A_259 : memref<10240x64xf32, #tpu.memory_space<vmem_shared>>) offsets(%dma_start3A_256 : memref<128xi32, #tpu.memory_space<vmem>>) semaphore(%arg24 : memref<!tpu.dma_semaphore, #tpu.memory_space<semaphore_mem>>) {add = true}
        } else {
        }
        %mul3A_232 = arith.constant 5 : i32
        %mul3A_233 = arith.muli %scan3A_174, %mul3A_232 : i32
        %add3A_234 = arith.constant 4 : i32
        %add3A_235 = arith.addi %mul3A_233, %add3A_234 : i32
        %add3A_236 = arith.constant 4 : i32
        %add3A_237 = arith.addi %add3A_235, %add3A_236 : i32
        %lt3A_238 = arith.cmpi slt, %add3A_237, %select_n3A : i32
        %convert_element_type3A_239 = arith.extui %lt3A_238 : i1 to i32
        %cond3A_240 = arith.constant 0 : i32
        %cond3A_241 = arith.cmpi ne, %convert_element_type3A_239, %cond3A_240 : i32
        scf.if %cond3A_241 {
          %ge3A = arith.constant 1 : i32
          %ge3A_247 = arith.cmpi sge, %add3A_235, %ge3A : i32
          %convert_element_type3A_248 = arith.extui %ge3A_247 : i1 to i32
          %cond3A_249 = arith.constant 0 : i32
          %cond3A_250 = arith.cmpi ne, %convert_element_type3A_248, %cond3A_249 : i32
          scf.if %cond3A_250 {
            %dma_wait3A_259 = arith.constant 0 : i32
            %dma_wait3A_260 = arith.constant 0 : i32
            %dma_wait3A_261 = tpu.memref_slice %arg9[%dma_wait3A_259, %dma_wait3A_260] : memref<157x128xi32, #tpu.memory_space<vmem>> -> memref<1x128xi32, #tpu.memory_space<vmem>>
            %dma_wait3A_262 = tpu.memref_squeeze %dma_wait3A_261 : memref<1x128xi32, #tpu.memory_space<vmem>> -> memref<128xi32, #tpu.memory_space<vmem>>
            %dma_wait3A_263 = arith.constant 0 : i32
            %dma_wait3A_264 = arith.constant 0 : i32
            %dma_wait3A_265 = tpu.memref_slice %arg15[%dma_wait3A_263, %dma_wait3A_264] : memref<10240x64xf32, #tpu.memory_space<vmem_shared>> -> memref<10240x64xf32, #tpu.memory_space<vmem_shared>>
            tpu.wait_indirect_dma semaphore(%arg24 : memref<!tpu.dma_semaphore, #tpu.memory_space<semaphore_mem>>) src(%arg13 : memref<128x64xf32, #tpu.memory_space<vmem>>) dst(%dma_wait3A_265 : memref<10240x64xf32, #tpu.memory_space<vmem_shared>>)
          } else {
          }
          %add3A_251 = arith.constant 4 : i32
          %add3A_252 = arith.addi %add3A_235, %add3A_251 : i32
          %dma_start3A_253 = arith.constant 0 : i32
          %dma_start3A_254 = tpu.memref_slice %arg8[%add3A_252, %dma_start3A_253] : memref<157x128xi32, #tpu.memory_space<vmem>> -> memref<1x128xi32, #tpu.memory_space<vmem>>
          %dma_start3A_255 = tpu.memref_squeeze %dma_start3A_254 : memref<1x128xi32, #tpu.memory_space<vmem>> -> memref<128xi32, #tpu.memory_space<vmem>>
          %dma_start3A_256 = arith.constant 0 : i32
          %dma_start3A_257 = arith.constant 0 : i32
          %dma_start3A_258 = tpu.memref_slice %arg3[%dma_start3A_256, %dma_start3A_257] : memref<10000x64xf32, #tpu.memory_space<hbm>> -> memref<10000x64xf32, #tpu.memory_space<hbm>>
          tpu.enqueue_indirect_dma source(%dma_start3A_258 : memref<10000x64xf32, #tpu.memory_space<hbm>>) target(%arg13 : memref<128x64xf32, #tpu.memory_space<vmem>>) offsets(%dma_start3A_255 : memref<128xi32, #tpu.memory_space<vmem>>) semaphore(%arg19 : memref<!tpu.dma_semaphore, #tpu.memory_space<semaphore_mem>>)
        } else {
        }
        %lt3A_242 = arith.cmpi slt, %add3A_235, %select_n3A : i32
        %convert_element_type3A_243 = arith.extui %lt3A_242 : i1 to i32
        %cond3A_244 = arith.constant 0 : i32
        %cond3A_245 = arith.cmpi ne, %convert_element_type3A_243, %cond3A_244 : i32
        scf.if %cond3A_245 {
          %dma_wait3A_247 = arith.constant 0 : i32
          %dma_wait3A_248 = arith.constant 0 : i32
          %dma_wait3A_249 = tpu.memref_slice %arg8[%dma_wait3A_247, %dma_wait3A_248] : memref<157x128xi32, #tpu.memory_space<vmem>> -> memref<1x128xi32, #tpu.memory_space<vmem>>
          %dma_wait3A_250 = tpu.memref_squeeze %dma_wait3A_249 : memref<1x128xi32, #tpu.memory_space<vmem>> -> memref<128xi32, #tpu.memory_space<vmem>>
          %dma_wait3A_251 = arith.constant 0 : i32
          %dma_wait3A_252 = arith.constant 0 : i32
          %dma_wait3A_253 = tpu.memref_slice %arg3[%dma_wait3A_251, %dma_wait3A_252] : memref<10000x64xf32, #tpu.memory_space<hbm>> -> memref<10000x64xf32, #tpu.memory_space<hbm>>
          tpu.wait_indirect_dma semaphore(%arg20 : memref<!tpu.dma_semaphore, #tpu.memory_space<semaphore_mem>>) src(%dma_wait3A_253 : memref<10000x64xf32, #tpu.memory_space<hbm>>) dst(%arg14 : memref<128x64xf32, #tpu.memory_space<vmem>>)
          %dma_start3A_254 = arith.constant 0 : i32
          %dma_start3A_255 = tpu.memref_slice %arg9[%add3A_235, %dma_start3A_254] : memref<157x128xi32, #tpu.memory_space<vmem>> -> memref<1x128xi32, #tpu.memory_space<vmem>>
          %dma_start3A_256 = tpu.memref_squeeze %dma_start3A_255 : memref<1x128xi32, #tpu.memory_space<vmem>> -> memref<128xi32, #tpu.memory_space<vmem>>
          %dma_start3A_257 = arith.constant 0 : i32
          %dma_start3A_258 = arith.constant 0 : i32
          %dma_start3A_259 = tpu.memref_slice %arg15[%dma_start3A_257, %dma_start3A_258] : memref<10240x64xf32, #tpu.memory_space<vmem_shared>> -> memref<10240x64xf32, #tpu.memory_space<vmem_shared>>
          tpu.enqueue_indirect_dma source(%arg14 : memref<128x64xf32, #tpu.memory_space<vmem>>) target(%dma_start3A_259 : memref<10240x64xf32, #tpu.memory_space<vmem_shared>>) offsets(%dma_start3A_256 : memref<128xi32, #tpu.memory_space<vmem>>) semaphore(%arg25 : memref<!tpu.dma_semaphore, #tpu.memory_space<semaphore_mem>>) {add = true}
        } else {
        }
        %scan3A_246 = arith.constant 0 : i32
        scf.yield %scan3A_246 : i32
      }
      %scan3A_138 = arith.constant 32 : i32
      %dma_wait3A_139 = arith.constant 0 : i32
      %dma_wait3A_140 = arith.constant 0 : i32
      %dma_wait3A_141 = tpu.memref_slice %arg9[%dma_wait3A_139, %dma_wait3A_140] : memref<157x128xi32, #tpu.memory_space<vmem>> -> memref<1x128xi32, #tpu.memory_space<vmem>>
      %dma_wait3A_142 = tpu.memref_squeeze %dma_wait3A_141 : memref<1x128xi32, #tpu.memory_space<vmem>> -> memref<128xi32, #tpu.memory_space<vmem>>
      %dma_wait3A_143 = arith.constant 0 : i32
      %dma_wait3A_144 = arith.constant 0 : i32
      %dma_wait3A_145 = tpu.memref_slice %arg15[%dma_wait3A_143, %dma_wait3A_144] : memref<10240x64xf32, #tpu.memory_space<vmem_shared>> -> memref<10240x64xf32, #tpu.memory_space<vmem_shared>>
      tpu.wait_indirect_dma semaphore(%arg21 : memref<!tpu.dma_semaphore, #tpu.memory_space<semaphore_mem>>) src(%arg10 : memref<128x64xf32, #tpu.memory_space<vmem>>) dst(%dma_wait3A_145 : memref<10240x64xf32, #tpu.memory_space<vmem_shared>>)
      %dma_wait3A_146 = arith.constant 0 : i32
      %dma_wait3A_147 = arith.constant 0 : i32
      %dma_wait3A_148 = tpu.memref_slice %arg9[%dma_wait3A_146, %dma_wait3A_147] : memref<157x128xi32, #tpu.memory_space<vmem>> -> memref<1x128xi32, #tpu.memory_space<vmem>>
      %dma_wait3A_149 = tpu.memref_squeeze %dma_wait3A_148 : memref<1x128xi32, #tpu.memory_space<vmem>> -> memref<128xi32, #tpu.memory_space<vmem>>
      %dma_wait3A_150 = arith.constant 0 : i32
      %dma_wait3A_151 = arith.constant 0 : i32
      %dma_wait3A_152 = tpu.memref_slice %arg15[%dma_wait3A_150, %dma_wait3A_151] : memref<10240x64xf32, #tpu.memory_space<vmem_shared>> -> memref<10240x64xf32, #tpu.memory_space<vmem_shared>>
      tpu.wait_indirect_dma semaphore(%arg22 : memref<!tpu.dma_semaphore, #tpu.memory_space<semaphore_mem>>) src(%arg11 : memref<128x64xf32, #tpu.memory_space<vmem>>) dst(%dma_wait3A_152 : memref<10240x64xf32, #tpu.memory_space<vmem_shared>>)
      %dma_wait3A_153 = arith.constant 0 : i32
      %dma_wait3A_154 = arith.constant 0 : i32
      %dma_wait3A_155 = tpu.memref_slice %arg9[%dma_wait3A_153, %dma_wait3A_154] : memref<157x128xi32, #tpu.memory_space<vmem>> -> memref<1x128xi32, #tpu.memory_space<vmem>>
      %dma_wait3A_156 = tpu.memref_squeeze %dma_wait3A_155 : memref<1x128xi32, #tpu.memory_space<vmem>> -> memref<128xi32, #tpu.memory_space<vmem>>
      %dma_wait3A_157 = arith.constant 0 : i32
      %dma_wait3A_158 = arith.constant 0 : i32
      %dma_wait3A_159 = tpu.memref_slice %arg15[%dma_wait3A_157, %dma_wait3A_158] : memref<10240x64xf32, #tpu.memory_space<vmem_shared>> -> memref<10240x64xf32, #tpu.memory_space<vmem_shared>>
      tpu.wait_indirect_dma semaphore(%arg23 : memref<!tpu.dma_semaphore, #tpu.memory_space<semaphore_mem>>) src(%arg12 : memref<128x64xf32, #tpu.memory_space<vmem>>) dst(%dma_wait3A_159 : memref<10240x64xf32, #tpu.memory_space<vmem_shared>>)
      %dma_wait3A_160 = arith.constant 0 : i32
      %dma_wait3A_161 = arith.constant 0 : i32
      %dma_wait3A_162 = tpu.memref_slice %arg9[%dma_wait3A_160, %dma_wait3A_161] : memref<157x128xi32, #tpu.memory_space<vmem>> -> memref<1x128xi32, #tpu.memory_space<vmem>>
      %dma_wait3A_163 = tpu.memref_squeeze %dma_wait3A_162 : memref<1x128xi32, #tpu.memory_space<vmem>> -> memref<128xi32, #tpu.memory_space<vmem>>
      %dma_wait3A_164 = arith.constant 0 : i32
      %dma_wait3A_165 = arith.constant 0 : i32
      %dma_wait3A_166 = tpu.memref_slice %arg15[%dma_wait3A_164, %dma_wait3A_165] : memref<10240x64xf32, #tpu.memory_space<vmem_shared>> -> memref<10240x64xf32, #tpu.memory_space<vmem_shared>>
      tpu.wait_indirect_dma semaphore(%arg24 : memref<!tpu.dma_semaphore, #tpu.memory_space<semaphore_mem>>) src(%arg13 : memref<128x64xf32, #tpu.memory_space<vmem>>) dst(%dma_wait3A_166 : memref<10240x64xf32, #tpu.memory_space<vmem_shared>>)
      %dma_wait3A_167 = arith.constant 0 : i32
      %dma_wait3A_168 = arith.constant 0 : i32
      %dma_wait3A_169 = tpu.memref_slice %arg9[%dma_wait3A_167, %dma_wait3A_168] : memref<157x128xi32, #tpu.memory_space<vmem>> -> memref<1x128xi32, #tpu.memory_space<vmem>>
      %dma_wait3A_170 = tpu.memref_squeeze %dma_wait3A_169 : memref<1x128xi32, #tpu.memory_space<vmem>> -> memref<128xi32, #tpu.memory_space<vmem>>
      %dma_wait3A_171 = arith.constant 0 : i32
      %dma_wait3A_172 = arith.constant 0 : i32
      %dma_wait3A_173 = tpu.memref_slice %arg15[%dma_wait3A_171, %dma_wait3A_172] : memref<10240x64xf32, #tpu.memory_space<vmem_shared>> -> memref<10240x64xf32, #tpu.memory_space<vmem_shared>>
      tpu.wait_indirect_dma semaphore(%arg25 : memref<!tpu.dma_semaphore, #tpu.memory_space<semaphore_mem>>) src(%arg14 : memref<128x64xf32, #tpu.memory_space<vmem>>) dst(%dma_wait3A_173 : memref<10240x64xf32, #tpu.memory_space<vmem_shared>>)
    } else {
    }
    %barrier3A_93 = arith.constant 0 : index
    tpu.barrier barrier_id(%barrier3A_93)
    %eq3A_94 = arith.constant 0 : i32
    %eq3A_95 = arith.cmpi eq, %arg0, %eq3A_94 : i32
    %convert_element_type3A_96 = arith.extui %eq3A_95 : i1 to i32
    %cond3A_97 = arith.constant 0 : i32
    %cond3A_98 = arith.cmpi ne, %convert_element_type3A_96, %cond3A_97 : i32
    scf.if %cond3A_98 {
      %mul3A_104 = arith.constant 640 : i32
      %mul3A_105 = arith.muli %arg1, %mul3A_104 : i32
      %mul3A_106 = arith.constant 640 : i32
      %mul3A_107 = arith.muli %arg1, %mul3A_106 : i32
      "tpu.region"() ({
        %run_scoped3A = tpu.sem_alloc : memref<!tpu.dma_semaphore, #tpu.memory_space<semaphore_mem>>
        %dma_start3A_108 = arith.constant 0 : i32
        %dma_start3A_109 = tpu.memref_slice %arg6[%mul3A_107, %dma_start3A_108] : memref<10240x64xf32, #tpu.memory_space<hbm>> -> memref<640x64xf32, #tpu.memory_space<hbm>>
        %dma_start3A_110 = arith.constant 0 : i32
        %dma_start3A_111 = tpu.memref_slice %arg15[%mul3A_105, %dma_start3A_110] : memref<10240x64xf32, #tpu.memory_space<vmem_shared>> -> memref<640x64xf32, #tpu.memory_space<vmem_shared>>
        tpu.enqueue_dma source(%dma_start3A_111 : memref<640x64xf32, #tpu.memory_space<vmem_shared>>) target(%dma_start3A_109 : memref<640x64xf32, #tpu.memory_space<hbm>>) target_semaphore(%run_scoped3A : memref<!tpu.dma_semaphore, #tpu.memory_space<semaphore_mem>>)
        %dma_wait3A_112 = arith.constant 0 : i32
        %dma_wait3A_113 = tpu.memref_slice %arg6[%mul3A_107, %dma_wait3A_112] : memref<10240x64xf32, #tpu.memory_space<hbm>> -> memref<640x64xf32, #tpu.memory_space<hbm>>
        %dma_wait3A_114 = arith.constant 0 : i32
        %dma_wait3A_115 = tpu.memref_slice %arg15[%mul3A_105, %dma_wait3A_114] : memref<10240x64xf32, #tpu.memory_space<vmem_shared>> -> memref<640x64xf32, #tpu.memory_space<vmem_shared>>
        tpu.wait_dma2 semaphore(%run_scoped3A : memref<!tpu.dma_semaphore, #tpu.memory_space<semaphore_mem>>) src(%dma_wait3A_115 : memref<640x64xf32, #tpu.memory_space<vmem_shared>>) dst(%dma_wait3A_113 : memref<640x64xf32, #tpu.memory_space<hbm>>)
        tpu.yield
      }) : () -> ()
    } else {
    }
    %eq3A_99 = arith.constant 1 : i32
    %eq3A_100 = arith.cmpi eq, %arg0, %eq3A_99 : i32
    %convert_element_type3A_101 = arith.extui %eq3A_100 : i1 to i32
    %cond3A_102 = arith.constant 0 : i32
    %cond3A_103 = arith.cmpi ne, %convert_element_type3A_101, %cond3A_102 : i32
    scf.if %cond3A_103 {
      %mul3A_104 = arith.constant 640 : i32
      %mul3A_105 = arith.muli %arg1, %mul3A_104 : i32
      %mul3A_106 = arith.constant 640 : i32
      %mul3A_107 = arith.muli %arg1, %mul3A_106 : i32
      "tpu.region"() ({
        %run_scoped3A = tpu.sem_alloc : memref<!tpu.dma_semaphore, #tpu.memory_space<semaphore_mem>>
        %dma_start3A_108 = arith.constant 0 : i32
        %dma_start3A_109 = tpu.memref_slice %arg7[%mul3A_107, %dma_start3A_108] : memref<10240x64xf32, #tpu.memory_space<hbm>> -> memref<640x64xf32, #tpu.memory_space<hbm>>
        %dma_start3A_110 = arith.constant 0 : i32
        %dma_start3A_111 = tpu.memref_slice %arg15[%mul3A_105, %dma_start3A_110] : memref<10240x64xf32, #tpu.memory_space<vmem_shared>> -> memref<640x64xf32, #tpu.memory_space<vmem_shared>>
        tpu.enqueue_dma source(%dma_start3A_111 : memref<640x64xf32, #tpu.memory_space<vmem_shared>>) target(%dma_start3A_109 : memref<640x64xf32, #tpu.memory_space<hbm>>) target_semaphore(%run_scoped3A : memref<!tpu.dma_semaphore, #tpu.memory_space<semaphore_mem>>)
        %dma_wait3A_112 = arith.constant 0 : i32
        %dma_wait3A_113 = tpu.memref_slice %arg7[%mul3A_107, %dma_wait3A_112] : memref<10240x64xf32, #tpu.memory_space<hbm>> -> memref<640x64xf32, #tpu.memory_space<hbm>>
        %dma_wait3A_114 = arith.constant 0 : i32
        %dma_wait3A_115 = tpu.memref_slice %arg15[%mul3A_105, %dma_wait3A_114] : memref<10240x64xf32, #tpu.memory_space<vmem_shared>> -> memref<640x64xf32, #tpu.memory_space<vmem_shared>>
        tpu.wait_dma2 semaphore(%run_scoped3A : memref<!tpu.dma_semaphore, #tpu.memory_space<semaphore_mem>>) src(%dma_wait3A_115 : memref<640x64xf32, #tpu.memory_space<vmem_shared>>) dst(%dma_wait3A_113 : memref<640x64xf32, #tpu.memory_space<hbm>>)
        tpu.yield
      }) : () -> ()
    } else {
    }
    return
  }
}

#map = affine_map<(d0, d1) -> (0, 0)>
module attributes {stable_mosaic.version = 14 : i64} {
  func.func @_sc_agg_body(%arg0: i32, %arg1: i32, %arg2: memref<10000x64xf32, #tpu.memory_space<hbm>>, %arg3: memref<10000x64xf32, #tpu.memory_space<hbm>>, %arg4: memref<2500x128xi32, #tpu.memory_space<hbm>>, %arg5: memref<2500x128xi32, #tpu.memory_space<hbm>>, %arg6: memref<10240x64xf32, #tpu.memory_space<hbm>>, %arg7: memref<10240x64xf32, #tpu.memory_space<hbm>>, %arg8: memref<157x128xi32, #tpu.memory_space<vmem>>, %arg9: memref<157x128xi32, #tpu.memory_space<vmem>>, %arg10: memref<128x64xf32, #tpu.memory_space<vmem>>, %arg11: memref<128x64xf32, #tpu.memory_space<vmem>>, %arg12: memref<128x64xf32, #tpu.memory_space<vmem>>, %arg13: memref<128x64xf32, #tpu.memory_space<vmem>>, %arg14: memref<128x64xf32, #tpu.memory_space<vmem>>, %arg15: memref<10240x64xf32, #tpu.memory_space<vmem_shared>>, %arg16: memref<!tpu.dma_semaphore, #tpu.memory_space<semaphore_mem>>, %arg17: memref<!tpu.dma_semaphore, #tpu.memory_space<semaphore_mem>>, %arg18: memref<!tpu.dma_semaphore, #tpu.memory_space<semaphore_mem>>, %arg19: memref<!tpu.dma_semaphore, #tpu.memory_space<semaphore_mem>>, %arg20: memref<!tpu.dma_semaphore, #tpu.memory_space<semaphore_mem>>, %arg21: memref<!tpu.dma_semaphore, #tpu.memory_space<semaphore_mem>>, %arg22: memref<!tpu.dma_semaphore, #tpu.memory_space<semaphore_mem>>, %arg23: memref<!tpu.dma_semaphore, #tpu.memory_space<semaphore_mem>>, %arg24: memref<!tpu.dma_semaphore, #tpu.memory_space<semaphore_mem>>, %arg25: memref<!tpu.dma_semaphore, #tpu.memory_space<semaphore_mem>>) attributes {dimension_semantics = [#tpu.dimension_semantics<core_parallel>, #tpu.dimension_semantics<subcore_parallel>], iteration_bounds = array<i64: 2, 16>, scalar_prefetch = 0 : i64, scratch_operands = 18 : i64, tpu.core_type = #tpu.core_type<sc_vector_subcore>, window_params = [{transform_indices = #map}, {transform_indices = #map}, {transform_indices = #map}, {transform_indices = #map}, {transform_indices = #map}, {transform_indices = #map}]} {
    %mul3A = arith.constant 157 : i32
    %mul3A_0 = arith.muli %arg1, %mul3A : i32
    %eq3A = arith.constant 15 : i32
    %eq3A_1 = arith.cmpi eq, %arg1, %eq3A : i32
    %jit3A = arith.constant 145 : i32
    %jit3A_2 = arith.constant 157 : i32
    %select_n3A = arith.select %eq3A_1, %jit3A, %jit3A_2 : i32
    %scan3A = arith.constant 0 : i32
    %scan3A_3 = arith.constant 0 : i32
    %scan3A_4 = arith.constant 128 : i32
    %scan3A_5 = arith.addi %scan3A_3, %scan3A_4 : i32
    %scan3A_6 = arith.constant 1 : i32
    %scan3A_7 = scf.for %scan3A_104 = %scan3A_3 to %scan3A_5 step %scan3A_6 iter_args(%scan3A_105 = %scan3A) -> (i32)  : i32 {
      %scan3A_106 = arith.constant 0 : i32
      %scan3A_107 = arith.constant 0 : i32
      %scan3A_108 = arith.constant 4 : i32
      %scan3A_109 = arith.addi %scan3A_107, %scan3A_108 : i32
      %scan3A_110 = arith.constant 1 : i32
      %scan3A_111 = scf.for %scan3A_113 = %scan3A_107 to %scan3A_109 step %scan3A_110 iter_args(%scan3A_114 = %scan3A_106) -> (i32)  : i32 {
        %broadcast_in_dim3A = arith.constant 0.000000e+00 : f32
        %broadcast_in_dim3A_115 = vector.broadcast %broadcast_in_dim3A : f32 to vector<16xf32>
        %mul3A_116 = arith.constant 16 : i32
        %mul3A_117 = arith.muli %scan3A_113, %mul3A_116 : i32
        %swap3A = arith.index_cast %scan3A_104 : i32 to index
        %swap3A_118 = arith.index_cast %mul3A_117 : i32 to index
        %swap3A_119 = tpu.vector_load %arg10[%swap3A, %swap3A_118] {strides = array<i32>} : memref<128x64xf32, #tpu.memory_space<vmem>>, vector<1x16xf32>,
        %swap3A_120 = vector.shape_cast %swap3A_119 : vector<1x16xf32> to vector<16xf32>
        %swap3A_121 = vector.shape_cast %broadcast_in_dim3A_115 : vector<16xf32> to vector<1x16xf32>
        tpu.vector_store %arg10[%swap3A, %swap3A_118], %swap3A_121 {strides = array<i32>} : memref<128x64xf32, #tpu.memory_space<vmem>>, vector<1x16xf32>,
        %scan3A_122 = arith.constant 0 : i32
        scf.yield %scan3A_122 : i32
      }
      %scan3A_112 = arith.constant 4 : i32
      scf.yield %scan3A_111 : i32
    }
    %scan3A_8 = arith.constant 128 : i32
    %mul3A_9 = arith.constant 640 : i32
    %mul3A_10 = arith.muli %arg1, %mul3A_9 : i32
    %add3A = arith.constant 0 : i32
    %add3A_11 = arith.addi %mul3A_10, %add3A : i32
    %dma_start3A = arith.constant 0 : i32
    %dma_start3A_12 = tpu.memref_slice %arg15[%add3A_11, %dma_start3A] : memref<10240x64xf32, #tpu.memory_space<vmem_shared>> -> memref<128x64xf32, #tpu.memory_space<vmem_shared>>
    %dma_start3A_13 = arith.constant 0 : i32
    %dma_start3A_14 = tpu.memref_slice %arg15[%add3A_11, %dma_start3A_13] : memref<10240x64xf32, #tpu.memory_space<vmem_shared>> -> memref<128x64xf32, #tpu.memory_space<vmem_shared>>
    tpu.enqueue_dma source(%arg10 : memref<128x64xf32, #tpu.memory_space<vmem>>) target(%dma_start3A_14 : memref<128x64xf32, #tpu.memory_space<vmem_shared>>) target_semaphore(%arg21 : memref<!tpu.dma_semaphore, #tpu.memory_space<semaphore_mem>>)
    %mul3A_15 = arith.constant 640 : i32
    %mul3A_16 = arith.muli %arg1, %mul3A_15 : i32
    %add3A_17 = arith.constant 128 : i32
    %add3A_18 = arith.addi %mul3A_16, %add3A_17 : i32
    %dma_start3A_19 = arith.constant 0 : i32
    %dma_start3A_20 = tpu.memref_slice %arg15[%add3A_18, %dma_start3A_19] : memref<10240x64xf32, #tpu.memory_space<vmem_shared>> -> memref<128x64xf32, #tpu.memory_space<vmem_shared>>
    %dma_start3A_21 = arith.constant 0 : i32
    %dma_start3A_22 = tpu.memref_slice %arg15[%add3A_18, %dma_start3A_21] : memref<10240x64xf32, #tpu.memory_space<vmem_shared>> -> memref<128x64xf32, #tpu.memory_space<vmem_shared>>
    tpu.enqueue_dma source(%arg10 : memref<128x64xf32, #tpu.memory_space<vmem>>) target(%dma_start3A_22 : memref<128x64xf32, #tpu.memory_space<vmem_shared>>) target_semaphore(%arg21 : memref<!tpu.dma_semaphore, #tpu.memory_space<semaphore_mem>>)
    %mul3A_23 = arith.constant 640 : i32
    %mul3A_24 = arith.muli %arg1, %mul3A_23 : i32
    %add3A_25 = arith.constant 256 : i32
    %add3A_26 = arith.addi %mul3A_24, %add3A_25 : i32
    %dma_start3A_27 = arith.constant 0 : i32
    %dma_start3A_28 = tpu.memref_slice %arg15[%add3A_26, %dma_start3A_27] : memref<10240x64xf32, #tpu.memory_space<vmem_shared>> -> memref<128x64xf32, #tpu.memory_space<vmem_shared>>
    %dma_start3A_29 = arith.constant 0 : i32
    %dma_start3A_30 = tpu.memref_slice %arg15[%add3A_26, %dma_start3A_29] : memref<10240x64xf32, #tpu.memory_space<vmem_shared>> -> memref<128x64xf32, #tpu.memory_space<vmem_shared>>
    tpu.enqueue_dma source(%arg10 : memref<128x64xf32, #tpu.memory_space<vmem>>) target(%dma_start3A_30 : memref<128x64xf32, #tpu.memory_space<vmem_shared>>) target_semaphore(%arg21 : memref<!tpu.dma_semaphore, #tpu.memory_space<semaphore_mem>>)
    %mul3A_31 = arith.constant 640 : i32
    %mul3A_32 = arith.muli %arg1, %mul3A_31 : i32
    %add3A_33 = arith.constant 384 : i32
    %add3A_34 = arith.addi %mul3A_32, %add3A_33 : i32
    %dma_start3A_35 = arith.constant 0 : i32
    %dma_start3A_36 = tpu.memref_slice %arg15[%add3A_34, %dma_start3A_35] : memref<10240x64xf32, #tpu.memory_space<vmem_shared>> -> memref<128x64xf32, #tpu.memory_space<vmem_shared>>
    %dma_start3A_37 = arith.constant 0 : i32
    %dma_start3A_38 = tpu.memref_slice %arg15[%add3A_34, %dma_start3A_37] : memref<10240x64xf32, #tpu.memory_space<vmem_shared>> -> memref<128x64xf32, #tpu.memory_space<vmem_shared>>
    tpu.enqueue_dma source(%arg10 : memref<128x64xf32, #tpu.memory_space<vmem>>) target(%dma_start3A_38 : memref<128x64xf32, #tpu.memory_space<vmem_shared>>) target_semaphore(%arg21 : memref<!tpu.dma_semaphore, #tpu.memory_space<semaphore_mem>>)
    %mul3A_39 = arith.constant 640 : i32
    %mul3A_40 = arith.muli %arg1, %mul3A_39 : i32
    %add3A_41 = arith.constant 512 : i32
    %add3A_42 = arith.addi %mul3A_40, %add3A_41 : i32
    %dma_start3A_43 = arith.constant 0 : i32
    %dma_start3A_44 = tpu.memref_slice %arg15[%add3A_42, %dma_start3A_43] : memref<10240x64xf32, #tpu.memory_space<vmem_shared>> -> memref<128x64xf32, #tpu.memory_space<vmem_shared>>
    %dma_start3A_45 = arith.constant 0 : i32
    %dma_start3A_46 = tpu.memref_slice %arg15[%add3A_42, %dma_start3A_45] : memref<10240x64xf32, #tpu.memory_space<vmem_shared>> -> memref<128x64xf32, #tpu.memory_space<vmem_shared>>
    tpu.enqueue_dma source(%arg10 : memref<128x64xf32, #tpu.memory_space<vmem>>) target(%dma_start3A_46 : memref<128x64xf32, #tpu.memory_space<vmem_shared>>) target_semaphore(%arg21 : memref<!tpu.dma_semaphore, #tpu.memory_space<semaphore_mem>>)
    %mul3A_47 = arith.constant 640 : i32
    %mul3A_48 = arith.muli %arg1, %mul3A_47 : i32
    %dma_wait3A = arith.constant 0 : i32
    %dma_wait3A_49 = tpu.memref_slice %arg15[%mul3A_48, %dma_wait3A] : memref<10240x64xf32, #tpu.memory_space<vmem_shared>> -> memref<128x64xf32, #tpu.memory_space<vmem_shared>>
    %dma_wait3A_50 = arith.constant 0 : i32
    %dma_wait3A_51 = tpu.memref_slice %arg15[%mul3A_48, %dma_wait3A_50] : memref<10240x64xf32, #tpu.memory_space<vmem_shared>> -> memref<128x64xf32, #tpu.memory_space<vmem_shared>>
    tpu.wait_dma2 semaphore(%arg21 : memref<!tpu.dma_semaphore, #tpu.memory_space<semaphore_mem>>) src(%arg10 : memref<128x64xf32, #tpu.memory_space<vmem>>) dst(%dma_wait3A_51 : memref<128x64xf32, #tpu.memory_space<vmem_shared>>)
    %mul3A_52 = arith.constant 640 : i32
    %mul3A_53 = arith.muli %arg1, %mul3A_52 : i32
    %dma_wait3A_54 = arith.constant 0 : i32
    %dma_wait3A_55 = tpu.memref_slice %arg15[%mul3A_53, %dma_wait3A_54] : memref<10240x64xf32, #tpu.memory_space<vmem_shared>> -> memref<128x64xf32, #tpu.memory_space<vmem_shared>>
    %dma_wait3A_56 = arith.constant 0 : i32
    %dma_wait3A_57 = tpu.memref_slice %arg15[%mul3A_53, %dma_wait3A_56] : memref<10240x64xf32, #tpu.memory_space<vmem_shared>> -> memref<128x64xf32, #tpu.memory_space<vmem_shared>>
    tpu.wait_dma2 semaphore(%arg21 : memref<!tpu.dma_semaphore, #tpu.memory_space<semaphore_mem>>) src(%arg10 : memref<128x64xf32, #tpu.memory_space<vmem>>) dst(%dma_wait3A_57 : memref<128x64xf32, #tpu.memory_space<vmem_shared>>)
    %mul3A_58 = arith.constant 640 : i32
    %mul3A_59 = arith.muli %arg1, %mul3A_58 : i32
    %dma_wait3A_60 = arith.constant 0 : i32
    %dma_wait3A_61 = tpu.memref_slice %arg15[%mul3A_59, %dma_wait3A_60] : memref<10240x64xf32, #tpu.memory_space<vmem_shared>> -> memref<128x64xf32, #tpu.memory_space<vmem_shared>>
    %dma_wait3A_62 = arith.constant 0 : i32
    %dma_wait3A_63 = tpu.memref_slice %arg15[%mul3A_59, %dma_wait3A_62] : memref<10240x64xf32, #tpu.memory_space<vmem_shared>> -> memref<128x64xf32, #tpu.memory_space<vmem_shared>>
    tpu.wait_dma2 semaphore(%arg21 : memref<!tpu.dma_semaphore, #tpu.memory_space<semaphore_mem>>) src(%arg10 : memref<128x64xf32, #tpu.memory_space<vmem>>) dst(%dma_wait3A_63 : memref<128x64xf32, #tpu.memory_space<vmem_shared>>)
    %mul3A_64 = arith.constant 640 : i32
    %mul3A_65 = arith.muli %arg1, %mul3A_64 : i32
    %dma_wait3A_66 = arith.constant 0 : i32
    %dma_wait3A_67 = tpu.memref_slice %arg15[%mul3A_65, %dma_wait3A_66] : memref<10240x64xf32, #tpu.memory_space<vmem_shared>> -> memref<128x64xf32, #tpu.memory_space<vmem_shared>>
    %dma_wait3A_68 = arith.constant 0 : i32
    %dma_wait3A_69 = tpu.memref_slice %arg15[%mul3A_65, %dma_wait3A_68] : memref<10240x64xf32, #tpu.memory_space<vmem_shared>> -> memref<128x64xf32, #tpu.memory_space<vmem_shared>>
    tpu.wait_dma2 semaphore(%arg21 : memref<!tpu.dma_semaphore, #tpu.memory_space<semaphore_mem>>) src(%arg10 : memref<128x64xf32, #tpu.memory_space<vmem>>) dst(%dma_wait3A_69 : memref<128x64xf32, #tpu.memory_space<vmem_shared>>)
    %mul3A_70 = arith.constant 640 : i32
    %mul3A_71 = arith.muli %arg1, %mul3A_70 : i32
    %dma_wait3A_72 = arith.constant 0 : i32
    %dma_wait3A_73 = tpu.memref_slice %arg15[%mul3A_71, %dma_wait3A_72] : memref<10240x64xf32, #tpu.memory_space<vmem_shared>> -> memref<128x64xf32, #tpu.memory_space<vmem_shared>>
    %dma_wait3A_74 = arith.constant 0 : i32
    %dma_wait3A_75 = tpu.memref_slice %arg15[%mul3A_71, %dma_wait3A_74] : memref<10240x64xf32, #tpu.memory_space<vmem_shared>> -> memref<128x64xf32, #tpu.memory_space<vmem_shared>>
    tpu.wait_dma2 semaphore(%arg21 : memref<!tpu.dma_semaphore, #tpu.memory_space<semaphore_mem>>) src(%arg10 : memref<128x64xf32, #tpu.memory_space<vmem>>) dst(%dma_wait3A_75 : memref<128x64xf32, #tpu.memory_space<vmem_shared>>)
    %lt3A = arith.constant 15 : i32
    %lt3A_76 = arith.cmpi slt, %arg1, %lt3A : i32
    %convert_element_type3A = arith.extui %lt3A_76 : i1 to i32
    %cond3A = arith.constant 0 : i32
    %cond3A_77 = arith.cmpi ne, %convert_element_type3A, %cond3A : i32
    scf.if %cond3A_77 {
      "tpu.region"() ({
        %run_scoped3A = tpu.sem_alloc : memref<!tpu.dma_semaphore, #tpu.memory_space<semaphore_mem>>
        %dma_start3A_104 = arith.constant 0 : i32
        %dma_start3A_105 = arith.constant 0 : i32
        %dma_start3A_106 = tpu.memref_slice %arg8[%dma_start3A_104, %dma_start3A_105] : memref<157x128xi32, #tpu.memory_space<vmem>> -> memref<157x128xi32, #tpu.memory_space<vmem>>
        %dma_start3A_107 = arith.constant 0 : i32
        %dma_start3A_108 = tpu.memref_slice %arg4[%mul3A_0, %dma_start3A_107] : memref<2500x128xi32, #tpu.memory_space<hbm>> -> memref<157x128xi32, #tpu.memory_space<hbm>>
        %dma_start3A_109 = arith.constant 0 : i32
        %dma_start3A_110 = arith.constant 0 : i32
        %dma_start3A_111 = tpu.memref_slice %arg8[%dma_start3A_109, %dma_start3A_110] : memref<157x128xi32, #tpu.memory_space<vmem>> -> memref<157x128xi32, #tpu.memory_space<vmem>>
        %dma_start3A_112 = arith.constant 0 : i32
        %dma_start3A_113 = tpu.memref_slice %arg4[%mul3A_0, %dma_start3A_112] : memref<2500x128xi32, #tpu.memory_space<hbm>> -> memref<157x128xi32, #tpu.memory_space<hbm>>
        tpu.enqueue_dma source(%dma_start3A_113 : memref<157x128xi32, #tpu.memory_space<hbm>>) target(%dma_start3A_111 : memref<157x128xi32, #tpu.memory_space<vmem>>) target_semaphore(%run_scoped3A : memref<!tpu.dma_semaphore, #tpu.memory_space<semaphore_mem>>)
        %dma_wait3A_114 = arith.constant 0 : i32
        %dma_wait3A_115 = arith.constant 0 : i32
        %dma_wait3A_116 = tpu.memref_slice %arg8[%dma_wait3A_114, %dma_wait3A_115] : memref<157x128xi32, #tpu.memory_space<vmem>> -> memref<157x128xi32, #tpu.memory_space<vmem>>
        %dma_wait3A_117 = arith.constant 0 : i32
        %dma_wait3A_118 = tpu.memref_slice %arg4[%mul3A_0, %dma_wait3A_117] : memref<2500x128xi32, #tpu.memory_space<hbm>> -> memref<157x128xi32, #tpu.memory_space<hbm>>
        %dma_wait3A_119 = arith.constant 0 : i32
        %dma_wait3A_120 = arith.constant 0 : i32
        %dma_wait3A_121 = tpu.memref_slice %arg8[%dma_wait3A_119, %dma_wait3A_120] : memref<157x128xi32, #tpu.memory_space<vmem>> -> memref<157x128xi32, #tpu.memory_space<vmem>>
        %dma_wait3A_122 = arith.constant 0 : i32
        %dma_wait3A_123 = tpu.memref_slice %arg4[%mul3A_0, %dma_wait3A_122] : memref<2500x128xi32, #tpu.memory_space<hbm>> -> memref<157x128xi32, #tpu.memory_space<hbm>>
        tpu.wait_dma2 semaphore(%run_scoped3A : memref<!tpu.dma_semaphore, #tpu.memory_space<semaphore_mem>>) src(%dma_wait3A_123 : memref<157x128xi32, #tpu.memory_space<hbm>>) dst(%dma_wait3A_121 : memref<157x128xi32, #tpu.memory_space<vmem>>)
        tpu.yield
      }) : () -> ()
      "tpu.region"() ({
        %run_scoped3A = tpu.sem_alloc : memref<!tpu.dma_semaphore, #tpu.memory_space<semaphore_mem>>
        %dma_start3A_104 = arith.constant 0 : i32
        %dma_start3A_105 = arith.constant 0 : i32
        %dma_start3A_106 = tpu.memref_slice %arg9[%dma_start3A_104, %dma_start3A_105] : memref<157x128xi32, #tpu.memory_space<vmem>> -> memref<157x128xi32, #tpu.memory_space<vmem>>
        %dma_start3A_107 = arith.constant 0 : i32
        %dma_start3A_108 = tpu.memref_slice %arg5[%mul3A_0, %dma_start3A_107] : memref<2500x128xi32, #tpu.memory_space<hbm>> -> memref<157x128xi32, #tpu.memory_space<hbm>>
        %dma_start3A_109 = arith.constant 0 : i32
        %dma_start3A_110 = arith.constant 0 : i32
        %dma_start3A_111 = tpu.memref_slice %arg9[%dma_start3A_109, %dma_start3A_110] : memref<157x128xi32, #tpu.memory_space<vmem>> -> memref<157x128xi32, #tpu.memory_space<vmem>>
        %dma_start3A_112 = arith.constant 0 : i32
        %dma_start3A_113 = tpu.memref_slice %arg5[%mul3A_0, %dma_start3A_112] : memref<2500x128xi32, #tpu.memory_space<hbm>> -> memref<157x128xi32, #tpu.memory_space<hbm>>
        tpu.enqueue_dma source(%dma_start3A_113 : memref<157x128xi32, #tpu.memory_space<hbm>>) target(%dma_start3A_111 : memref<157x128xi32, #tpu.memory_space<vmem>>) target_semaphore(%run_scoped3A : memref<!tpu.dma_semaphore, #tpu.memory_space<semaphore_mem>>)
        %dma_wait3A_114 = arith.constant 0 : i32
        %dma_wait3A_115 = arith.constant 0 : i32
        %dma_wait3A_116 = tpu.memref_slice %arg9[%dma_wait3A_114, %dma_wait3A_115] : memref<157x128xi32, #tpu.memory_space<vmem>> -> memref<157x128xi32, #tpu.memory_space<vmem>>
        %dma_wait3A_117 = arith.constant 0 : i32
        %dma_wait3A_118 = tpu.memref_slice %arg5[%mul3A_0, %dma_wait3A_117] : memref<2500x128xi32, #tpu.memory_space<hbm>> -> memref<157x128xi32, #tpu.memory_space<hbm>>
        %dma_wait3A_119 = arith.constant 0 : i32
        %dma_wait3A_120 = arith.constant 0 : i32
        %dma_wait3A_121 = tpu.memref_slice %arg9[%dma_wait3A_119, %dma_wait3A_120] : memref<157x128xi32, #tpu.memory_space<vmem>> -> memref<157x128xi32, #tpu.memory_space<vmem>>
        %dma_wait3A_122 = arith.constant 0 : i32
        %dma_wait3A_123 = tpu.memref_slice %arg5[%mul3A_0, %dma_wait3A_122] : memref<2500x128xi32, #tpu.memory_space<hbm>> -> memref<157x128xi32, #tpu.memory_space<hbm>>
        tpu.wait_dma2 semaphore(%run_scoped3A : memref<!tpu.dma_semaphore, #tpu.memory_space<semaphore_mem>>) src(%dma_wait3A_123 : memref<157x128xi32, #tpu.memory_space<hbm>>) dst(%dma_wait3A_121 : memref<157x128xi32, #tpu.memory_space<vmem>>)
        tpu.yield
      }) : () -> ()
    } else {
    }
    %eq3A_78 = arith.constant 15 : i32
    %eq3A_79 = arith.cmpi eq, %arg1, %eq3A_78 : i32
    %convert_element_type3A_80 = arith.extui %eq3A_79 : i1 to i32
    %cond3A_81 = arith.constant 0 : i32
    %cond3A_82 = arith.cmpi ne, %convert_element_type3A_80, %cond3A_81 : i32
    scf.if %cond3A_82 {
      "tpu.region"() ({
        %run_scoped3A = tpu.sem_alloc : memref<!tpu.dma_semaphore, #tpu.memory_space<semaphore_mem>>
        %dma_start3A_104 = arith.constant 0 : i32
        %dma_start3A_105 = arith.constant 0 : i32
        %dma_start3A_106 = tpu.memref_slice %arg8[%dma_start3A_104, %dma_start3A_105] : memref<157x128xi32, #tpu.memory_space<vmem>> -> memref<145x128xi32, #tpu.memory_space<vmem>>
        %dma_start3A_107 = arith.constant 0 : i32
        %dma_start3A_108 = tpu.memref_slice %arg4[%mul3A_0, %dma_start3A_107] : memref<2500x128xi32, #tpu.memory_space<hbm>> -> memref<145x128xi32, #tpu.memory_space<hbm>>
        %dma_start3A_109 = arith.constant 0 : i32
        %dma_start3A_110 = arith.constant 0 : i32
        %dma_start3A_111 = tpu.memref_slice %arg8[%dma_start3A_109, %dma_start3A_110] : memref<157x128xi32, #tpu.memory_space<vmem>> -> memref<145x128xi32, #tpu.memory_space<vmem>>
        %dma_start3A_112 = arith.constant 0 : i32
        %dma_start3A_113 = tpu.memref_slice %arg4[%mul3A_0, %dma_start3A_112] : memref<2500x128xi32, #tpu.memory_space<hbm>> -> memref<145x128xi32, #tpu.memory_space<hbm>>
        tpu.enqueue_dma source(%dma_start3A_113 : memref<145x128xi32, #tpu.memory_space<hbm>>) target(%dma_start3A_111 : memref<145x128xi32, #tpu.memory_space<vmem>>) target_semaphore(%run_scoped3A : memref<!tpu.dma_semaphore, #tpu.memory_space<semaphore_mem>>)
        %dma_wait3A_114 = arith.constant 0 : i32
        %dma_wait3A_115 = arith.constant 0 : i32
        %dma_wait3A_116 = tpu.memref_slice %arg8[%dma_wait3A_114, %dma_wait3A_115] : memref<157x128xi32, #tpu.memory_space<vmem>> -> memref<145x128xi32, #tpu.memory_space<vmem>>
        %dma_wait3A_117 = arith.constant 0 : i32
        %dma_wait3A_118 = tpu.memref_slice %arg4[%mul3A_0, %dma_wait3A_117] : memref<2500x128xi32, #tpu.memory_space<hbm>> -> memref<145x128xi32, #tpu.memory_space<hbm>>
        %dma_wait3A_119 = arith.constant 0 : i32
        %dma_wait3A_120 = arith.constant 0 : i32
        %dma_wait3A_121 = tpu.memref_slice %arg8[%dma_wait3A_119, %dma_wait3A_120] : memref<157x128xi32, #tpu.memory_space<vmem>> -> memref<145x128xi32, #tpu.memory_space<vmem>>
        %dma_wait3A_122 = arith.constant 0 : i32
        %dma_wait3A_123 = tpu.memref_slice %arg4[%mul3A_0, %dma_wait3A_122] : memref<2500x128xi32, #tpu.memory_space<hbm>> -> memref<145x128xi32, #tpu.memory_space<hbm>>
        tpu.wait_dma2 semaphore(%run_scoped3A : memref<!tpu.dma_semaphore, #tpu.memory_space<semaphore_mem>>) src(%dma_wait3A_123 : memref<145x128xi32, #tpu.memory_space<hbm>>) dst(%dma_wait3A_121 : memref<145x128xi32, #tpu.memory_space<vmem>>)
        tpu.yield
      }) : () -> ()
      "tpu.region"() ({
        %run_scoped3A = tpu.sem_alloc : memref<!tpu.dma_semaphore, #tpu.memory_space<semaphore_mem>>
        %dma_start3A_104 = arith.constant 0 : i32
        %dma_start3A_105 = arith.constant 0 : i32
        %dma_start3A_106 = tpu.memref_slice %arg9[%dma_start3A_104, %dma_start3A_105] : memref<157x128xi32, #tpu.memory_space<vmem>> -> memref<145x128xi32, #tpu.memory_space<vmem>>
        %dma_start3A_107 = arith.constant 0 : i32
        %dma_start3A_108 = tpu.memref_slice %arg5[%mul3A_0, %dma_start3A_107] : memref<2500x128xi32, #tpu.memory_space<hbm>> -> memref<145x128xi32, #tpu.memory_space<hbm>>
        %dma_start3A_109 = arith.constant 0 : i32
        %dma_start3A_110 = arith.constant 0 : i32
        %dma_start3A_111 = tpu.memref_slice %arg9[%dma_start3A_109, %dma_start3A_110] : memref<157x128xi32, #tpu.memory_space<vmem>> -> memref<145x128xi32, #tpu.memory_space<vmem>>
        %dma_start3A_112 = arith.constant 0 : i32
        %dma_start3A_113 = tpu.memref_slice %arg5[%mul3A_0, %dma_start3A_112] : memref<2500x128xi32, #tpu.memory_space<hbm>> -> memref<145x128xi32, #tpu.memory_space<hbm>>
        tpu.enqueue_dma source(%dma_start3A_113 : memref<145x128xi32, #tpu.memory_space<hbm>>) target(%dma_start3A_111 : memref<145x128xi32, #tpu.memory_space<vmem>>) target_semaphore(%run_scoped3A : memref<!tpu.dma_semaphore, #tpu.memory_space<semaphore_mem>>)
        %dma_wait3A_114 = arith.constant 0 : i32
        %dma_wait3A_115 = arith.constant 0 : i32
        %dma_wait3A_116 = tpu.memref_slice %arg9[%dma_wait3A_114, %dma_wait3A_115] : memref<157x128xi32, #tpu.memory_space<vmem>> -> memref<145x128xi32, #tpu.memory_space<vmem>>
        %dma_wait3A_117 = arith.constant 0 : i32
        %dma_wait3A_118 = tpu.memref_slice %arg5[%mul3A_0, %dma_wait3A_117] : memref<2500x128xi32, #tpu.memory_space<hbm>> -> memref<145x128xi32, #tpu.memory_space<hbm>>
        %dma_wait3A_119 = arith.constant 0 : i32
        %dma_wait3A_120 = arith.constant 0 : i32
        %dma_wait3A_121 = tpu.memref_slice %arg9[%dma_wait3A_119, %dma_wait3A_120] : memref<157x128xi32, #tpu.memory_space<vmem>> -> memref<145x128xi32, #tpu.memory_space<vmem>>
        %dma_wait3A_122 = arith.constant 0 : i32
        %dma_wait3A_123 = tpu.memref_slice %arg5[%mul3A_0, %dma_wait3A_122] : memref<2500x128xi32, #tpu.memory_space<hbm>> -> memref<145x128xi32, #tpu.memory_space<hbm>>
        tpu.wait_dma2 semaphore(%run_scoped3A : memref<!tpu.dma_semaphore, #tpu.memory_space<semaphore_mem>>) src(%dma_wait3A_123 : memref<145x128xi32, #tpu.memory_space<hbm>>) dst(%dma_wait3A_121 : memref<145x128xi32, #tpu.memory_space<vmem>>)
        tpu.yield
      }) : () -> ()
    } else {
    }
    %barrier3A = arith.constant 0 : index
    tpu.barrier barrier_id(%barrier3A)
    %eq3A_83 = arith.constant 0 : i32
    %eq3A_84 = arith.cmpi eq, %arg0, %eq3A_83 : i32
    %convert_element_type3A_85 = arith.extui %eq3A_84 : i1 to i32
    %cond3A_86 = arith.constant 0 : i32
    %cond3A_87 = arith.cmpi ne, %convert_element_type3A_85, %cond3A_86 : i32
    scf.if %cond3A_87 {
      %dma_start3A_104 = arith.constant 0 : i32
      %dma_start3A_105 = arith.constant 0 : i32
      %dma_start3A_106 = tpu.memref_slice %arg8[%dma_start3A_104, %dma_start3A_105] : memref<157x128xi32, #tpu.memory_space<vmem>> -> memref<1x128xi32, #tpu.memory_space<vmem>>
      %dma_start3A_107 = tpu.memref_squeeze %dma_start3A_106 : memref<1x128xi32, #tpu.memory_space<vmem>> -> memref<128xi32, #tpu.memory_space<vmem>>
      %dma_start3A_108 = arith.constant 0 : i32
      %dma_start3A_109 = arith.constant 0 : i32
      %dma_start3A_110 = tpu.memref_slice %arg2[%dma_start3A_108, %dma_start3A_109] : memref<10000x64xf32, #tpu.memory_space<hbm>> -> memref<10000x64xf32, #tpu.memory_space<hbm>>
      tpu.enqueue_indirect_dma source(%dma_start3A_110 : memref<10000x64xf32, #tpu.memory_space<hbm>>) target(%arg10 : memref<128x64xf32, #tpu.memory_space<vmem>>) offsets(%dma_start3A_107 : memref<128xi32, #tpu.memory_space<vmem>>) semaphore(%arg16 : memref<!tpu.dma_semaphore, #tpu.memory_space<semaphore_mem>>)
      %dma_start3A_111 = arith.constant 1 : i32
      %dma_start3A_112 = arith.constant 0 : i32
      %dma_start3A_113 = tpu.memref_slice %arg8[%dma_start3A_111, %dma_start3A_112] : memref<157x128xi32, #tpu.memory_space<vmem>> -> memref<1x128xi32, #tpu.memory_space<vmem>>
      %dma_start3A_114 = tpu.memref_squeeze %dma_start3A_113 : memref<1x128xi32, #tpu.memory_space<vmem>> -> memref<128xi32, #tpu.memory_space<vmem>>
      %dma_start3A_115 = arith.constant 0 : i32
      %dma_start3A_116 = arith.constant 0 : i32
      %dma_start3A_117 = tpu.memref_slice %arg2[%dma_start3A_115, %dma_start3A_116] : memref<10000x64xf32, #tpu.memory_space<hbm>> -> memref<10000x64xf32, #tpu.memory_space<hbm>>
      tpu.enqueue_indirect_dma source(%dma_start3A_117 : memref<10000x64xf32, #tpu.memory_space<hbm>>) target(%arg11 : memref<128x64xf32, #tpu.memory_space<vmem>>) offsets(%dma_start3A_114 : memref<128xi32, #tpu.memory_space<vmem>>) semaphore(%arg17 : memref<!tpu.dma_semaphore, #tpu.memory_space<semaphore_mem>>)
      %dma_start3A_118 = arith.constant 2 : i32
      %dma_start3A_119 = arith.constant 0 : i32
      %dma_start3A_120 = tpu.memref_slice %arg8[%dma_start3A_118, %dma_start3A_119] : memref<157x128xi32, #tpu.memory_space<vmem>> -> memref<1x128xi32, #tpu.memory_space<vmem>>
      %dma_start3A_121 = tpu.memref_squeeze %dma_start3A_120 : memref<1x128xi32, #tpu.memory_space<vmem>> -> memref<128xi32, #tpu.memory_space<vmem>>
      %dma_start3A_122 = arith.constant 0 : i32
      %dma_start3A_123 = arith.constant 0 : i32
      %dma_start3A_124 = tpu.memref_slice %arg2[%dma_start3A_122, %dma_start3A_123] : memref<10000x64xf32, #tpu.memory_space<hbm>> -> memref<10000x64xf32, #tpu.memory_space<hbm>>
      tpu.enqueue_indirect_dma source(%dma_start3A_124 : memref<10000x64xf32, #tpu.memory_space<hbm>>) target(%arg12 : memref<128x64xf32, #tpu.memory_space<vmem>>) offsets(%dma_start3A_121 : memref<128xi32, #tpu.memory_space<vmem>>) semaphore(%arg18 : memref<!tpu.dma_semaphore, #tpu.memory_space<semaphore_mem>>)
      %dma_start3A_125 = arith.constant 3 : i32
      %dma_start3A_126 = arith.constant 0 : i32
      %dma_start3A_127 = tpu.memref_slice %arg8[%dma_start3A_125, %dma_start3A_126] : memref<157x128xi32, #tpu.memory_space<vmem>> -> memref<1x128xi32, #tpu.memory_space<vmem>>
      %dma_start3A_128 = tpu.memref_squeeze %dma_start3A_127 : memref<1x128xi32, #tpu.memory_space<vmem>> -> memref<128xi32, #tpu.memory_space<vmem>>
      %dma_start3A_129 = arith.constant 0 : i32
      %dma_start3A_130 = arith.constant 0 : i32
      %dma_start3A_131 = tpu.memref_slice %arg2[%dma_start3A_129, %dma_start3A_130] : memref<10000x64xf32, #tpu.memory_space<hbm>> -> memref<10000x64xf32, #tpu.memory_space<hbm>>
      tpu.enqueue_indirect_dma source(%dma_start3A_131 : memref<10000x64xf32, #tpu.memory_space<hbm>>) target(%arg13 : memref<128x64xf32, #tpu.memory_space<vmem>>) offsets(%dma_start3A_128 : memref<128xi32, #tpu.memory_space<vmem>>) semaphore(%arg19 : memref<!tpu.dma_semaphore, #tpu.memory_space<semaphore_mem>>)
      %scan3A_132 = arith.constant 0 : i32
      %scan3A_133 = arith.constant 0 : i32
      %scan3A_134 = arith.constant 32 : i32
      %scan3A_135 = arith.addi %scan3A_133, %scan3A_134 : i32
      %scan3A_136 = arith.constant 1 : i32
      %scan3A_137 = scf.for %scan3A_174 = %scan3A_133 to %scan3A_135 step %scan3A_136 iter_args(%scan3A_175 = %scan3A_132) -> (i32)  : i32 {
        %mul3A_176 = arith.constant 5 : i32
        %mul3A_177 = arith.muli %scan3A_174, %mul3A_176 : i32
        %add3A_178 = arith.constant 0 : i32
        %add3A_179 = arith.addi %mul3A_177, %add3A_178 : i32
        %add3A_180 = arith.constant 4 : i32
        %add3A_181 = arith.addi %add3A_179, %add3A_180 : i32
        %lt3A_182 = arith.cmpi slt, %add3A_181, %select_n3A : i32
        %convert_element_type3A_183 = arith.extui %lt3A_182 : i1 to i32
        %cond3A_184 = arith.constant 0 : i32
        %cond3A_185 = arith.cmpi ne, %convert_element_type3A_183, %cond3A_184 : i32
        scf.if %cond3A_185 {
          %ge3A = arith.constant 1 : i32
          %ge3A_247 = arith.cmpi sge, %add3A_179, %ge3A : i32
          %convert_element_type3A_248 = arith.extui %ge3A_247 : i1 to i32
          %cond3A_249 = arith.constant 0 : i32
          %cond3A_250 = arith.cmpi ne, %convert_element_type3A_248, %cond3A_249 : i32
          scf.if %cond3A_250 {
            %dma_wait3A_259 = arith.constant 0 : i32
            %dma_wait3A_260 = arith.constant 0 : i32
            %dma_wait3A_261 = tpu.memref_slice %arg9[%dma_wait3A_259, %dma_wait3A_260] : memref<157x128xi32, #tpu.memory_space<vmem>> -> memref<1x128xi32, #tpu.memory_space<vmem>>
            %dma_wait3A_262 = tpu.memref_squeeze %dma_wait3A_261 : memref<1x128xi32, #tpu.memory_space<vmem>> -> memref<128xi32, #tpu.memory_space<vmem>>
            %dma_wait3A_263 = arith.constant 0 : i32
            %dma_wait3A_264 = arith.constant 0 : i32
            %dma_wait3A_265 = tpu.memref_slice %arg15[%dma_wait3A_263, %dma_wait3A_264] : memref<10240x64xf32, #tpu.memory_space<vmem_shared>> -> memref<10240x64xf32, #tpu.memory_space<vmem_shared>>
            tpu.wait_indirect_dma semaphore(%arg25 : memref<!tpu.dma_semaphore, #tpu.memory_space<semaphore_mem>>) src(%arg14 : memref<128x64xf32, #tpu.memory_space<vmem>>) dst(%dma_wait3A_265 : memref<10240x64xf32, #tpu.memory_space<vmem_shared>>)
          } else {
          }
          %add3A_251 = arith.constant 4 : i32
          %add3A_252 = arith.addi %add3A_179, %add3A_251 : i32
          %dma_start3A_253 = arith.constant 0 : i32
          %dma_start3A_254 = tpu.memref_slice %arg8[%add3A_252, %dma_start3A_253] : memref<157x128xi32, #tpu.memory_space<vmem>> -> memref<1x128xi32, #tpu.memory_space<vmem>>
          %dma_start3A_255 = tpu.memref_squeeze %dma_start3A_254 : memref<1x128xi32, #tpu.memory_space<vmem>> -> memref<128xi32, #tpu.memory_space<vmem>>
          %dma_start3A_256 = arith.constant 0 : i32
          %dma_start3A_257 = arith.constant 0 : i32
          %dma_start3A_258 = tpu.memref_slice %arg2[%dma_start3A_256, %dma_start3A_257] : memref<10000x64xf32, #tpu.memory_space<hbm>> -> memref<10000x64xf32, #tpu.memory_space<hbm>>
          tpu.enqueue_indirect_dma source(%dma_start3A_258 : memref<10000x64xf32, #tpu.memory_space<hbm>>) target(%arg14 : memref<128x64xf32, #tpu.memory_space<vmem>>) offsets(%dma_start3A_255 : memref<128xi32, #tpu.memory_space<vmem>>) semaphore(%arg20 : memref<!tpu.dma_semaphore, #tpu.memory_space<semaphore_mem>>)
        } else {
        }
        %lt3A_186 = arith.cmpi slt, %add3A_179, %select_n3A : i32
        %convert_element_type3A_187 = arith.extui %lt3A_186 : i1 to i32
        %cond3A_188 = arith.constant 0 : i32
        %cond3A_189 = arith.cmpi ne, %convert_element_type3A_187, %cond3A_188 : i32
        scf.if %cond3A_189 {
          %dma_wait3A_247 = arith.constant 0 : i32
          %dma_wait3A_248 = arith.constant 0 : i32
          %dma_wait3A_249 = tpu.memref_slice %arg8[%dma_wait3A_247, %dma_wait3A_248] : memref<157x128xi32, #tpu.memory_space<vmem>> -> memref<1x128xi32, #tpu.memory_space<vmem>>
          %dma_wait3A_250 = tpu.memref_squeeze %dma_wait3A_249 : memref<1x128xi32, #tpu.memory_space<vmem>> -> memref<128xi32, #tpu.memory_space<vmem>>
          %dma_wait3A_251 = arith.constant 0 : i32
          %dma_wait3A_252 = arith.constant 0 : i32
          %dma_wait3A_253 = tpu.memref_slice %arg2[%dma_wait3A_251, %dma_wait3A_252] : memref<10000x64xf32, #tpu.memory_space<hbm>> -> memref<10000x64xf32, #tpu.memory_space<hbm>>
          tpu.wait_indirect_dma semaphore(%arg16 : memref<!tpu.dma_semaphore, #tpu.memory_space<semaphore_mem>>) src(%dma_wait3A_253 : memref<10000x64xf32, #tpu.memory_space<hbm>>) dst(%arg10 : memref<128x64xf32, #tpu.memory_space<vmem>>)
          %dma_start3A_254 = arith.constant 0 : i32
          %dma_start3A_255 = tpu.memref_slice %arg9[%add3A_179, %dma_start3A_254] : memref<157x128xi32, #tpu.memory_space<vmem>> -> memref<1x128xi32, #tpu.memory_space<vmem>>
          %dma_start3A_256 = tpu.memref_squeeze %dma_start3A_255 : memref<1x128xi32, #tpu.memory_space<vmem>> -> memref<128xi32, #tpu.memory_space<vmem>>
          %dma_start3A_257 = arith.constant 0 : i32
          %dma_start3A_258 = arith.constant 0 : i32
          %dma_start3A_259 = tpu.memref_slice %arg15[%dma_start3A_257, %dma_start3A_258] : memref<10240x64xf32, #tpu.memory_space<vmem_shared>> -> memref<10240x64xf32, #tpu.memory_space<vmem_shared>>
          tpu.enqueue_indirect_dma source(%arg10 : memref<128x64xf32, #tpu.memory_space<vmem>>) target(%dma_start3A_259 : memref<10240x64xf32, #tpu.memory_space<vmem_shared>>) offsets(%dma_start3A_256 : memref<128xi32, #tpu.memory_space<vmem>>) semaphore(%arg21 : memref<!tpu.dma_semaphore, #tpu.memory_space<semaphore_mem>>) {add = true}
        } else {
        }
        %mul3A_190 = arith.constant 5 : i32
        %mul3A_191 = arith.muli %scan3A_174, %mul3A_190 : i32
        %add3A_192 = arith.constant 1 : i32
        %add3A_193 = arith.addi %mul3A_191, %add3A_192 : i32
        %add3A_194 = arith.constant 4 : i32
        %add3A_195 = arith.addi %add3A_193, %add3A_194 : i32
        %lt3A_196 = arith.cmpi slt, %add3A_195, %select_n3A : i32
        %convert_element_type3A_197 = arith.extui %lt3A_196 : i1 to i32
        %cond3A_198 = arith.constant 0 : i32
        %cond3A_199 = arith.cmpi ne, %convert_element_type3A_197, %cond3A_198 : i32
        scf.if %cond3A_199 {
          %ge3A = arith.constant 1 : i32
          %ge3A_247 = arith.cmpi sge, %add3A_193, %ge3A : i32
          %convert_element_type3A_248 = arith.extui %ge3A_247 : i1 to i32
          %cond3A_249 = arith.constant 0 : i32
          %cond3A_250 = arith.cmpi ne, %convert_element_type3A_248, %cond3A_249 : i32
          scf.if %cond3A_250 {
            %dma_wait3A_259 = arith.constant 0 : i32
            %dma_wait3A_260 = arith.constant 0 : i32
            %dma_wait3A_261 = tpu.memref_slice %arg9[%dma_wait3A_259, %dma_wait3A_260] : memref<157x128xi32, #tpu.memory_space<vmem>> -> memref<1x128xi32, #tpu.memory_space<vmem>>
            %dma_wait3A_262 = tpu.memref_squeeze %dma_wait3A_261 : memref<1x128xi32, #tpu.memory_space<vmem>> -> memref<128xi32, #tpu.memory_space<vmem>>
            %dma_wait3A_263 = arith.constant 0 : i32
            %dma_wait3A_264 = arith.constant 0 : i32
            %dma_wait3A_265 = tpu.memref_slice %arg15[%dma_wait3A_263, %dma_wait3A_264] : memref<10240x64xf32, #tpu.memory_space<vmem_shared>> -> memref<10240x64xf32, #tpu.memory_space<vmem_shared>>
            tpu.wait_indirect_dma semaphore(%arg21 : memref<!tpu.dma_semaphore, #tpu.memory_space<semaphore_mem>>) src(%arg10 : memref<128x64xf32, #tpu.memory_space<vmem>>) dst(%dma_wait3A_265 : memref<10240x64xf32, #tpu.memory_space<vmem_shared>>)
          } else {
          }
          %add3A_251 = arith.constant 4 : i32
          %add3A_252 = arith.addi %add3A_193, %add3A_251 : i32
          %dma_start3A_253 = arith.constant 0 : i32
          %dma_start3A_254 = tpu.memref_slice %arg8[%add3A_252, %dma_start3A_253] : memref<157x128xi32, #tpu.memory_space<vmem>> -> memref<1x128xi32, #tpu.memory_space<vmem>>
          %dma_start3A_255 = tpu.memref_squeeze %dma_start3A_254 : memref<1x128xi32, #tpu.memory_space<vmem>> -> memref<128xi32, #tpu.memory_space<vmem>>
          %dma_start3A_256 = arith.constant 0 : i32
          %dma_start3A_257 = arith.constant 0 : i32
          %dma_start3A_258 = tpu.memref_slice %arg2[%dma_start3A_256, %dma_start3A_257] : memref<10000x64xf32, #tpu.memory_space<hbm>> -> memref<10000x64xf32, #tpu.memory_space<hbm>>
          tpu.enqueue_indirect_dma source(%dma_start3A_258 : memref<10000x64xf32, #tpu.memory_space<hbm>>) target(%arg10 : memref<128x64xf32, #tpu.memory_space<vmem>>) offsets(%dma_start3A_255 : memref<128xi32, #tpu.memory_space<vmem>>) semaphore(%arg16 : memref<!tpu.dma_semaphore, #tpu.memory_space<semaphore_mem>>)
        } else {
        }
        %lt3A_200 = arith.cmpi slt, %add3A_193, %select_n3A : i32
        %convert_element_type3A_201 = arith.extui %lt3A_200 : i1 to i32
        %cond3A_202 = arith.constant 0 : i32
        %cond3A_203 = arith.cmpi ne, %convert_element_type3A_201, %cond3A_202 : i32
        scf.if %cond3A_203 {
          %dma_wait3A_247 = arith.constant 0 : i32
          %dma_wait3A_248 = arith.constant 0 : i32
          %dma_wait3A_249 = tpu.memref_slice %arg8[%dma_wait3A_247, %dma_wait3A_248] : memref<157x128xi32, #tpu.memory_space<vmem>> -> memref<1x128xi32, #tpu.memory_space<vmem>>
          %dma_wait3A_250 = tpu.memref_squeeze %dma_wait3A_249 : memref<1x128xi32, #tpu.memory_space<vmem>> -> memref<128xi32, #tpu.memory_space<vmem>>
          %dma_wait3A_251 = arith.constant 0 : i32
          %dma_wait3A_252 = arith.constant 0 : i32
          %dma_wait3A_253 = tpu.memref_slice %arg2[%dma_wait3A_251, %dma_wait3A_252] : memref<10000x64xf32, #tpu.memory_space<hbm>> -> memref<10000x64xf32, #tpu.memory_space<hbm>>
          tpu.wait_indirect_dma semaphore(%arg17 : memref<!tpu.dma_semaphore, #tpu.memory_space<semaphore_mem>>) src(%dma_wait3A_253 : memref<10000x64xf32, #tpu.memory_space<hbm>>) dst(%arg11 : memref<128x64xf32, #tpu.memory_space<vmem>>)
          %dma_start3A_254 = arith.constant 0 : i32
          %dma_start3A_255 = tpu.memref_slice %arg9[%add3A_193, %dma_start3A_254] : memref<157x128xi32, #tpu.memory_space<vmem>> -> memref<1x128xi32, #tpu.memory_space<vmem>>
          %dma_start3A_256 = tpu.memref_squeeze %dma_start3A_255 : memref<1x128xi32, #tpu.memory_space<vmem>> -> memref<128xi32, #tpu.memory_space<vmem>>
          %dma_start3A_257 = arith.constant 0 : i32
          %dma_start3A_258 = arith.constant 0 : i32
          %dma_start3A_259 = tpu.memref_slice %arg15[%dma_start3A_257, %dma_start3A_258] : memref<10240x64xf32, #tpu.memory_space<vmem_shared>> -> memref<10240x64xf32, #tpu.memory_space<vmem_shared>>
          tpu.enqueue_indirect_dma source(%arg11 : memref<128x64xf32, #tpu.memory_space<vmem>>) target(%dma_start3A_259 : memref<10240x64xf32, #tpu.memory_space<vmem_shared>>) offsets(%dma_start3A_256 : memref<128xi32, #tpu.memory_space<vmem>>) semaphore(%arg22 : memref<!tpu.dma_semaphore, #tpu.memory_space<semaphore_mem>>) {add = true}
        } else {
        }
        %mul3A_204 = arith.constant 5 : i32
        %mul3A_205 = arith.muli %scan3A_174, %mul3A_204 : i32
        %add3A_206 = arith.constant 2 : i32
        %add3A_207 = arith.addi %mul3A_205, %add3A_206 : i32
        %add3A_208 = arith.constant 4 : i32
        %add3A_209 = arith.addi %add3A_207, %add3A_208 : i32
        %lt3A_210 = arith.cmpi slt, %add3A_209, %select_n3A : i32
        %convert_element_type3A_211 = arith.extui %lt3A_210 : i1 to i32
        %cond3A_212 = arith.constant 0 : i32
        %cond3A_213 = arith.cmpi ne, %convert_element_type3A_211, %cond3A_212 : i32
        scf.if %cond3A_213 {
          %ge3A = arith.constant 1 : i32
          %ge3A_247 = arith.cmpi sge, %add3A_207, %ge3A : i32
          %convert_element_type3A_248 = arith.extui %ge3A_247 : i1 to i32
          %cond3A_249 = arith.constant 0 : i32
          %cond3A_250 = arith.cmpi ne, %convert_element_type3A_248, %cond3A_249 : i32
          scf.if %cond3A_250 {
            %dma_wait3A_259 = arith.constant 0 : i32
            %dma_wait3A_260 = arith.constant 0 : i32
            %dma_wait3A_261 = tpu.memref_slice %arg9[%dma_wait3A_259, %dma_wait3A_260] : memref<157x128xi32, #tpu.memory_space<vmem>> -> memref<1x128xi32, #tpu.memory_space<vmem>>
            %dma_wait3A_262 = tpu.memref_squeeze %dma_wait3A_261 : memref<1x128xi32, #tpu.memory_space<vmem>> -> memref<128xi32, #tpu.memory_space<vmem>>
            %dma_wait3A_263 = arith.constant 0 : i32
            %dma_wait3A_264 = arith.constant 0 : i32
            %dma_wait3A_265 = tpu.memref_slice %arg15[%dma_wait3A_263, %dma_wait3A_264] : memref<10240x64xf32, #tpu.memory_space<vmem_shared>> -> memref<10240x64xf32, #tpu.memory_space<vmem_shared>>
            tpu.wait_indirect_dma semaphore(%arg22 : memref<!tpu.dma_semaphore, #tpu.memory_space<semaphore_mem>>) src(%arg11 : memref<128x64xf32, #tpu.memory_space<vmem>>) dst(%dma_wait3A_265 : memref<10240x64xf32, #tpu.memory_space<vmem_shared>>)
          } else {
          }
          %add3A_251 = arith.constant 4 : i32
          %add3A_252 = arith.addi %add3A_207, %add3A_251 : i32
          %dma_start3A_253 = arith.constant 0 : i32
          %dma_start3A_254 = tpu.memref_slice %arg8[%add3A_252, %dma_start3A_253] : memref<157x128xi32, #tpu.memory_space<vmem>> -> memref<1x128xi32, #tpu.memory_space<vmem>>
          %dma_start3A_255 = tpu.memref_squeeze %dma_start3A_254 : memref<1x128xi32, #tpu.memory_space<vmem>> -> memref<128xi32, #tpu.memory_space<vmem>>
          %dma_start3A_256 = arith.constant 0 : i32
          %dma_start3A_257 = arith.constant 0 : i32
          %dma_start3A_258 = tpu.memref_slice %arg2[%dma_start3A_256, %dma_start3A_257] : memref<10000x64xf32, #tpu.memory_space<hbm>> -> memref<10000x64xf32, #tpu.memory_space<hbm>>
          tpu.enqueue_indirect_dma source(%dma_start3A_258 : memref<10000x64xf32, #tpu.memory_space<hbm>>) target(%arg11 : memref<128x64xf32, #tpu.memory_space<vmem>>) offsets(%dma_start3A_255 : memref<128xi32, #tpu.memory_space<vmem>>) semaphore(%arg17 : memref<!tpu.dma_semaphore, #tpu.memory_space<semaphore_mem>>)
        } else {
        }
        %lt3A_214 = arith.cmpi slt, %add3A_207, %select_n3A : i32
        %convert_element_type3A_215 = arith.extui %lt3A_214 : i1 to i32
        %cond3A_216 = arith.constant 0 : i32
        %cond3A_217 = arith.cmpi ne, %convert_element_type3A_215, %cond3A_216 : i32
        scf.if %cond3A_217 {
          %dma_wait3A_247 = arith.constant 0 : i32
          %dma_wait3A_248 = arith.constant 0 : i32
          %dma_wait3A_249 = tpu.memref_slice %arg8[%dma_wait3A_247, %dma_wait3A_248] : memref<157x128xi32, #tpu.memory_space<vmem>> -> memref<1x128xi32, #tpu.memory_space<vmem>>
          %dma_wait3A_250 = tpu.memref_squeeze %dma_wait3A_249 : memref<1x128xi32, #tpu.memory_space<vmem>> -> memref<128xi32, #tpu.memory_space<vmem>>
          %dma_wait3A_251 = arith.constant 0 : i32
          %dma_wait3A_252 = arith.constant 0 : i32
          %dma_wait3A_253 = tpu.memref_slice %arg2[%dma_wait3A_251, %dma_wait3A_252] : memref<10000x64xf32, #tpu.memory_space<hbm>> -> memref<10000x64xf32, #tpu.memory_space<hbm>>
          tpu.wait_indirect_dma semaphore(%arg18 : memref<!tpu.dma_semaphore, #tpu.memory_space<semaphore_mem>>) src(%dma_wait3A_253 : memref<10000x64xf32, #tpu.memory_space<hbm>>) dst(%arg12 : memref<128x64xf32, #tpu.memory_space<vmem>>)
          %dma_start3A_254 = arith.constant 0 : i32
          %dma_start3A_255 = tpu.memref_slice %arg9[%add3A_207, %dma_start3A_254] : memref<157x128xi32, #tpu.memory_space<vmem>> -> memref<1x128xi32, #tpu.memory_space<vmem>>
          %dma_start3A_256 = tpu.memref_squeeze %dma_start3A_255 : memref<1x128xi32, #tpu.memory_space<vmem>> -> memref<128xi32, #tpu.memory_space<vmem>>
          %dma_start3A_257 = arith.constant 0 : i32
          %dma_start3A_258 = arith.constant 0 : i32
          %dma_start3A_259 = tpu.memref_slice %arg15[%dma_start3A_257, %dma_start3A_258] : memref<10240x64xf32, #tpu.memory_space<vmem_shared>> -> memref<10240x64xf32, #tpu.memory_space<vmem_shared>>
          tpu.enqueue_indirect_dma source(%arg12 : memref<128x64xf32, #tpu.memory_space<vmem>>) target(%dma_start3A_259 : memref<10240x64xf32, #tpu.memory_space<vmem_shared>>) offsets(%dma_start3A_256 : memref<128xi32, #tpu.memory_space<vmem>>) semaphore(%arg23 : memref<!tpu.dma_semaphore, #tpu.memory_space<semaphore_mem>>) {add = true}
        } else {
        }
        %mul3A_218 = arith.constant 5 : i32
        %mul3A_219 = arith.muli %scan3A_174, %mul3A_218 : i32
        %add3A_220 = arith.constant 3 : i32
        %add3A_221 = arith.addi %mul3A_219, %add3A_220 : i32
        %add3A_222 = arith.constant 4 : i32
        %add3A_223 = arith.addi %add3A_221, %add3A_222 : i32
        %lt3A_224 = arith.cmpi slt, %add3A_223, %select_n3A : i32
        %convert_element_type3A_225 = arith.extui %lt3A_224 : i1 to i32
        %cond3A_226 = arith.constant 0 : i32
        %cond3A_227 = arith.cmpi ne, %convert_element_type3A_225, %cond3A_226 : i32
        scf.if %cond3A_227 {
          %ge3A = arith.constant 1 : i32
          %ge3A_247 = arith.cmpi sge, %add3A_221, %ge3A : i32
          %convert_element_type3A_248 = arith.extui %ge3A_247 : i1 to i32
          %cond3A_249 = arith.constant 0 : i32
          %cond3A_250 = arith.cmpi ne, %convert_element_type3A_248, %cond3A_249 : i32
          scf.if %cond3A_250 {
            %dma_wait3A_259 = arith.constant 0 : i32
            %dma_wait3A_260 = arith.constant 0 : i32
            %dma_wait3A_261 = tpu.memref_slice %arg9[%dma_wait3A_259, %dma_wait3A_260] : memref<157x128xi32, #tpu.memory_space<vmem>> -> memref<1x128xi32, #tpu.memory_space<vmem>>
            %dma_wait3A_262 = tpu.memref_squeeze %dma_wait3A_261 : memref<1x128xi32, #tpu.memory_space<vmem>> -> memref<128xi32, #tpu.memory_space<vmem>>
            %dma_wait3A_263 = arith.constant 0 : i32
            %dma_wait3A_264 = arith.constant 0 : i32
            %dma_wait3A_265 = tpu.memref_slice %arg15[%dma_wait3A_263, %dma_wait3A_264] : memref<10240x64xf32, #tpu.memory_space<vmem_shared>> -> memref<10240x64xf32, #tpu.memory_space<vmem_shared>>
            tpu.wait_indirect_dma semaphore(%arg23 : memref<!tpu.dma_semaphore, #tpu.memory_space<semaphore_mem>>) src(%arg12 : memref<128x64xf32, #tpu.memory_space<vmem>>) dst(%dma_wait3A_265 : memref<10240x64xf32, #tpu.memory_space<vmem_shared>>)
          } else {
          }
          %add3A_251 = arith.constant 4 : i32
          %add3A_252 = arith.addi %add3A_221, %add3A_251 : i32
          %dma_start3A_253 = arith.constant 0 : i32
          %dma_start3A_254 = tpu.memref_slice %arg8[%add3A_252, %dma_start3A_253] : memref<157x128xi32, #tpu.memory_space<vmem>> -> memref<1x128xi32, #tpu.memory_space<vmem>>
          %dma_start3A_255 = tpu.memref_squeeze %dma_start3A_254 : memref<1x128xi32, #tpu.memory_space<vmem>> -> memref<128xi32, #tpu.memory_space<vmem>>
          %dma_start3A_256 = arith.constant 0 : i32
          %dma_start3A_257 = arith.constant 0 : i32
          %dma_start3A_258 = tpu.memref_slice %arg2[%dma_start3A_256, %dma_start3A_257] : memref<10000x64xf32, #tpu.memory_space<hbm>> -> memref<10000x64xf32, #tpu.memory_space<hbm>>
          tpu.enqueue_indirect_dma source(%dma_start3A_258 : memref<10000x64xf32, #tpu.memory_space<hbm>>) target(%arg12 : memref<128x64xf32, #tpu.memory_space<vmem>>) offsets(%dma_start3A_255 : memref<128xi32, #tpu.memory_space<vmem>>) semaphore(%arg18 : memref<!tpu.dma_semaphore, #tpu.memory_space<semaphore_mem>>)
        } else {
        }
        %lt3A_228 = arith.cmpi slt, %add3A_221, %select_n3A : i32
        %convert_element_type3A_229 = arith.extui %lt3A_228 : i1 to i32
        %cond3A_230 = arith.constant 0 : i32
        %cond3A_231 = arith.cmpi ne, %convert_element_type3A_229, %cond3A_230 : i32
        scf.if %cond3A_231 {
          %dma_wait3A_247 = arith.constant 0 : i32
          %dma_wait3A_248 = arith.constant 0 : i32
          %dma_wait3A_249 = tpu.memref_slice %arg8[%dma_wait3A_247, %dma_wait3A_248] : memref<157x128xi32, #tpu.memory_space<vmem>> -> memref<1x128xi32, #tpu.memory_space<vmem>>
          %dma_wait3A_250 = tpu.memref_squeeze %dma_wait3A_249 : memref<1x128xi32, #tpu.memory_space<vmem>> -> memref<128xi32, #tpu.memory_space<vmem>>
          %dma_wait3A_251 = arith.constant 0 : i32
          %dma_wait3A_252 = arith.constant 0 : i32
          %dma_wait3A_253 = tpu.memref_slice %arg2[%dma_wait3A_251, %dma_wait3A_252] : memref<10000x64xf32, #tpu.memory_space<hbm>> -> memref<10000x64xf32, #tpu.memory_space<hbm>>
          tpu.wait_indirect_dma semaphore(%arg19 : memref<!tpu.dma_semaphore, #tpu.memory_space<semaphore_mem>>) src(%dma_wait3A_253 : memref<10000x64xf32, #tpu.memory_space<hbm>>) dst(%arg13 : memref<128x64xf32, #tpu.memory_space<vmem>>)
          %dma_start3A_254 = arith.constant 0 : i32
          %dma_start3A_255 = tpu.memref_slice %arg9[%add3A_221, %dma_start3A_254] : memref<157x128xi32, #tpu.memory_space<vmem>> -> memref<1x128xi32, #tpu.memory_space<vmem>>
          %dma_start3A_256 = tpu.memref_squeeze %dma_start3A_255 : memref<1x128xi32, #tpu.memory_space<vmem>> -> memref<128xi32, #tpu.memory_space<vmem>>
          %dma_start3A_257 = arith.constant 0 : i32
          %dma_start3A_258 = arith.constant 0 : i32
          %dma_start3A_259 = tpu.memref_slice %arg15[%dma_start3A_257, %dma_start3A_258] : memref<10240x64xf32, #tpu.memory_space<vmem_shared>> -> memref<10240x64xf32, #tpu.memory_space<vmem_shared>>
          tpu.enqueue_indirect_dma source(%arg13 : memref<128x64xf32, #tpu.memory_space<vmem>>) target(%dma_start3A_259 : memref<10240x64xf32, #tpu.memory_space<vmem_shared>>) offsets(%dma_start3A_256 : memref<128xi32, #tpu.memory_space<vmem>>) semaphore(%arg24 : memref<!tpu.dma_semaphore, #tpu.memory_space<semaphore_mem>>) {add = true}
        } else {
        }
        %mul3A_232 = arith.constant 5 : i32
        %mul3A_233 = arith.muli %scan3A_174, %mul3A_232 : i32
        %add3A_234 = arith.constant 4 : i32
        %add3A_235 = arith.addi %mul3A_233, %add3A_234 : i32
        %add3A_236 = arith.constant 4 : i32
        %add3A_237 = arith.addi %add3A_235, %add3A_236 : i32
        %lt3A_238 = arith.cmpi slt, %add3A_237, %select_n3A : i32
        %convert_element_type3A_239 = arith.extui %lt3A_238 : i1 to i32
        %cond3A_240 = arith.constant 0 : i32
        %cond3A_241 = arith.cmpi ne, %convert_element_type3A_239, %cond3A_240 : i32
        scf.if %cond3A_241 {
          %ge3A = arith.constant 1 : i32
          %ge3A_247 = arith.cmpi sge, %add3A_235, %ge3A : i32
          %convert_element_type3A_248 = arith.extui %ge3A_247 : i1 to i32
          %cond3A_249 = arith.constant 0 : i32
          %cond3A_250 = arith.cmpi ne, %convert_element_type3A_248, %cond3A_249 : i32
          scf.if %cond3A_250 {
            %dma_wait3A_259 = arith.constant 0 : i32
            %dma_wait3A_260 = arith.constant 0 : i32
            %dma_wait3A_261 = tpu.memref_slice %arg9[%dma_wait3A_259, %dma_wait3A_260] : memref<157x128xi32, #tpu.memory_space<vmem>> -> memref<1x128xi32, #tpu.memory_space<vmem>>
            %dma_wait3A_262 = tpu.memref_squeeze %dma_wait3A_261 : memref<1x128xi32, #tpu.memory_space<vmem>> -> memref<128xi32, #tpu.memory_space<vmem>>
            %dma_wait3A_263 = arith.constant 0 : i32
            %dma_wait3A_264 = arith.constant 0 : i32
            %dma_wait3A_265 = tpu.memref_slice %arg15[%dma_wait3A_263, %dma_wait3A_264] : memref<10240x64xf32, #tpu.memory_space<vmem_shared>> -> memref<10240x64xf32, #tpu.memory_space<vmem_shared>>
            tpu.wait_indirect_dma semaphore(%arg24 : memref<!tpu.dma_semaphore, #tpu.memory_space<semaphore_mem>>) src(%arg13 : memref<128x64xf32, #tpu.memory_space<vmem>>) dst(%dma_wait3A_265 : memref<10240x64xf32, #tpu.memory_space<vmem_shared>>)
          } else {
          }
          %add3A_251 = arith.constant 4 : i32
          %add3A_252 = arith.addi %add3A_235, %add3A_251 : i32
          %dma_start3A_253 = arith.constant 0 : i32
          %dma_start3A_254 = tpu.memref_slice %arg8[%add3A_252, %dma_start3A_253] : memref<157x128xi32, #tpu.memory_space<vmem>> -> memref<1x128xi32, #tpu.memory_space<vmem>>
          %dma_start3A_255 = tpu.memref_squeeze %dma_start3A_254 : memref<1x128xi32, #tpu.memory_space<vmem>> -> memref<128xi32, #tpu.memory_space<vmem>>
          %dma_start3A_256 = arith.constant 0 : i32
          %dma_start3A_257 = arith.constant 0 : i32
          %dma_start3A_258 = tpu.memref_slice %arg2[%dma_start3A_256, %dma_start3A_257] : memref<10000x64xf32, #tpu.memory_space<hbm>> -> memref<10000x64xf32, #tpu.memory_space<hbm>>
          tpu.enqueue_indirect_dma source(%dma_start3A_258 : memref<10000x64xf32, #tpu.memory_space<hbm>>) target(%arg13 : memref<128x64xf32, #tpu.memory_space<vmem>>) offsets(%dma_start3A_255 : memref<128xi32, #tpu.memory_space<vmem>>) semaphore(%arg19 : memref<!tpu.dma_semaphore, #tpu.memory_space<semaphore_mem>>)
        } else {
        }
        %lt3A_242 = arith.cmpi slt, %add3A_235, %select_n3A : i32
        %convert_element_type3A_243 = arith.extui %lt3A_242 : i1 to i32
        %cond3A_244 = arith.constant 0 : i32
        %cond3A_245 = arith.cmpi ne, %convert_element_type3A_243, %cond3A_244 : i32
        scf.if %cond3A_245 {
          %dma_wait3A_247 = arith.constant 0 : i32
          %dma_wait3A_248 = arith.constant 0 : i32
          %dma_wait3A_249 = tpu.memref_slice %arg8[%dma_wait3A_247, %dma_wait3A_248] : memref<157x128xi32, #tpu.memory_space<vmem>> -> memref<1x128xi32, #tpu.memory_space<vmem>>
          %dma_wait3A_250 = tpu.memref_squeeze %dma_wait3A_249 : memref<1x128xi32, #tpu.memory_space<vmem>> -> memref<128xi32, #tpu.memory_space<vmem>>
          %dma_wait3A_251 = arith.constant 0 : i32
          %dma_wait3A_252 = arith.constant 0 : i32
          %dma_wait3A_253 = tpu.memref_slice %arg2[%dma_wait3A_251, %dma_wait3A_252] : memref<10000x64xf32, #tpu.memory_space<hbm>> -> memref<10000x64xf32, #tpu.memory_space<hbm>>
          tpu.wait_indirect_dma semaphore(%arg20 : memref<!tpu.dma_semaphore, #tpu.memory_space<semaphore_mem>>) src(%dma_wait3A_253 : memref<10000x64xf32, #tpu.memory_space<hbm>>) dst(%arg14 : memref<128x64xf32, #tpu.memory_space<vmem>>)
          %dma_start3A_254 = arith.constant 0 : i32
          %dma_start3A_255 = tpu.memref_slice %arg9[%add3A_235, %dma_start3A_254] : memref<157x128xi32, #tpu.memory_space<vmem>> -> memref<1x128xi32, #tpu.memory_space<vmem>>
          %dma_start3A_256 = tpu.memref_squeeze %dma_start3A_255 : memref<1x128xi32, #tpu.memory_space<vmem>> -> memref<128xi32, #tpu.memory_space<vmem>>
          %dma_start3A_257 = arith.constant 0 : i32
          %dma_start3A_258 = arith.constant 0 : i32
          %dma_start3A_259 = tpu.memref_slice %arg15[%dma_start3A_257, %dma_start3A_258] : memref<10240x64xf32, #tpu.memory_space<vmem_shared>> -> memref<10240x64xf32, #tpu.memory_space<vmem_shared>>
          tpu.enqueue_indirect_dma source(%arg14 : memref<128x64xf32, #tpu.memory_space<vmem>>) target(%dma_start3A_259 : memref<10240x64xf32, #tpu.memory_space<vmem_shared>>) offsets(%dma_start3A_256 : memref<128xi32, #tpu.memory_space<vmem>>) semaphore(%arg25 : memref<!tpu.dma_semaphore, #tpu.memory_space<semaphore_mem>>) {add = true}
        } else {
        }
        %scan3A_246 = arith.constant 0 : i32
        scf.yield %scan3A_246 : i32
      }
      %scan3A_138 = arith.constant 32 : i32
      %dma_wait3A_139 = arith.constant 0 : i32
      %dma_wait3A_140 = arith.constant 0 : i32
      %dma_wait3A_141 = tpu.memref_slice %arg9[%dma_wait3A_139, %dma_wait3A_140] : memref<157x128xi32, #tpu.memory_space<vmem>> -> memref<1x128xi32, #tpu.memory_space<vmem>>
      %dma_wait3A_142 = tpu.memref_squeeze %dma_wait3A_141 : memref<1x128xi32, #tpu.memory_space<vmem>> -> memref<128xi32, #tpu.memory_space<vmem>>
      %dma_wait3A_143 = arith.constant 0 : i32
      %dma_wait3A_144 = arith.constant 0 : i32
      %dma_wait3A_145 = tpu.memref_slice %arg15[%dma_wait3A_143, %dma_wait3A_144] : memref<10240x64xf32, #tpu.memory_space<vmem_shared>> -> memref<10240x64xf32, #tpu.memory_space<vmem_shared>>
      tpu.wait_indirect_dma semaphore(%arg21 : memref<!tpu.dma_semaphore, #tpu.memory_space<semaphore_mem>>) src(%arg10 : memref<128x64xf32, #tpu.memory_space<vmem>>) dst(%dma_wait3A_145 : memref<10240x64xf32, #tpu.memory_space<vmem_shared>>)
      %dma_wait3A_146 = arith.constant 0 : i32
      %dma_wait3A_147 = arith.constant 0 : i32
      %dma_wait3A_148 = tpu.memref_slice %arg9[%dma_wait3A_146, %dma_wait3A_147] : memref<157x128xi32, #tpu.memory_space<vmem>> -> memref<1x128xi32, #tpu.memory_space<vmem>>
      %dma_wait3A_149 = tpu.memref_squeeze %dma_wait3A_148 : memref<1x128xi32, #tpu.memory_space<vmem>> -> memref<128xi32, #tpu.memory_space<vmem>>
      %dma_wait3A_150 = arith.constant 0 : i32
      %dma_wait3A_151 = arith.constant 0 : i32
      %dma_wait3A_152 = tpu.memref_slice %arg15[%dma_wait3A_150, %dma_wait3A_151] : memref<10240x64xf32, #tpu.memory_space<vmem_shared>> -> memref<10240x64xf32, #tpu.memory_space<vmem_shared>>
      tpu.wait_indirect_dma semaphore(%arg22 : memref<!tpu.dma_semaphore, #tpu.memory_space<semaphore_mem>>) src(%arg11 : memref<128x64xf32, #tpu.memory_space<vmem>>) dst(%dma_wait3A_152 : memref<10240x64xf32, #tpu.memory_space<vmem_shared>>)
      %dma_wait3A_153 = arith.constant 0 : i32
      %dma_wait3A_154 = arith.constant 0 : i32
      %dma_wait3A_155 = tpu.memref_slice %arg9[%dma_wait3A_153, %dma_wait3A_154] : memref<157x128xi32, #tpu.memory_space<vmem>> -> memref<1x128xi32, #tpu.memory_space<vmem>>
      %dma_wait3A_156 = tpu.memref_squeeze %dma_wait3A_155 : memref<1x128xi32, #tpu.memory_space<vmem>> -> memref<128xi32, #tpu.memory_space<vmem>>
      %dma_wait3A_157 = arith.constant 0 : i32
      %dma_wait3A_158 = arith.constant 0 : i32
      %dma_wait3A_159 = tpu.memref_slice %arg15[%dma_wait3A_157, %dma_wait3A_158] : memref<10240x64xf32, #tpu.memory_space<vmem_shared>> -> memref<10240x64xf32, #tpu.memory_space<vmem_shared>>
      tpu.wait_indirect_dma semaphore(%arg23 : memref<!tpu.dma_semaphore, #tpu.memory_space<semaphore_mem>>) src(%arg12 : memref<128x64xf32, #tpu.memory_space<vmem>>) dst(%dma_wait3A_159 : memref<10240x64xf32, #tpu.memory_space<vmem_shared>>)
      %dma_wait3A_160 = arith.constant 0 : i32
      %dma_wait3A_161 = arith.constant 0 : i32
      %dma_wait3A_162 = tpu.memref_slice %arg9[%dma_wait3A_160, %dma_wait3A_161] : memref<157x128xi32, #tpu.memory_space<vmem>> -> memref<1x128xi32, #tpu.memory_space<vmem>>
      %dma_wait3A_163 = tpu.memref_squeeze %dma_wait3A_162 : memref<1x128xi32, #tpu.memory_space<vmem>> -> memref<128xi32, #tpu.memory_space<vmem>>
      %dma_wait3A_164 = arith.constant 0 : i32
      %dma_wait3A_165 = arith.constant 0 : i32
      %dma_wait3A_166 = tpu.memref_slice %arg15[%dma_wait3A_164, %dma_wait3A_165] : memref<10240x64xf32, #tpu.memory_space<vmem_shared>> -> memref<10240x64xf32, #tpu.memory_space<vmem_shared>>
      tpu.wait_indirect_dma semaphore(%arg24 : memref<!tpu.dma_semaphore, #tpu.memory_space<semaphore_mem>>) src(%arg13 : memref<128x64xf32, #tpu.memory_space<vmem>>) dst(%dma_wait3A_166 : memref<10240x64xf32, #tpu.memory_space<vmem_shared>>)
      %dma_wait3A_167 = arith.constant 0 : i32
      %dma_wait3A_168 = arith.constant 0 : i32
      %dma_wait3A_169 = tpu.memref_slice %arg9[%dma_wait3A_167, %dma_wait3A_168] : memref<157x128xi32, #tpu.memory_space<vmem>> -> memref<1x128xi32, #tpu.memory_space<vmem>>
      %dma_wait3A_170 = tpu.memref_squeeze %dma_wait3A_169 : memref<1x128xi32, #tpu.memory_space<vmem>> -> memref<128xi32, #tpu.memory_space<vmem>>
      %dma_wait3A_171 = arith.constant 0 : i32
      %dma_wait3A_172 = arith.constant 0 : i32
      %dma_wait3A_173 = tpu.memref_slice %arg15[%dma_wait3A_171, %dma_wait3A_172] : memref<10240x64xf32, #tpu.memory_space<vmem_shared>> -> memref<10240x64xf32, #tpu.memory_space<vmem_shared>>
      tpu.wait_indirect_dma semaphore(%arg25 : memref<!tpu.dma_semaphore, #tpu.memory_space<semaphore_mem>>) src(%arg14 : memref<128x64xf32, #tpu.memory_space<vmem>>) dst(%dma_wait3A_173 : memref<10240x64xf32, #tpu.memory_space<vmem_shared>>)
    } else {
    }
    %eq3A_88 = arith.constant 1 : i32
    %eq3A_89 = arith.cmpi eq, %arg0, %eq3A_88 : i32
    %convert_element_type3A_90 = arith.extui %eq3A_89 : i1 to i32
    %cond3A_91 = arith.constant 0 : i32
    %cond3A_92 = arith.cmpi ne, %convert_element_type3A_90, %cond3A_91 : i32
    scf.if %cond3A_92 {
      %dma_start3A_104 = arith.constant 0 : i32
      %dma_start3A_105 = arith.constant 0 : i32
      %dma_start3A_106 = tpu.memref_slice %arg8[%dma_start3A_104, %dma_start3A_105] : memref<157x128xi32, #tpu.memory_space<vmem>> -> memref<1x128xi32, #tpu.memory_space<vmem>>
      %dma_start3A_107 = tpu.memref_squeeze %dma_start3A_106 : memref<1x128xi32, #tpu.memory_space<vmem>> -> memref<128xi32, #tpu.memory_space<vmem>>
      %dma_start3A_108 = arith.constant 0 : i32
      %dma_start3A_109 = arith.constant 0 : i32
      %dma_start3A_110 = tpu.memref_slice %arg3[%dma_start3A_108, %dma_start3A_109] : memref<10000x64xf32, #tpu.memory_space<hbm>> -> memref<10000x64xf32, #tpu.memory_space<hbm>>
      tpu.enqueue_indirect_dma source(%dma_start3A_110 : memref<10000x64xf32, #tpu.memory_space<hbm>>) target(%arg10 : memref<128x64xf32, #tpu.memory_space<vmem>>) offsets(%dma_start3A_107 : memref<128xi32, #tpu.memory_space<vmem>>) semaphore(%arg16 : memref<!tpu.dma_semaphore, #tpu.memory_space<semaphore_mem>>)
      %dma_start3A_111 = arith.constant 1 : i32
      %dma_start3A_112 = arith.constant 0 : i32
      %dma_start3A_113 = tpu.memref_slice %arg8[%dma_start3A_111, %dma_start3A_112] : memref<157x128xi32, #tpu.memory_space<vmem>> -> memref<1x128xi32, #tpu.memory_space<vmem>>
      %dma_start3A_114 = tpu.memref_squeeze %dma_start3A_113 : memref<1x128xi32, #tpu.memory_space<vmem>> -> memref<128xi32, #tpu.memory_space<vmem>>
      %dma_start3A_115 = arith.constant 0 : i32
      %dma_start3A_116 = arith.constant 0 : i32
      %dma_start3A_117 = tpu.memref_slice %arg3[%dma_start3A_115, %dma_start3A_116] : memref<10000x64xf32, #tpu.memory_space<hbm>> -> memref<10000x64xf32, #tpu.memory_space<hbm>>
      tpu.enqueue_indirect_dma source(%dma_start3A_117 : memref<10000x64xf32, #tpu.memory_space<hbm>>) target(%arg11 : memref<128x64xf32, #tpu.memory_space<vmem>>) offsets(%dma_start3A_114 : memref<128xi32, #tpu.memory_space<vmem>>) semaphore(%arg17 : memref<!tpu.dma_semaphore, #tpu.memory_space<semaphore_mem>>)
      %dma_start3A_118 = arith.constant 2 : i32
      %dma_start3A_119 = arith.constant 0 : i32
      %dma_start3A_120 = tpu.memref_slice %arg8[%dma_start3A_118, %dma_start3A_119] : memref<157x128xi32, #tpu.memory_space<vmem>> -> memref<1x128xi32, #tpu.memory_space<vmem>>
      %dma_start3A_121 = tpu.memref_squeeze %dma_start3A_120 : memref<1x128xi32, #tpu.memory_space<vmem>> -> memref<128xi32, #tpu.memory_space<vmem>>
      %dma_start3A_122 = arith.constant 0 : i32
      %dma_start3A_123 = arith.constant 0 : i32
      %dma_start3A_124 = tpu.memref_slice %arg3[%dma_start3A_122, %dma_start3A_123] : memref<10000x64xf32, #tpu.memory_space<hbm>> -> memref<10000x64xf32, #tpu.memory_space<hbm>>
      tpu.enqueue_indirect_dma source(%dma_start3A_124 : memref<10000x64xf32, #tpu.memory_space<hbm>>) target(%arg12 : memref<128x64xf32, #tpu.memory_space<vmem>>) offsets(%dma_start3A_121 : memref<128xi32, #tpu.memory_space<vmem>>) semaphore(%arg18 : memref<!tpu.dma_semaphore, #tpu.memory_space<semaphore_mem>>)
      %dma_start3A_125 = arith.constant 3 : i32
      %dma_start3A_126 = arith.constant 0 : i32
      %dma_start3A_127 = tpu.memref_slice %arg8[%dma_start3A_125, %dma_start3A_126] : memref<157x128xi32, #tpu.memory_space<vmem>> -> memref<1x128xi32, #tpu.memory_space<vmem>>
      %dma_start3A_128 = tpu.memref_squeeze %dma_start3A_127 : memref<1x128xi32, #tpu.memory_space<vmem>> -> memref<128xi32, #tpu.memory_space<vmem>>
      %dma_start3A_129 = arith.constant 0 : i32
      %dma_start3A_130 = arith.constant 0 : i32
      %dma_start3A_131 = tpu.memref_slice %arg3[%dma_start3A_129, %dma_start3A_130] : memref<10000x64xf32, #tpu.memory_space<hbm>> -> memref<10000x64xf32, #tpu.memory_space<hbm>>
      tpu.enqueue_indirect_dma source(%dma_start3A_131 : memref<10000x64xf32, #tpu.memory_space<hbm>>) target(%arg13 : memref<128x64xf32, #tpu.memory_space<vmem>>) offsets(%dma_start3A_128 : memref<128xi32, #tpu.memory_space<vmem>>) semaphore(%arg19 : memref<!tpu.dma_semaphore, #tpu.memory_space<semaphore_mem>>)
      %scan3A_132 = arith.constant 0 : i32
      %scan3A_133 = arith.constant 0 : i32
      %scan3A_134 = arith.constant 32 : i32
      %scan3A_135 = arith.addi %scan3A_133, %scan3A_134 : i32
      %scan3A_136 = arith.constant 1 : i32
      %scan3A_137 = scf.for %scan3A_174 = %scan3A_133 to %scan3A_135 step %scan3A_136 iter_args(%scan3A_175 = %scan3A_132) -> (i32)  : i32 {
        %mul3A_176 = arith.constant 5 : i32
        %mul3A_177 = arith.muli %scan3A_174, %mul3A_176 : i32
        %add3A_178 = arith.constant 0 : i32
        %add3A_179 = arith.addi %mul3A_177, %add3A_178 : i32
        %add3A_180 = arith.constant 4 : i32
        %add3A_181 = arith.addi %add3A_179, %add3A_180 : i32
        %lt3A_182 = arith.cmpi slt, %add3A_181, %select_n3A : i32
        %convert_element_type3A_183 = arith.extui %lt3A_182 : i1 to i32
        %cond3A_184 = arith.constant 0 : i32
        %cond3A_185 = arith.cmpi ne, %convert_element_type3A_183, %cond3A_184 : i32
        scf.if %cond3A_185 {
          %ge3A = arith.constant 1 : i32
          %ge3A_247 = arith.cmpi sge, %add3A_179, %ge3A : i32
          %convert_element_type3A_248 = arith.extui %ge3A_247 : i1 to i32
          %cond3A_249 = arith.constant 0 : i32
          %cond3A_250 = arith.cmpi ne, %convert_element_type3A_248, %cond3A_249 : i32
          scf.if %cond3A_250 {
            %dma_wait3A_259 = arith.constant 0 : i32
            %dma_wait3A_260 = arith.constant 0 : i32
            %dma_wait3A_261 = tpu.memref_slice %arg9[%dma_wait3A_259, %dma_wait3A_260] : memref<157x128xi32, #tpu.memory_space<vmem>> -> memref<1x128xi32, #tpu.memory_space<vmem>>
            %dma_wait3A_262 = tpu.memref_squeeze %dma_wait3A_261 : memref<1x128xi32, #tpu.memory_space<vmem>> -> memref<128xi32, #tpu.memory_space<vmem>>
            %dma_wait3A_263 = arith.constant 0 : i32
            %dma_wait3A_264 = arith.constant 0 : i32
            %dma_wait3A_265 = tpu.memref_slice %arg15[%dma_wait3A_263, %dma_wait3A_264] : memref<10240x64xf32, #tpu.memory_space<vmem_shared>> -> memref<10240x64xf32, #tpu.memory_space<vmem_shared>>
            tpu.wait_indirect_dma semaphore(%arg25 : memref<!tpu.dma_semaphore, #tpu.memory_space<semaphore_mem>>) src(%arg14 : memref<128x64xf32, #tpu.memory_space<vmem>>) dst(%dma_wait3A_265 : memref<10240x64xf32, #tpu.memory_space<vmem_shared>>)
          } else {
          }
          %add3A_251 = arith.constant 4 : i32
          %add3A_252 = arith.addi %add3A_179, %add3A_251 : i32
          %dma_start3A_253 = arith.constant 0 : i32
          %dma_start3A_254 = tpu.memref_slice %arg8[%add3A_252, %dma_start3A_253] : memref<157x128xi32, #tpu.memory_space<vmem>> -> memref<1x128xi32, #tpu.memory_space<vmem>>
          %dma_start3A_255 = tpu.memref_squeeze %dma_start3A_254 : memref<1x128xi32, #tpu.memory_space<vmem>> -> memref<128xi32, #tpu.memory_space<vmem>>
          %dma_start3A_256 = arith.constant 0 : i32
          %dma_start3A_257 = arith.constant 0 : i32
          %dma_start3A_258 = tpu.memref_slice %arg3[%dma_start3A_256, %dma_start3A_257] : memref<10000x64xf32, #tpu.memory_space<hbm>> -> memref<10000x64xf32, #tpu.memory_space<hbm>>
          tpu.enqueue_indirect_dma source(%dma_start3A_258 : memref<10000x64xf32, #tpu.memory_space<hbm>>) target(%arg14 : memref<128x64xf32, #tpu.memory_space<vmem>>) offsets(%dma_start3A_255 : memref<128xi32, #tpu.memory_space<vmem>>) semaphore(%arg20 : memref<!tpu.dma_semaphore, #tpu.memory_space<semaphore_mem>>)
        } else {
        }
        %lt3A_186 = arith.cmpi slt, %add3A_179, %select_n3A : i32
        %convert_element_type3A_187 = arith.extui %lt3A_186 : i1 to i32
        %cond3A_188 = arith.constant 0 : i32
        %cond3A_189 = arith.cmpi ne, %convert_element_type3A_187, %cond3A_188 : i32
        scf.if %cond3A_189 {
          %dma_wait3A_247 = arith.constant 0 : i32
          %dma_wait3A_248 = arith.constant 0 : i32
          %dma_wait3A_249 = tpu.memref_slice %arg8[%dma_wait3A_247, %dma_wait3A_248] : memref<157x128xi32, #tpu.memory_space<vmem>> -> memref<1x128xi32, #tpu.memory_space<vmem>>
          %dma_wait3A_250 = tpu.memref_squeeze %dma_wait3A_249 : memref<1x128xi32, #tpu.memory_space<vmem>> -> memref<128xi32, #tpu.memory_space<vmem>>
          %dma_wait3A_251 = arith.constant 0 : i32
          %dma_wait3A_252 = arith.constant 0 : i32
          %dma_wait3A_253 = tpu.memref_slice %arg3[%dma_wait3A_251, %dma_wait3A_252] : memref<10000x64xf32, #tpu.memory_space<hbm>> -> memref<10000x64xf32, #tpu.memory_space<hbm>>
          tpu.wait_indirect_dma semaphore(%arg16 : memref<!tpu.dma_semaphore, #tpu.memory_space<semaphore_mem>>) src(%dma_wait3A_253 : memref<10000x64xf32, #tpu.memory_space<hbm>>) dst(%arg10 : memref<128x64xf32, #tpu.memory_space<vmem>>)
          %dma_start3A_254 = arith.constant 0 : i32
          %dma_start3A_255 = tpu.memref_slice %arg9[%add3A_179, %dma_start3A_254] : memref<157x128xi32, #tpu.memory_space<vmem>> -> memref<1x128xi32, #tpu.memory_space<vmem>>
          %dma_start3A_256 = tpu.memref_squeeze %dma_start3A_255 : memref<1x128xi32, #tpu.memory_space<vmem>> -> memref<128xi32, #tpu.memory_space<vmem>>
          %dma_start3A_257 = arith.constant 0 : i32
          %dma_start3A_258 = arith.constant 0 : i32
          %dma_start3A_259 = tpu.memref_slice %arg15[%dma_start3A_257, %dma_start3A_258] : memref<10240x64xf32, #tpu.memory_space<vmem_shared>> -> memref<10240x64xf32, #tpu.memory_space<vmem_shared>>
          tpu.enqueue_indirect_dma source(%arg10 : memref<128x64xf32, #tpu.memory_space<vmem>>) target(%dma_start3A_259 : memref<10240x64xf32, #tpu.memory_space<vmem_shared>>) offsets(%dma_start3A_256 : memref<128xi32, #tpu.memory_space<vmem>>) semaphore(%arg21 : memref<!tpu.dma_semaphore, #tpu.memory_space<semaphore_mem>>) {add = true}
        } else {
        }
        %mul3A_190 = arith.constant 5 : i32
        %mul3A_191 = arith.muli %scan3A_174, %mul3A_190 : i32
        %add3A_192 = arith.constant 1 : i32
        %add3A_193 = arith.addi %mul3A_191, %add3A_192 : i32
        %add3A_194 = arith.constant 4 : i32
        %add3A_195 = arith.addi %add3A_193, %add3A_194 : i32
        %lt3A_196 = arith.cmpi slt, %add3A_195, %select_n3A : i32
        %convert_element_type3A_197 = arith.extui %lt3A_196 : i1 to i32
        %cond3A_198 = arith.constant 0 : i32
        %cond3A_199 = arith.cmpi ne, %convert_element_type3A_197, %cond3A_198 : i32
        scf.if %cond3A_199 {
          %ge3A = arith.constant 1 : i32
          %ge3A_247 = arith.cmpi sge, %add3A_193, %ge3A : i32
          %convert_element_type3A_248 = arith.extui %ge3A_247 : i1 to i32
          %cond3A_249 = arith.constant 0 : i32
          %cond3A_250 = arith.cmpi ne, %convert_element_type3A_248, %cond3A_249 : i32
          scf.if %cond3A_250 {
            %dma_wait3A_259 = arith.constant 0 : i32
            %dma_wait3A_260 = arith.constant 0 : i32
            %dma_wait3A_261 = tpu.memref_slice %arg9[%dma_wait3A_259, %dma_wait3A_260] : memref<157x128xi32, #tpu.memory_space<vmem>> -> memref<1x128xi32, #tpu.memory_space<vmem>>
            %dma_wait3A_262 = tpu.memref_squeeze %dma_wait3A_261 : memref<1x128xi32, #tpu.memory_space<vmem>> -> memref<128xi32, #tpu.memory_space<vmem>>
            %dma_wait3A_263 = arith.constant 0 : i32
            %dma_wait3A_264 = arith.constant 0 : i32
            %dma_wait3A_265 = tpu.memref_slice %arg15[%dma_wait3A_263, %dma_wait3A_264] : memref<10240x64xf32, #tpu.memory_space<vmem_shared>> -> memref<10240x64xf32, #tpu.memory_space<vmem_shared>>
            tpu.wait_indirect_dma semaphore(%arg21 : memref<!tpu.dma_semaphore, #tpu.memory_space<semaphore_mem>>) src(%arg10 : memref<128x64xf32, #tpu.memory_space<vmem>>) dst(%dma_wait3A_265 : memref<10240x64xf32, #tpu.memory_space<vmem_shared>>)
          } else {
          }
          %add3A_251 = arith.constant 4 : i32
          %add3A_252 = arith.addi %add3A_193, %add3A_251 : i32
          %dma_start3A_253 = arith.constant 0 : i32
          %dma_start3A_254 = tpu.memref_slice %arg8[%add3A_252, %dma_start3A_253] : memref<157x128xi32, #tpu.memory_space<vmem>> -> memref<1x128xi32, #tpu.memory_space<vmem>>
          %dma_start3A_255 = tpu.memref_squeeze %dma_start3A_254 : memref<1x128xi32, #tpu.memory_space<vmem>> -> memref<128xi32, #tpu.memory_space<vmem>>
          %dma_start3A_256 = arith.constant 0 : i32
          %dma_start3A_257 = arith.constant 0 : i32
          %dma_start3A_258 = tpu.memref_slice %arg3[%dma_start3A_256, %dma_start3A_257] : memref<10000x64xf32, #tpu.memory_space<hbm>> -> memref<10000x64xf32, #tpu.memory_space<hbm>>
          tpu.enqueue_indirect_dma source(%dma_start3A_258 : memref<10000x64xf32, #tpu.memory_space<hbm>>) target(%arg10 : memref<128x64xf32, #tpu.memory_space<vmem>>) offsets(%dma_start3A_255 : memref<128xi32, #tpu.memory_space<vmem>>) semaphore(%arg16 : memref<!tpu.dma_semaphore, #tpu.memory_space<semaphore_mem>>)
        } else {
        }
        %lt3A_200 = arith.cmpi slt, %add3A_193, %select_n3A : i32
        %convert_element_type3A_201 = arith.extui %lt3A_200 : i1 to i32
        %cond3A_202 = arith.constant 0 : i32
        %cond3A_203 = arith.cmpi ne, %convert_element_type3A_201, %cond3A_202 : i32
        scf.if %cond3A_203 {
          %dma_wait3A_247 = arith.constant 0 : i32
          %dma_wait3A_248 = arith.constant 0 : i32
          %dma_wait3A_249 = tpu.memref_slice %arg8[%dma_wait3A_247, %dma_wait3A_248] : memref<157x128xi32, #tpu.memory_space<vmem>> -> memref<1x128xi32, #tpu.memory_space<vmem>>
          %dma_wait3A_250 = tpu.memref_squeeze %dma_wait3A_249 : memref<1x128xi32, #tpu.memory_space<vmem>> -> memref<128xi32, #tpu.memory_space<vmem>>
          %dma_wait3A_251 = arith.constant 0 : i32
          %dma_wait3A_252 = arith.constant 0 : i32
          %dma_wait3A_253 = tpu.memref_slice %arg3[%dma_wait3A_251, %dma_wait3A_252] : memref<10000x64xf32, #tpu.memory_space<hbm>> -> memref<10000x64xf32, #tpu.memory_space<hbm>>
          tpu.wait_indirect_dma semaphore(%arg17 : memref<!tpu.dma_semaphore, #tpu.memory_space<semaphore_mem>>) src(%dma_wait3A_253 : memref<10000x64xf32, #tpu.memory_space<hbm>>) dst(%arg11 : memref<128x64xf32, #tpu.memory_space<vmem>>)
          %dma_start3A_254 = arith.constant 0 : i32
          %dma_start3A_255 = tpu.memref_slice %arg9[%add3A_193, %dma_start3A_254] : memref<157x128xi32, #tpu.memory_space<vmem>> -> memref<1x128xi32, #tpu.memory_space<vmem>>
          %dma_start3A_256 = tpu.memref_squeeze %dma_start3A_255 : memref<1x128xi32, #tpu.memory_space<vmem>> -> memref<128xi32, #tpu.memory_space<vmem>>
          %dma_start3A_257 = arith.constant 0 : i32
          %dma_start3A_258 = arith.constant 0 : i32
          %dma_start3A_259 = tpu.memref_slice %arg15[%dma_start3A_257, %dma_start3A_258] : memref<10240x64xf32, #tpu.memory_space<vmem_shared>> -> memref<10240x64xf32, #tpu.memory_space<vmem_shared>>
          tpu.enqueue_indirect_dma source(%arg11 : memref<128x64xf32, #tpu.memory_space<vmem>>) target(%dma_start3A_259 : memref<10240x64xf32, #tpu.memory_space<vmem_shared>>) offsets(%dma_start3A_256 : memref<128xi32, #tpu.memory_space<vmem>>) semaphore(%arg22 : memref<!tpu.dma_semaphore, #tpu.memory_space<semaphore_mem>>) {add = true}
        } else {
        }
        %mul3A_204 = arith.constant 5 : i32
        %mul3A_205 = arith.muli %scan3A_174, %mul3A_204 : i32
        %add3A_206 = arith.constant 2 : i32
        %add3A_207 = arith.addi %mul3A_205, %add3A_206 : i32
        %add3A_208 = arith.constant 4 : i32
        %add3A_209 = arith.addi %add3A_207, %add3A_208 : i32
        %lt3A_210 = arith.cmpi slt, %add3A_209, %select_n3A : i32
        %convert_element_type3A_211 = arith.extui %lt3A_210 : i1 to i32
        %cond3A_212 = arith.constant 0 : i32
        %cond3A_213 = arith.cmpi ne, %convert_element_type3A_211, %cond3A_212 : i32
        scf.if %cond3A_213 {
          %ge3A = arith.constant 1 : i32
          %ge3A_247 = arith.cmpi sge, %add3A_207, %ge3A : i32
          %convert_element_type3A_248 = arith.extui %ge3A_247 : i1 to i32
          %cond3A_249 = arith.constant 0 : i32
          %cond3A_250 = arith.cmpi ne, %convert_element_type3A_248, %cond3A_249 : i32
          scf.if %cond3A_250 {
            %dma_wait3A_259 = arith.constant 0 : i32
            %dma_wait3A_260 = arith.constant 0 : i32
            %dma_wait3A_261 = tpu.memref_slice %arg9[%dma_wait3A_259, %dma_wait3A_260] : memref<157x128xi32, #tpu.memory_space<vmem>> -> memref<1x128xi32, #tpu.memory_space<vmem>>
            %dma_wait3A_262 = tpu.memref_squeeze %dma_wait3A_261 : memref<1x128xi32, #tpu.memory_space<vmem>> -> memref<128xi32, #tpu.memory_space<vmem>>
            %dma_wait3A_263 = arith.constant 0 : i32
            %dma_wait3A_264 = arith.constant 0 : i32
            %dma_wait3A_265 = tpu.memref_slice %arg15[%dma_wait3A_263, %dma_wait3A_264] : memref<10240x64xf32, #tpu.memory_space<vmem_shared>> -> memref<10240x64xf32, #tpu.memory_space<vmem_shared>>
            tpu.wait_indirect_dma semaphore(%arg22 : memref<!tpu.dma_semaphore, #tpu.memory_space<semaphore_mem>>) src(%arg11 : memref<128x64xf32, #tpu.memory_space<vmem>>) dst(%dma_wait3A_265 : memref<10240x64xf32, #tpu.memory_space<vmem_shared>>)
          } else {
          }
          %add3A_251 = arith.constant 4 : i32
          %add3A_252 = arith.addi %add3A_207, %add3A_251 : i32
          %dma_start3A_253 = arith.constant 0 : i32
          %dma_start3A_254 = tpu.memref_slice %arg8[%add3A_252, %dma_start3A_253] : memref<157x128xi32, #tpu.memory_space<vmem>> -> memref<1x128xi32, #tpu.memory_space<vmem>>
          %dma_start3A_255 = tpu.memref_squeeze %dma_start3A_254 : memref<1x128xi32, #tpu.memory_space<vmem>> -> memref<128xi32, #tpu.memory_space<vmem>>
          %dma_start3A_256 = arith.constant 0 : i32
          %dma_start3A_257 = arith.constant 0 : i32
          %dma_start3A_258 = tpu.memref_slice %arg3[%dma_start3A_256, %dma_start3A_257] : memref<10000x64xf32, #tpu.memory_space<hbm>> -> memref<10000x64xf32, #tpu.memory_space<hbm>>
          tpu.enqueue_indirect_dma source(%dma_start3A_258 : memref<10000x64xf32, #tpu.memory_space<hbm>>) target(%arg11 : memref<128x64xf32, #tpu.memory_space<vmem>>) offsets(%dma_start3A_255 : memref<128xi32, #tpu.memory_space<vmem>>) semaphore(%arg17 : memref<!tpu.dma_semaphore, #tpu.memory_space<semaphore_mem>>)
        } else {
        }
        %lt3A_214 = arith.cmpi slt, %add3A_207, %select_n3A : i32
        %convert_element_type3A_215 = arith.extui %lt3A_214 : i1 to i32
        %cond3A_216 = arith.constant 0 : i32
        %cond3A_217 = arith.cmpi ne, %convert_element_type3A_215, %cond3A_216 : i32
        scf.if %cond3A_217 {
          %dma_wait3A_247 = arith.constant 0 : i32
          %dma_wait3A_248 = arith.constant 0 : i32
          %dma_wait3A_249 = tpu.memref_slice %arg8[%dma_wait3A_247, %dma_wait3A_248] : memref<157x128xi32, #tpu.memory_space<vmem>> -> memref<1x128xi32, #tpu.memory_space<vmem>>
          %dma_wait3A_250 = tpu.memref_squeeze %dma_wait3A_249 : memref<1x128xi32, #tpu.memory_space<vmem>> -> memref<128xi32, #tpu.memory_space<vmem>>
          %dma_wait3A_251 = arith.constant 0 : i32
          %dma_wait3A_252 = arith.constant 0 : i32
          %dma_wait3A_253 = tpu.memref_slice %arg3[%dma_wait3A_251, %dma_wait3A_252] : memref<10000x64xf32, #tpu.memory_space<hbm>> -> memref<10000x64xf32, #tpu.memory_space<hbm>>
          tpu.wait_indirect_dma semaphore(%arg18 : memref<!tpu.dma_semaphore, #tpu.memory_space<semaphore_mem>>) src(%dma_wait3A_253 : memref<10000x64xf32, #tpu.memory_space<hbm>>) dst(%arg12 : memref<128x64xf32, #tpu.memory_space<vmem>>)
          %dma_start3A_254 = arith.constant 0 : i32
          %dma_start3A_255 = tpu.memref_slice %arg9[%add3A_207, %dma_start3A_254] : memref<157x128xi32, #tpu.memory_space<vmem>> -> memref<1x128xi32, #tpu.memory_space<vmem>>
          %dma_start3A_256 = tpu.memref_squeeze %dma_start3A_255 : memref<1x128xi32, #tpu.memory_space<vmem>> -> memref<128xi32, #tpu.memory_space<vmem>>
          %dma_start3A_257 = arith.constant 0 : i32
          %dma_start3A_258 = arith.constant 0 : i32
          %dma_start3A_259 = tpu.memref_slice %arg15[%dma_start3A_257, %dma_start3A_258] : memref<10240x64xf32, #tpu.memory_space<vmem_shared>> -> memref<10240x64xf32, #tpu.memory_space<vmem_shared>>
          tpu.enqueue_indirect_dma source(%arg12 : memref<128x64xf32, #tpu.memory_space<vmem>>) target(%dma_start3A_259 : memref<10240x64xf32, #tpu.memory_space<vmem_shared>>) offsets(%dma_start3A_256 : memref<128xi32, #tpu.memory_space<vmem>>) semaphore(%arg23 : memref<!tpu.dma_semaphore, #tpu.memory_space<semaphore_mem>>) {add = true}
        } else {
        }
        %mul3A_218 = arith.constant 5 : i32
        %mul3A_219 = arith.muli %scan3A_174, %mul3A_218 : i32
        %add3A_220 = arith.constant 3 : i32
        %add3A_221 = arith.addi %mul3A_219, %add3A_220 : i32
        %add3A_222 = arith.constant 4 : i32
        %add3A_223 = arith.addi %add3A_221, %add3A_222 : i32
        %lt3A_224 = arith.cmpi slt, %add3A_223, %select_n3A : i32
        %convert_element_type3A_225 = arith.extui %lt3A_224 : i1 to i32
        %cond3A_226 = arith.constant 0 : i32
        %cond3A_227 = arith.cmpi ne, %convert_element_type3A_225, %cond3A_226 : i32
        scf.if %cond3A_227 {
          %ge3A = arith.constant 1 : i32
          %ge3A_247 = arith.cmpi sge, %add3A_221, %ge3A : i32
          %convert_element_type3A_248 = arith.extui %ge3A_247 : i1 to i32
          %cond3A_249 = arith.constant 0 : i32
          %cond3A_250 = arith.cmpi ne, %convert_element_type3A_248, %cond3A_249 : i32
          scf.if %cond3A_250 {
            %dma_wait3A_259 = arith.constant 0 : i32
            %dma_wait3A_260 = arith.constant 0 : i32
            %dma_wait3A_261 = tpu.memref_slice %arg9[%dma_wait3A_259, %dma_wait3A_260] : memref<157x128xi32, #tpu.memory_space<vmem>> -> memref<1x128xi32, #tpu.memory_space<vmem>>
            %dma_wait3A_262 = tpu.memref_squeeze %dma_wait3A_261 : memref<1x128xi32, #tpu.memory_space<vmem>> -> memref<128xi32, #tpu.memory_space<vmem>>
            %dma_wait3A_263 = arith.constant 0 : i32
            %dma_wait3A_264 = arith.constant 0 : i32
            %dma_wait3A_265 = tpu.memref_slice %arg15[%dma_wait3A_263, %dma_wait3A_264] : memref<10240x64xf32, #tpu.memory_space<vmem_shared>> -> memref<10240x64xf32, #tpu.memory_space<vmem_shared>>
            tpu.wait_indirect_dma semaphore(%arg23 : memref<!tpu.dma_semaphore, #tpu.memory_space<semaphore_mem>>) src(%arg12 : memref<128x64xf32, #tpu.memory_space<vmem>>) dst(%dma_wait3A_265 : memref<10240x64xf32, #tpu.memory_space<vmem_shared>>)
          } else {
          }
          %add3A_251 = arith.constant 4 : i32
          %add3A_252 = arith.addi %add3A_221, %add3A_251 : i32
          %dma_start3A_253 = arith.constant 0 : i32
          %dma_start3A_254 = tpu.memref_slice %arg8[%add3A_252, %dma_start3A_253] : memref<157x128xi32, #tpu.memory_space<vmem>> -> memref<1x128xi32, #tpu.memory_space<vmem>>
          %dma_start3A_255 = tpu.memref_squeeze %dma_start3A_254 : memref<1x128xi32, #tpu.memory_space<vmem>> -> memref<128xi32, #tpu.memory_space<vmem>>
          %dma_start3A_256 = arith.constant 0 : i32
          %dma_start3A_257 = arith.constant 0 : i32
          %dma_start3A_258 = tpu.memref_slice %arg3[%dma_start3A_256, %dma_start3A_257] : memref<10000x64xf32, #tpu.memory_space<hbm>> -> memref<10000x64xf32, #tpu.memory_space<hbm>>
          tpu.enqueue_indirect_dma source(%dma_start3A_258 : memref<10000x64xf32, #tpu.memory_space<hbm>>) target(%arg12 : memref<128x64xf32, #tpu.memory_space<vmem>>) offsets(%dma_start3A_255 : memref<128xi32, #tpu.memory_space<vmem>>) semaphore(%arg18 : memref<!tpu.dma_semaphore, #tpu.memory_space<semaphore_mem>>)
        } else {
        }
        %lt3A_228 = arith.cmpi slt, %add3A_221, %select_n3A : i32
        %convert_element_type3A_229 = arith.extui %lt3A_228 : i1 to i32
        %cond3A_230 = arith.constant 0 : i32
        %cond3A_231 = arith.cmpi ne, %convert_element_type3A_229, %cond3A_230 : i32
        scf.if %cond3A_231 {
          %dma_wait3A_247 = arith.constant 0 : i32
          %dma_wait3A_248 = arith.constant 0 : i32
          %dma_wait3A_249 = tpu.memref_slice %arg8[%dma_wait3A_247, %dma_wait3A_248] : memref<157x128xi32, #tpu.memory_space<vmem>> -> memref<1x128xi32, #tpu.memory_space<vmem>>
          %dma_wait3A_250 = tpu.memref_squeeze %dma_wait3A_249 : memref<1x128xi32, #tpu.memory_space<vmem>> -> memref<128xi32, #tpu.memory_space<vmem>>
          %dma_wait3A_251 = arith.constant 0 : i32
          %dma_wait3A_252 = arith.constant 0 : i32
          %dma_wait3A_253 = tpu.memref_slice %arg3[%dma_wait3A_251, %dma_wait3A_252] : memref<10000x64xf32, #tpu.memory_space<hbm>> -> memref<10000x64xf32, #tpu.memory_space<hbm>>
          tpu.wait_indirect_dma semaphore(%arg19 : memref<!tpu.dma_semaphore, #tpu.memory_space<semaphore_mem>>) src(%dma_wait3A_253 : memref<10000x64xf32, #tpu.memory_space<hbm>>) dst(%arg13 : memref<128x64xf32, #tpu.memory_space<vmem>>)
          %dma_start3A_254 = arith.constant 0 : i32
          %dma_start3A_255 = tpu.memref_slice %arg9[%add3A_221, %dma_start3A_254] : memref<157x128xi32, #tpu.memory_space<vmem>> -> memref<1x128xi32, #tpu.memory_space<vmem>>
          %dma_start3A_256 = tpu.memref_squeeze %dma_start3A_255 : memref<1x128xi32, #tpu.memory_space<vmem>> -> memref<128xi32, #tpu.memory_space<vmem>>
          %dma_start3A_257 = arith.constant 0 : i32
          %dma_start3A_258 = arith.constant 0 : i32
          %dma_start3A_259 = tpu.memref_slice %arg15[%dma_start3A_257, %dma_start3A_258] : memref<10240x64xf32, #tpu.memory_space<vmem_shared>> -> memref<10240x64xf32, #tpu.memory_space<vmem_shared>>
          tpu.enqueue_indirect_dma source(%arg13 : memref<128x64xf32, #tpu.memory_space<vmem>>) target(%dma_start3A_259 : memref<10240x64xf32, #tpu.memory_space<vmem_shared>>) offsets(%dma_start3A_256 : memref<128xi32, #tpu.memory_space<vmem>>) semaphore(%arg24 : memref<!tpu.dma_semaphore, #tpu.memory_space<semaphore_mem>>) {add = true}
        } else {
        }
        %mul3A_232 = arith.constant 5 : i32
        %mul3A_233 = arith.muli %scan3A_174, %mul3A_232 : i32
        %add3A_234 = arith.constant 4 : i32
        %add3A_235 = arith.addi %mul3A_233, %add3A_234 : i32
        %add3A_236 = arith.constant 4 : i32
        %add3A_237 = arith.addi %add3A_235, %add3A_236 : i32
        %lt3A_238 = arith.cmpi slt, %add3A_237, %select_n3A : i32
        %convert_element_type3A_239 = arith.extui %lt3A_238 : i1 to i32
        %cond3A_240 = arith.constant 0 : i32
        %cond3A_241 = arith.cmpi ne, %convert_element_type3A_239, %cond3A_240 : i32
        scf.if %cond3A_241 {
          %ge3A = arith.constant 1 : i32
          %ge3A_247 = arith.cmpi sge, %add3A_235, %ge3A : i32
          %convert_element_type3A_248 = arith.extui %ge3A_247 : i1 to i32
          %cond3A_249 = arith.constant 0 : i32
          %cond3A_250 = arith.cmpi ne, %convert_element_type3A_248, %cond3A_249 : i32
          scf.if %cond3A_250 {
            %dma_wait3A_259 = arith.constant 0 : i32
            %dma_wait3A_260 = arith.constant 0 : i32
            %dma_wait3A_261 = tpu.memref_slice %arg9[%dma_wait3A_259, %dma_wait3A_260] : memref<157x128xi32, #tpu.memory_space<vmem>> -> memref<1x128xi32, #tpu.memory_space<vmem>>
            %dma_wait3A_262 = tpu.memref_squeeze %dma_wait3A_261 : memref<1x128xi32, #tpu.memory_space<vmem>> -> memref<128xi32, #tpu.memory_space<vmem>>
            %dma_wait3A_263 = arith.constant 0 : i32
            %dma_wait3A_264 = arith.constant 0 : i32
            %dma_wait3A_265 = tpu.memref_slice %arg15[%dma_wait3A_263, %dma_wait3A_264] : memref<10240x64xf32, #tpu.memory_space<vmem_shared>> -> memref<10240x64xf32, #tpu.memory_space<vmem_shared>>
            tpu.wait_indirect_dma semaphore(%arg24 : memref<!tpu.dma_semaphore, #tpu.memory_space<semaphore_mem>>) src(%arg13 : memref<128x64xf32, #tpu.memory_space<vmem>>) dst(%dma_wait3A_265 : memref<10240x64xf32, #tpu.memory_space<vmem_shared>>)
          } else {
          }
          %add3A_251 = arith.constant 4 : i32
          %add3A_252 = arith.addi %add3A_235, %add3A_251 : i32
          %dma_start3A_253 = arith.constant 0 : i32
          %dma_start3A_254 = tpu.memref_slice %arg8[%add3A_252, %dma_start3A_253] : memref<157x128xi32, #tpu.memory_space<vmem>> -> memref<1x128xi32, #tpu.memory_space<vmem>>
          %dma_start3A_255 = tpu.memref_squeeze %dma_start3A_254 : memref<1x128xi32, #tpu.memory_space<vmem>> -> memref<128xi32, #tpu.memory_space<vmem>>
          %dma_start3A_256 = arith.constant 0 : i32
          %dma_start3A_257 = arith.constant 0 : i32
          %dma_start3A_258 = tpu.memref_slice %arg3[%dma_start3A_256, %dma_start3A_257] : memref<10000x64xf32, #tpu.memory_space<hbm>> -> memref<10000x64xf32, #tpu.memory_space<hbm>>
          tpu.enqueue_indirect_dma source(%dma_start3A_258 : memref<10000x64xf32, #tpu.memory_space<hbm>>) target(%arg13 : memref<128x64xf32, #tpu.memory_space<vmem>>) offsets(%dma_start3A_255 : memref<128xi32, #tpu.memory_space<vmem>>) semaphore(%arg19 : memref<!tpu.dma_semaphore, #tpu.memory_space<semaphore_mem>>)
        } else {
        }
        %lt3A_242 = arith.cmpi slt, %add3A_235, %select_n3A : i32
        %convert_element_type3A_243 = arith.extui %lt3A_242 : i1 to i32
        %cond3A_244 = arith.constant 0 : i32
        %cond3A_245 = arith.cmpi ne, %convert_element_type3A_243, %cond3A_244 : i32
        scf.if %cond3A_245 {
          %dma_wait3A_247 = arith.constant 0 : i32
          %dma_wait3A_248 = arith.constant 0 : i32
          %dma_wait3A_249 = tpu.memref_slice %arg8[%dma_wait3A_247, %dma_wait3A_248] : memref<157x128xi32, #tpu.memory_space<vmem>> -> memref<1x128xi32, #tpu.memory_space<vmem>>
          %dma_wait3A_250 = tpu.memref_squeeze %dma_wait3A_249 : memref<1x128xi32, #tpu.memory_space<vmem>> -> memref<128xi32, #tpu.memory_space<vmem>>
          %dma_wait3A_251 = arith.constant 0 : i32
          %dma_wait3A_252 = arith.constant 0 : i32
          %dma_wait3A_253 = tpu.memref_slice %arg3[%dma_wait3A_251, %dma_wait3A_252] : memref<10000x64xf32, #tpu.memory_space<hbm>> -> memref<10000x64xf32, #tpu.memory_space<hbm>>
          tpu.wait_indirect_dma semaphore(%arg20 : memref<!tpu.dma_semaphore, #tpu.memory_space<semaphore_mem>>) src(%dma_wait3A_253 : memref<10000x64xf32, #tpu.memory_space<hbm>>) dst(%arg14 : memref<128x64xf32, #tpu.memory_space<vmem>>)
          %dma_start3A_254 = arith.constant 0 : i32
          %dma_start3A_255 = tpu.memref_slice %arg9[%add3A_235, %dma_start3A_254] : memref<157x128xi32, #tpu.memory_space<vmem>> -> memref<1x128xi32, #tpu.memory_space<vmem>>
          %dma_start3A_256 = tpu.memref_squeeze %dma_start3A_255 : memref<1x128xi32, #tpu.memory_space<vmem>> -> memref<128xi32, #tpu.memory_space<vmem>>
          %dma_start3A_257 = arith.constant 0 : i32
          %dma_start3A_258 = arith.constant 0 : i32
          %dma_start3A_259 = tpu.memref_slice %arg15[%dma_start3A_257, %dma_start3A_258] : memref<10240x64xf32, #tpu.memory_space<vmem_shared>> -> memref<10240x64xf32, #tpu.memory_space<vmem_shared>>
          tpu.enqueue_indirect_dma source(%arg14 : memref<128x64xf32, #tpu.memory_space<vmem>>) target(%dma_start3A_259 : memref<10240x64xf32, #tpu.memory_space<vmem_shared>>) offsets(%dma_start3A_256 : memref<128xi32, #tpu.memory_space<vmem>>) semaphore(%arg25 : memref<!tpu.dma_semaphore, #tpu.memory_space<semaphore_mem>>) {add = true}
        } else {
        }
        %scan3A_246 = arith.constant 0 : i32
        scf.yield %scan3A_246 : i32
      }
      %scan3A_138 = arith.constant 32 : i32
      %dma_wait3A_139 = arith.constant 0 : i32
      %dma_wait3A_140 = arith.constant 0 : i32
      %dma_wait3A_141 = tpu.memref_slice %arg9[%dma_wait3A_139, %dma_wait3A_140] : memref<157x128xi32, #tpu.memory_space<vmem>> -> memref<1x128xi32, #tpu.memory_space<vmem>>
      %dma_wait3A_142 = tpu.memref_squeeze %dma_wait3A_141 : memref<1x128xi32, #tpu.memory_space<vmem>> -> memref<128xi32, #tpu.memory_space<vmem>>
      %dma_wait3A_143 = arith.constant 0 : i32
      %dma_wait3A_144 = arith.constant 0 : i32
      %dma_wait3A_145 = tpu.memref_slice %arg15[%dma_wait3A_143, %dma_wait3A_144] : memref<10240x64xf32, #tpu.memory_space<vmem_shared>> -> memref<10240x64xf32, #tpu.memory_space<vmem_shared>>
      tpu.wait_indirect_dma semaphore(%arg21 : memref<!tpu.dma_semaphore, #tpu.memory_space<semaphore_mem>>) src(%arg10 : memref<128x64xf32, #tpu.memory_space<vmem>>) dst(%dma_wait3A_145 : memref<10240x64xf32, #tpu.memory_space<vmem_shared>>)
      %dma_wait3A_146 = arith.constant 0 : i32
      %dma_wait3A_147 = arith.constant 0 : i32
      %dma_wait3A_148 = tpu.memref_slice %arg9[%dma_wait3A_146, %dma_wait3A_147] : memref<157x128xi32, #tpu.memory_space<vmem>> -> memref<1x128xi32, #tpu.memory_space<vmem>>
      %dma_wait3A_149 = tpu.memref_squeeze %dma_wait3A_148 : memref<1x128xi32, #tpu.memory_space<vmem>> -> memref<128xi32, #tpu.memory_space<vmem>>
      %dma_wait3A_150 = arith.constant 0 : i32
      %dma_wait3A_151 = arith.constant 0 : i32
      %dma_wait3A_152 = tpu.memref_slice %arg15[%dma_wait3A_150, %dma_wait3A_151] : memref<10240x64xf32, #tpu.memory_space<vmem_shared>> -> memref<10240x64xf32, #tpu.memory_space<vmem_shared>>
      tpu.wait_indirect_dma semaphore(%arg22 : memref<!tpu.dma_semaphore, #tpu.memory_space<semaphore_mem>>) src(%arg11 : memref<128x64xf32, #tpu.memory_space<vmem>>) dst(%dma_wait3A_152 : memref<10240x64xf32, #tpu.memory_space<vmem_shared>>)
      %dma_wait3A_153 = arith.constant 0 : i32
      %dma_wait3A_154 = arith.constant 0 : i32
      %dma_wait3A_155 = tpu.memref_slice %arg9[%dma_wait3A_153, %dma_wait3A_154] : memref<157x128xi32, #tpu.memory_space<vmem>> -> memref<1x128xi32, #tpu.memory_space<vmem>>
      %dma_wait3A_156 = tpu.memref_squeeze %dma_wait3A_155 : memref<1x128xi32, #tpu.memory_space<vmem>> -> memref<128xi32, #tpu.memory_space<vmem>>
      %dma_wait3A_157 = arith.constant 0 : i32
      %dma_wait3A_158 = arith.constant 0 : i32
      %dma_wait3A_159 = tpu.memref_slice %arg15[%dma_wait3A_157, %dma_wait3A_158] : memref<10240x64xf32, #tpu.memory_space<vmem_shared>> -> memref<10240x64xf32, #tpu.memory_space<vmem_shared>>
      tpu.wait_indirect_dma semaphore(%arg23 : memref<!tpu.dma_semaphore, #tpu.memory_space<semaphore_mem>>) src(%arg12 : memref<128x64xf32, #tpu.memory_space<vmem>>) dst(%dma_wait3A_159 : memref<10240x64xf32, #tpu.memory_space<vmem_shared>>)
      %dma_wait3A_160 = arith.constant 0 : i32
      %dma_wait3A_161 = arith.constant 0 : i32
      %dma_wait3A_162 = tpu.memref_slice %arg9[%dma_wait3A_160, %dma_wait3A_161] : memref<157x128xi32, #tpu.memory_space<vmem>> -> memref<1x128xi32, #tpu.memory_space<vmem>>
      %dma_wait3A_163 = tpu.memref_squeeze %dma_wait3A_162 : memref<1x128xi32, #tpu.memory_space<vmem>> -> memref<128xi32, #tpu.memory_space<vmem>>
      %dma_wait3A_164 = arith.constant 0 : i32
      %dma_wait3A_165 = arith.constant 0 : i32
      %dma_wait3A_166 = tpu.memref_slice %arg15[%dma_wait3A_164, %dma_wait3A_165] : memref<10240x64xf32, #tpu.memory_space<vmem_shared>> -> memref<10240x64xf32, #tpu.memory_space<vmem_shared>>
      tpu.wait_indirect_dma semaphore(%arg24 : memref<!tpu.dma_semaphore, #tpu.memory_space<semaphore_mem>>) src(%arg13 : memref<128x64xf32, #tpu.memory_space<vmem>>) dst(%dma_wait3A_166 : memref<10240x64xf32, #tpu.memory_space<vmem_shared>>)
      %dma_wait3A_167 = arith.constant 0 : i32
      %dma_wait3A_168 = arith.constant 0 : i32
      %dma_wait3A_169 = tpu.memref_slice %arg9[%dma_wait3A_167, %dma_wait3A_168] : memref<157x128xi32, #tpu.memory_space<vmem>> -> memref<1x128xi32, #tpu.memory_space<vmem>>
      %dma_wait3A_170 = tpu.memref_squeeze %dma_wait3A_169 : memref<1x128xi32, #tpu.memory_space<vmem>> -> memref<128xi32, #tpu.memory_space<vmem>>
      %dma_wait3A_171 = arith.constant 0 : i32
      %dma_wait3A_172 = arith.constant 0 : i32
      %dma_wait3A_173 = tpu.memref_slice %arg15[%dma_wait3A_171, %dma_wait3A_172] : memref<10240x64xf32, #tpu.memory_space<vmem_shared>> -> memref<10240x64xf32, #tpu.memory_space<vmem_shared>>
      tpu.wait_indirect_dma semaphore(%arg25 : memref<!tpu.dma_semaphore, #tpu.memory_space<semaphore_mem>>) src(%arg14 : memref<128x64xf32, #tpu.memory_space<vmem>>) dst(%dma_wait3A_173 : memref<10240x64xf32, #tpu.memory_space<vmem_shared>>)
    } else {
    }
    %barrier3A_93 = arith.constant 0 : index
    tpu.barrier barrier_id(%barrier3A_93)
    %eq3A_94 = arith.constant 0 : i32
    %eq3A_95 = arith.cmpi eq, %arg0, %eq3A_94 : i32
    %convert_element_type3A_96 = arith.extui %eq3A_95 : i1 to i32
    %cond3A_97 = arith.constant 0 : i32
    %cond3A_98 = arith.cmpi ne, %convert_element_type3A_96, %cond3A_97 : i32
    scf.if %cond3A_98 {
      %mul3A_104 = arith.constant 640 : i32
      %mul3A_105 = arith.muli %arg1, %mul3A_104 : i32
      %mul3A_106 = arith.constant 640 : i32
      %mul3A_107 = arith.muli %arg1, %mul3A_106 : i32
      "tpu.region"() ({
        %run_scoped3A = tpu.sem_alloc : memref<!tpu.dma_semaphore, #tpu.memory_space<semaphore_mem>>
        %dma_start3A_108 = arith.constant 0 : i32
        %dma_start3A_109 = tpu.memref_slice %arg6[%mul3A_107, %dma_start3A_108] : memref<10240x64xf32, #tpu.memory_space<hbm>> -> memref<640x64xf32, #tpu.memory_space<hbm>>
        %dma_start3A_110 = arith.constant 0 : i32
        %dma_start3A_111 = tpu.memref_slice %arg15[%mul3A_105, %dma_start3A_110] : memref<10240x64xf32, #tpu.memory_space<vmem_shared>> -> memref<640x64xf32, #tpu.memory_space<vmem_shared>>
        tpu.enqueue_dma source(%dma_start3A_111 : memref<640x64xf32, #tpu.memory_space<vmem_shared>>) target(%dma_start3A_109 : memref<640x64xf32, #tpu.memory_space<hbm>>) target_semaphore(%run_scoped3A : memref<!tpu.dma_semaphore, #tpu.memory_space<semaphore_mem>>)
        %dma_wait3A_112 = arith.constant 0 : i32
        %dma_wait3A_113 = tpu.memref_slice %arg6[%mul3A_107, %dma_wait3A_112] : memref<10240x64xf32, #tpu.memory_space<hbm>> -> memref<640x64xf32, #tpu.memory_space<hbm>>
        %dma_wait3A_114 = arith.constant 0 : i32
        %dma_wait3A_115 = tpu.memref_slice %arg15[%mul3A_105, %dma_wait3A_114] : memref<10240x64xf32, #tpu.memory_space<vmem_shared>> -> memref<640x64xf32, #tpu.memory_space<vmem_shared>>
        tpu.wait_dma2 semaphore(%run_scoped3A : memref<!tpu.dma_semaphore, #tpu.memory_space<semaphore_mem>>) src(%dma_wait3A_115 : memref<640x64xf32, #tpu.memory_space<vmem_shared>>) dst(%dma_wait3A_113 : memref<640x64xf32, #tpu.memory_space<hbm>>)
        tpu.yield
      }) : () -> ()
    } else {
    }
    %eq3A_99 = arith.constant 1 : i32
    %eq3A_100 = arith.cmpi eq, %arg0, %eq3A_99 : i32
    %convert_element_type3A_101 = arith.extui %eq3A_100 : i1 to i32
    %cond3A_102 = arith.constant 0 : i32
    %cond3A_103 = arith.cmpi ne, %convert_element_type3A_101, %cond3A_102 : i32
    scf.if %cond3A_103 {
      %mul3A_104 = arith.constant 640 : i32
      %mul3A_105 = arith.muli %arg1, %mul3A_104 : i32
      %mul3A_106 = arith.constant 640 : i32
      %mul3A_107 = arith.muli %arg1, %mul3A_106 : i32
      "tpu.region"() ({
        %run_scoped3A = tpu.sem_alloc : memref<!tpu.dma_semaphore, #tpu.memory_space<semaphore_mem>>
        %dma_start3A_108 = arith.constant 0 : i32
        %dma_start3A_109 = tpu.memref_slice %arg7[%mul3A_107, %dma_start3A_108] : memref<10240x64xf32, #tpu.memory_space<hbm>> -> memref<640x64xf32, #tpu.memory_space<hbm>>
        %dma_start3A_110 = arith.constant 0 : i32
        %dma_start3A_111 = tpu.memref_slice %arg15[%mul3A_105, %dma_start3A_110] : memref<10240x64xf32, #tpu.memory_space<vmem_shared>> -> memref<640x64xf32, #tpu.memory_space<vmem_shared>>
        tpu.enqueue_dma source(%dma_start3A_111 : memref<640x64xf32, #tpu.memory_space<vmem_shared>>) target(%dma_start3A_109 : memref<640x64xf32, #tpu.memory_space<hbm>>) target_semaphore(%run_scoped3A : memref<!tpu.dma_semaphore, #tpu.memory_space<semaphore_mem>>)
        %dma_wait3A_112 = arith.constant 0 : i32
        %dma_wait3A_113 = tpu.memref_slice %arg7[%mul3A_107, %dma_wait3A_112] : memref<10240x64xf32, #tpu.memory_space<hbm>> -> memref<640x64xf32, #tpu.memory_space<hbm>>
        %dma_wait3A_114 = arith.constant 0 : i32
        %dma_wait3A_115 = tpu.memref_slice %arg15[%mul3A_105, %dma_wait3A_114] : memref<10240x64xf32, #tpu.memory_space<vmem_shared>> -> memref<640x64xf32, #tpu.memory_space<vmem_shared>>
        tpu.wait_dma2 semaphore(%run_scoped3A : memref<!tpu.dma_semaphore, #tpu.memory_space<semaphore_mem>>) src(%dma_wait3A_115 : memref<640x64xf32, #tpu.memory_space<vmem_shared>>) dst(%dma_wait3A_113 : memref<640x64xf32, #tpu.memory_space<hbm>>)
        tpu.yield
      }) : () -> ()
    } else {
    }
    return
  }
}

module attributes {stable_mosaic.version = 14 : i64} {
  func.func @_k1_body(%arg0: i32, %arg1: memref<5000x128xf32, #tpu.memory_space<vmem>>, %arg2: memref<5000x16xf32, #tpu.memory_space<vmem>>, %arg3: memref<5000x16xf32, #tpu.memory_space<vmem>>, %arg4: memref<128x128xf32, #tpu.memory_space<vmem>>, %arg5: memref<128x128xf32, #tpu.memory_space<vmem>>, %arg6: memref<1x128xf32, #tpu.memory_space<vmem>>, %arg7: memref<128x128xf32, #tpu.memory_space<vmem>>, %arg8: memref<1x128xf32, #tpu.memory_space<vmem>>, %arg9: memref<5000x64xf32, #tpu.memory_space<vmem>>, %arg10: memref<5000x64xf32, #tpu.memory_space<vmem>>, %arg11: memref<5000x128xf32, #tpu.memory_space<vmem>>) attributes {dimension_semantics = [#tpu.dimension_semantics<arbitrary>], iteration_bounds = array<i64: 2>, scalar_prefetch = 0 : i64, scratch_operands = 0 : i64, tpu.core_type = #tpu.core_type<tc>, window_params = [{transform_indices = @transform_0, window_bounds = array<i64: 5000, 128>}, {transform_indices = @transform_1, window_bounds = array<i64: 5000, 16>}, {transform_indices = @transform_2, window_bounds = array<i64: 5000, 16>}, {pipeline_mode = #tpu.pipeline_mode<synchronous>, transform_indices = @transform_3, window_bounds = array<i64: 128, 128>}, {pipeline_mode = #tpu.pipeline_mode<synchronous>, transform_indices = @transform_4, window_bounds = array<i64: 128, 128>}, {pipeline_mode = #tpu.pipeline_mode<synchronous>, transform_indices = @transform_5, window_bounds = array<i64: 1, 128>}, {pipeline_mode = #tpu.pipeline_mode<synchronous>, transform_indices = @transform_6, window_bounds = array<i64: 128, 128>}, {pipeline_mode = #tpu.pipeline_mode<synchronous>, transform_indices = @transform_7, window_bounds = array<i64: 1, 128>}, {transform_indices = @transform_8, window_bounds = array<i64: 5000, 64>}, {transform_indices = @transform_9, window_bounds = array<i64: 5000, 64>}, {transform_indices = @transform_10, window_bounds = array<i64: 5000, 128>}]} {
    %get3A = arith.constant 0 : index
    %get3A_0 = arith.constant 0 : index
    %get3A_1 = vector.load %arg2[%get3A, %get3A_0] : memref<5000x16xf32, #tpu.memory_space<vmem>>, vector<5000x1xf32>
    %get3A_2 = arith.constant 0 : index
    %get3A_3 = arith.constant 0 : index
    %get3A_4 = vector.load %arg3[%get3A_2, %get3A_3] : memref<5000x16xf32, #tpu.memory_space<vmem>>, vector<5000x1xf32>
    %add3A = arith.addf %get3A_1, %get3A_4 : vector<5000x1xf32>
    %add3A_5 = arith.constant 1.000000e+00 : f32
    %add3A_6 = vector.broadcast %add3A_5 : f32 to vector<5000x1xf32>
    %add3A_7 = arith.addf %add3A, %add3A_6 : vector<5000x1xf32>
    %rsqrt3A = math.rsqrt %add3A_7 : vector<5000x1xf32>
    %get3A_8 = arith.constant 0 : index
    %get3A_9 = arith.constant 0 : index
    %get3A_10 = vector.load %arg1[%get3A_8, %get3A_9] : memref<5000x128xf32, #tpu.memory_space<vmem>>, vector<5000x128xf32>
    %get3A_11 = arith.constant 0 : index
    %get3A_12 = arith.constant 0 : index
    %get3A_13 = vector.load %arg4[%get3A_11, %get3A_12] : memref<128x128xf32, #tpu.memory_space<vmem>>, vector<128x128xf32>
    %dot_general3A = arith.constant dense<0.000000e+00> : vector<5000x128xf32>
    %dot_general3A_14 = tpu.matmul %get3A_10, %get3A_13, %dot_general3A {dimension_numbers = #tpu.dot_dimension_numbers<[1], [0], [0], [1], [0, 0, 1, 1], [], []>, transpose_lhs_hint = false} : vector<5000x128xf32>, vector<128x128xf32>, vector<5000x128xf32> -> vector<5000x128xf32>
    %mul3A = vector.broadcast %rsqrt3A : vector<5000x1xf32> to vector<5000x128xf32>
    %mul3A_15 = arith.mulf %mul3A, %dot_general3A_14 : vector<5000x128xf32>
    %slice3A = vector.extract_strided_slice %mul3A_15 {offsets = [0, 0], sizes = [5000, 64], strides = [1, 1]} : vector<5000x128xf32> to vector<5000x64xf32>
    %swap3A = arith.constant 0 : index
    %swap3A_16 = arith.constant 0 : index
    %swap3A_17 = vector.load %arg9[%swap3A, %swap3A_16] : memref<5000x64xf32, #tpu.memory_space<vmem>>, vector<5000x64xf32>
    tpu.vector_store %arg9[%swap3A, %swap3A_16], %slice3A {strides = array<i32>} : memref<5000x64xf32, #tpu.memory_space<vmem>>, vector<5000x64xf32>,
    %slice3A_18 = vector.extract_strided_slice %mul3A_15 {offsets = [0, 64], sizes = [5000, 64], strides = [1, 1]} : vector<5000x128xf32> to vector<5000x64xf32>
    %swap3A_19 = arith.constant 0 : index
    %swap3A_20 = arith.constant 0 : index
    %swap3A_21 = vector.load %arg10[%swap3A_19, %swap3A_20] : memref<5000x64xf32, #tpu.memory_space<vmem>>, vector<5000x64xf32>
    tpu.vector_store %arg10[%swap3A_19, %swap3A_20], %slice3A_18 {strides = array<i32>} : memref<5000x64xf32, #tpu.memory_space<vmem>>, vector<5000x64xf32>,
    %get3A_22 = arith.constant 0 : index
    %get3A_23 = arith.constant 0 : index
    %get3A_24 = vector.load %arg5[%get3A_22, %get3A_23] : memref<128x128xf32, #tpu.memory_space<vmem>>, vector<128x128xf32>
    %dot_general3A_25 = arith.constant dense<0.000000e+00> : vector<5000x128xf32>
    %dot_general3A_26 = tpu.matmul %get3A_10, %get3A_24, %dot_general3A_25 {dimension_numbers = #tpu.dot_dimension_numbers<[1], [0], [0], [1], [0, 0, 1, 1], [], []>, transpose_lhs_hint = false} : vector<5000x128xf32>, vector<128x128xf32>, vector<5000x128xf32> -> vector<5000x128xf32>
    %get3A_27 = arith.constant 0 : index
    %get3A_28 = arith.constant 0 : index
    %get3A_29 = vector.load %arg6[%get3A_27, %get3A_28] : memref<1x128xf32, #tpu.memory_space<vmem>>, vector<1x128xf32>
    %add3A_30 = vector.broadcast %get3A_29 : vector<1x128xf32> to vector<5000x128xf32>
    %add3A_31 = arith.addf %dot_general3A_26, %add3A_30 : vector<5000x128xf32>
    %max3A = arith.constant 0.000000e+00 : f32
    %max3A_32 = vector.broadcast %max3A : f32 to vector<5000x128xf32>
    %max3A_33 = arith.maximumf %add3A_31, %max3A_32 : vector<5000x128xf32>
    %get3A_34 = arith.constant 0 : index
    %get3A_35 = arith.constant 0 : index
    %get3A_36 = vector.load %arg7[%get3A_34, %get3A_35] : memref<128x128xf32, #tpu.memory_space<vmem>>, vector<128x128xf32>
    %dot_general3A_37 = arith.constant dense<0.000000e+00> : vector<5000x128xf32>
    %dot_general3A_38 = tpu.matmul %max3A_33, %get3A_36, %dot_general3A_37 {dimension_numbers = #tpu.dot_dimension_numbers<[1], [0], [0], [1], [0, 0, 1, 1], [], []>, transpose_lhs_hint = false} : vector<5000x128xf32>, vector<128x128xf32>, vector<5000x128xf32> -> vector<5000x128xf32>
    %get3A_39 = arith.constant 0 : index
    %get3A_40 = arith.constant 0 : index
    %get3A_41 = vector.load %arg8[%get3A_39, %get3A_40] : memref<1x128xf32, #tpu.memory_space<vmem>>, vector<1x128xf32>
    %add3A_42 = vector.broadcast %get3A_41 : vector<1x128xf32> to vector<5000x128xf32>
    %add3A_43 = arith.addf %dot_general3A_38, %add3A_42 : vector<5000x128xf32>
    %swap3A_44 = arith.constant 0 : index
    %swap3A_45 = arith.constant 0 : index
    %swap3A_46 = vector.load %arg11[%swap3A_44, %swap3A_45] : memref<5000x128xf32, #tpu.memory_space<vmem>>, vector<5000x128xf32>
    tpu.vector_store %arg11[%swap3A_44, %swap3A_45], %add3A_43 {strides = array<i32>} : memref<5000x128xf32, #tpu.memory_space<vmem>>, vector<5000x128xf32>,
    return
  }
  func.func @transform_0(%arg0: i32) -> (i32, i32) {
    %c0_i32 = arith.constant 0 : i32
    %c0_i32_0 = arith.constant 0 : i32
    return %arg0, %c0_i32 : i32, i32
  }
  func.func @transform_1(%arg0: i32) -> (i32, i32) {
    %c0_i32 = arith.constant 0 : i32
    %c0_i32_0 = arith.constant 0 : i32
    return %arg0, %c0_i32 : i32, i32
  }
  func.func @transform_2(%arg0: i32) -> (i32, i32) {
    %c0_i32 = arith.constant 0 : i32
    %c0_i32_0 = arith.constant 0 : i32
    return %arg0, %c0_i32 : i32, i32
  }
  func.func @transform_3(%arg0: i32) -> (i32, i32) {
    %c0_i32 = arith.constant 0 : i32
    %c0_i32_0 = arith.constant 0 : i32
    %c0_i32_1 = arith.constant 0 : i32
    return %c0_i32, %c0_i32_0 : i32, i32
  }
  func.func @transform_4(%arg0: i32) -> (i32, i32) {
    %c0_i32 = arith.constant 0 : i32
    %c0_i32_0 = arith.constant 0 : i32
    %c0_i32_1 = arith.constant 0 : i32
    return %c0_i32, %c0_i32_0 : i32, i32
  }
  func.func @transform_5(%arg0: i32) -> (i32, i32) {
    %c0_i32 = arith.constant 0 : i32
    %c0_i32_0 = arith.constant 0 : i32
    %c0_i32_1 = arith.constant 0 : i32
    return %c0_i32, %c0_i32_0 : i32, i32
  }
  func.func @transform_6(%arg0: i32) -> (i32, i32) {
    %c0_i32 = arith.constant 0 : i32
    %c0_i32_0 = arith.constant 0 : i32
    %c0_i32_1 = arith.constant 0 : i32
    return %c0_i32, %c0_i32_0 : i32, i32
  }
  func.func @transform_7(%arg0: i32) -> (i32, i32) {
    %c0_i32 = arith.constant 0 : i32
    %c0_i32_0 = arith.constant 0 : i32
    %c0_i32_1 = arith.constant 0 : i32
    return %c0_i32, %c0_i32_0 : i32, i32
  }
  func.func @transform_8(%arg0: i32) -> (i32, i32) {
    %c0_i32 = arith.constant 0 : i32
    %c0_i32_0 = arith.constant 0 : i32
    return %arg0, %c0_i32 : i32, i32
  }
  func.func @transform_9(%arg0: i32) -> (i32, i32) {
    %c0_i32 = arith.constant 0 : i32
    %c0_i32_0 = arith.constant 0 : i32
    return %arg0, %c0_i32 : i32, i32
  }
  func.func @transform_10(%arg0: i32) -> (i32, i32) {
    %c0_i32 = arith.constant 0 : i32
    %c0_i32_0 = arith.constant 0 : i32
    return %arg0, %c0_i32 : i32, i32
  }
}

module attributes {stable_mosaic.version = 14 : i64} {
  func.func @_k5_body(%arg0: i32, %arg1: memref<5000x64xf32, #tpu.memory_space<vmem>>, %arg2: memref<5000x64xf32, #tpu.memory_space<vmem>>, %arg3: memref<5000x64xf32, #tpu.memory_space<vmem>>, %arg4: memref<5000x64xf32, #tpu.memory_space<vmem>>, %arg5: memref<5000x16xf32, #tpu.memory_space<vmem>>, %arg6: memref<5000x16xf32, #tpu.memory_space<vmem>>, %arg7: memref<1x128xf32, #tpu.memory_space<vmem>>, %arg8: memref<5000x128xf32, #tpu.memory_space<vmem>>, %arg9: memref<256x40xf32, #tpu.memory_space<vmem>>, %arg10: memref<1x40xf32, #tpu.memory_space<vmem>>, %arg11: memref<5000x40xf32, #tpu.memory_space<vmem>>, %arg12: memref<5000x40xf32, #tpu.memory_space<vmem>>) attributes {dimension_semantics = [#tpu.dimension_semantics<arbitrary>], iteration_bounds = array<i64: 2>, scalar_prefetch = 0 : i64, scratch_operands = 0 : i64, tpu.core_type = #tpu.core_type<tc>, window_params = [{transform_indices = @transform_0, window_bounds = array<i64: 5000, 64>}, {transform_indices = @transform_1, window_bounds = array<i64: 5000, 64>}, {transform_indices = @transform_2, window_bounds = array<i64: 5000, 64>}, {transform_indices = @transform_3, window_bounds = array<i64: 5000, 64>}, {transform_indices = @transform_4, window_bounds = array<i64: 5000, 16>}, {transform_indices = @transform_5, window_bounds = array<i64: 5000, 16>}, {pipeline_mode = #tpu.pipeline_mode<synchronous>, transform_indices = @transform_6, window_bounds = array<i64: 1, 128>}, {transform_indices = @transform_7, window_bounds = array<i64: 5000, 128>}, {pipeline_mode = #tpu.pipeline_mode<synchronous>, transform_indices = @transform_8, window_bounds = array<i64: 256, 40>}, {pipeline_mode = #tpu.pipeline_mode<synchronous>, transform_indices = @transform_9, window_bounds = array<i64: 1, 40>}, {transform_indices = @transform_10, window_bounds = array<i64: 5000, 40>}, {transform_indices = @transform_11, window_bounds = array<i64: 5000, 40>}]} {
    %get3A = arith.constant 0 : index
    %get3A_0 = arith.constant 0 : index
    %get3A_1 = vector.load %arg5[%get3A, %get3A_0] : memref<5000x16xf32, #tpu.memory_space<vmem>>, vector<5000x1xf32>
    %get3A_2 = arith.constant 0 : index
    %get3A_3 = arith.constant 0 : index
    %get3A_4 = vector.load %arg6[%get3A_2, %get3A_3] : memref<5000x16xf32, #tpu.memory_space<vmem>>, vector<5000x1xf32>
    %add3A = arith.addf %get3A_1, %get3A_4 : vector<5000x1xf32>
    %add3A_5 = arith.constant 1.000000e+00 : f32
    %add3A_6 = vector.broadcast %add3A_5 : f32 to vector<5000x1xf32>
    %add3A_7 = arith.addf %add3A, %add3A_6 : vector<5000x1xf32>
    %rsqrt3A = math.rsqrt %add3A_7 : vector<5000x1xf32>
    %get3A_8 = arith.constant 0 : index
    %get3A_9 = arith.constant 0 : index
    %get3A_10 = vector.load %arg1[%get3A_8, %get3A_9] : memref<5000x64xf32, #tpu.memory_space<vmem>>, vector<5000x64xf32>
    %get3A_11 = arith.constant 0 : index
    %get3A_12 = arith.constant 0 : index
    %get3A_13 = vector.load %arg3[%get3A_11, %get3A_12] : memref<5000x64xf32, #tpu.memory_space<vmem>>, vector<5000x64xf32>
    %add3A_14 = arith.addf %get3A_10, %get3A_13 : vector<5000x64xf32>
    %get3A_15 = arith.constant 0 : index
    %get3A_16 = arith.constant 0 : index
    %get3A_17 = vector.load %arg2[%get3A_15, %get3A_16] : memref<5000x64xf32, #tpu.memory_space<vmem>>, vector<5000x64xf32>
    %get3A_18 = arith.constant 0 : index
    %get3A_19 = arith.constant 0 : index
    %get3A_20 = vector.load %arg4[%get3A_18, %get3A_19] : memref<5000x64xf32, #tpu.memory_space<vmem>>, vector<5000x64xf32>
    %add3A_21 = arith.addf %get3A_17, %get3A_20 : vector<5000x64xf32>
    %concatenate3A = tpu.concatenate %add3A_14, %add3A_21 in 1 : vector<5000x64xf32>, vector<5000x64xf32> -> vector<5000x128xf32>
    %mul3A = vector.broadcast %rsqrt3A : vector<5000x1xf32> to vector<5000x128xf32>
    %mul3A_22 = arith.mulf %mul3A, %concatenate3A : vector<5000x128xf32>
    %get3A_23 = arith.constant 0 : index
    %get3A_24 = arith.constant 0 : index
    %get3A_25 = vector.load %arg7[%get3A_23, %get3A_24] : memref<1x128xf32, #tpu.memory_space<vmem>>, vector<1x128xf32>
    %add3A_26 = vector.broadcast %get3A_25 : vector<1x128xf32> to vector<5000x128xf32>
    %add3A_27 = arith.addf %mul3A_22, %add3A_26 : vector<5000x128xf32>
    %max3A = arith.constant 0.000000e+00 : f32
    %max3A_28 = vector.broadcast %max3A : f32 to vector<5000x128xf32>
    %max3A_29 = arith.maximumf %add3A_27, %max3A_28 : vector<5000x128xf32>
    %get3A_30 = arith.constant 0 : index
    %get3A_31 = arith.constant 0 : index
    %get3A_32 = vector.load %arg8[%get3A_30, %get3A_31] : memref<5000x128xf32, #tpu.memory_space<vmem>>, vector<5000x128xf32>
    %max3A_33 = arith.constant 0.000000e+00 : f32
    %max3A_34 = vector.broadcast %max3A_33 : f32 to vector<5000x128xf32>
    %max3A_35 = arith.maximumf %get3A_32, %max3A_34 : vector<5000x128xf32>
    %get3A_36 = arith.constant 0 : index
    %get3A_37 = arith.constant 0 : index
    %get3A_38 = vector.load %arg9[%get3A_36, %get3A_37] : memref<256x40xf32, #tpu.memory_space<vmem>>, vector<256x40xf32>
    %slice3A = vector.extract_strided_slice %get3A_38 {offsets = [0, 0], sizes = [128, 40], strides = [1, 1]} : vector<256x40xf32> to vector<128x40xf32>
    %dot_general3A = arith.constant dense<0.000000e+00> : vector<5000x40xf32>
    %dot_general3A_39 = tpu.matmul %max3A_29, %slice3A, %dot_general3A {dimension_numbers = #tpu.dot_dimension_numbers<[1], [0], [0], [1], [0, 0, 1, 1], [], []>, transpose_lhs_hint = false} : vector<5000x128xf32>, vector<128x40xf32>, vector<5000x40xf32> -> vector<5000x40xf32>
    %slice3A_40 = vector.extract_strided_slice %get3A_38 {offsets = [128, 0], sizes = [128, 40], strides = [1, 1]} : vector<256x40xf32> to vector<128x40xf32>
    %dot_general3A_41 = arith.constant dense<0.000000e+00> : vector<5000x40xf32>
    %dot_general3A_42 = tpu.matmul %max3A_35, %slice3A_40, %dot_general3A_41 {dimension_numbers = #tpu.dot_dimension_numbers<[1], [0], [0], [1], [0, 0, 1, 1], [], []>, transpose_lhs_hint = false} : vector<5000x128xf32>, vector<128x40xf32>, vector<5000x40xf32> -> vector<5000x40xf32>
    %add3A_43 = arith.addf %dot_general3A_39, %dot_general3A_42 : vector<5000x40xf32>
    %get3A_44 = arith.constant 0 : index
    %get3A_45 = arith.constant 0 : index
    %get3A_46 = vector.load %arg10[%get3A_44, %get3A_45] : memref<1x40xf32, #tpu.memory_space<vmem>>, vector<1x40xf32>
    %add3A_47 = vector.broadcast %get3A_46 : vector<1x40xf32> to vector<5000x40xf32>
    %add3A_48 = arith.addf %add3A_43, %add3A_47 : vector<5000x40xf32>
    %reduce_max3A = arith.constant dense<0xFF800000> : vector<5000xf32>
    %reduce_max3A_49 = vector.multi_reduction <maximumf>, %add3A_48, %reduce_max3A [1] : vector<5000x40xf32> to vector<5000xf32>
    %broadcast_in_dim3A = vector.shape_cast %reduce_max3A_49 : vector<5000xf32> to vector<5000x1xf32>
    %sub3A = vector.broadcast %broadcast_in_dim3A : vector<5000x1xf32> to vector<5000x40xf32>
    %sub3A_50 = arith.subf %add3A_48, %sub3A : vector<5000x40xf32>
    %exp3A = math.exp %sub3A_50 : vector<5000x40xf32>
    %swap3A = arith.constant 0 : index
    %swap3A_51 = arith.constant 0 : index
    %swap3A_52 = vector.load %arg11[%swap3A, %swap3A_51] : memref<5000x40xf32, #tpu.memory_space<vmem>>, vector<5000x40xf32>
    tpu.vector_store %arg11[%swap3A, %swap3A_51], %add3A_48 {strides = array<i32>} : memref<5000x40xf32, #tpu.memory_space<vmem>>, vector<5000x40xf32>,
    %reduce_sum3A = arith.constant dense<0.000000e+00> : vector<5000xf32>
    %reduce_sum3A_53 = vector.multi_reduction <add>, %exp3A, %reduce_sum3A [1] : vector<5000x40xf32> to vector<5000xf32>
    %broadcast_in_dim3A_54 = vector.shape_cast %reduce_sum3A_53 : vector<5000xf32> to vector<5000x1xf32>
    %div3A = vector.broadcast %broadcast_in_dim3A_54 : vector<5000x1xf32> to vector<5000x40xf32>
    %div3A_55 = arith.divf %exp3A, %div3A : vector<5000x40xf32>
    %swap3A_56 = arith.constant 0 : index
    %swap3A_57 = arith.constant 0 : index
    %swap3A_58 = vector.load %arg12[%swap3A_56, %swap3A_57] : memref<5000x40xf32, #tpu.memory_space<vmem>>, vector<5000x40xf32>
    tpu.vector_store %arg12[%swap3A_56, %swap3A_57], %div3A_55 {strides = array<i32>} : memref<5000x40xf32, #tpu.memory_space<vmem>>, vector<5000x40xf32>,
    return
  }
  func.func @transform_0(%arg0: i32) -> (i32, i32) {
    %c0_i32 = arith.constant 0 : i32
    %c0_i32_0 = arith.constant 0 : i32
    return %arg0, %c0_i32 : i32, i32
  }
  func.func @transform_1(%arg0: i32) -> (i32, i32) {
    %c0_i32 = arith.constant 0 : i32
    %c0_i32_0 = arith.constant 0 : i32
    return %arg0, %c0_i32 : i32, i32
  }
  func.func @transform_2(%arg0: i32) -> (i32, i32) {
    %c0_i32 = arith.constant 0 : i32
    %c0_i32_0 = arith.constant 0 : i32
    return %arg0, %c0_i32 : i32, i32
  }
  func.func @transform_3(%arg0: i32) -> (i32, i32) {
    %c0_i32 = arith.constant 0 : i32
    %c0_i32_0 = arith.constant 0 : i32
    return %arg0, %c0_i32 : i32, i32
  }
  func.func @transform_4(%arg0: i32) -> (i32, i32) {
    %c0_i32 = arith.constant 0 : i32
    %c0_i32_0 = arith.constant 0 : i32
    return %arg0, %c0_i32 : i32, i32
  }
  func.func @transform_5(%arg0: i32) -> (i32, i32) {
    %c0_i32 = arith.constant 0 : i32
    %c0_i32_0 = arith.constant 0 : i32
    return %arg0, %c0_i32 : i32, i32
  }
  func.func @transform_6(%arg0: i32) -> (i32, i32) {
    %c0_i32 = arith.constant 0 : i32
    %c0_i32_0 = arith.constant 0 : i32
    %c0_i32_1 = arith.constant 0 : i32
    return %c0_i32, %c0_i32_0 : i32, i32
  }
  func.func @transform_7(%arg0: i32) -> (i32, i32) {
    %c0_i32 = arith.constant 0 : i32
    %c0_i32_0 = arith.constant 0 : i32
    return %arg0, %c0_i32 : i32, i32
  }
  func.func @transform_8(%arg0: i32) -> (i32, i32) {
    %c0_i32 = arith.constant 0 : i32
    %c0_i32_0 = arith.constant 0 : i32
    %c0_i32_1 = arith.constant 0 : i32
    return %c0_i32, %c0_i32_0 : i32, i32
  }
  func.func @transform_9(%arg0: i32) -> (i32, i32) {
    %c0_i32 = arith.constant 0 : i32
    %c0_i32_0 = arith.constant 0 : i32
    %c0_i32_1 = arith.constant 0 : i32
    return %c0_i32, %c0_i32_0 : i32, i32
  }
  func.func @transform_10(%arg0: i32) -> (i32, i32) {
    %c0_i32 = arith.constant 0 : i32
    %c0_i32_0 = arith.constant 0 : i32
    return %arg0, %c0_i32 : i32, i32
  }
  func.func @transform_11(%arg0: i32) -> (i32, i32) {
    %c0_i32 = arith.constant 0 : i32
    %c0_i32_0 = arith.constant 0 : i32
    return %arg0, %c0_i32 : i32, i32
  }
}

module attributes {stable_mosaic.version = 14 : i64} {
  func.func @_k3_body(%arg0: i32, %arg1: memref<5000x64xf32, #tpu.memory_space<vmem>>, %arg2: memref<5000x64xf32, #tpu.memory_space<vmem>>, %arg3: memref<5000x64xf32, #tpu.memory_space<vmem>>, %arg4: memref<5000x64xf32, #tpu.memory_space<vmem>>, %arg5: memref<5000x16xf32, #tpu.memory_space<vmem>>, %arg6: memref<5000x16xf32, #tpu.memory_space<vmem>>, %arg7: memref<128x128xf32, #tpu.memory_space<vmem>>, %arg8: memref<1x128xf32, #tpu.memory_space<vmem>>, %arg9: memref<5000x64xf32, #tpu.memory_space<vmem>>, %arg10: memref<5000x64xf32, #tpu.memory_space<vmem>>) attributes {dimension_semantics = [#tpu.dimension_semantics<arbitrary>], iteration_bounds = array<i64: 2>, scalar_prefetch = 0 : i64, scratch_operands = 0 : i64, tpu.core_type = #tpu.core_type<tc>, window_params = [{transform_indices = @transform_0, window_bounds = array<i64: 5000, 64>}, {transform_indices = @transform_1, window_bounds = array<i64: 5000, 64>}, {transform_indices = @transform_2, window_bounds = array<i64: 5000, 64>}, {transform_indices = @transform_3, window_bounds = array<i64: 5000, 64>}, {transform_indices = @transform_4, window_bounds = array<i64: 5000, 16>}, {transform_indices = @transform_5, window_bounds = array<i64: 5000, 16>}, {pipeline_mode = #tpu.pipeline_mode<synchronous>, transform_indices = @transform_6, window_bounds = array<i64: 128, 128>}, {pipeline_mode = #tpu.pipeline_mode<synchronous>, transform_indices = @transform_7, window_bounds = array<i64: 1, 128>}, {transform_indices = @transform_8, window_bounds = array<i64: 5000, 64>}, {transform_indices = @transform_9, window_bounds = array<i64: 5000, 64>}]} {
    %get3A = arith.constant 0 : index
    %get3A_0 = arith.constant 0 : index
    %get3A_1 = vector.load %arg5[%get3A, %get3A_0] : memref<5000x16xf32, #tpu.memory_space<vmem>>, vector<5000x1xf32>
    %get3A_2 = arith.constant 0 : index
    %get3A_3 = arith.constant 0 : index
    %get3A_4 = vector.load %arg6[%get3A_2, %get3A_3] : memref<5000x16xf32, #tpu.memory_space<vmem>>, vector<5000x1xf32>
    %add3A = arith.addf %get3A_1, %get3A_4 : vector<5000x1xf32>
    %add3A_5 = arith.constant 1.000000e+00 : f32
    %add3A_6 = vector.broadcast %add3A_5 : f32 to vector<5000x1xf32>
    %add3A_7 = arith.addf %add3A, %add3A_6 : vector<5000x1xf32>
    %rsqrt3A = math.rsqrt %add3A_7 : vector<5000x1xf32>
    %get3A_8 = arith.constant 0 : index
    %get3A_9 = arith.constant 0 : index
    %get3A_10 = vector.load %arg1[%get3A_8, %get3A_9] : memref<5000x64xf32, #tpu.memory_space<vmem>>, vector<5000x64xf32>
    %get3A_11 = arith.constant 0 : index
    %get3A_12 = arith.constant 0 : index
    %get3A_13 = vector.load %arg3[%get3A_11, %get3A_12] : memref<5000x64xf32, #tpu.memory_space<vmem>>, vector<5000x64xf32>
    %add3A_14 = arith.addf %get3A_10, %get3A_13 : vector<5000x64xf32>
    %get3A_15 = arith.constant 0 : index
    %get3A_16 = arith.constant 0 : index
    %get3A_17 = vector.load %arg2[%get3A_15, %get3A_16] : memref<5000x64xf32, #tpu.memory_space<vmem>>, vector<5000x64xf32>
    %get3A_18 = arith.constant 0 : index
    %get3A_19 = arith.constant 0 : index
    %get3A_20 = vector.load %arg4[%get3A_18, %get3A_19] : memref<5000x64xf32, #tpu.memory_space<vmem>>, vector<5000x64xf32>
    %add3A_21 = arith.addf %get3A_17, %get3A_20 : vector<5000x64xf32>
    %concatenate3A = tpu.concatenate %add3A_14, %add3A_21 in 1 : vector<5000x64xf32>, vector<5000x64xf32> -> vector<5000x128xf32>
    %mul3A = vector.broadcast %rsqrt3A : vector<5000x1xf32> to vector<5000x128xf32>
    %mul3A_22 = arith.mulf %mul3A, %concatenate3A : vector<5000x128xf32>
    %get3A_23 = arith.constant 0 : index
    %get3A_24 = arith.constant 0 : index
    %get3A_25 = vector.load %arg8[%get3A_23, %get3A_24] : memref<1x128xf32, #tpu.memory_space<vmem>>, vector<1x128xf32>
    %add3A_26 = vector.broadcast %get3A_25 : vector<1x128xf32> to vector<5000x128xf32>
    %add3A_27 = arith.addf %mul3A_22, %add3A_26 : vector<5000x128xf32>
    %max3A = arith.constant 0.000000e+00 : f32
    %max3A_28 = vector.broadcast %max3A : f32 to vector<5000x128xf32>
    %max3A_29 = arith.maximumf %add3A_27, %max3A_28 : vector<5000x128xf32>
    %get3A_30 = arith.constant 0 : index
    %get3A_31 = arith.constant 0 : index
    %get3A_32 = vector.load %arg7[%get3A_30, %get3A_31] : memref<128x128xf32, #tpu.memory_space<vmem>>, vector<128x128xf32>
    %dot_general3A = arith.constant dense<0.000000e+00> : vector<5000x128xf32>
    %dot_general3A_33 = tpu.matmul %max3A_29, %get3A_32, %dot_general3A {dimension_numbers = #tpu.dot_dimension_numbers<[1], [0], [0], [1], [0, 0, 1, 1], [], []>, transpose_lhs_hint = false} : vector<5000x128xf32>, vector<128x128xf32>, vector<5000x128xf32> -> vector<5000x128xf32>
    %mul3A_34 = vector.broadcast %rsqrt3A : vector<5000x1xf32> to vector<5000x128xf32>
    %mul3A_35 = arith.mulf %mul3A_34, %dot_general3A_33 : vector<5000x128xf32>
    %slice3A = vector.extract_strided_slice %mul3A_35 {offsets = [0, 0], sizes = [5000, 64], strides = [1, 1]} : vector<5000x128xf32> to vector<5000x64xf32>
    %swap3A = arith.constant 0 : index
    %swap3A_36 = arith.constant 0 : index
    %swap3A_37 = vector.load %arg9[%swap3A, %swap3A_36] : memref<5000x64xf32, #tpu.memory_space<vmem>>, vector<5000x64xf32>
    tpu.vector_store %arg9[%swap3A, %swap3A_36], %slice3A {strides = array<i32>} : memref<5000x64xf32, #tpu.memory_space<vmem>>, vector<5000x64xf32>,
    %slice3A_38 = vector.extract_strided_slice %mul3A_35 {offsets = [0, 64], sizes = [5000, 64], strides = [1, 1]} : vector<5000x128xf32> to vector<5000x64xf32>
    %swap3A_39 = arith.constant 0 : index
    %swap3A_40 = arith.constant 0 : index
    %swap3A_41 = vector.load %arg10[%swap3A_39, %swap3A_40] : memref<5000x64xf32, #tpu.memory_space<vmem>>, vector<5000x64xf32>
    tpu.vector_store %arg10[%swap3A_39, %swap3A_40], %slice3A_38 {strides = array<i32>} : memref<5000x64xf32, #tpu.memory_space<vmem>>, vector<5000x64xf32>,
    return
  }
  func.func @transform_0(%arg0: i32) -> (i32, i32) {
    %c0_i32 = arith.constant 0 : i32
    %c0_i32_0 = arith.constant 0 : i32
    return %arg0, %c0_i32 : i32, i32
  }
  func.func @transform_1(%arg0: i32) -> (i32, i32) {
    %c0_i32 = arith.constant 0 : i32
    %c0_i32_0 = arith.constant 0 : i32
    return %arg0, %c0_i32 : i32, i32
  }
  func.func @transform_2(%arg0: i32) -> (i32, i32) {
    %c0_i32 = arith.constant 0 : i32
    %c0_i32_0 = arith.constant 0 : i32
    return %arg0, %c0_i32 : i32, i32
  }
  func.func @transform_3(%arg0: i32) -> (i32, i32) {
    %c0_i32 = arith.constant 0 : i32
    %c0_i32_0 = arith.constant 0 : i32
    return %arg0, %c0_i32 : i32, i32
  }
  func.func @transform_4(%arg0: i32) -> (i32, i32) {
    %c0_i32 = arith.constant 0 : i32
    %c0_i32_0 = arith.constant 0 : i32
    return %arg0, %c0_i32 : i32, i32
  }
  func.func @transform_5(%arg0: i32) -> (i32, i32) {
    %c0_i32 = arith.constant 0 : i32
    %c0_i32_0 = arith.constant 0 : i32
    return %arg0, %c0_i32 : i32, i32
  }
  func.func @transform_6(%arg0: i32) -> (i32, i32) {
    %c0_i32 = arith.constant 0 : i32
    %c0_i32_0 = arith.constant 0 : i32
    %c0_i32_1 = arith.constant 0 : i32
    return %c0_i32, %c0_i32_0 : i32, i32
  }
  func.func @transform_7(%arg0: i32) -> (i32, i32) {
    %c0_i32 = arith.constant 0 : i32
    %c0_i32_0 = arith.constant 0 : i32
    %c0_i32_1 = arith.constant 0 : i32
    return %c0_i32, %c0_i32_0 : i32, i32
  }
  func.func @transform_8(%arg0: i32) -> (i32, i32) {
    %c0_i32 = arith.constant 0 : i32
    %c0_i32_0 = arith.constant 0 : i32
    return %arg0, %c0_i32 : i32, i32
  }
  func.func @transform_9(%arg0: i32) -> (i32, i32) {
    %c0_i32 = arith.constant 0 : i32
    %c0_i32_0 = arith.constant 0 : i32
    return %arg0, %c0_i32 : i32, i32
  }
}

</mosaic_0001>

<sc_bundles>
// kernel: kernel.11.cloned.1.call-start
scs
__scs_entry_jumppad:
0x0: {  	(pc) =	sbr.rel $0x88, $3  }
0x1: {  	(tag) =	ssettag $0x0;
	lr =	simm.s32 $0x1  }
0x2: {  	[smem:$0x3F95] =	sst lr;
	_ =	strace $0xD0000000  }
0x3: {  	_ = 	snop  }
0x4: {  	_ = 	snop  }
0x5: {  	_ = 	snop  }
0x6: {  	_ = 	snop  }
0x7: {  	_ = 	snop  }
__scs_overlays_trampoline_lowered:
0x8: {  	[smem:$0x3FA4] =	sst s0  }
0x9: {  	[smem:$0x3FA5] =	sst s1  }
0xa: {  	[smem:$0x3FA6] =	sst s2  }
0xb: {  	[smem:$0x3FA7] =	sst s3  }
0xc: {  	[smem:$0x3FA8] =	sst s4  }
0xd: {  	[smem:$0x3FA9] =	sst s5  }
0xe: {  	[smem:$0x3FAA] =	sst s6  }
0xf: {  	[smem:$0x3FAB] =	sst s7  }
0x10: {  	[smem:$0x3FAC] =	sst s8  }
0x11: {  	[smem:$0x3FAD] =	sst s9;
	s0 =	simm.s32 @!p0 $0x0  }
0x12: {  	s1 =	sld [smem:$0x3F93];
	s0 =	simm.s32 @p0 $0x1  }
0x13: {  	[smem:$0x3FAE] =	sst s0;
	s0 =	simm.s32 @!p1 $0x0  }
0x14: {  	s2 =	sld [smem:$0x3F92];
	s0 =	simm.s32 @p1 $0x1  }
0x15: {  	[smem:$0x3FAF] =	sst s0;
	s0 =	simm.s32 @!p2 $0x0  }
0x16: {  	s3 =	sld [smem:$0x3FDB];
	s0 =	simm.s32 @p2 $0x1  }
0x17: {  	s4 =	simm.s32 $0x1BF5;
	[smem:$0x3FB1] =	sst s0  }
0x18: {  	s0 =	sld [smem:$0x3F94];
	_ =	swait.ge [sflag:s4], $0x0  }
0x19: {  	s7 =	sld [smem:$0x3F95]  }
0x1a: {  	s8 =	sadd.s32 $0xFFFFE003, lr  }
0x1b: {  	s9 =	sadd.s32 $0xFFFFFEF7, lr;
	s5 =	simm.s32 $0xFFFFFFFF;
	p2 =	slt.u32 s8, $0xFFFFF086  }
0x1c: {  	p1 =	slt.u32 s9, $0xF7A;
	s5 =	simm.s32 @!p2 $0x0  }
0x1d: {  	s5 =	simm.s32 @p1 $0x1;
	p0 =	seq.s32 s7, s2  }
0x1e: {  	s7 =	smul.u32 @!p0 $0xF7A, s2;
	p2 =	seq.s32 @!p0 s5, $0x0  }
0x1f: {  	s9 =	smul.u32 $0xF7A, s1;
	s8 =	simm.s32 @!p0 $0x1BF5;
	p2 =	por !p2, p0  }
0x20: {  	[sflag:s8] =	ssyncset.s32 @!p0 $0xFFFFF086;
	s6 =	sadd.s32 @!p0 s3, s7;
	s7 =	simm.s32 @!p0 $0x108  }
0x21: {  	s3 =	sadd.s32 s3, s9;
	s6 =	sadd.s32 @!p0 $0x88, s6;
	s7 =	simm.s32 @p2 $0x1082  }
0x22: {  	[simem:s7], [sflag:s8] =	dma.local @!p0 [hbm:s6], $0xF7A  }
0x23: {  	s9 =	sor.u32 $0xD0000000, s2;
	s6 =	simm.s32 $0x108;
	_ =	swait.ge @!p0 [sflag:s8], $0x0  }
0x24: {  	s3 =	sadd.s32 $0x88, s3;
	s6 =	simm.s32 @!p1 $0x1082;
	[sflag:s4] =	ssyncset.s32 $0xFFFFF086  }
0x25: {  	[simem:s6], [sflag:s4] =	dma.local [hbm:s3], $0xF7A  }
0x26: {  	[smem:$0x3F95] =	sst s1;
	(tag) =	ssettag s2;
	_ =	strace s9  }
0x27: {  	s1 =	sld [smem:$0x3FA5]  }
0x28: {  	s2 =	sld [smem:$0x3FA6]  }
0x29: {  	s4 =	sld [smem:$0x3FA8]  }
0x2a: {  	p0 =	seq.s32 s5, $0x0;
	s5 =	sld [smem:$0x3FA9]  }
0x2b: {  	s6 =	sld [smem:$0x3FAA]  }
0x2c: {  	s7 =	sld [smem:$0x3FAB]  }
0x2d: {  	s3 =	simm.s32 $0x108;
	s8 =	sld [smem:$0x3FAC]  }
0x2e: {  	s3 =	simm.s32 @!p0 $0x1082;
	s9 =	sld [smem:$0x3FAD]  }
0x2f: {  	lr =	sadd.s32 s0, s3;
	s0 =	sld [smem:$0x3FA4]  }
0x30: {  	s3 =	sld [smem:$0x3FA7]  }
0x31: {  	[smem:$0x3FB0] =	sst s10  }
0x32: {  	s10 =	sld [smem:$0x3FAE];
	_ =	sdelay $0x3  }
0x33: {  	p0 =	seq.s32 s10, $0x1;
	s10 =	sld [smem:$0x3FB0];
	_ =	sdelay $0x3  }
0x34: {  	[smem:$0x3FB0] =	sst s10  }
0x35: {  	s10 =	sld [smem:$0x3FAF];
	_ =	sdelay $0x3  }
0x36: {  	p1 =	seq.s32 s10, $0x1;
	s10 =	sld [smem:$0x3FB0];
	_ =	sdelay $0x3  }
0x37: {  	[smem:$0x3FB0] =	sst s10  }
0x38: {  	s10 =	sld [smem:$0x3FB1]  }
0x39: {  	_ = 	snop;
	(pc) =	sbr.ind lr, $3  }
0x3a: {  	_ = 	snop  }
0x3b: {  	_ = 	snop  }
0x3c: {  	p2 =	seq.s32 s10, $0x1;
	s10 =	sld [smem:$0x3FB0]  }
0x3d: {  	_ =	shalt  }
0x3e: {  	_ =	shalt  }
0x3f: {  	_ =	shalt  }
0x40: {  	_ =	shalt  }
0x41: {  	_ =	shalt  }
0x42: {  	_ =	shalt  }
0x43: {  	_ =	shalt  }
0x44: {  	_ =	shalt  }
0x45: {  	_ =	shalt  }
0x46: {  	_ =	shalt  }
0x47: {  	_ =	shalt  }
0x48: {  	_ =	shalt  }
0x49: {  	_ =	shalt  }
0x4a: {  	_ =	shalt  }
0x4b: {  	_ =	shalt  }
0x4c: {  	_ =	shalt  }
0x4d: {  	_ =	shalt  }
0x4e: {  	_ =	shalt  }
0x4f: {  	_ =	shalt  }
0x50: {  	_ =	shalt  }
0x51: {  	_ =	shalt  }
0x52: {  	_ =	shalt  }
0x53: {  	_ =	shalt  }
0x54: {  	_ =	shalt  }
0x55: {  	_ =	shalt  }
0x56: {  	_ =	shalt  }
0x57: {  	_ =	shalt  }
0x58: {  	_ =	shalt  }
0x59: {  	_ =	shalt  }
0x5a: {  	_ =	shalt  }
0x5b: {  	_ =	shalt  }
0x5c: {  	_ =	shalt  }
0x5d: {  	_ =	shalt  }
0x5e: {  	_ =	shalt  }
0x5f: {  	_ =	shalt  }
0x60: {  	_ =	shalt  }
0x61: {  	_ =	shalt  }
0x62: {  	_ =	shalt  }
0x63: {  	_ =	shalt  }
0x64: {  	_ =	shalt  }
0x65: {  	_ =	shalt  }
0x66: {  	_ =	shalt  }
0x67: {  	_ =	shalt  }
0x68: {  	_ =	shalt  }
0x69: {  	_ =	shalt  }
0x6a: {  	_ =	shalt  }
0x6b: {  	_ =	shalt  }
0x6c: {  	_ =	shalt  }
0x6d: {  	_ =	shalt  }
0x6e: {  	_ =	shalt  }
0x6f: {  	_ =	shalt  }
0x70: {  	_ =	shalt  }
0x71: {  	_ =	shalt  }
0x72: {  	_ =	shalt  }
0x73: {  	_ =	shalt  }
0x74: {  	_ =	shalt  }
0x75: {  	_ =	shalt  }
0x76: {  	_ =	shalt  }
0x77: {  	_ =	shalt  }
0x78: {  	_ =	shalt  }
0x79: {  	_ =	shalt  }
0x7a: {  	_ =	shalt  }
0x7b: {  	_ =	shalt  }
0x7c: {  	_ =	shalt  }
0x7d: {  	_ =	shalt  }
0x7e: {  	_ =	shalt  }
0x7f: {  	_ =	shalt  }
0x80: {  	_ =	shalt  }
0x81: {  	_ =	shalt  }
0x82: {  	_ =	shalt  }
0x83: {  	_ =	shalt  }
0x84: {  	_ =	shalt  }
0x85: {  	_ =	shalt  }
0x86: {  	_ =	shalt  }
0x87: {  	_ =	shalt  }
.Lfunc_end0:
.L_simem_size_0:
called_computation.1_lowered:
.L_overlay_start_0:
0x88: {  	s2 =	sld [smem:$0x3FD9]  }
0x89: {  	s3 =	sld [smem:$0x3FFE];
	_ =	sdelay $0x1  }
0x8a: {  	s1 =	srdreg.scid  }
0x8b: {  	s0 =	sand.u32 $0x1, s1  }
0x8c: {  	s14 =	sshll.u32 s0, $0xA;
	s2 =	sadd.s32 s3, s2  }
0x8d: {  	s2 =	sadd.s32 s2, s14  }
0x8e: {  	[smem:$0x3FBC] =	sst s2  }
0x8f: {  	_ = 	snop  }
0x90: {  	s2 =	sld [smem:$0x3FD0];
	_ =	sdelay $0x2  }
0x91: {  	s15 =	simm.s32 $0xA;
	s4 =	simm.s32 $0x10  }
0x92: {  	[smem:s4], [sflag:s15] =	dma.local [hbm:s2], $0x1  }
0x93: {  	_ =	swait.eq [sflag:s15], $0x1  }
0x94: {  	[sflag:s15] =	ssyncset.done $0x0  }
0x95: {  	s16 =	sld [smem:$0x10];
	[sflag:s15] =	ssyncadd.s32 $0xFFFFFFFF  }
0x96: {  	s17 =	sld [smem:$0x11];
	(tm) =	ssettm $0x1  }
0x97: {  	s18 =	sld [smem:$0x3FFB];
	_ =	sdelay $0x3  }
0x98: {  	_ =	strace s18  }
0x99: {  	s4 =	sld [smem:$0x3FFC];
	_ =	sdelay $0x3  }
0x9a: {  	_ =	strace s4  }
0x9b: {  	s4 =	sld [smem:$0x3FFD];
	_ =	sdelay $0x3  }
0x9c: {  	_ =	strace s4  }
0x9d: {  	_ =	strace $0x8FFFFFFF  }
0x9e: {  	s19 =	sld [smem:$0x3FDB];
	_ =	sdelay $0x1  }
0x9f: {  	s5 =	simm.s32 $_scs_section_size  }
0xa0: {  	s6 =	simm.s32 $_size__tile_overlayer_lowered;
	s7 =	simm.s32 $_tile_overlayer_lowered  }
0xa1: {  	s22 =	simm.s32 $0x1BFF;
	s21 =	sshll.u32 s7, $0x1;
	s4 =	sadd.s32 s5, s19  }
0xa2: {  	s8 =	simm.s32 $0x0;
	s20 =	sshll.u32 s6, $0x1;
	s6 =	sadd.s32 s21, s4  }
0xa3: {  	[timem:s8], [sflag:s22] =	dma.local [hbm:s6], s20  }
0xa4: {  	_ =	swait.ge [sflag:s22], s20  }
0xa5: {  	s5 =	ssub.s32 $0x0, s20;
	[sflag:s22] =	ssyncset.done $0x0  }
0xa6: {  	[sflag:s22] =	ssyncadd.s32 s5;
	_ =	sdelay $0x1  }
0xa7: {  	s23 =	simm.s32 $0x1B8B  }
0xa8: {  	_ =	swait.ge [sflag:s23], $0x1  }
0xa9: {  	[sflag:s23] =	ssyncset.done $0x0  }
0xaa: {  	s25 =	simm.s32 $0x1B8E;
	s24 =	sld [smem:$0x3FFE];
	[sflag:s23] =	ssyncadd.s32 $0xFFFFFFFF  }
0xab: {  	s26 =	simm.s32 $execute0_lowered;
	[smem:$0x3FD2] =	sst s25  }
0xac: {  	s6 =	sshll.u32 s26, $0x1;
	_ =	strace $0x80000049;
	[dreg:$0x1] =	wrdreg $0xFFFFFFFF  }
0xad: {  	s28 =	simm.s32 $_size_execute0_lowered;
	s4 =	sadd.s32 s4, s6;
	[dreg:$0x0] =	wrdreg $0x0  }
0xae: {  	s6 =	sshll.u32 s28, $0x1;
	[dreg:$0x2] =	wrdreg s4  }
0xaf: {  	[dreg:$0x3] =	wrdreg s6  }
0xb0: {  	[dreg:$0x4] =	wrdreg $0xC0  }
0xb1: {  	_ =	task [dreg:s8], $0x5FFFF  }
0xb2: {  	[dreg:$0x1] =	wrdreg $0xFFFFFFFF  }
0xb3: {  	[dreg:$0x0] =	wrdreg $0x60  }
0xb4: {  	[dreg:$0x2] =	wrdreg s24  }
0xb5: {  	[dreg:$0x3] =	wrdreg s17  }
0xb6: {  	[dreg:$0x4] =	wrdreg s16  }
0xb7: {  	[dreg:$0x5] =	wrdreg $0x13D000  }
0xb8: {  	[dreg:$0x6] =	wrdreg $0x9  }
0xb9: {  	_ =	task.clear_ibuf [dreg:s8], $0x7FFFF;
	_ =	strace $0x90000049  }
0xba: {  	s29 =	simm.s32 $0x9;
	_ =	strace $0x8000004B  }
0xbb: {  	_ =	swait.ge [sflag:s29], $0x1  }
0xbc: {  	[sflag:s29] =	ssyncadd.s32 $0xFFFFFFFF  }
0xbd: {  	_ =	strace $0x9000004B  }
0xbe: {  	_ =	sfence  }
0xbf: {  	s30 =	sld [smem:$0x0];
	_ =	sdelay $0x2  }
0xc0: {  	s31 =	sshll.u32 s1, $0xD;
	s1 =	sshrl.u32 s1, $0x2  }
0xc1: {  	s3 =	sand.u32 $0x4000, s31;
	s1 =	sadd.s32 s1, s30  }
0xc2: {  	s0 =	sor.u32 s3, s0;
	s1 =	sshll.u32 s1, $0x11  }
0xc3: {  	s0 =	sor.u32 s1, s0  }
0xc4: {  	s0 =	sadd.s32 $0x8F2B, s0  }
0xc5: {  	[sflag:s0] =	ssyncadd.remote.s32 $0x1  }
0xc6: {  	_ =	sfence.sel $0xFFFF  }
0xc7: {  	[dreg:$0x0] =	wrdreg $0xFFFFFFFF;
	(pc) =	sbr.abs _section_cstart, $3  }
0xc8: {  	[dreg:$0x1] =	wrdreg $0xFFFFFFFF  }
0xc9: {  	_ =	task.clear_ibuf [dreg:s8], $0x2FFFF;
	_ =	strace $0x9FFFFFFF  }
0xca: {  	(tm) =	ssettm $0x7FFFFFFF  }
0xcb: {  	_ =	shalt  }
tec
execute0_lowered:
.L_overlay_start_1:
0x0: {  	(tag) =	ssettag $0x1  }
0x1: {  	s0 =	rddreg [dreg:$0x0]  }
0x2: {  	s3 =	rddreg [dreg:$0x1]  }
0x3: {  	s6 =	rddreg [dreg:$0x2]  }
0x4: {  	s1 =	rddreg [dreg:$0x3];
	s2 =	simm.s32 $0x0;
	s7 =	srdreg.scid  }
0x5: {  	s12 =	stileid.u32;
	s29 =	simm.s32 $0x7;
	s30 =	simm.s32 $0x8  }
0x6: {  	s31 =	simm.s32 $0x9;
	[smem:$0x7FF] =	sst s2;
	s4 =	sadd.s32 $0xC0800, s0  }
0x7: {  	s5 =	sadd.s32 $0x4A00, s0;
	s7 =	sand.u32 $0x1, s7;
	s8 =	sadd.s32 $0xE8200, s0  }
0x8: {  	s0 =	sadd.s32 $0xD4200, s0;
	s10 =	smul.u32 $0x28000, s12;
	p0 =	seq.s32 s12, $0xF  }
0x9: {  	s11 =	smul.u32 $0xA000, s12;
	_ =	strace $0x8000004A;
	[dreg:$0x5] =	wrdreg s8  }
0xa: {  	s15 =	smul.u32 $0x9D0, s12;
	s26 =	sadd.s32 $0x9330, s6;
	[dreg:$0x6] =	wrdreg s0  }
0xb: {  	s9 =	ssub.s32 $0x2, s7;
	s8 =	simm.s32 $0x91;
	[dreg:$0xe] =	wrdreg s26  }
0xc: {  	p1 =	sne.s32 s7, $0x0;
	s20 =	sshrl.u32 s9, $0x1;
	s8 =	simm.s32 @!p0 $0x9D  }
0xd: {  	s10 =	sshrl.u32 s10, $0x2;
	s24 =	sadd.s32 s3, s15;
	s25 =	sadd.s32 s6, s15  }
0xe: {  	s3 =	sadd.s32 $0x9330, s3;
	s28 =	sshrl.u32 s11, $0x3;
	[dreg:$0xb] =	wrdreg s24  }
0xf: {  	s6 =	simm.s32 $0xB;
	s0 =	ssub.s32 s9, s20;
	[dreg:$0xc] =	wrdreg s25  }
0x10: {  	s9 =	sadd.s32 s11, s1;
	s10 =	sadd.s32 s10, s1;
	[dreg:$0xd] =	wrdreg s3  }
.Ltmp0:
0x11: {  	[dreg:$0xf] =	wrdreg s28;
	s21 =	sadd.s32 $0x2000, s10;
	(pc) =	sbr.rel .LBB2_1-.Ltmp0, $4  }
0x12: {  	s20 =	simm.s32 $0x9D00;
	s22 =	sadd.s32 $0x4000, s10;
	[dreg:$0x7] =	wrdreg s21  }
0x13: {  	s23 =	sadd.s32 $0x6000, s10;
	s10 =	sadd.s32 $0x8000, s10;
	[dreg:$0x8] =	wrdreg s22  }
0x14: {  	s19 =	smax.u32 s0, $0x1;
	s0 =	simm.s32 $0xA;
	[dreg:$0x9] =	wrdreg s23  }
0x15: {  	v0 =	vimm.f32 $0.0e+00;
	[dreg:$0xa] =	wrdreg s10;
	s21 =	simm.s32 $0x6;
	s22 =	simm.s32 $0x80  }
.LBB2_9:
0x16: {  	[sflag:s3] =	ssyncadd.s32 @!p2 $0xFFFFE000;
	s3 =	rddreg [dreg:$0x6]  }
0x17: {  	[spmem:s1] =	stream.indirect.scatter.add.f32 @!p2 [tilespmem:s23], [sflag:$0xA], $0x40, s10, s7, $0xb8;
	[tilespmem:$0x1DD00] =	vst v63  }
.LBB2_10:
0x18: {  	_ =	swait.ge [sflag:s21], $0x2000  }
0x19: {  	[sflag:s21] =	ssyncset.done $0x0  }
0x1a: {  	[sflag:s21] =	ssyncadd.s32 $0xFFFFE000  }
0x1b: {  	_ =	swait.ge [sflag:s29], $0x2000  }
0x1c: {  	[sflag:s29] =	ssyncset.done $0x0  }
0x1d: {  	[sflag:s29] =	ssyncadd.s32 $0xFFFFE000  }
0x1e: {  	_ =	swait.ge [sflag:s30], $0x2000  }
0x1f: {  	[sflag:s30] =	ssyncset.done $0x0  }
0x20: {  	[sflag:s30] =	ssyncadd.s32 $0xFFFFE000  }
0x21: {  	_ =	swait.ge [sflag:s31], $0x2000  }
0x22: {  	[sflag:s31] =	ssyncset.done $0x0  }
0x23: {  	s28 =	stileid.u32;
	[sflag:s31] =	ssyncadd.s32 $0xFFFFE000  }
0x24: {  	s10 =	sshrl.u32 s9, $0x3;
	s2 =	sadd.s32 $0x1, s2;
	_ =	swait.ge [sflag:s0], $0x2000  }
0x25: {  	p2 =	sne.s32 s2, s19;
	[sflag:s0] =	ssyncset.done $0x0;
	s7 =	rddreg [dreg:$0xf]  }
0x26: {  	s3 =	sadd.s32 s3, s7;
	[sflag:s0] =	ssyncadd.s32 $0xFFFFE000;
	s7 =	sshll.u32 s28, $0x6  }
.Ltmp1:
0x27: {  	[bflag:$0x0] =	sbarrier.arrive $0xFFFF;
	s7 =	sor.u32 $0x1C0B, s7;
	(pc) =	sbr.rel @!p2 .LBB2_11-.Ltmp1, $4  }
0x28: {  	[hbm:s3], [sflag:s7] =	dma.local [spmem:s10], $0x1400  }
0x29: {  	_ =	swait.ge [sflag:s6], $0x1400  }
0x2a: {  	[sflag:s6] =	ssyncset.done $0x0  }
0x2b: {  	[sflag:s6] =	ssyncadd.s32 $0xFFFFEC00  }
.LBB2_1:
0x2c: {  	s7 =	simm.s32 $0x100;
	s3 =	simm.s32 $0x0  }
.LBB2_2:
0x2d: {  	p2 =	sne.s32 s7, $0x7F00;
	[tilespmem:s3+$0x9D30] =	vst v0;
	s10 =	smov.u32 s7;
	s7 =	sadd.s32 $0x100, s7  }
.Ltmp2:
0x2e: {  	[tilespmem:s3+$0x9D20] =	vst v0;
	(pc) =	sbr.rel @p2 .LBB2_2-.Ltmp2, $3  }
0x2f: {  	[tilespmem:s3+$0x9D00] =	vst v0  }
0x30: {  	[tilespmem:s3+$0x9D10] =	vst v0;
	_ =	sdelay $0x1  }
0x31: {  	s3 =	sshra.s32 s10, $0x2  }
0x32: {  	[tilespmem:s3+$0x9D30] =	vst v0  }
0x33: {  	[tilespmem:s3+$0x9D20] =	vst v0  }
0x34: {  	[tilespmem:s3+$0x9D00] =	vst v0  }
0x35: {  	[tilespmem:s3+$0x9D10] =	vst v0  }
0x36: {  	[spmem:s9] =	stream.linear.scatter [tilespmem:s20], [sflag:$0x6], $0x2000, $0x38;
	[tilespmem:$0x1DD00] =	vst v63  }
0x37: {  	s24 =	rddreg [dreg:$0x7]  }
0x38: {  	[spmem:s24] =	stream.linear.scatter [tilespmem:s20], [sflag:$0x6], $0x2000, $0x38;
	[tilespmem:$0x1DD00] =	vst v63  }
0x39: {  	s25 =	rddreg [dreg:$0x8]  }
0x3a: {  	[spmem:s25] =	stream.linear.scatter [tilespmem:s20], [sflag:$0x6], $0x2000, $0x38;
	[tilespmem:$0x1DD00] =	vst v63  }
0x3b: {  	s26 =	rddreg [dreg:$0x9]  }
0x3c: {  	[spmem:s26] =	stream.linear.scatter [tilespmem:s20], [sflag:$0x6], $0x2000, $0x38;
	[tilespmem:$0x1DD00] =	vst v63  }
0x3d: {  	s28 =	rddreg [dreg:$0xa]  }
0x3e: {  	[spmem:s28] =	stream.linear.scatter [tilespmem:s20], [sflag:$0x6], $0x2000, $0x38;
	[tilespmem:$0x1DD00] =	vst v63  }
0x3f: {  	_ =	swait.ge [sflag:s21], $0x2000  }
0x40: {  	[sflag:s21] =	ssyncset.done $0x0  }
0x41: {  	[sflag:s21] =	ssyncadd.s32 $0xFFFFE000  }
0x42: {  	_ =	swait.ge [sflag:s21], $0x2000  }
0x43: {  	[sflag:s21] =	ssyncset.done $0x0  }
0x44: {  	[sflag:s21] =	ssyncadd.s32 $0xFFFFE000  }
0x45: {  	_ =	swait.ge [sflag:s21], $0x2000  }
0x46: {  	[sflag:s21] =	ssyncset.done $0x0  }
0x47: {  	[sflag:s21] =	ssyncadd.s32 $0xFFFFE000  }
0x48: {  	_ =	swait.ge [sflag:s21], $0x2000  }
0x49: {  	[sflag:s21] =	ssyncset.done $0x0  }
0x4a: {  	[sflag:s21] =	ssyncadd.s32 $0xFFFFE000  }
0x4b: {  	_ =	swait.ge [sflag:s21], $0x2000  }
0x4c: {  	[sflag:s21] =	ssyncset.done $0x0  }
0x4d: {  	s3 =	simm.s32 @p0 $0x0;
	s7 =	rddreg [dreg:$0xd];
	[sflag:s21] =	ssyncadd.s32 $0xFFFFE000  }
0x4e: {  	[tilespmem:s3], [sflag:$0xB] =	stream.linear.gather @p0 [hbm4b:s7+s3], $0x4880, $0x38;
	[tilespmem:$0x1DD00] =	vst v63  }
0x4f: {  	s7 =	simm.s32 @p0 $0xB  }
0x50: {  	_ =	swait.ge @p0 [sflag:s7], $0x4880  }
0x51: {  	[sflag:s7] =	ssyncset.done @p0 $0x0  }
0x52: {  	s10 =	simm.s32 @p0 $0x4E80;
	s11 =	rddreg [dreg:$0xe];
	[sflag:s7] =	ssyncadd.s32 @p0 $0xFFFFB780  }
0x53: {  	[tilespmem:s10], [sflag:$0xB] =	stream.linear.gather @p0 [hbm4b:s11+s3], $0x4880, $0x38;
	[tilespmem:$0x1DD00] =	vst v63  }
0x54: {  	_ =	swait.ge @p0 [sflag:s7], $0x4880  }
0x55: {  	[sflag:s7] =	ssyncset.done @p0 $0x0  }
0x56: {  	s3 =	simm.s32 @!p0 $0x0;
	[sflag:s7] =	ssyncadd.s32 @p0 $0xFFFFB780;
	s7 =	rddreg [dreg:$0xb]  }
0x57: {  	[tilespmem:s3], [sflag:$0xB] =	stream.linear.gather @!p0 [hbm4b:s7+s3], $0x4E80, $0x38;
	[tilespmem:$0x1DD00] =	vst v63  }
0x58: {  	s7 =	simm.s32 @!p0 $0xB  }
0x59: {  	_ =	swait.ge @!p0 [sflag:s7], $0x4E80  }
0x5a: {  	[sflag:s7] =	ssyncset.done @!p0 $0x0  }
0x5b: {  	s10 =	simm.s32 @!p0 $0x4E80;
	s11 =	rddreg [dreg:$0xc];
	[sflag:s7] =	ssyncadd.s32 @!p0 $0xFFFFB180  }
0x5c: {  	[tilespmem:s10], [sflag:$0xB] =	stream.linear.gather @!p0 [hbm4b:s11+s3], $0x4E80, $0x38;
	[tilespmem:$0x1DD00] =	vst v63  }
.Ltmp3:
0x5d: {  	_ =	swait.ge @!p0 [sflag:s7], $0x4E80;
	(pc) =	sbr.rel @p1 .LBB2_7-.Ltmp3, $4  }
0x5e: {  	[sflag:s7] =	ssyncset.done @!p0 $0x0  }
0x5f: {  	[sflag:s7] =	ssyncadd.s32 @!p0 $0xFFFFB180  }
0x60: {  	[bflag:$0x0] =	sbarrier.arrive $0xFFFF  }
0x61: {  	s3 =	simm.s32 $0x0  }
0x62: {  	[tilespmem:s20], [sflag:$0x1] =	stream.indirect.gather [hbm4b:s4+s22], $0x40, s3, s22, $0xb8;
	[tilespmem:$0x1DD00] =	vst v63  }
0x63: {  	p2 =	sle.u32 s8, $0x4  }
0x64: {  	s24 =	simm.s32 $0xBD00;
	p3 =	por @!p2 $0x1, $0x1  }
0x65: {  	[tilespmem:s24], [sflag:$0x2] =	stream.indirect.gather [hbm4b:s4+s22], $0x40, s22, s22, $0xb8;
	[tilespmem:$0x1DD00] =	vst v63  }
0x66: {  	s25 =	simm.s32 $0x100;
	s7 =	simm.s32 $0xDD00;
	p3 =	por p3, p2  }
0x67: {  	[tilespmem:s7], [sflag:$0x3] =	stream.indirect.gather [hbm4b:s4+s22], $0x40, s25, s22, $0xb8;
	[tilespmem:$0x1DD00] =	vst v63  }
0x68: {  	s26 =	simm.s32 $0x180;
	s28 =	simm.s32 $0xFD00;
	s3 =	simm.s32 @!p3 $0xA  }
0x69: {  	[tilespmem:s28], [sflag:$0x4] =	stream.indirect.gather [hbm4b:s4+s22], $0x40, s26, s22, $0xb8;
	[tilespmem:$0x1DD00] =	vst v63  }
0x6a: {  	_ =	swait.ge @!p3 [sflag:s3], $0x2000  }
0x6b: {  	s10 =	simm.s32 @!p2 $0x200;
	s23 =	simm.s32 @!p2 $0x11D00;
	[sflag:s3] =	ssyncset.done @!p3 $0x0  }
0x6c: {  	s7 =	simm.s32 @!p2 $0x80;
	[sflag:s3] =	ssyncadd.s32 @!p3 $0xFFFFE000;
	p3 =	sle.u32 s8, $0x0  }
0x6d: {  	[tilespmem:s23], [sflag:$0x5] =	stream.indirect.gather @!p2 [hbm4b:s4+s7], $0x40, s10, s7, $0xb8;
	[tilespmem:$0x1DD00] =	vst v63  }
0x6e: {  	s3 =	simm.s32 @!p3 $0x1  }
0x6f: {  	p4 =	sle.u32 s8, $0x5;
	_ =	swait.ge @!p3 [sflag:s3], $0x2000  }
0x70: {  	s10 =	simm.s32 @!p3 $0x9D00;
	s11 =	simm.s32 @!p3 $0x4E80;
	[sflag:s3] =	ssyncset.done @!p3 $0x0  }
0x71: {  	s24 =	simm.s32 @!p3 $0x80;
	[sflag:s3] =	ssyncadd.s32 @!p3 $0xFFFFE000;
	s3 =	simm.s32 @!p4 $0x6  }
0x72: {  	[spmem:s1] =	stream.indirect.scatter.add.f32 @!p3 [tilespmem:s10], [sflag:$0x6], $0x40, s11, s24, $0xb8;
	[tilespmem:$0x1DD00] =	vst v63  }
0x73: {  	s10 =	simm.s32 @!p4 $0x280;
	_ =	swait.ge @!p4 [sflag:s3], $0x2000  }
0x74: {  	s11 =	simm.s32 @!p4 $0x9D00;
	p3 =	sle.u32 s8, $0x1;
	[sflag:s3] =	ssyncset.done @!p4 $0x0  }
0x75: {  	s24 =	simm.s32 @!p4 $0x80;
	[sflag:s3] =	ssyncadd.s32 @!p4 $0xFFFFE000;
	s3 =	simm.s32 @!p3 $0x2  }
0x76: {  	[tilespmem:s11], [sflag:$0x1] =	stream.indirect.gather @!p4 [hbm4b:s4+s24], $0x40, s10, s24, $0xb8;
	[tilespmem:$0x1DD00] =	vst v63  }
0x77: {  	s10 =	simm.s32 @!p3 $0x4F00;
	_ =	swait.ge @!p3 [sflag:s3], $0x2000  }
0x78: {  	s11 =	simm.s32 @!p3 $0xBD00;
	p4 =	sle.u32 s8, $0x6;
	[sflag:s3] =	ssyncset.done @!p3 $0x0  }
0x79: {  	s24 =	simm.s32 @!p3 $0x80;
	[sflag:s3] =	ssyncadd.s32 @!p3 $0xFFFFE000;
	s3 =	simm.s32 @!p4 $0x7  }
0x7a: {  	[spmem:s1] =	stream.indirect.scatter.add.f32 @!p3 [tilespmem:s11], [sflag:$0x7], $0x40, s10, s24, $0xb8;
	[tilespmem:$0x1DD00] =	vst v63  }
0x7b: {  	s10 =	simm.s32 @!p4 $0x300;
	_ =	swait.ge @!p4 [sflag:s3], $0x2000  }
0x7c: {  	s11 =	simm.s32 @!p4 $0xBD00;
	p3 =	sle.u32 s8, $0x2;
	[sflag:s3] =	ssyncset.done @!p4 $0x0  }
0x7d: {  	s24 =	simm.s32 @!p4 $0x80;
	[sflag:s3] =	ssyncadd.s32 @!p4 $0xFFFFE000;
	s3 =	simm.s32 @!p3 $0x3  }
0x7e: {  	[tilespmem:s11], [sflag:$0x2] =	stream.indirect.gather @!p4 [hbm4b:s4+s24], $0x40, s10, s24, $0xb8;
	[tilespmem:$0x1DD00] =	vst v63  }
0x7f: {  	s10 =	simm.s32 @!p3 $0x4F80;
	_ =	swait.ge @!p3 [sflag:s3], $0x2000  }
0x80: {  	s11 =	simm.s32 @!p3 $0xDD00;
	p4 =	sle.u32 s8, $0x7;
	[sflag:s3] =	ssyncset.done @!p3 $0x0  }
0x81: {  	s24 =	simm.s32 @!p3 $0x80;
	[sflag:s3] =	ssyncadd.s32 @!p3 $0xFFFFE000;
	s3 =	simm.s32 @!p4 $0x8  }
0x82: {  	[spmem:s1] =	stream.indirect.scatter.add.f32 @!p3 [tilespmem:s11], [sflag:$0x8], $0x40, s10, s24, $0xb8;
	[tilespmem:$0x1DD00] =	vst v63  }
0x83: {  	s10 =	simm.s32 @!p4 $0x380;
	_ =	swait.ge @!p4 [sflag:s3], $0x2000  }
0x84: {  	s11 =	simm.s32 @!p4 $0xDD00;
	p3 =	sle.u32 s8, $0x3;
	[sflag:s3] =	ssyncset.done @!p4 $0x0  }
0x85: {  	s24 =	simm.s32 @!p4 $0x80;
	[sflag:s3] =	ssyncadd.s32 @!p4 $0xFFFFE000;
	s3 =	simm.s32 @!p3 $0x4  }
0x86: {  	[tilespmem:s11], [sflag:$0x3] =	stream.indirect.gather @!p4 [hbm4b:s4+s24], $0x40, s10, s24, $0xb8;
	[tilespmem:$0x1DD00] =	vst v63  }
0x87: {  	s10 =	simm.s32 @!p3 $0x5000;
	_ =	swait.ge @!p3 [sflag:s3], $0x2000  }
0x88: {  	p4 =	sle.u32 s8, $0x8;
	s11 =	simm.s32 @!p3 $0x80;
	[sflag:s3] =	ssyncset.done @!p3 $0x0  }
0x89: {  	s24 =	simm.s32 @!p3 $0xFD00;
	[sflag:s3] =	ssyncadd.s32 @!p3 $0xFFFFE000;
	s3 =	simm.s32 @!p4 $0x9  }
0x8a: {  	[spmem:s1] =	stream.indirect.scatter.add.f32 @!p3 [tilespmem:s24], [sflag:$0x9], $0x40, s10, s11, $0xb8;
	[tilespmem:$0x1DD00] =	vst v63  }
0x8b: {  	_ =	swait.ge @!p4 [sflag:s3], $0x2000  }
0x8c: {  	s10 =	simm.s32 @!p4 $0x400;
	s11 =	simm.s32 @!p4 $0xFD00;
	[sflag:s3] =	ssyncset.done @!p4 $0x0  }
0x8d: {  	s24 =	simm.s32 @!p4 $0x80;
	[sflag:s3] =	ssyncadd.s32 @!p4 $0xFFFFE000;
	s3 =	simm.s32 @!p2 $0x5  }
0x8e: {  	[tilespmem:s11], [sflag:$0x4] =	stream.indirect.gather @!p4 [hbm4b:s4+s24], $0x40, s10, s24, $0xb8;
	[tilespmem:$0x1DD00] =	vst v63  }
0x8f: {  	s25 =	simm.s32 $0xD;
	_ =	swait.ge @!p2 [sflag:s3], $0x2000  }
0x90: {  	s24 =	simm.s32 $0xA00;
	s10 =	simm.s32 @!p2 $0x5080;
	[sflag:s3] =	ssyncset.done @!p2 $0x0  }
.LBB2_5:
0x91: {  	s11 =	sadd.s32 $0xFFFFFFFC, s25  }
0x92: {  	[sflag:s3] =	ssyncadd.s32 @!p2 $0xFFFFE000;
	s28 =	smov.u32 s24;
	s24 =	sadd.s32 $0xA00, s24  }
0x93: {  	[spmem:s1] =	stream.indirect.scatter.add.f32 @!p2 [tilespmem:s23], [sflag:$0xA], $0x40, s10, s7, $0xb8;
	[tilespmem:$0x1DD00] =	vst v63  }
0x94: {  	p2 =	sge.u32 s11, s8;
	p3 =	seq.s32 s24, $0x14000  }
0x95: {  	p4 =	seq.s32 @!p2 s28, $0x0;
	s26 =	sshra.s32 @!p2 s28, $0x2  }
0x96: {  	s3 =	sadd.s32 $0xFFFFFFFB, s25;
	p4 =	por p4, p2;
	s12 =	sadd.s32 @!p2 $0x200, s26  }
0x97: {  	s11 =	sadd.s32 $0xFFFFFFFA, s25;
	s10 =	sadd.s32 $0xFFFFFFFF, s25;
	s7 =	simm.s32 @!p4 $0xA  }
0x98: {  	s13 =	sadd.s32 $0xFFFFFFF9, s25;
	s14 =	sadd.s32 $0xFFFFFFFE, s25;
	_ =	swait.ge @!p4 [sflag:s7], $0x2000  }
0x99: {  	s15 =	sadd.s32 $0xFFFFFFF8, s25;
	s23 =	simm.s32 @!p2 $0x11D00;
	[sflag:s7] =	ssyncset.done @!p4 $0x0  }
0x9a: {  	[sflag:s7] =	ssyncadd.s32 @!p4 $0xFFFFE000;
	s7 =	simm.s32 @!p2 $0x80;
	p4 =	sge.u32 s15, s8  }
0x9b: {  	[tilespmem:s23], [sflag:$0x5] =	stream.indirect.gather @!p2 [hbm4b:s4+s7], $0x40, s12, s7, $0xb8;
	[tilespmem:$0x1DD00] =	vst v63  }
0x9c: {  	s12 =	simm.s32 @!p4 $0x1;
	s15 =	sshra.s32 @!p4 s28, $0x2;
	s16 =	simm.s32 @!p4 $0x9D00  }
0x9d: {  	s17 =	sadd.s32 $0xFFFFFFFD, s25;
	s15 =	sadd.s32 @!p4 $0x4E80, s15;
	_ =	swait.ge @!p4 [sflag:s12], $0x2000  }
0x9e: {  	p5 =	sge.u32 s17, s8;
	s18 =	simm.s32 @!p4 $0x80;
	[sflag:s12] =	ssyncset.done @!p4 $0x0  }
0x9f: {  	s17 =	sshra.s32 @!p5 s28, $0x2;
	[sflag:s12] =	ssyncadd.s32 @!p4 $0xFFFFE000;
	s12 =	simm.s32 @!p5 $0x6  }
0xa0: {  	[spmem:s1] =	stream.indirect.scatter.add.f32 @!p4 [tilespmem:s16], [sflag:$0x6], $0x40, s15, s18, $0xb8;
	[tilespmem:$0x1DD00] =	vst v63  }
0xa1: {  	s15 =	sadd.s32 @!p5 $0x280, s17;
	s16 =	simm.s32 @!p5 $0x9D00;
	_ =	swait.ge @!p5 [sflag:s12], $0x2000  }
0xa2: {  	s17 =	simm.s32 @!p5 $0x80;
	p4 =	sge.u32 s13, s8;
	[sflag:s12] =	ssyncset.done @!p5 $0x0  }
0xa3: {  	s13 =	sshra.s32 @!p4 s28, $0x2;
	[sflag:s12] =	ssyncadd.s32 @!p5 $0xFFFFE000;
	s12 =	simm.s32 @!p4 $0x2  }
0xa4: {  	[tilespmem:s16], [sflag:$0x1] =	stream.indirect.gather @!p5 [hbm4b:s4+s17], $0x40, s15, s17, $0xb8;
	[tilespmem:$0x1DD00] =	vst v63  }
0xa5: {  	s13 =	sadd.s32 @!p4 $0x4F00, s13;
	s15 =	simm.s32 @!p4 $0xBD00;
	_ =	swait.ge @!p4 [sflag:s12], $0x2000  }
0xa6: {  	s16 =	simm.s32 @!p4 $0x80;
	p5 =	sge.u32 s14, s8;
	[sflag:s12] =	ssyncset.done @!p4 $0x0  }
0xa7: {  	s14 =	sshra.s32 @!p5 s28, $0x2;
	[sflag:s12] =	ssyncadd.s32 @!p4 $0xFFFFE000;
	s12 =	simm.s32 @!p5 $0x7  }
0xa8: {  	[spmem:s1] =	stream.indirect.scatter.add.f32 @!p4 [tilespmem:s15], [sflag:$0x7], $0x40, s13, s16, $0xb8;
	[tilespmem:$0x1DD00] =	vst v63  }
0xa9: {  	s13 =	sadd.s32 @!p5 $0x300, s14;
	s14 =	simm.s32 @!p5 $0xBD00;
	_ =	swait.ge @!p5 [sflag:s12], $0x2000  }
0xaa: {  	s15 =	simm.s32 @!p5 $0x80;
	p4 =	sge.u32 s11, s8;
	[sflag:s12] =	ssyncset.done @!p5 $0x0  }
0xab: {  	s11 =	simm.s32 @!p4 $0x3;
	[sflag:s12] =	ssyncadd.s32 @!p5 $0xFFFFE000;
	s12 =	sshra.s32 @!p4 s28, $0x2  }
0xac: {  	[tilespmem:s14], [sflag:$0x2] =	stream.indirect.gather @!p5 [hbm4b:s4+s15], $0x40, s13, s15, $0xb8;
	[tilespmem:$0x1DD00] =	vst v63  }
0xad: {  	s12 =	sadd.s32 @!p4 $0x4F80, s12;
	s13 =	simm.s32 @!p4 $0xDD00;
	_ =	swait.ge @!p4 [sflag:s11], $0x2000  }
0xae: {  	s14 =	simm.s32 @!p4 $0x80;
	p5 =	sge.u32 s10, s8;
	[sflag:s11] =	ssyncset.done @!p4 $0x0  }
0xaf: {  	s10 =	simm.s32 @!p5 $0x8;
	[sflag:s11] =	ssyncadd.s32 @!p4 $0xFFFFE000;
	s11 =	sshra.s32 @!p5 s28, $0x2  }
0xb0: {  	[spmem:s1] =	stream.indirect.scatter.add.f32 @!p4 [tilespmem:s13], [sflag:$0x8], $0x40, s12, s14, $0xb8;
	[tilespmem:$0x1DD00] =	vst v63  }
0xb1: {  	s11 =	sadd.s32 @!p5 $0x380, s11;
	s12 =	simm.s32 @!p5 $0xDD00;
	_ =	swait.ge @!p5 [sflag:s10], $0x2000  }
0xb2: {  	p6 =	sge.u32 s3, s8;
	s13 =	simm.s32 @!p5 $0x80;
	[sflag:s10] =	ssyncset.done @!p5 $0x0  }
0xb3: {  	s3 =	simm.s32 @!p6 $0x4;
	[sflag:s10] =	ssyncadd.s32 @!p5 $0xFFFFE000;
	s10 =	sshra.s32 @!p6 s28, $0x2  }
0xb4: {  	[tilespmem:s12], [sflag:$0x3] =	stream.indirect.gather @!p5 [hbm4b:s4+s13], $0x40, s11, s13, $0xb8;
	[tilespmem:$0x1DD00] =	vst v63  }
0xb5: {  	p4 =	sge.u32 s25, s8;
	s10 =	sadd.s32 @!p6 $0x5000, s10;
	_ =	swait.ge @!p6 [sflag:s3], $0x2000  }
0xb6: {  	s11 =	simm.s32 @!p6 $0x80;
	s12 =	simm.s32 @!p6 $0xFD00;
	[sflag:s3] =	ssyncset.done @!p6 $0x0  }
0xb7: {  	s13 =	sshra.s32 @!p4 s28, $0x2;
	[sflag:s3] =	ssyncadd.s32 @!p6 $0xFFFFE000;
	s3 =	simm.s32 @!p4 $0x9  }
0xb8: {  	[spmem:s1] =	stream.indirect.scatter.add.f32 @!p6 [tilespmem:s12], [sflag:$0x9], $0x40, s10, s11, $0xb8;
	[tilespmem:$0x1DD00] =	vst v63  }
0xb9: {  	s11 =	sadd.s32 @!p4 $0x400, s13;
	s12 =	simm.s32 @!p4 $0xFD00;
	_ =	swait.ge @!p4 [sflag:s3], $0x2000  }
.Ltmp4:
0xba: {  	s13 =	simm.s32 @!p4 $0x80;
	[sflag:s3] =	ssyncset.done @!p4 $0x0;
	(pc) =	sbr.rel @!p3 .LBB2_5-.Ltmp4, $4  }
0xbb: {  	s10 =	sadd.s32 @!p2 $0x5080, s26;
	[sflag:s3] =	ssyncadd.s32 @!p4 $0xFFFFE000;
	s3 =	simm.s32 @!p2 $0x5  }
0xbc: {  	[tilespmem:s12], [sflag:$0x4] =	stream.indirect.gather @!p4 [hbm4b:s4+s13], $0x40, s11, s13, $0xb8;
	[tilespmem:$0x1DD00] =	vst v63  }
0xbd: {  	_ =	swait.ge @!p2 [sflag:s3], $0x2000  }
0xbe: {  	s25 =	sadd.s32 $0x5, s25;
	[sflag:s3] =	ssyncset.done @!p2 $0x0  }
.Ltmp5:
0xbf: {  	(pc) =	sbr.rel .LBB2_10-.Ltmp5, $3  }
0xc0: {  	_ =	sdelay $0x1  }
0xc1: {  	[sflag:s3] =	ssyncadd.s32 @!p2 $0xFFFFE000;
	s3 =	rddreg [dreg:$0x5]  }
0xc2: {  	[spmem:s1] =	stream.indirect.scatter.add.f32 @!p2 [tilespmem:s23], [sflag:$0xA], $0x40, s10, s7, $0xb8;
	[tilespmem:$0x1DD00] =	vst v63  }
.LBB2_7:
0xc3: {  	[tilespmem:s20], [sflag:$0x1] =	stream.indirect.gather [hbm4b:s5+s22], $0x40, s3, s22, $0xb8;
	[tilespmem:$0x1DD00] =	vst v63  }
0xc4: {  	p2 =	sle.u32 s8, $0x4  }
0xc5: {  	s24 =	simm.s32 $0xBD00;
	p3 =	por @!p2 $0x1, $0x1  }
0xc6: {  	[tilespmem:s24], [sflag:$0x2] =	stream.indirect.gather [hbm4b:s5+s22], $0x40, s22, s22, $0xb8;
	[tilespmem:$0x1DD00] =	vst v63  }
0xc7: {  	s25 =	simm.s32 $0x100;
	s7 =	simm.s32 $0xDD00;
	p3 =	por p3, p2  }
0xc8: {  	[tilespmem:s7], [sflag:$0x3] =	stream.indirect.gather [hbm4b:s5+s22], $0x40, s25, s22, $0xb8;
	[tilespmem:$0x1DD00] =	vst v63  }
0xc9: {  	s26 =	simm.s32 $0x180;
	s28 =	simm.s32 $0xFD00;
	s3 =	simm.s32 @!p3 $0xA  }
0xca: {  	[tilespmem:s28], [sflag:$0x4] =	stream.indirect.gather [hbm4b:s5+s22], $0x40, s26, s22, $0xb8;
	[tilespmem:$0x1DD00] =	vst v63  }
0xcb: {  	_ =	swait.ge @!p3 [sflag:s3], $0x2000  }
0xcc: {  	s10 =	simm.s32 @!p2 $0x200;
	s23 =	simm.s32 @!p2 $0x11D00;
	[sflag:s3] =	ssyncset.done @!p3 $0x0  }
0xcd: {  	s7 =	simm.s32 @!p2 $0x80;
	[sflag:s3] =	ssyncadd.s32 @!p3 $0xFFFFE000;
	p3 =	sle.u32 s8, $0x0  }
0xce: {  	[tilespmem:s23], [sflag:$0x5] =	stream.indirect.gather @!p2 [hbm4b:s5+s7], $0x40, s10, s7, $0xb8;
	[tilespmem:$0x1DD00] =	vst v63  }
0xcf: {  	s3 =	simm.s32 @!p3 $0x1  }
0xd0: {  	p4 =	sle.u32 s8, $0x5;
	_ =	swait.ge @!p3 [sflag:s3], $0x2000  }
0xd1: {  	s10 =	simm.s32 @!p3 $0x9D00;
	s11 =	simm.s32 @!p3 $0x4E80;
	[sflag:s3] =	ssyncset.done @!p3 $0x0  }
0xd2: {  	s12 =	simm.s32 @!p3 $0x80;
	[sflag:s3] =	ssyncadd.s32 @!p3 $0xFFFFE000;
	s3 =	simm.s32 @!p4 $0x6  }
0xd3: {  	[spmem:s1] =	stream.indirect.scatter.add.f32 @!p3 [tilespmem:s10], [sflag:$0x6], $0x40, s11, s12, $0xb8;
	[tilespmem:$0x1DD00] =	vst v63  }
0xd4: {  	s10 =	simm.s32 @!p4 $0x280;
	_ =	swait.ge @!p4 [sflag:s3], $0x2000  }
0xd5: {  	s11 =	simm.s32 @!p4 $0x9D00;
	p3 =	sle.u32 s8, $0x1;
	[sflag:s3] =	ssyncset.done @!p4 $0x0  }
0xd6: {  	s12 =	simm.s32 @!p4 $0x80;
	[sflag:s3] =	ssyncadd.s32 @!p4 $0xFFFFE000;
	s3 =	simm.s32 @!p3 $0x2  }
0xd7: {  	[tilespmem:s11], [sflag:$0x1] =	stream.indirect.gather @!p4 [hbm4b:s5+s12], $0x40, s10, s12, $0xb8;
	[tilespmem:$0x1DD00] =	vst v63  }
0xd8: {  	s10 =	simm.s32 @!p3 $0x4F00;
	_ =	swait.ge @!p3 [sflag:s3], $0x2000  }
0xd9: {  	s11 =	simm.s32 @!p3 $0xBD00;
	p4 =	sle.u32 s8, $0x6;
	[sflag:s3] =	ssyncset.done @!p3 $0x0  }
0xda: {  	s12 =	simm.s32 @!p3 $0x80;
	[sflag:s3] =	ssyncadd.s32 @!p3 $0xFFFFE000;
	s3 =	simm.s32 @!p4 $0x7  }
0xdb: {  	[spmem:s1] =	stream.indirect.scatter.add.f32 @!p3 [tilespmem:s11], [sflag:$0x7], $0x40, s10, s12, $0xb8;
	[tilespmem:$0x1DD00] =	vst v63  }
0xdc: {  	s10 =	simm.s32 @!p4 $0x300;
	_ =	swait.ge @!p4 [sflag:s3], $0x2000  }
0xdd: {  	s11 =	simm.s32 @!p4 $0xBD00;
	p3 =	sle.u32 s8, $0x2;
	[sflag:s3] =	ssyncset.done @!p4 $0x0  }
0xde: {  	s12 =	simm.s32 @!p4 $0x80;
	[sflag:s3] =	ssyncadd.s32 @!p4 $0xFFFFE000;
	s3 =	simm.s32 @!p3 $0x3  }
0xdf: {  	[tilespmem:s11], [sflag:$0x2] =	stream.indirect.gather @!p4 [hbm4b:s5+s12], $0x40, s10, s12, $0xb8;
	[tilespmem:$0x1DD00] =	vst v63  }
0xe0: {  	s10 =	simm.s32 @!p3 $0x4F80;
	_ =	swait.ge @!p3 [sflag:s3], $0x2000  }
0xe1: {  	s11 =	simm.s32 @!p3 $0xDD00;
	p4 =	sle.u32 s8, $0x7;
	[sflag:s3] =	ssyncset.done @!p3 $0x0  }
0xe2: {  	s12 =	simm.s32 @!p3 $0x80;
	[sflag:s3] =	ssyncadd.s32 @!p3 $0xFFFFE000;
	s3 =	simm.s32 @!p4 $0x8  }
0xe3: {  	[spmem:s1] =	stream.indirect.scatter.add.f32 @!p3 [tilespmem:s11], [sflag:$0x8], $0x40, s10, s12, $0xb8;
	[tilespmem:$0x1DD00] =	vst v63  }
0xe4: {  	s10 =	simm.s32 @!p4 $0x380;
	_ =	swait.ge @!p4 [sflag:s3], $0x2000  }
0xe5: {  	s11 =	simm.s32 @!p4 $0xDD00;
	p3 =	sle.u32 s8, $0x3;
	[sflag:s3] =	ssyncset.done @!p4 $0x0  }
0xe6: {  	s12 =	simm.s32 @!p4 $0x80;
	[sflag:s3] =	ssyncadd.s32 @!p4 $0xFFFFE000;
	s3 =	simm.s32 @!p3 $0x4  }
0xe7: {  	[tilespmem:s11], [sflag:$0x3] =	stream.indirect.gather @!p4 [hbm4b:s5+s12], $0x40, s10, s12, $0xb8;
	[tilespmem:$0x1DD00] =	vst v63  }
0xe8: {  	s10 =	simm.s32 @!p3 $0x5000;
	_ =	swait.ge @!p3 [sflag:s3], $0x2000  }
0xe9: {  	p4 =	sle.u32 s8, $0x8;
	s11 =	simm.s32 @!p3 $0x80;
	[sflag:s3] =	ssyncset.done @!p3 $0x0  }
0xea: {  	s12 =	simm.s32 @!p3 $0xFD00;
	[sflag:s3] =	ssyncadd.s32 @!p3 $0xFFFFE000;
	s3 =	simm.s32 @!p4 $0x9  }
0xeb: {  	[spmem:s1] =	stream.indirect.scatter.add.f32 @!p3 [tilespmem:s12], [sflag:$0x9], $0x40, s10, s11, $0xb8;
	[tilespmem:$0x1DD00] =	vst v63  }
0xec: {  	_ =	swait.ge @!p4 [sflag:s3], $0x2000  }
0xed: {  	s10 =	simm.s32 @!p4 $0x400;
	s11 =	simm.s32 @!p4 $0xFD00;
	[sflag:s3] =	ssyncset.done @!p4 $0x0  }
0xee: {  	s12 =	simm.s32 @!p4 $0x80;
	[sflag:s3] =	ssyncadd.s32 @!p4 $0xFFFFE000;
	s3 =	simm.s32 @!p2 $0x5  }
0xef: {  	[tilespmem:s11], [sflag:$0x4] =	stream.indirect.gather @!p4 [hbm4b:s5+s12], $0x40, s10, s12, $0xb8;
	[tilespmem:$0x1DD00] =	vst v63  }
0xf0: {  	s24 =	simm.s32 $0xA00;
	_ =	swait.ge @!p2 [sflag:s3], $0x2000  }
0xf1: {  	s25 =	simm.s32 $0xD;
	s10 =	simm.s32 @!p2 $0x5080;
	[sflag:s3] =	ssyncset.done @!p2 $0x0  }
.LBB2_8:
0xf2: {  	s11 =	sadd.s32 $0xFFFFFFFC, s25  }
0xf3: {  	[sflag:s3] =	ssyncadd.s32 @!p2 $0xFFFFE000;
	s28 =	smov.u32 s24;
	s24 =	sadd.s32 $0xA00, s24  }
0xf4: {  	[spmem:s1] =	stream.indirect.scatter.add.f32 @!p2 [tilespmem:s23], [sflag:$0xA], $0x40, s10, s7, $0xb8;
	[tilespmem:$0x1DD00] =	vst v63  }
0xf5: {  	p2 =	sge.u32 s11, s8;
	p3 =	sne.s32 s24, $0x14000  }
0xf6: {  	p4 =	seq.s32 @!p2 s28, $0x0;
	s26 =	sshra.s32 @!p2 s28, $0x2  }
0xf7: {  	s3 =	sadd.s32 $0xFFFFFFFB, s25;
	p4 =	por p4, p2;
	s12 =	sadd.s32 @!p2 $0x200, s26  }
0xf8: {  	s11 =	sadd.s32 $0xFFFFFFFA, s25;
	s10 =	sadd.s32 $0xFFFFFFFF, s25;
	s7 =	simm.s32 @!p4 $0xA  }
0xf9: {  	s13 =	sadd.s32 $0xFFFFFFF9, s25;
	s14 =	sadd.s32 $0xFFFFFFFE, s25;
	_ =	swait.ge @!p4 [sflag:s7], $0x2000  }
0xfa: {  	s15 =	sadd.s32 $0xFFFFFFF8, s25;
	s23 =	simm.s32 @!p2 $0x11D00;
	[sflag:s7] =	ssyncset.done @!p4 $0x0  }
0xfb: {  	[sflag:s7] =	ssyncadd.s32 @!p4 $0xFFFFE000;
	s7 =	simm.s32 @!p2 $0x80;
	p4 =	sge.u32 s15, s8  }
0xfc: {  	[tilespmem:s23], [sflag:$0x5] =	stream.indirect.gather @!p2 [hbm4b:s5+s7], $0x40, s12, s7, $0xb8;
	[tilespmem:$0x1DD00] =	vst v63  }
0xfd: {  	s12 =	simm.s32 @!p4 $0x1;
	s15 =	sshra.s32 @!p4 s28, $0x2;
	s16 =	simm.s32 @!p4 $0x9D00  }
0xfe: {  	s17 =	sadd.s32 $0xFFFFFFFD, s25;
	s15 =	sadd.s32 @!p4 $0x4E80, s15;
	_ =	swait.ge @!p4 [sflag:s12], $0x2000  }
0xff: {  	p5 =	sge.u32 s17, s8;
	s18 =	simm.s32 @!p4 $0x80;
	[sflag:s12] =	ssyncset.done @!p4 $0x0  }
0x100: {  	s17 =	sshra.s32 @!p5 s28, $0x2;
	[sflag:s12] =	ssyncadd.s32 @!p4 $0xFFFFE000;
	s12 =	simm.s32 @!p5 $0x6  }
0x101: {  	[spmem:s1] =	stream.indirect.scatter.add.f32 @!p4 [tilespmem:s16], [sflag:$0x6], $0x40, s15, s18, $0xb8;
	[tilespmem:$0x1DD00] =	vst v63  }
0x102: {  	s15 =	sadd.s32 @!p5 $0x280, s17;
	s16 =	simm.s32 @!p5 $0x9D00;
	_ =	swait.ge @!p5 [sflag:s12], $0x2000  }
0x103: {  	s17 =	simm.s32 @!p5 $0x80;
	p4 =	sge.u32 s13, s8;
	[sflag:s12] =	ssyncset.done @!p5 $0x0  }
0x104: {  	s13 =	sshra.s32 @!p4 s28, $0x2;
	[sflag:s12] =	ssyncadd.s32 @!p5 $0xFFFFE000;
	s12 =	simm.s32 @!p4 $0x2  }
0x105: {  	[tilespmem:s16], [sflag:$0x1] =	stream.indirect.gather @!p5 [hbm4b:s5+s17], $0x40, s15, s17, $0xb8;
	[tilespmem:$0x1DD00] =	vst v63  }
0x106: {  	s13 =	sadd.s32 @!p4 $0x4F00, s13;
	s15 =	simm.s32 @!p4 $0xBD00;
	_ =	swait.ge @!p4 [sflag:s12], $0x2000  }
0x107: {  	s16 =	simm.s32 @!p4 $0x80;
	p5 =	sge.u32 s14, s8;
	[sflag:s12] =	ssyncset.done @!p4 $0x0  }
0x108: {  	s14 =	sshra.s32 @!p5 s28, $0x2;
	[sflag:s12] =	ssyncadd.s32 @!p4 $0xFFFFE000;
	s12 =	simm.s32 @!p5 $0x7  }
0x109: {  	[spmem:s1] =	stream.indirect.scatter.add.f32 @!p4 [tilespmem:s15], [sflag:$0x7], $0x40, s13, s16, $0xb8;
	[tilespmem:$0x1DD00] =	vst v63  }
0x10a: {  	s13 =	sadd.s32 @!p5 $0x300, s14;
	s14 =	simm.s32 @!p5 $0xBD00;
	_ =	swait.ge @!p5 [sflag:s12], $0x2000  }
0x10b: {  	s15 =	simm.s32 @!p5 $0x80;
	p4 =	sge.u32 s11, s8;
	[sflag:s12] =	ssyncset.done @!p5 $0x0  }
0x10c: {  	s11 =	simm.s32 @!p4 $0x3;
	[sflag:s12] =	ssyncadd.s32 @!p5 $0xFFFFE000;
	s12 =	sshra.s32 @!p4 s28, $0x2  }
0x10d: {  	[tilespmem:s14], [sflag:$0x2] =	stream.indirect.gather @!p5 [hbm4b:s5+s15], $0x40, s13, s15, $0xb8;
	[tilespmem:$0x1DD00] =	vst v63  }
0x10e: {  	s12 =	sadd.s32 @!p4 $0x4F80, s12;
	s13 =	simm.s32 @!p4 $0xDD00;
	_ =	swait.ge @!p4 [sflag:s11], $0x2000  }
0x10f: {  	s14 =	simm.s32 @!p4 $0x80;
	p5 =	sge.u32 s10, s8;
	[sflag:s11] =	ssyncset.done @!p4 $0x0  }
0x110: {  	s10 =	simm.s32 @!p5 $0x8;
	[sflag:s11] =	ssyncadd.s32 @!p4 $0xFFFFE000;
	s11 =	sshra.s32 @!p5 s28, $0x2  }
0x111: {  	[spmem:s1] =	stream.indirect.scatter.add.f32 @!p4 [tilespmem:s13], [sflag:$0x8], $0x40, s12, s14, $0xb8;
	[tilespmem:$0x1DD00] =	vst v63  }
0x112: {  	s11 =	sadd.s32 @!p5 $0x380, s11;
	s12 =	simm.s32 @!p5 $0xDD00;
	_ =	swait.ge @!p5 [sflag:s10], $0x2000  }
0x113: {  	p6 =	sge.u32 s3, s8;
	s13 =	simm.s32 @!p5 $0x80;
	[sflag:s10] =	ssyncset.done @!p5 $0x0  }
0x114: {  	s3 =	simm.s32 @!p6 $0x4;
	[sflag:s10] =	ssyncadd.s32 @!p5 $0xFFFFE000;
	s10 =	sshra.s32 @!p6 s28, $0x2  }
0x115: {  	[tilespmem:s12], [sflag:$0x3] =	stream.indirect.gather @!p5 [hbm4b:s5+s13], $0x40, s11, s13, $0xb8;
	[tilespmem:$0x1DD00] =	vst v63  }
0x116: {  	p4 =	sge.u32 s25, s8;
	s10 =	sadd.s32 @!p6 $0x5000, s10;
	_ =	swait.ge @!p6 [sflag:s3], $0x2000  }
0x117: {  	s11 =	simm.s32 @!p6 $0x80;
	s12 =	simm.s32 @!p6 $0xFD00;
	[sflag:s3] =	ssyncset.done @!p6 $0x0  }
0x118: {  	s13 =	sshra.s32 @!p4 s28, $0x2;
	[sflag:s3] =	ssyncadd.s32 @!p6 $0xFFFFE000;
	s3 =	simm.s32 @!p4 $0x9  }
0x119: {  	[spmem:s1] =	stream.indirect.scatter.add.f32 @!p6 [tilespmem:s12], [sflag:$0x9], $0x40, s10, s11, $0xb8;
	[tilespmem:$0x1DD00] =	vst v63  }
0x11a: {  	s11 =	sadd.s32 @!p4 $0x400, s13;
	s12 =	simm.s32 @!p4 $0xFD00;
	_ =	swait.ge @!p4 [sflag:s3], $0x2000  }
.Ltmp6:
0x11b: {  	s13 =	simm.s32 @!p4 $0x80;
	[sflag:s3] =	ssyncset.done @!p4 $0x0;
	(pc) =	sbr.rel @p3 .LBB2_8-.Ltmp6, $4  }
0x11c: {  	s10 =	sadd.s32 @!p2 $0x5080, s26;
	[sflag:s3] =	ssyncadd.s32 @!p4 $0xFFFFE000;
	s3 =	simm.s32 @!p2 $0x5  }
0x11d: {  	[tilespmem:s12], [sflag:$0x4] =	stream.indirect.gather @!p4 [hbm4b:s5+s13], $0x40, s11, s13, $0xb8;
	[tilespmem:$0x1DD00] =	vst v63  }
0x11e: {  	_ =	swait.ge @!p2 [sflag:s3], $0x2000  }
0x11f: {  	s25 =	sadd.s32 $0x5, s25;
	[sflag:s3] =	ssyncset.done @!p2 $0x0  }
.Ltmp7:
0x120: {  	_ = 	snop;
	(pc) =	sbr.rel .LBB2_9-.Ltmp7, $1  }
0x121: {  	_ =	sdelay $0x3  }
.LBB2_11:
0x122: {  	_ =	sfence.sel $0x180000  }
0x123: {  	[bflag:$0x0] =	sbarrier.arrive $0xFFFF  }
0x124: {  	_ =	strace $0x9000004A  }
0x125: {  	s0 =	stileid.u32;
	[bflag:$0x2] =	sbarrier.arrive $0xFFFF  }
0x126: {  	p0 =	sne.s32 s0, $0x0;
	s0 =	rddreg [dreg:$0x4]  }
0x127: {  	s0 =	sadd.s32 @!p0 $0x100000, s0  }
0x128: {  	[sflag:s0] =	ssyncadd.tile.s32 @!p0 $0x1;
	_ =	shalt  }
.Lfunc_end2:
_tile_overlayer_lowered:
.L_overlay_start_2:
0x129: {  	(tag) =	ssettag $0x2  }
0x12a: {  	s0 =	rddreg [dreg:$0x0];
	s2 =	stileid.u32  }
0x12b: {  	s1 =	rddreg [dreg:$0x1];
	p0 =	sne.s32 s2, $0x0  }
0x12c: {  	s3 =	rddreg [dreg:$0x2];
	[bflag:$0x3] =	sbarrier.arrive $0xFFFF;
	s2 =	simm.s32 @!p0 $0x1C0B  }
0x12d: {  	[timem:s3], [sflag:s2] =	dma.local @!p0 [hbm:s0], s1  }
0x12e: {  	s0 =	simm.s32 @!p0 $0xB  }
0x12f: {  	_ =	swait.ge @!p0 [sflag:s0], s1  }
0x130: {  	s1 =	ssub.s32 @!p0 $0x0, s1;
	[sflag:s0] =	ssyncset.done @!p0 $0x0  }
0x131: {  	[sflag:s0] =	ssyncadd.s32 @!p0 s1  }
0x132: {  	[bflag:$0x3] =	sbarrier.arrive $0xFFFF  }
0x133: {  	_ =	shalt  }

// kernel: kernel.14.cloned.1.call-start
scs
__scs_entry_jumppad:
0x0: {  	(pc) =	sbr.rel $0x88, $3  }
0x1: {  	(tag) =	ssettag $0x0;
	lr =	simm.s32 $0x1  }
0x2: {  	[smem:$0x3F95] =	sst lr;
	_ =	strace $0xD0000000  }
0x3: {  	_ = 	snop  }
0x4: {  	_ = 	snop  }
0x5: {  	_ = 	snop  }
0x6: {  	_ = 	snop  }
0x7: {  	_ = 	snop  }
__scs_overlays_trampoline_lowered:
0x8: {  	[smem:$0x3FA4] =	sst s0  }
0x9: {  	[smem:$0x3FA5] =	sst s1  }
0xa: {  	[smem:$0x3FA6] =	sst s2  }
0xb: {  	[smem:$0x3FA7] =	sst s3  }
0xc: {  	[smem:$0x3FA8] =	sst s4  }
0xd: {  	[smem:$0x3FA9] =	sst s5  }
0xe: {  	[smem:$0x3FAA] =	sst s6  }
0xf: {  	[smem:$0x3FAB] =	sst s7  }
0x10: {  	[smem:$0x3FAC] =	sst s8  }
0x11: {  	[smem:$0x3FAD] =	sst s9;
	s0 =	simm.s32 @!p0 $0x0  }
0x12: {  	s1 =	sld [smem:$0x3F93];
	s0 =	simm.s32 @p0 $0x1  }
0x13: {  	[smem:$0x3FAE] =	sst s0;
	s0 =	simm.s32 @!p1 $0x0  }
0x14: {  	s2 =	sld [smem:$0x3F92];
	s0 =	simm.s32 @p1 $0x1  }
0x15: {  	[smem:$0x3FAF] =	sst s0;
	s0 =	simm.s32 @!p2 $0x0  }
0x16: {  	s3 =	sld [smem:$0x3FDB];
	s0 =	simm.s32 @p2 $0x1  }
0x17: {  	s4 =	simm.s32 $0x1BF5;
	[smem:$0x3FB1] =	sst s0  }
0x18: {  	s0 =	sld [smem:$0x3F94];
	_ =	swait.ge [sflag:s4], $0x0  }
0x19: {  	s7 =	sld [smem:$0x3F95]  }
0x1a: {  	s8 =	sadd.s32 $0xFFFFE003, lr  }
0x1b: {  	s9 =	sadd.s32 $0xFFFFFEF7, lr;
	s5 =	simm.s32 $0xFFFFFFFF;
	p2 =	slt.u32 s8, $0xFFFFF086  }
0x1c: {  	p1 =	slt.u32 s9, $0xF7A;
	s5 =	simm.s32 @!p2 $0x0  }
0x1d: {  	s5 =	simm.s32 @p1 $0x1;
	p0 =	seq.s32 s7, s2  }
0x1e: {  	s7 =	smul.u32 @!p0 $0xF7A, s2;
	p2 =	seq.s32 @!p0 s5, $0x0  }
0x1f: {  	s9 =	smul.u32 $0xF7A, s1;
	s8 =	simm.s32 @!p0 $0x1BF5;
	p2 =	por !p2, p0  }
0x20: {  	[sflag:s8] =	ssyncset.s32 @!p0 $0xFFFFF086;
	s6 =	sadd.s32 @!p0 s3, s7;
	s7 =	simm.s32 @!p0 $0x108  }
0x21: {  	s3 =	sadd.s32 s3, s9;
	s6 =	sadd.s32 @!p0 $0x88, s6;
	s7 =	simm.s32 @p2 $0x1082  }
0x22: {  	[simem:s7], [sflag:s8] =	dma.local @!p0 [hbm:s6], $0xF7A  }
0x23: {  	s9 =	sor.u32 $0xD0000000, s2;
	s6 =	simm.s32 $0x108;
	_ =	swait.ge @!p0 [sflag:s8], $0x0  }
0x24: {  	s3 =	sadd.s32 $0x88, s3;
	s6 =	simm.s32 @!p1 $0x1082;
	[sflag:s4] =	ssyncset.s32 $0xFFFFF086  }
0x25: {  	[simem:s6], [sflag:s4] =	dma.local [hbm:s3], $0xF7A  }
0x26: {  	[smem:$0x3F95] =	sst s1;
	(tag) =	ssettag s2;
	_ =	strace s9  }
0x27: {  	s1 =	sld [smem:$0x3FA5]  }
0x28: {  	s2 =	sld [smem:$0x3FA6]  }
0x29: {  	s4 =	sld [smem:$0x3FA8]  }
0x2a: {  	p0 =	seq.s32 s5, $0x0;
	s5 =	sld [smem:$0x3FA9]  }
0x2b: {  	s6 =	sld [smem:$0x3FAA]  }
0x2c: {  	s7 =	sld [smem:$0x3FAB]  }
0x2d: {  	s3 =	simm.s32 $0x108;
	s8 =	sld [smem:$0x3FAC]  }
0x2e: {  	s3 =	simm.s32 @!p0 $0x1082;
	s9 =	sld [smem:$0x3FAD]  }
0x2f: {  	lr =	sadd.s32 s0, s3;
	s0 =	sld [smem:$0x3FA4]  }
0x30: {  	s3 =	sld [smem:$0x3FA7]  }
0x31: {  	[smem:$0x3FB0] =	sst s10  }
0x32: {  	s10 =	sld [smem:$0x3FAE];
	_ =	sdelay $0x3  }
0x33: {  	p0 =	seq.s32 s10, $0x1;
	s10 =	sld [smem:$0x3FB0];
	_ =	sdelay $0x3  }
0x34: {  	[smem:$0x3FB0] =	sst s10  }
0x35: {  	s10 =	sld [smem:$0x3FAF];
	_ =	sdelay $0x3  }
0x36: {  	p1 =	seq.s32 s10, $0x1;
	s10 =	sld [smem:$0x3FB0];
	_ =	sdelay $0x3  }
0x37: {  	[smem:$0x3FB0] =	sst s10  }
0x38: {  	s10 =	sld [smem:$0x3FB1]  }
0x39: {  	_ = 	snop;
	(pc) =	sbr.ind lr, $3  }
0x3a: {  	_ = 	snop  }
0x3b: {  	_ = 	snop  }
0x3c: {  	p2 =	seq.s32 s10, $0x1;
	s10 =	sld [smem:$0x3FB0]  }
0x3d: {  	_ =	shalt  }
0x3e: {  	_ =	shalt  }
0x3f: {  	_ =	shalt  }
0x40: {  	_ =	shalt  }
0x41: {  	_ =	shalt  }
0x42: {  	_ =	shalt  }
0x43: {  	_ =	shalt  }
0x44: {  	_ =	shalt  }
0x45: {  	_ =	shalt  }
0x46: {  	_ =	shalt  }
0x47: {  	_ =	shalt  }
0x48: {  	_ =	shalt  }
0x49: {  	_ =	shalt  }
0x4a: {  	_ =	shalt  }
0x4b: {  	_ =	shalt  }
0x4c: {  	_ =	shalt  }
0x4d: {  	_ =	shalt  }
0x4e: {  	_ =	shalt  }
0x4f: {  	_ =	shalt  }
0x50: {  	_ =	shalt  }
0x51: {  	_ =	shalt  }
0x52: {  	_ =	shalt  }
0x53: {  	_ =	shalt  }
0x54: {  	_ =	shalt  }
0x55: {  	_ =	shalt  }
0x56: {  	_ =	shalt  }
0x57: {  	_ =	shalt  }
0x58: {  	_ =	shalt  }
0x59: {  	_ =	shalt  }
0x5a: {  	_ =	shalt  }
0x5b: {  	_ =	shalt  }
0x5c: {  	_ =	shalt  }
0x5d: {  	_ =	shalt  }
0x5e: {  	_ =	shalt  }
0x5f: {  	_ =	shalt  }
0x60: {  	_ =	shalt  }
0x61: {  	_ =	shalt  }
0x62: {  	_ =	shalt  }
0x63: {  	_ =	shalt  }
0x64: {  	_ =	shalt  }
0x65: {  	_ =	shalt  }
0x66: {  	_ =	shalt  }
0x67: {  	_ =	shalt  }
0x68: {  	_ =	shalt  }
0x69: {  	_ =	shalt  }
0x6a: {  	_ =	shalt  }
0x6b: {  	_ =	shalt  }
0x6c: {  	_ =	shalt  }
0x6d: {  	_ =	shalt  }
0x6e: {  	_ =	shalt  }
0x6f: {  	_ =	shalt  }
0x70: {  	_ =	shalt  }
0x71: {  	_ =	shalt  }
0x72: {  	_ =	shalt  }
0x73: {  	_ =	shalt  }
0x74: {  	_ =	shalt  }
0x75: {  	_ =	shalt  }
0x76: {  	_ =	shalt  }
0x77: {  	_ =	shalt  }
0x78: {  	_ =	shalt  }
0x79: {  	_ =	shalt  }
0x7a: {  	_ =	shalt  }
0x7b: {  	_ =	shalt  }
0x7c: {  	_ =	shalt  }
0x7d: {  	_ =	shalt  }
0x7e: {  	_ =	shalt  }
0x7f: {  	_ =	shalt  }
0x80: {  	_ =	shalt  }
0x81: {  	_ =	shalt  }
0x82: {  	_ =	shalt  }
0x83: {  	_ =	shalt  }
0x84: {  	_ =	shalt  }
0x85: {  	_ =	shalt  }
0x86: {  	_ =	shalt  }
0x87: {  	_ =	shalt  }
.Lfunc_end0:
.L_simem_size_0:
called_computation.2_lowered:
.L_overlay_start_0:
0x88: {  	s2 =	sld [smem:$0x3FD9]  }
0x89: {  	s3 =	sld [smem:$0x3FFE];
	_ =	sdelay $0x1  }
0x8a: {  	s1 =	srdreg.scid  }
0x8b: {  	s0 =	sand.u32 $0x1, s1  }
0x8c: {  	s14 =	sshll.u32 s0, $0xA;
	s2 =	sadd.s32 s3, s2  }
0x8d: {  	s2 =	sadd.s32 s2, s14  }
0x8e: {  	[smem:$0x3FBC] =	sst s2  }
0x8f: {  	_ = 	snop  }
0x90: {  	s2 =	sld [smem:$0x3FD0];
	_ =	sdelay $0x2  }
0x91: {  	s15 =	simm.s32 $0xA;
	s4 =	simm.s32 $0x10  }
0x92: {  	[smem:s4], [sflag:s15] =	dma.local [hbm:s2], $0x1  }
0x93: {  	_ =	swait.eq [sflag:s15], $0x1  }
0x94: {  	[sflag:s15] =	ssyncset.done $0x0  }
0x95: {  	s16 =	sld [smem:$0x10];
	[sflag:s15] =	ssyncadd.s32 $0xFFFFFFFF  }
0x96: {  	s17 =	sld [smem:$0x11];
	(tm) =	ssettm $0x1  }
0x97: {  	s18 =	sld [smem:$0x3FFB];
	_ =	sdelay $0x3  }
0x98: {  	_ =	strace s18  }
0x99: {  	s4 =	sld [smem:$0x3FFC];
	_ =	sdelay $0x3  }
0x9a: {  	_ =	strace s4  }
0x9b: {  	s4 =	sld [smem:$0x3FFD];
	_ =	sdelay $0x3  }
0x9c: {  	_ =	strace s4  }
0x9d: {  	_ =	strace $0x8FFFFFFF  }
0x9e: {  	s19 =	sld [smem:$0x3FDB];
	_ =	sdelay $0x1  }
0x9f: {  	s5 =	simm.s32 $_scs_section_size  }
0xa0: {  	s6 =	simm.s32 $_size__tile_overlayer_lowered;
	s7 =	simm.s32 $_tile_overlayer_lowered  }
0xa1: {  	s22 =	simm.s32 $0x1BFF;
	s21 =	sshll.u32 s7, $0x1;
	s4 =	sadd.s32 s5, s19  }
0xa2: {  	s8 =	simm.s32 $0x0;
	s20 =	sshll.u32 s6, $0x1;
	s6 =	sadd.s32 s21, s4  }
0xa3: {  	[timem:s8], [sflag:s22] =	dma.local [hbm:s6], s20  }
0xa4: {  	_ =	swait.ge [sflag:s22], s20  }
0xa5: {  	s5 =	ssub.s32 $0x0, s20;
	[sflag:s22] =	ssyncset.done $0x0  }
0xa6: {  	[sflag:s22] =	ssyncadd.s32 s5;
	_ =	sdelay $0x1  }
0xa7: {  	s23 =	simm.s32 $0x1B8B  }
0xa8: {  	_ =	swait.ge [sflag:s23], $0x1  }
0xa9: {  	[sflag:s23] =	ssyncset.done $0x0  }
0xaa: {  	s25 =	simm.s32 $0x1B8E;
	s24 =	sld [smem:$0x3FFE];
	[sflag:s23] =	ssyncadd.s32 $0xFFFFFFFF  }
0xab: {  	s26 =	simm.s32 $execute0_lowered;
	[smem:$0x3FD2] =	sst s25  }
0xac: {  	s6 =	sshll.u32 s26, $0x1;
	_ =	strace $0x8000004C;
	[dreg:$0x1] =	wrdreg $0xFFFFFFFF  }
0xad: {  	s28 =	simm.s32 $_size_execute0_lowered;
	s4 =	sadd.s32 s4, s6;
	[dreg:$0x0] =	wrdreg $0x0  }
0xae: {  	s6 =	sshll.u32 s28, $0x1;
	[dreg:$0x2] =	wrdreg s4  }
0xaf: {  	[dreg:$0x3] =	wrdreg s6  }
0xb0: {  	[dreg:$0x4] =	wrdreg $0xC0  }
0xb1: {  	_ =	task [dreg:s8], $0x5FFFF  }
0xb2: {  	[dreg:$0x1] =	wrdreg $0xFFFFFFFF  }
0xb3: {  	[dreg:$0x0] =	wrdreg $0x60  }
0xb4: {  	[dreg:$0x2] =	wrdreg s24  }
0xb5: {  	[dreg:$0x3] =	wrdreg s17  }
0xb6: {  	[dreg:$0x4] =	wrdreg s16  }
0xb7: {  	[dreg:$0x5] =	wrdreg $0x13D000  }
0xb8: {  	[dreg:$0x6] =	wrdreg $0x9  }
0xb9: {  	_ =	task.clear_ibuf [dreg:s8], $0x7FFFF;
	_ =	strace $0x9000004C  }
0xba: {  	s29 =	simm.s32 $0x9;
	_ =	strace $0x8000004E  }
0xbb: {  	_ =	swait.ge [sflag:s29], $0x1  }
0xbc: {  	[sflag:s29] =	ssyncadd.s32 $0xFFFFFFFF  }
0xbd: {  	_ =	strace $0x9000004E  }
0xbe: {  	_ =	sfence  }
0xbf: {  	s30 =	sld [smem:$0x0];
	_ =	sdelay $0x2  }
0xc0: {  	s31 =	sshll.u32 s1, $0xD;
	s1 =	sshrl.u32 s1, $0x2  }
0xc1: {  	s3 =	sand.u32 $0x4000, s31;
	s1 =	sadd.s32 s1, s30  }
0xc2: {  	s0 =	sor.u32 s3, s0;
	s1 =	sshll.u32 s1, $0x11  }
0xc3: {  	s0 =	sor.u32 s1, s0  }
0xc4: {  	s0 =	sadd.s32 $0x8F2B, s0  }
0xc5: {  	[sflag:s0] =	ssyncadd.remote.s32 $0x1  }
0xc6: {  	_ =	sfence.sel $0xFFFF  }
0xc7: {  	[dreg:$0x0] =	wrdreg $0xFFFFFFFF;
	(pc) =	sbr.abs _section_cstart, $3  }
0xc8: {  	[dreg:$0x1] =	wrdreg $0xFFFFFFFF  }
0xc9: {  	_ =	task.clear_ibuf [dreg:s8], $0x2FFFF;
	_ =	strace $0x9FFFFFFF  }
0xca: {  	(tm) =	ssettm $0x7FFFFFFF  }
0xcb: {  	_ =	shalt  }
tec
execute0_lowered:
.L_overlay_start_1:
0x0: {  	(tag) =	ssettag $0x1  }
0x1: {  	s0 =	rddreg [dreg:$0x0]  }
0x2: {  	s3 =	rddreg [dreg:$0x1]  }
0x3: {  	s6 =	rddreg [dreg:$0x2]  }
0x4: {  	s1 =	rddreg [dreg:$0x3];
	s2 =	simm.s32 $0x0;
	s7 =	srdreg.scid  }
0x5: {  	s12 =	stileid.u32;
	s29 =	simm.s32 $0x7;
	s30 =	simm.s32 $0x8  }
0x6: {  	s31 =	simm.s32 $0x9;
	[smem:$0x7FF] =	sst s2;
	s4 =	sadd.s32 $0x99600, s0  }
0x7: {  	s5 =	sadd.s32 $0x4A00, s0;
	s7 =	sand.u32 $0x1, s7;
	s8 =	sadd.s32 $0xC1000, s0  }
0x8: {  	s0 =	sadd.s32 $0xAD000, s0;
	s10 =	smul.u32 $0x28000, s12;
	p0 =	seq.s32 s12, $0xF  }
0x9: {  	s11 =	smul.u32 $0xA000, s12;
	_ =	strace $0x8000004D;
	[dreg:$0x5] =	wrdreg s8  }
0xa: {  	s15 =	smul.u32 $0x9D0, s12;
	s26 =	sadd.s32 $0x9330, s6;
	[dreg:$0x6] =	wrdreg s0  }
0xb: {  	s9 =	ssub.s32 $0x2, s7;
	s8 =	simm.s32 $0x91;
	[dreg:$0xe] =	wrdreg s26  }
0xc: {  	p1 =	sne.s32 s7, $0x0;
	s20 =	sshrl.u32 s9, $0x1;
	s8 =	simm.s32 @!p0 $0x9D  }
0xd: {  	s10 =	sshrl.u32 s10, $0x2;
	s24 =	sadd.s32 s3, s15;
	s25 =	sadd.s32 s6, s15  }
0xe: {  	s3 =	sadd.s32 $0x9330, s3;
	s28 =	sshrl.u32 s11, $0x3;
	[dreg:$0xb] =	wrdreg s24  }
0xf: {  	s6 =	simm.s32 $0xB;
	s0 =	ssub.s32 s9, s20;
	[dreg:$0xc] =	wrdreg s25  }
0x10: {  	s9 =	sadd.s32 s11, s1;
	s10 =	sadd.s32 s10, s1;
	[dreg:$0xd] =	wrdreg s3  }
.Ltmp0:
0x11: {  	[dreg:$0xf] =	wrdreg s28;
	s21 =	sadd.s32 $0x2000, s10;
	(pc) =	sbr.rel .LBB2_1-.Ltmp0, $4  }
0x12: {  	s20 =	simm.s32 $0x9D00;
	s22 =	sadd.s32 $0x4000, s10;
	[dreg:$0x7] =	wrdreg s21  }
0x13: {  	s23 =	sadd.s32 $0x6000, s10;
	s10 =	sadd.s32 $0x8000, s10;
	[dreg:$0x8] =	wrdreg s22  }
0x14: {  	s19 =	smax.u32 s0, $0x1;
	s0 =	simm.s32 $0xA;
	[dreg:$0x9] =	wrdreg s23  }
0x15: {  	v0 =	vimm.f32 $0.0e+00;
	[dreg:$0xa] =	wrdreg s10;
	s21 =	simm.s32 $0x6;
	s22 =	simm.s32 $0x80  }
.LBB2_9:
0x16: {  	[sflag:s3] =	ssyncadd.s32 @!p2 $0xFFFFE000;
	s3 =	rddreg [dreg:$0x6]  }
0x17: {  	[spmem:s1] =	stream.indirect.scatter.add.f32 @!p2 [tilespmem:s23], [sflag:$0xA], $0x40, s10, s7, $0xb8;
	[tilespmem:$0x1DD00] =	vst v63  }
.LBB2_10:
0x18: {  	_ =	swait.ge [sflag:s21], $0x2000  }
0x19: {  	[sflag:s21] =	ssyncset.done $0x0  }
0x1a: {  	[sflag:s21] =	ssyncadd.s32 $0xFFFFE000  }
0x1b: {  	_ =	swait.ge [sflag:s29], $0x2000  }
0x1c: {  	[sflag:s29] =	ssyncset.done $0x0  }
0x1d: {  	[sflag:s29] =	ssyncadd.s32 $0xFFFFE000  }
0x1e: {  	_ =	swait.ge [sflag:s30], $0x2000  }
0x1f: {  	[sflag:s30] =	ssyncset.done $0x0  }
0x20: {  	[sflag:s30] =	ssyncadd.s32 $0xFFFFE000  }
0x21: {  	_ =	swait.ge [sflag:s31], $0x2000  }
0x22: {  	[sflag:s31] =	ssyncset.done $0x0  }
0x23: {  	s28 =	stileid.u32;
	[sflag:s31] =	ssyncadd.s32 $0xFFFFE000  }
0x24: {  	s10 =	sshrl.u32 s9, $0x3;
	s2 =	sadd.s32 $0x1, s2;
	_ =	swait.ge [sflag:s0], $0x2000  }
0x25: {  	p2 =	sne.s32 s2, s19;
	[sflag:s0] =	ssyncset.done $0x0;
	s7 =	rddreg [dreg:$0xf]  }
0x26: {  	s3 =	sadd.s32 s3, s7;
	[sflag:s0] =	ssyncadd.s32 $0xFFFFE000;
	s7 =	sshll.u32 s28, $0x6  }
.Ltmp1:
0x27: {  	[bflag:$0x0] =	sbarrier.arrive $0xFFFF;
	s7 =	sor.u32 $0x1C0B, s7;
	(pc) =	sbr.rel @!p2 .LBB2_11-.Ltmp1, $4  }
0x28: {  	[hbm:s3], [sflag:s7] =	dma.local [spmem:s10], $0x1400  }
0x29: {  	_ =	swait.ge [sflag:s6], $0x1400  }
0x2a: {  	[sflag:s6] =	ssyncset.done $0x0  }
0x2b: {  	[sflag:s6] =	ssyncadd.s32 $0xFFFFEC00  }
.LBB2_1:
0x2c: {  	s7 =	simm.s32 $0x100;
	s3 =	simm.s32 $0x0  }
.LBB2_2:
0x2d: {  	p2 =	sne.s32 s7, $0x7F00;
	[tilespmem:s3+$0x9D30] =	vst v0;
	s10 =	smov.u32 s7;
	s7 =	sadd.s32 $0x100, s7  }
.Ltmp2:
0x2e: {  	[tilespmem:s3+$0x9D20] =	vst v0;
	(pc) =	sbr.rel @p2 .LBB2_2-.Ltmp2, $3  }
0x2f: {  	[tilespmem:s3+$0x9D00] =	vst v0  }
0x30: {  	[tilespmem:s3+$0x9D10] =	vst v0;
	_ =	sdelay $0x1  }
0x31: {  	s3 =	sshra.s32 s10, $0x2  }
0x32: {  	[tilespmem:s3+$0x9D30] =	vst v0  }
0x33: {  	[tilespmem:s3+$0x9D20] =	vst v0  }
0x34: {  	[tilespmem:s3+$0x9D00] =	vst v0  }
0x35: {  	[tilespmem:s3+$0x9D10] =	vst v0  }
0x36: {  	[spmem:s9] =	stream.linear.scatter [tilespmem:s20], [sflag:$0x6], $0x2000, $0x38;
	[tilespmem:$0x1DD00] =	vst v63  }
0x37: {  	s24 =	rddreg [dreg:$0x7]  }
0x38: {  	[spmem:s24] =	stream.linear.scatter [tilespmem:s20], [sflag:$0x6], $0x2000, $0x38;
	[tilespmem:$0x1DD00] =	vst v63  }
0x39: {  	s25 =	rddreg [dreg:$0x8]  }
0x3a: {  	[spmem:s25] =	stream.linear.scatter [tilespmem:s20], [sflag:$0x6], $0x2000, $0x38;
	[tilespmem:$0x1DD00] =	vst v63  }
0x3b: {  	s26 =	rddreg [dreg:$0x9]  }
0x3c: {  	[spmem:s26] =	stream.linear.scatter [tilespmem:s20], [sflag:$0x6], $0x2000, $0x38;
	[tilespmem:$0x1DD00] =	vst v63  }
0x3d: {  	s28 =	rddreg [dreg:$0xa]  }
0x3e: {  	[spmem:s28] =	stream.linear.scatter [tilespmem:s20], [sflag:$0x6], $0x2000, $0x38;
	[tilespmem:$0x1DD00] =	vst v63  }
0x3f: {  	_ =	swait.ge [sflag:s21], $0x2000  }
0x40: {  	[sflag:s21] =	ssyncset.done $0x0  }
0x41: {  	[sflag:s21] =	ssyncadd.s32 $0xFFFFE000  }
0x42: {  	_ =	swait.ge [sflag:s21], $0x2000  }
0x43: {  	[sflag:s21] =	ssyncset.done $0x0  }
0x44: {  	[sflag:s21] =	ssyncadd.s32 $0xFFFFE000  }
0x45: {  	_ =	swait.ge [sflag:s21], $0x2000  }
0x46: {  	[sflag:s21] =	ssyncset.done $0x0  }
0x47: {  	[sflag:s21] =	ssyncadd.s32 $0xFFFFE000  }
0x48: {  	_ =	swait.ge [sflag:s21], $0x2000  }
0x49: {  	[sflag:s21] =	ssyncset.done $0x0  }
0x4a: {  	[sflag:s21] =	ssyncadd.s32 $0xFFFFE000  }
0x4b: {  	_ =	swait.ge [sflag:s21], $0x2000  }
0x4c: {  	[sflag:s21] =	ssyncset.done $0x0  }
0x4d: {  	s3 =	simm.s32 @p0 $0x0;
	s7 =	rddreg [dreg:$0xd];
	[sflag:s21] =	ssyncadd.s32 $0xFFFFE000  }
0x4e: {  	[tilespmem:s3], [sflag:$0xB] =	stream.linear.gather @p0 [hbm4b:s7+s3], $0x4880, $0x38;
	[tilespmem:$0x1DD00] =	vst v63  }
0x4f: {  	s7 =	simm.s32 @p0 $0xB  }
0x50: {  	_ =	swait.ge @p0 [sflag:s7], $0x4880  }
0x51: {  	[sflag:s7] =	ssyncset.done @p0 $0x0  }
0x52: {  	s10 =	simm.s32 @p0 $0x4E80;
	s11 =	rddreg [dreg:$0xe];
	[sflag:s7] =	ssyncadd.s32 @p0 $0xFFFFB780  }
0x53: {  	[tilespmem:s10], [sflag:$0xB] =	stream.linear.gather @p0 [hbm4b:s11+s3], $0x4880, $0x38;
	[tilespmem:$0x1DD00] =	vst v63  }
0x54: {  	_ =	swait.ge @p0 [sflag:s7], $0x4880  }
0x55: {  	[sflag:s7] =	ssyncset.done @p0 $0x0  }
0x56: {  	s3 =	simm.s32 @!p0 $0x0;
	[sflag:s7] =	ssyncadd.s32 @p0 $0xFFFFB780;
	s7 =	rddreg [dreg:$0xb]  }
0x57: {  	[tilespmem:s3], [sflag:$0xB] =	stream.linear.gather @!p0 [hbm4b:s7+s3], $0x4E80, $0x38;
	[tilespmem:$0x1DD00] =	vst v63  }
0x58: {  	s7 =	simm.s32 @!p0 $0xB  }
0x59: {  	_ =	swait.ge @!p0 [sflag:s7], $0x4E80  }
0x5a: {  	[sflag:s7] =	ssyncset.done @!p0 $0x0  }
0x5b: {  	s10 =	simm.s32 @!p0 $0x4E80;
	s11 =	rddreg [dreg:$0xc];
	[sflag:s7] =	ssyncadd.s32 @!p0 $0xFFFFB180  }
0x5c: {  	[tilespmem:s10], [sflag:$0xB] =	stream.linear.gather @!p0 [hbm4b:s11+s3], $0x4E80, $0x38;
	[tilespmem:$0x1DD00] =	vst v63  }
.Ltmp3:
0x5d: {  	_ =	swait.ge @!p0 [sflag:s7], $0x4E80;
	(pc) =	sbr.rel @p1 .LBB2_7-.Ltmp3, $4  }
0x5e: {  	[sflag:s7] =	ssyncset.done @!p0 $0x0  }
0x5f: {  	[sflag:s7] =	ssyncadd.s32 @!p0 $0xFFFFB180  }
0x60: {  	[bflag:$0x0] =	sbarrier.arrive $0xFFFF  }
0x61: {  	s3 =	simm.s32 $0x0  }
0x62: {  	[tilespmem:s20], [sflag:$0x1] =	stream.indirect.gather [hbm4b:s4+s22], $0x40, s3, s22, $0xb8;
	[tilespmem:$0x1DD00] =	vst v63  }
0x63: {  	p2 =	sle.u32 s8, $0x4  }
0x64: {  	s24 =	simm.s32 $0xBD00;
	p3 =	por @!p2 $0x1, $0x1  }
0x65: {  	[tilespmem:s24], [sflag:$0x2] =	stream.indirect.gather [hbm4b:s4+s22], $0x40, s22, s22, $0xb8;
	[tilespmem:$0x1DD00] =	vst v63  }
0x66: {  	s25 =	simm.s32 $0x100;
	s7 =	simm.s32 $0xDD00;
	p3 =	por p3, p2  }
0x67: {  	[tilespmem:s7], [sflag:$0x3] =	stream.indirect.gather [hbm4b:s4+s22], $0x40, s25, s22, $0xb8;
	[tilespmem:$0x1DD00] =	vst v63  }
0x68: {  	s26 =	simm.s32 $0x180;
	s28 =	simm.s32 $0xFD00;
	s3 =	simm.s32 @!p3 $0xA  }
0x69: {  	[tilespmem:s28], [sflag:$0x4] =	stream.indirect.gather [hbm4b:s4+s22], $0x40, s26, s22, $0xb8;
	[tilespmem:$0x1DD00] =	vst v63  }
0x6a: {  	_ =	swait.ge @!p3 [sflag:s3], $0x2000  }
0x6b: {  	s10 =	simm.s32 @!p2 $0x200;
	s23 =	simm.s32 @!p2 $0x11D00;
	[sflag:s3] =	ssyncset.done @!p3 $0x0  }
0x6c: {  	s7 =	simm.s32 @!p2 $0x80;
	[sflag:s3] =	ssyncadd.s32 @!p3 $0xFFFFE000;
	p3 =	sle.u32 s8, $0x0  }
0x6d: {  	[tilespmem:s23], [sflag:$0x5] =	stream.indirect.gather @!p2 [hbm4b:s4+s7], $0x40, s10, s7, $0xb8;
	[tilespmem:$0x1DD00] =	vst v63  }
0x6e: {  	s3 =	simm.s32 @!p3 $0x1  }
0x6f: {  	p4 =	sle.u32 s8, $0x5;
	_ =	swait.ge @!p3 [sflag:s3], $0x2000  }
0x70: {  	s10 =	simm.s32 @!p3 $0x9D00;
	s11 =	simm.s32 @!p3 $0x4E80;
	[sflag:s3] =	ssyncset.done @!p3 $0x0  }
0x71: {  	s24 =	simm.s32 @!p3 $0x80;
	[sflag:s3] =	ssyncadd.s32 @!p3 $0xFFFFE000;
	s3 =	simm.s32 @!p4 $0x6  }
0x72: {  	[spmem:s1] =	stream.indirect.scatter.add.f32 @!p3 [tilespmem:s10], [sflag:$0x6], $0x40, s11, s24, $0xb8;
	[tilespmem:$0x1DD00] =	vst v63  }
0x73: {  	s10 =	simm.s32 @!p4 $0x280;
	_ =	swait.ge @!p4 [sflag:s3], $0x2000  }
0x74: {  	s11 =	simm.s32 @!p4 $0x9D00;
	p3 =	sle.u32 s8, $0x1;
	[sflag:s3] =	ssyncset.done @!p4 $0x0  }
0x75: {  	s24 =	simm.s32 @!p4 $0x80;
	[sflag:s3] =	ssyncadd.s32 @!p4 $0xFFFFE000;
	s3 =	simm.s32 @!p3 $0x2  }
0x76: {  	[tilespmem:s11], [sflag:$0x1] =	stream.indirect.gather @!p4 [hbm4b:s4+s24], $0x40, s10, s24, $0xb8;
	[tilespmem:$0x1DD00] =	vst v63  }
0x77: {  	s10 =	simm.s32 @!p3 $0x4F00;
	_ =	swait.ge @!p3 [sflag:s3], $0x2000  }
0x78: {  	s11 =	simm.s32 @!p3 $0xBD00;
	p4 =	sle.u32 s8, $0x6;
	[sflag:s3] =	ssyncset.done @!p3 $0x0  }
0x79: {  	s24 =	simm.s32 @!p3 $0x80;
	[sflag:s3] =	ssyncadd.s32 @!p3 $0xFFFFE000;
	s3 =	simm.s32 @!p4 $0x7  }
0x7a: {  	[spmem:s1] =	stream.indirect.scatter.add.f32 @!p3 [tilespmem:s11], [sflag:$0x7], $0x40, s10, s24, $0xb8;
	[tilespmem:$0x1DD00] =	vst v63  }
0x7b: {  	s10 =	simm.s32 @!p4 $0x300;
	_ =	swait.ge @!p4 [sflag:s3], $0x2000  }
0x7c: {  	s11 =	simm.s32 @!p4 $0xBD00;
	p3 =	sle.u32 s8, $0x2;
	[sflag:s3] =	ssyncset.done @!p4 $0x0  }
0x7d: {  	s24 =	simm.s32 @!p4 $0x80;
	[sflag:s3] =	ssyncadd.s32 @!p4 $0xFFFFE000;
	s3 =	simm.s32 @!p3 $0x3  }
0x7e: {  	[tilespmem:s11], [sflag:$0x2] =	stream.indirect.gather @!p4 [hbm4b:s4+s24], $0x40, s10, s24, $0xb8;
	[tilespmem:$0x1DD00] =	vst v63  }
0x7f: {  	s10 =	simm.s32 @!p3 $0x4F80;
	_ =	swait.ge @!p3 [sflag:s3], $0x2000  }
0x80: {  	s11 =	simm.s32 @!p3 $0xDD00;
	p4 =	sle.u32 s8, $0x7;
	[sflag:s3] =	ssyncset.done @!p3 $0x0  }
0x81: {  	s24 =	simm.s32 @!p3 $0x80;
	[sflag:s3] =	ssyncadd.s32 @!p3 $0xFFFFE000;
	s3 =	simm.s32 @!p4 $0x8  }
0x82: {  	[spmem:s1] =	stream.indirect.scatter.add.f32 @!p3 [tilespmem:s11], [sflag:$0x8], $0x40, s10, s24, $0xb8;
	[tilespmem:$0x1DD00] =	vst v63  }
0x83: {  	s10 =	simm.s32 @!p4 $0x380;
	_ =	swait.ge @!p4 [sflag:s3], $0x2000  }
0x84: {  	s11 =	simm.s32 @!p4 $0xDD00;
	p3 =	sle.u32 s8, $0x3;
	[sflag:s3] =	ssyncset.done @!p4 $0x0  }
0x85: {  	s24 =	simm.s32 @!p4 $0x80;
	[sflag:s3] =	ssyncadd.s32 @!p4 $0xFFFFE000;
	s3 =	simm.s32 @!p3 $0x4  }
0x86: {  	[tilespmem:s11], [sflag:$0x3] =	stream.indirect.gather @!p4 [hbm4b:s4+s24], $0x40, s10, s24, $0xb8;
	[tilespmem:$0x1DD00] =	vst v63  }
0x87: {  	s10 =	simm.s32 @!p3 $0x5000;
	_ =	swait.ge @!p3 [sflag:s3], $0x2000  }
0x88: {  	p4 =	sle.u32 s8, $0x8;
	s11 =	simm.s32 @!p3 $0x80;
	[sflag:s3] =	ssyncset.done @!p3 $0x0  }
0x89: {  	s24 =	simm.s32 @!p3 $0xFD00;
	[sflag:s3] =	ssyncadd.s32 @!p3 $0xFFFFE000;
	s3 =	simm.s32 @!p4 $0x9  }
0x8a: {  	[spmem:s1] =	stream.indirect.scatter.add.f32 @!p3 [tilespmem:s24], [sflag:$0x9], $0x40, s10, s11, $0xb8;
	[tilespmem:$0x1DD00] =	vst v63  }
0x8b: {  	_ =	swait.ge @!p4 [sflag:s3], $0x2000  }
0x8c: {  	s10 =	simm.s32 @!p4 $0x400;
	s11 =	simm.s32 @!p4 $0xFD00;
	[sflag:s3] =	ssyncset.done @!p4 $0x0  }
0x8d: {  	s24 =	simm.s32 @!p4 $0x80;
	[sflag:s3] =	ssyncadd.s32 @!p4 $0xFFFFE000;
	s3 =	simm.s32 @!p2 $0x5  }
0x8e: {  	[tilespmem:s11], [sflag:$0x4] =	stream.indirect.gather @!p4 [hbm4b:s4+s24], $0x40, s10, s24, $0xb8;
	[tilespmem:$0x1DD00] =	vst v63  }
0x8f: {  	s25 =	simm.s32 $0xD;
	_ =	swait.ge @!p2 [sflag:s3], $0x2000  }
0x90: {  	s24 =	simm.s32 $0xA00;
	s10 =	simm.s32 @!p2 $0x5080;
	[sflag:s3] =	ssyncset.done @!p2 $0x0  }
.LBB2_5:
0x91: {  	s11 =	sadd.s32 $0xFFFFFFFC, s25  }
0x92: {  	[sflag:s3] =	ssyncadd.s32 @!p2 $0xFFFFE000;
	s28 =	smov.u32 s24;
	s24 =	sadd.s32 $0xA00, s24  }
0x93: {  	[spmem:s1] =	stream.indirect.scatter.add.f32 @!p2 [tilespmem:s23], [sflag:$0xA], $0x40, s10, s7, $0xb8;
	[tilespmem:$0x1DD00] =	vst v63  }
0x94: {  	p2 =	sge.u32 s11, s8;
	p3 =	seq.s32 s24, $0x14000  }
0x95: {  	p4 =	seq.s32 @!p2 s28, $0x0;
	s26 =	sshra.s32 @!p2 s28, $0x2  }
0x96: {  	s3 =	sadd.s32 $0xFFFFFFFB, s25;
	p4 =	por p4, p2;
	s12 =	sadd.s32 @!p2 $0x200, s26  }
0x97: {  	s11 =	sadd.s32 $0xFFFFFFFA, s25;
	s10 =	sadd.s32 $0xFFFFFFFF, s25;
	s7 =	simm.s32 @!p4 $0xA  }
0x98: {  	s13 =	sadd.s32 $0xFFFFFFF9, s25;
	s14 =	sadd.s32 $0xFFFFFFFE, s25;
	_ =	swait.ge @!p4 [sflag:s7], $0x2000  }
0x99: {  	s15 =	sadd.s32 $0xFFFFFFF8, s25;
	s23 =	simm.s32 @!p2 $0x11D00;
	[sflag:s7] =	ssyncset.done @!p4 $0x0  }
0x9a: {  	[sflag:s7] =	ssyncadd.s32 @!p4 $0xFFFFE000;
	s7 =	simm.s32 @!p2 $0x80;
	p4 =	sge.u32 s15, s8  }
0x9b: {  	[tilespmem:s23], [sflag:$0x5] =	stream.indirect.gather @!p2 [hbm4b:s4+s7], $0x40, s12, s7, $0xb8;
	[tilespmem:$0x1DD00] =	vst v63  }
0x9c: {  	s12 =	simm.s32 @!p4 $0x1;
	s15 =	sshra.s32 @!p4 s28, $0x2;
	s16 =	simm.s32 @!p4 $0x9D00  }
0x9d: {  	s17 =	sadd.s32 $0xFFFFFFFD, s25;
	s15 =	sadd.s32 @!p4 $0x4E80, s15;
	_ =	swait.ge @!p4 [sflag:s12], $0x2000  }
0x9e: {  	p5 =	sge.u32 s17, s8;
	s18 =	simm.s32 @!p4 $0x80;
	[sflag:s12] =	ssyncset.done @!p4 $0x0  }
0x9f: {  	s17 =	sshra.s32 @!p5 s28, $0x2;
	[sflag:s12] =	ssyncadd.s32 @!p4 $0xFFFFE000;
	s12 =	simm.s32 @!p5 $0x6  }
0xa0: {  	[spmem:s1] =	stream.indirect.scatter.add.f32 @!p4 [tilespmem:s16], [sflag:$0x6], $0x40, s15, s18, $0xb8;
	[tilespmem:$0x1DD00] =	vst v63  }
0xa1: {  	s15 =	sadd.s32 @!p5 $0x280, s17;
	s16 =	simm.s32 @!p5 $0x9D00;
	_ =	swait.ge @!p5 [sflag:s12], $0x2000  }
0xa2: {  	s17 =	simm.s32 @!p5 $0x80;
	p4 =	sge.u32 s13, s8;
	[sflag:s12] =	ssyncset.done @!p5 $0x0  }
0xa3: {  	s13 =	sshra.s32 @!p4 s28, $0x2;
	[sflag:s12] =	ssyncadd.s32 @!p5 $0xFFFFE000;
	s12 =	simm.s32 @!p4 $0x2  }
0xa4: {  	[tilespmem:s16], [sflag:$0x1] =	stream.indirect.gather @!p5 [hbm4b:s4+s17], $0x40, s15, s17, $0xb8;
	[tilespmem:$0x1DD00] =	vst v63  }
0xa5: {  	s13 =	sadd.s32 @!p4 $0x4F00, s13;
	s15 =	simm.s32 @!p4 $0xBD00;
	_ =	swait.ge @!p4 [sflag:s12], $0x2000  }
0xa6: {  	s16 =	simm.s32 @!p4 $0x80;
	p5 =	sge.u32 s14, s8;
	[sflag:s12] =	ssyncset.done @!p4 $0x0  }
0xa7: {  	s14 =	sshra.s32 @!p5 s28, $0x2;
	[sflag:s12] =	ssyncadd.s32 @!p4 $0xFFFFE000;
	s12 =	simm.s32 @!p5 $0x7  }
0xa8: {  	[spmem:s1] =	stream.indirect.scatter.add.f32 @!p4 [tilespmem:s15], [sflag:$0x7], $0x40, s13, s16, $0xb8;
	[tilespmem:$0x1DD00] =	vst v63  }
0xa9: {  	s13 =	sadd.s32 @!p5 $0x300, s14;
	s14 =	simm.s32 @!p5 $0xBD00;
	_ =	swait.ge @!p5 [sflag:s12], $0x2000  }
0xaa: {  	s15 =	simm.s32 @!p5 $0x80;
	p4 =	sge.u32 s11, s8;
	[sflag:s12] =	ssyncset.done @!p5 $0x0  }
0xab: {  	s11 =	simm.s32 @!p4 $0x3;
	[sflag:s12] =	ssyncadd.s32 @!p5 $0xFFFFE000;
	s12 =	sshra.s32 @!p4 s28, $0x2  }
0xac: {  	[tilespmem:s14], [sflag:$0x2] =	stream.indirect.gather @!p5 [hbm4b:s4+s15], $0x40, s13, s15, $0xb8;
	[tilespmem:$0x1DD00] =	vst v63  }
0xad: {  	s12 =	sadd.s32 @!p4 $0x4F80, s12;
	s13 =	simm.s32 @!p4 $0xDD00;
	_ =	swait.ge @!p4 [sflag:s11], $0x2000  }
0xae: {  	s14 =	simm.s32 @!p4 $0x80;
	p5 =	sge.u32 s10, s8;
	[sflag:s11] =	ssyncset.done @!p4 $0x0  }
0xaf: {  	s10 =	simm.s32 @!p5 $0x8;
	[sflag:s11] =	ssyncadd.s32 @!p4 $0xFFFFE000;
	s11 =	sshra.s32 @!p5 s28, $0x2  }
0xb0: {  	[spmem:s1] =	stream.indirect.scatter.add.f32 @!p4 [tilespmem:s13], [sflag:$0x8], $0x40, s12, s14, $0xb8;
	[tilespmem:$0x1DD00] =	vst v63  }
0xb1: {  	s11 =	sadd.s32 @!p5 $0x380, s11;
	s12 =	simm.s32 @!p5 $0xDD00;
	_ =	swait.ge @!p5 [sflag:s10], $0x2000  }
0xb2: {  	p6 =	sge.u32 s3, s8;
	s13 =	simm.s32 @!p5 $0x80;
	[sflag:s10] =	ssyncset.done @!p5 $0x0  }
0xb3: {  	s3 =	simm.s32 @!p6 $0x4;
	[sflag:s10] =	ssyncadd.s32 @!p5 $0xFFFFE000;
	s10 =	sshra.s32 @!p6 s28, $0x2  }
0xb4: {  	[tilespmem:s12], [sflag:$0x3] =	stream.indirect.gather @!p5 [hbm4b:s4+s13], $0x40, s11, s13, $0xb8;
	[tilespmem:$0x1DD00] =	vst v63  }
0xb5: {  	p4 =	sge.u32 s25, s8;
	s10 =	sadd.s32 @!p6 $0x5000, s10;
	_ =	swait.ge @!p6 [sflag:s3], $0x2000  }
0xb6: {  	s11 =	simm.s32 @!p6 $0x80;
	s12 =	simm.s32 @!p6 $0xFD00;
	[sflag:s3] =	ssyncset.done @!p6 $0x0  }
0xb7: {  	s13 =	sshra.s32 @!p4 s28, $0x2;
	[sflag:s3] =	ssyncadd.s32 @!p6 $0xFFFFE000;
	s3 =	simm.s32 @!p4 $0x9  }
0xb8: {  	[spmem:s1] =	stream.indirect.scatter.add.f32 @!p6 [tilespmem:s12], [sflag:$0x9], $0x40, s10, s11, $0xb8;
	[tilespmem:$0x1DD00] =	vst v63  }
0xb9: {  	s11 =	sadd.s32 @!p4 $0x400, s13;
	s12 =	simm.s32 @!p4 $0xFD00;
	_ =	swait.ge @!p4 [sflag:s3], $0x2000  }
.Ltmp4:
0xba: {  	s13 =	simm.s32 @!p4 $0x80;
	[sflag:s3] =	ssyncset.done @!p4 $0x0;
	(pc) =	sbr.rel @!p3 .LBB2_5-.Ltmp4, $4  }
0xbb: {  	s10 =	sadd.s32 @!p2 $0x5080, s26;
	[sflag:s3] =	ssyncadd.s32 @!p4 $0xFFFFE000;
	s3 =	simm.s32 @!p2 $0x5  }
0xbc: {  	[tilespmem:s12], [sflag:$0x4] =	stream.indirect.gather @!p4 [hbm4b:s4+s13], $0x40, s11, s13, $0xb8;
	[tilespmem:$0x1DD00] =	vst v63  }
0xbd: {  	_ =	swait.ge @!p2 [sflag:s3], $0x2000  }
0xbe: {  	s25 =	sadd.s32 $0x5, s25;
	[sflag:s3] =	ssyncset.done @!p2 $0x0  }
.Ltmp5:
0xbf: {  	(pc) =	sbr.rel .LBB2_10-.Ltmp5, $3  }
0xc0: {  	_ =	sdelay $0x1  }
0xc1: {  	[sflag:s3] =	ssyncadd.s32 @!p2 $0xFFFFE000;
	s3 =	rddreg [dreg:$0x5]  }
0xc2: {  	[spmem:s1] =	stream.indirect.scatter.add.f32 @!p2 [tilespmem:s23], [sflag:$0xA], $0x40, s10, s7, $0xb8;
	[tilespmem:$0x1DD00] =	vst v63  }
.LBB2_7:
0xc3: {  	[tilespmem:s20], [sflag:$0x1] =	stream.indirect.gather [hbm4b:s5+s22], $0x40, s3, s22, $0xb8;
	[tilespmem:$0x1DD00] =	vst v63  }
0xc4: {  	p2 =	sle.u32 s8, $0x4  }
0xc5: {  	s24 =	simm.s32 $0xBD00;
	p3 =	por @!p2 $0x1, $0x1  }
0xc6: {  	[tilespmem:s24], [sflag:$0x2] =	stream.indirect.gather [hbm4b:s5+s22], $0x40, s22, s22, $0xb8;
	[tilespmem:$0x1DD00] =	vst v63  }
0xc7: {  	s25 =	simm.s32 $0x100;
	s7 =	simm.s32 $0xDD00;
	p3 =	por p3, p2  }
0xc8: {  	[tilespmem:s7], [sflag:$0x3] =	stream.indirect.gather [hbm4b:s5+s22], $0x40, s25, s22, $0xb8;
	[tilespmem:$0x1DD00] =	vst v63  }
0xc9: {  	s26 =	simm.s32 $0x180;
	s28 =	simm.s32 $0xFD00;
	s3 =	simm.s32 @!p3 $0xA  }
0xca: {  	[tilespmem:s28], [sflag:$0x4] =	stream.indirect.gather [hbm4b:s5+s22], $0x40, s26, s22, $0xb8;
	[tilespmem:$0x1DD00] =	vst v63  }
0xcb: {  	_ =	swait.ge @!p3 [sflag:s3], $0x2000  }
0xcc: {  	s10 =	simm.s32 @!p2 $0x200;
	s23 =	simm.s32 @!p2 $0x11D00;
	[sflag:s3] =	ssyncset.done @!p3 $0x0  }
0xcd: {  	s7 =	simm.s32 @!p2 $0x80;
	[sflag:s3] =	ssyncadd.s32 @!p3 $0xFFFFE000;
	p3 =	sle.u32 s8, $0x0  }
0xce: {  	[tilespmem:s23], [sflag:$0x5] =	stream.indirect.gather @!p2 [hbm4b:s5+s7], $0x40, s10, s7, $0xb8;
	[tilespmem:$0x1DD00] =	vst v63  }
0xcf: {  	s3 =	simm.s32 @!p3 $0x1  }
0xd0: {  	p4 =	sle.u32 s8, $0x5;
	_ =	swait.ge @!p3 [sflag:s3], $0x2000  }
0xd1: {  	s10 =	simm.s32 @!p3 $0x9D00;
	s11 =	simm.s32 @!p3 $0x4E80;
	[sflag:s3] =	ssyncset.done @!p3 $0x0  }
0xd2: {  	s12 =	simm.s32 @!p3 $0x80;
	[sflag:s3] =	ssyncadd.s32 @!p3 $0xFFFFE000;
	s3 =	simm.s32 @!p4 $0x6  }
0xd3: {  	[spmem:s1] =	stream.indirect.scatter.add.f32 @!p3 [tilespmem:s10], [sflag:$0x6], $0x40, s11, s12, $0xb8;
	[tilespmem:$0x1DD00] =	vst v63  }
0xd4: {  	s10 =	simm.s32 @!p4 $0x280;
	_ =	swait.ge @!p4 [sflag:s3], $0x2000  }
0xd5: {  	s11 =	simm.s32 @!p4 $0x9D00;
	p3 =	sle.u32 s8, $0x1;
	[sflag:s3] =	ssyncset.done @!p4 $0x0  }
0xd6: {  	s12 =	simm.s32 @!p4 $0x80;
	[sflag:s3] =	ssyncadd.s32 @!p4 $0xFFFFE000;
	s3 =	simm.s32 @!p3 $0x2  }
0xd7: {  	[tilespmem:s11], [sflag:$0x1] =	stream.indirect.gather @!p4 [hbm4b:s5+s12], $0x40, s10, s12, $0xb8;
	[tilespmem:$0x1DD00] =	vst v63  }
0xd8: {  	s10 =	simm.s32 @!p3 $0x4F00;
	_ =	swait.ge @!p3 [sflag:s3], $0x2000  }
0xd9: {  	s11 =	simm.s32 @!p3 $0xBD00;
	p4 =	sle.u32 s8, $0x6;
	[sflag:s3] =	ssyncset.done @!p3 $0x0  }
0xda: {  	s12 =	simm.s32 @!p3 $0x80;
	[sflag:s3] =	ssyncadd.s32 @!p3 $0xFFFFE000;
	s3 =	simm.s32 @!p4 $0x7  }
0xdb: {  	[spmem:s1] =	stream.indirect.scatter.add.f32 @!p3 [tilespmem:s11], [sflag:$0x7], $0x40, s10, s12, $0xb8;
	[tilespmem:$0x1DD00] =	vst v63  }
0xdc: {  	s10 =	simm.s32 @!p4 $0x300;
	_ =	swait.ge @!p4 [sflag:s3], $0x2000  }
0xdd: {  	s11 =	simm.s32 @!p4 $0xBD00;
	p3 =	sle.u32 s8, $0x2;
	[sflag:s3] =	ssyncset.done @!p4 $0x0  }
0xde: {  	s12 =	simm.s32 @!p4 $0x80;
	[sflag:s3] =	ssyncadd.s32 @!p4 $0xFFFFE000;
	s3 =	simm.s32 @!p3 $0x3  }
0xdf: {  	[tilespmem:s11], [sflag:$0x2] =	stream.indirect.gather @!p4 [hbm4b:s5+s12], $0x40, s10, s12, $0xb8;
	[tilespmem:$0x1DD00] =	vst v63  }
0xe0: {  	s10 =	simm.s32 @!p3 $0x4F80;
	_ =	swait.ge @!p3 [sflag:s3], $0x2000  }
0xe1: {  	s11 =	simm.s32 @!p3 $0xDD00;
	p4 =	sle.u32 s8, $0x7;
	[sflag:s3] =	ssyncset.done @!p3 $0x0  }
0xe2: {  	s12 =	simm.s32 @!p3 $0x80;
	[sflag:s3] =	ssyncadd.s32 @!p3 $0xFFFFE000;
	s3 =	simm.s32 @!p4 $0x8  }
0xe3: {  	[spmem:s1] =	stream.indirect.scatter.add.f32 @!p3 [tilespmem:s11], [sflag:$0x8], $0x40, s10, s12, $0xb8;
	[tilespmem:$0x1DD00] =	vst v63  }
0xe4: {  	s10 =	simm.s32 @!p4 $0x380;
	_ =	swait.ge @!p4 [sflag:s3], $0x2000  }
0xe5: {  	s11 =	simm.s32 @!p4 $0xDD00;
	p3 =	sle.u32 s8, $0x3;
	[sflag:s3] =	ssyncset.done @!p4 $0x0  }
0xe6: {  	s12 =	simm.s32 @!p4 $0x80;
	[sflag:s3] =	ssyncadd.s32 @!p4 $0xFFFFE000;
	s3 =	simm.s32 @!p3 $0x4  }
0xe7: {  	[tilespmem:s11], [sflag:$0x3] =	stream.indirect.gather @!p4 [hbm4b:s5+s12], $0x40, s10, s12, $0xb8;
	[tilespmem:$0x1DD00] =	vst v63  }
0xe8: {  	s10 =	simm.s32 @!p3 $0x5000;
	_ =	swait.ge @!p3 [sflag:s3], $0x2000  }
0xe9: {  	p4 =	sle.u32 s8, $0x8;
	s11 =	simm.s32 @!p3 $0x80;
	[sflag:s3] =	ssyncset.done @!p3 $0x0  }
0xea: {  	s12 =	simm.s32 @!p3 $0xFD00;
	[sflag:s3] =	ssyncadd.s32 @!p3 $0xFFFFE000;
	s3 =	simm.s32 @!p4 $0x9  }
0xeb: {  	[spmem:s1] =	stream.indirect.scatter.add.f32 @!p3 [tilespmem:s12], [sflag:$0x9], $0x40, s10, s11, $0xb8;
	[tilespmem:$0x1DD00] =	vst v63  }
0xec: {  	_ =	swait.ge @!p4 [sflag:s3], $0x2000  }
0xed: {  	s10 =	simm.s32 @!p4 $0x400;
	s11 =	simm.s32 @!p4 $0xFD00;
	[sflag:s3] =	ssyncset.done @!p4 $0x0  }
0xee: {  	s12 =	simm.s32 @!p4 $0x80;
	[sflag:s3] =	ssyncadd.s32 @!p4 $0xFFFFE000;
	s3 =	simm.s32 @!p2 $0x5  }
0xef: {  	[tilespmem:s11], [sflag:$0x4] =	stream.indirect.gather @!p4 [hbm4b:s5+s12], $0x40, s10, s12, $0xb8;
	[tilespmem:$0x1DD00] =	vst v63  }
0xf0: {  	s24 =	simm.s32 $0xA00;
	_ =	swait.ge @!p2 [sflag:s3], $0x2000  }
0xf1: {  	s25 =	simm.s32 $0xD;
	s10 =	simm.s32 @!p2 $0x5080;
	[sflag:s3] =	ssyncset.done @!p2 $0x0  }
.LBB2_8:
0xf2: {  	s11 =	sadd.s32 $0xFFFFFFFC, s25  }
0xf3: {  	[sflag:s3] =	ssyncadd.s32 @!p2 $0xFFFFE000;
	s28 =	smov.u32 s24;
	s24 =	sadd.s32 $0xA00, s24  }
0xf4: {  	[spmem:s1] =	stream.indirect.scatter.add.f32 @!p2 [tilespmem:s23], [sflag:$0xA], $0x40, s10, s7, $0xb8;
	[tilespmem:$0x1DD00] =	vst v63  }
0xf5: {  	p2 =	sge.u32 s11, s8;
	p3 =	sne.s32 s24, $0x14000  }
0xf6: {  	p4 =	seq.s32 @!p2 s28, $0x0;
	s26 =	sshra.s32 @!p2 s28, $0x2  }
0xf7: {  	s3 =	sadd.s32 $0xFFFFFFFB, s25;
	p4 =	por p4, p2;
	s12 =	sadd.s32 @!p2 $0x200, s26  }
0xf8: {  	s11 =	sadd.s32 $0xFFFFFFFA, s25;
	s10 =	sadd.s32 $0xFFFFFFFF, s25;
	s7 =	simm.s32 @!p4 $0xA  }
0xf9: {  	s13 =	sadd.s32 $0xFFFFFFF9, s25;
	s14 =	sadd.s32 $0xFFFFFFFE, s25;
	_ =	swait.ge @!p4 [sflag:s7], $0x2000  }
0xfa: {  	s15 =	sadd.s32 $0xFFFFFFF8, s25;
	s23 =	simm.s32 @!p2 $0x11D00;
	[sflag:s7] =	ssyncset.done @!p4 $0x0  }
0xfb: {  	[sflag:s7] =	ssyncadd.s32 @!p4 $0xFFFFE000;
	s7 =	simm.s32 @!p2 $0x80;
	p4 =	sge.u32 s15, s8  }
0xfc: {  	[tilespmem:s23], [sflag:$0x5] =	stream.indirect.gather @!p2 [hbm4b:s5+s7], $0x40, s12, s7, $0xb8;
	[tilespmem:$0x1DD00] =	vst v63  }
0xfd: {  	s12 =	simm.s32 @!p4 $0x1;
	s15 =	sshra.s32 @!p4 s28, $0x2;
	s16 =	simm.s32 @!p4 $0x9D00  }
0xfe: {  	s17 =	sadd.s32 $0xFFFFFFFD, s25;
	s15 =	sadd.s32 @!p4 $0x4E80, s15;
	_ =	swait.ge @!p4 [sflag:s12], $0x2000  }
0xff: {  	p5 =	sge.u32 s17, s8;
	s18 =	simm.s32 @!p4 $0x80;
	[sflag:s12] =	ssyncset.done @!p4 $0x0  }
0x100: {  	s17 =	sshra.s32 @!p5 s28, $0x2;
	[sflag:s12] =	ssyncadd.s32 @!p4 $0xFFFFE000;
	s12 =	simm.s32 @!p5 $0x6  }
0x101: {  	[spmem:s1] =	stream.indirect.scatter.add.f32 @!p4 [tilespmem:s16], [sflag:$0x6], $0x40, s15, s18, $0xb8;
	[tilespmem:$0x1DD00] =	vst v63  }
0x102: {  	s15 =	sadd.s32 @!p5 $0x280, s17;
	s16 =	simm.s32 @!p5 $0x9D00;
	_ =	swait.ge @!p5 [sflag:s12], $0x2000  }
0x103: {  	s17 =	simm.s32 @!p5 $0x80;
	p4 =	sge.u32 s13, s8;
	[sflag:s12] =	ssyncset.done @!p5 $0x0  }
0x104: {  	s13 =	sshra.s32 @!p4 s28, $0x2;
	[sflag:s12] =	ssyncadd.s32 @!p5 $0xFFFFE000;
	s12 =	simm.s32 @!p4 $0x2  }
0x105: {  	[tilespmem:s16], [sflag:$0x1] =	stream.indirect.gather @!p5 [hbm4b:s5+s17], $0x40, s15, s17, $0xb8;
	[tilespmem:$0x1DD00] =	vst v63  }
0x106: {  	s13 =	sadd.s32 @!p4 $0x4F00, s13;
	s15 =	simm.s32 @!p4 $0xBD00;
	_ =	swait.ge @!p4 [sflag:s12], $0x2000  }
0x107: {  	s16 =	simm.s32 @!p4 $0x80;
	p5 =	sge.u32 s14, s8;
	[sflag:s12] =	ssyncset.done @!p4 $0x0  }
0x108: {  	s14 =	sshra.s32 @!p5 s28, $0x2;
	[sflag:s12] =	ssyncadd.s32 @!p4 $0xFFFFE000;
	s12 =	simm.s32 @!p5 $0x7  }
0x109: {  	[spmem:s1] =	stream.indirect.scatter.add.f32 @!p4 [tilespmem:s15], [sflag:$0x7], $0x40, s13, s16, $0xb8;
	[tilespmem:$0x1DD00] =	vst v63  }
0x10a: {  	s13 =	sadd.s32 @!p5 $0x300, s14;
	s14 =	simm.s32 @!p5 $0xBD00;
	_ =	swait.ge @!p5 [sflag:s12], $0x2000  }
0x10b: {  	s15 =	simm.s32 @!p5 $0x80;
	p4 =	sge.u32 s11, s8;
	[sflag:s12] =	ssyncset.done @!p5 $0x0  }
0x10c: {  	s11 =	simm.s32 @!p4 $0x3;
	[sflag:s12] =	ssyncadd.s32 @!p5 $0xFFFFE000;
	s12 =	sshra.s32 @!p4 s28, $0x2  }
0x10d: {  	[tilespmem:s14], [sflag:$0x2] =	stream.indirect.gather @!p5 [hbm4b:s5+s15], $0x40, s13, s15, $0xb8;
	[tilespmem:$0x1DD00] =	vst v63  }
0x10e: {  	s12 =	sadd.s32 @!p4 $0x4F80, s12;
	s13 =	simm.s32 @!p4 $0xDD00;
	_ =	swait.ge @!p4 [sflag:s11], $0x2000  }
0x10f: {  	s14 =	simm.s32 @!p4 $0x80;
	p5 =	sge.u32 s10, s8;
	[sflag:s11] =	ssyncset.done @!p4 $0x0  }
0x110: {  	s10 =	simm.s32 @!p5 $0x8;
	[sflag:s11] =	ssyncadd.s32 @!p4 $0xFFFFE000;
	s11 =	sshra.s32 @!p5 s28, $0x2  }
0x111: {  	[spmem:s1] =	stream.indirect.scatter.add.f32 @!p4 [tilespmem:s13], [sflag:$0x8], $0x40, s12, s14, $0xb8;
	[tilespmem:$0x1DD00] =	vst v63  }
0x112: {  	s11 =	sadd.s32 @!p5 $0x380, s11;
	s12 =	simm.s32 @!p5 $0xDD00;
	_ =	swait.ge @!p5 [sflag:s10], $0x2000  }
0x113: {  	p6 =	sge.u32 s3, s8;
	s13 =	simm.s32 @!p5 $0x80;
	[sflag:s10] =	ssyncset.done @!p5 $0x0  }
0x114: {  	s3 =	simm.s32 @!p6 $0x4;
	[sflag:s10] =	ssyncadd.s32 @!p5 $0xFFFFE000;
	s10 =	sshra.s32 @!p6 s28, $0x2  }
0x115: {  	[tilespmem:s12], [sflag:$0x3] =	stream.indirect.gather @!p5 [hbm4b:s5+s13], $0x40, s11, s13, $0xb8;
	[tilespmem:$0x1DD00] =	vst v63  }
0x116: {  	p4 =	sge.u32 s25, s8;
	s10 =	sadd.s32 @!p6 $0x5000, s10;
	_ =	swait.ge @!p6 [sflag:s3], $0x2000  }
0x117: {  	s11 =	simm.s32 @!p6 $0x80;
	s12 =	simm.s32 @!p6 $0xFD00;
	[sflag:s3] =	ssyncset.done @!p6 $0x0  }
0x118: {  	s13 =	sshra.s32 @!p4 s28, $0x2;
	[sflag:s3] =	ssyncadd.s32 @!p6 $0xFFFFE000;
	s3 =	simm.s32 @!p4 $0x9  }
0x119: {  	[spmem:s1] =	stream.indirect.scatter.add.f32 @!p6 [tilespmem:s12], [sflag:$0x9], $0x40, s10, s11, $0xb8;
	[tilespmem:$0x1DD00] =	vst v63  }
0x11a: {  	s11 =	sadd.s32 @!p4 $0x400, s13;
	s12 =	simm.s32 @!p4 $0xFD00;
	_ =	swait.ge @!p4 [sflag:s3], $0x2000  }
.Ltmp6:
0x11b: {  	s13 =	simm.s32 @!p4 $0x80;
	[sflag:s3] =	ssyncset.done @!p4 $0x0;
	(pc) =	sbr.rel @p3 .LBB2_8-.Ltmp6, $4  }
0x11c: {  	s10 =	sadd.s32 @!p2 $0x5080, s26;
	[sflag:s3] =	ssyncadd.s32 @!p4 $0xFFFFE000;
	s3 =	simm.s32 @!p2 $0x5  }
0x11d: {  	[tilespmem:s12], [sflag:$0x4] =	stream.indirect.gather @!p4 [hbm4b:s5+s13], $0x40, s11, s13, $0xb8;
	[tilespmem:$0x1DD00] =	vst v63  }
0x11e: {  	_ =	swait.ge @!p2 [sflag:s3], $0x2000  }
0x11f: {  	s25 =	sadd.s32 $0x5, s25;
	[sflag:s3] =	ssyncset.done @!p2 $0x0  }
.Ltmp7:
0x120: {  	_ = 	snop;
	(pc) =	sbr.rel .LBB2_9-.Ltmp7, $1  }
0x121: {  	_ =	sdelay $0x3  }
.LBB2_11:
0x122: {  	_ =	sfence.sel $0x180000  }
0x123: {  	[bflag:$0x0] =	sbarrier.arrive $0xFFFF  }
0x124: {  	_ =	strace $0x9000004D  }
0x125: {  	s0 =	stileid.u32;
	[bflag:$0x2] =	sbarrier.arrive $0xFFFF  }
0x126: {  	p0 =	sne.s32 s0, $0x0;
	s0 =	rddreg [dreg:$0x4]  }
0x127: {  	s0 =	sadd.s32 @!p0 $0x100000, s0  }
0x128: {  	[sflag:s0] =	ssyncadd.tile.s32 @!p0 $0x1;
	_ =	shalt  }
.Lfunc_end2:
_tile_overlayer_lowered:
.L_overlay_start_2:
0x129: {  	(tag) =	ssettag $0x2  }
0x12a: {  	s0 =	rddreg [dreg:$0x0];
	s2 =	stileid.u32  }
0x12b: {  	s1 =	rddreg [dreg:$0x1];
	p0 =	sne.s32 s2, $0x0  }
0x12c: {  	s3 =	rddreg [dreg:$0x2];
	[bflag:$0x3] =	sbarrier.arrive $0xFFFF;
	s2 =	simm.s32 @!p0 $0x1C0B  }
0x12d: {  	[timem:s3], [sflag:s2] =	dma.local @!p0 [hbm:s0], s1  }
0x12e: {  	s0 =	simm.s32 @!p0 $0xB  }
0x12f: {  	_ =	swait.ge @!p0 [sflag:s0], s1  }
0x130: {  	s1 =	ssub.s32 @!p0 $0x0, s1;
	[sflag:s0] =	ssyncset.done @!p0 $0x0  }
0x131: {  	[sflag:s0] =	ssyncadd.s32 @!p0 s1  }
0x132: {  	[bflag:$0x3] =	sbarrier.arrive $0xFFFF  }
0x133: {  	_ =	shalt  }

// kernel: kernel.8.cloned.1.call-start
scs
__scs_entry_jumppad:
0x0: {  	(pc) =	sbr.rel $0x88, $3  }
0x1: {  	(tag) =	ssettag $0x0;
	lr =	simm.s32 $0x1  }
0x2: {  	[smem:$0x3F95] =	sst lr;
	_ =	strace $0xD0000000  }
0x3: {  	_ = 	snop  }
0x4: {  	_ = 	snop  }
0x5: {  	_ = 	snop  }
0x6: {  	_ = 	snop  }
0x7: {  	_ = 	snop  }
__scs_overlays_trampoline_lowered:
0x8: {  	[smem:$0x3FA4] =	sst s0  }
0x9: {  	[smem:$0x3FA5] =	sst s1  }
0xa: {  	[smem:$0x3FA6] =	sst s2  }
0xb: {  	[smem:$0x3FA7] =	sst s3  }
0xc: {  	[smem:$0x3FA8] =	sst s4  }
0xd: {  	[smem:$0x3FA9] =	sst s5  }
0xe: {  	[smem:$0x3FAA] =	sst s6  }
0xf: {  	[smem:$0x3FAB] =	sst s7  }
0x10: {  	[smem:$0x3FAC] =	sst s8  }
0x11: {  	[smem:$0x3FAD] =	sst s9;
	s0 =	simm.s32 @!p0 $0x0  }
0x12: {  	s1 =	sld [smem:$0x3F93];
	s0 =	simm.s32 @p0 $0x1  }
0x13: {  	[smem:$0x3FAE] =	sst s0;
	s0 =	simm.s32 @!p1 $0x0  }
0x14: {  	s2 =	sld [smem:$0x3F92];
	s0 =	simm.s32 @p1 $0x1  }
0x15: {  	[smem:$0x3FAF] =	sst s0;
	s0 =	simm.s32 @!p2 $0x0  }
0x16: {  	s3 =	sld [smem:$0x3FDB];
	s0 =	simm.s32 @p2 $0x1  }
0x17: {  	s4 =	simm.s32 $0x1BF5;
	[smem:$0x3FB1] =	sst s0  }
0x18: {  	s0 =	sld [smem:$0x3F94];
	_ =	swait.ge [sflag:s4], $0x0  }
0x19: {  	s7 =	sld [smem:$0x3F95]  }
0x1a: {  	s8 =	sadd.s32 $0xFFFFE003, lr  }
0x1b: {  	s9 =	sadd.s32 $0xFFFFFEF7, lr;
	s5 =	simm.s32 $0xFFFFFFFF;
	p2 =	slt.u32 s8, $0xFFFFF086  }
0x1c: {  	p1 =	slt.u32 s9, $0xF7A;
	s5 =	simm.s32 @!p2 $0x0  }
0x1d: {  	s5 =	simm.s32 @p1 $0x1;
	p0 =	seq.s32 s7, s2  }
0x1e: {  	s7 =	smul.u32 @!p0 $0xF7A, s2;
	p2 =	seq.s32 @!p0 s5, $0x0  }
0x1f: {  	s9 =	smul.u32 $0xF7A, s1;
	s8 =	simm.s32 @!p0 $0x1BF5;
	p2 =	por !p2, p0  }
0x20: {  	[sflag:s8] =	ssyncset.s32 @!p0 $0xFFFFF086;
	s6 =	sadd.s32 @!p0 s3, s7;
	s7 =	simm.s32 @!p0 $0x108  }
0x21: {  	s3 =	sadd.s32 s3, s9;
	s6 =	sadd.s32 @!p0 $0x88, s6;
	s7 =	simm.s32 @p2 $0x1082  }
0x22: {  	[simem:s7], [sflag:s8] =	dma.local @!p0 [hbm:s6], $0xF7A  }
0x23: {  	s9 =	sor.u32 $0xD0000000, s2;
	s6 =	simm.s32 $0x108;
	_ =	swait.ge @!p0 [sflag:s8], $0x0  }
0x24: {  	s3 =	sadd.s32 $0x88, s3;
	s6 =	simm.s32 @!p1 $0x1082;
	[sflag:s4] =	ssyncset.s32 $0xFFFFF086  }
0x25: {  	[simem:s6], [sflag:s4] =	dma.local [hbm:s3], $0xF7A  }
0x26: {  	[smem:$0x3F95] =	sst s1;
	(tag) =	ssettag s2;
	_ =	strace s9  }
0x27: {  	s1 =	sld [smem:$0x3FA5]  }
0x28: {  	s2 =	sld [smem:$0x3FA6]  }
0x29: {  	s4 =	sld [smem:$0x3FA8]  }
0x2a: {  	p0 =	seq.s32 s5, $0x0;
	s5 =	sld [smem:$0x3FA9]  }
0x2b: {  	s6 =	sld [smem:$0x3FAA]  }
0x2c: {  	s7 =	sld [smem:$0x3FAB]  }
0x2d: {  	s3 =	simm.s32 $0x108;
	s8 =	sld [smem:$0x3FAC]  }
0x2e: {  	s3 =	simm.s32 @!p0 $0x1082;
	s9 =	sld [smem:$0x3FAD]  }
0x2f: {  	lr =	sadd.s32 s0, s3;
	s0 =	sld [smem:$0x3FA4]  }
0x30: {  	s3 =	sld [smem:$0x3FA7]  }
0x31: {  	[smem:$0x3FB0] =	sst s10  }
0x32: {  	s10 =	sld [smem:$0x3FAE];
	_ =	sdelay $0x3  }
0x33: {  	p0 =	seq.s32 s10, $0x1;
	s10 =	sld [smem:$0x3FB0];
	_ =	sdelay $0x3  }
0x34: {  	[smem:$0x3FB0] =	sst s10  }
0x35: {  	s10 =	sld [smem:$0x3FAF];
	_ =	sdelay $0x3  }
0x36: {  	p1 =	seq.s32 s10, $0x1;
	s10 =	sld [smem:$0x3FB0];
	_ =	sdelay $0x3  }
0x37: {  	[smem:$0x3FB0] =	sst s10  }
0x38: {  	s10 =	sld [smem:$0x3FB1]  }
0x39: {  	_ = 	snop;
	(pc) =	sbr.ind lr, $3  }
0x3a: {  	_ = 	snop  }
0x3b: {  	_ = 	snop  }
0x3c: {  	p2 =	seq.s32 s10, $0x1;
	s10 =	sld [smem:$0x3FB0]  }
0x3d: {  	_ =	shalt  }
0x3e: {  	_ =	shalt  }
0x3f: {  	_ =	shalt  }
0x40: {  	_ =	shalt  }
0x41: {  	_ =	shalt  }
0x42: {  	_ =	shalt  }
0x43: {  	_ =	shalt  }
0x44: {  	_ =	shalt  }
0x45: {  	_ =	shalt  }
0x46: {  	_ =	shalt  }
0x47: {  	_ =	shalt  }
0x48: {  	_ =	shalt  }
0x49: {  	_ =	shalt  }
0x4a: {  	_ =	shalt  }
0x4b: {  	_ =	shalt  }
0x4c: {  	_ =	shalt  }
0x4d: {  	_ =	shalt  }
0x4e: {  	_ =	shalt  }
0x4f: {  	_ =	shalt  }
0x50: {  	_ =	shalt  }
0x51: {  	_ =	shalt  }
0x52: {  	_ =	shalt  }
0x53: {  	_ =	shalt  }
0x54: {  	_ =	shalt  }
0x55: {  	_ =	shalt  }
0x56: {  	_ =	shalt  }
0x57: {  	_ =	shalt  }
0x58: {  	_ =	shalt  }
0x59: {  	_ =	shalt  }
0x5a: {  	_ =	shalt  }
0x5b: {  	_ =	shalt  }
0x5c: {  	_ =	shalt  }
0x5d: {  	_ =	shalt  }
0x5e: {  	_ =	shalt  }
0x5f: {  	_ =	shalt  }
0x60: {  	_ =	shalt  }
0x61: {  	_ =	shalt  }
0x62: {  	_ =	shalt  }
0x63: {  	_ =	shalt  }
0x64: {  	_ =	shalt  }
0x65: {  	_ =	shalt  }
0x66: {  	_ =	shalt  }
0x67: {  	_ =	shalt  }
0x68: {  	_ =	shalt  }
0x69: {  	_ =	shalt  }
0x6a: {  	_ =	shalt  }
0x6b: {  	_ =	shalt  }
0x6c: {  	_ =	shalt  }
0x6d: {  	_ =	shalt  }
0x6e: {  	_ =	shalt  }
0x6f: {  	_ =	shalt  }
0x70: {  	_ =	shalt  }
0x71: {  	_ =	shalt  }
0x72: {  	_ =	shalt  }
0x73: {  	_ =	shalt  }
0x74: {  	_ =	shalt  }
0x75: {  	_ =	shalt  }
0x76: {  	_ =	shalt  }
0x77: {  	_ =	shalt  }
0x78: {  	_ =	shalt  }
0x79: {  	_ =	shalt  }
0x7a: {  	_ =	shalt  }
0x7b: {  	_ =	shalt  }
0x7c: {  	_ =	shalt  }
0x7d: {  	_ =	shalt  }
0x7e: {  	_ =	shalt  }
0x7f: {  	_ =	shalt  }
0x80: {  	_ =	shalt  }
0x81: {  	_ =	shalt  }
0x82: {  	_ =	shalt  }
0x83: {  	_ =	shalt  }
0x84: {  	_ =	shalt  }
0x85: {  	_ =	shalt  }
0x86: {  	_ =	shalt  }
0x87: {  	_ =	shalt  }
.Lfunc_end0:
.L_simem_size_0:
called_computation_lowered:
.L_overlay_start_0:
0x88: {  	s2 =	sld [smem:$0x3FD9]  }
0x89: {  	s3 =	sld [smem:$0x3FFE];
	_ =	sdelay $0x1  }
0x8a: {  	s1 =	srdreg.scid  }
0x8b: {  	s0 =	sand.u32 $0x1, s1  }
0x8c: {  	s16 =	sshll.u32 s0, $0xA;
	s2 =	sadd.s32 s3, s2  }
0x8d: {  	s2 =	sadd.s32 s2, s16  }
0x8e: {  	[smem:$0x3FBC] =	sst s2  }
0x8f: {  	_ = 	snop  }
0x90: {  	(tm) =	ssettm $0x1  }
0x91: {  	s17 =	sld [smem:$0x3FFB];
	_ =	sdelay $0x3  }
0x92: {  	_ =	strace s17  }
0x93: {  	s2 =	sld [smem:$0x3FFC];
	_ =	sdelay $0x3  }
0x94: {  	_ =	strace s2  }
0x95: {  	s2 =	sld [smem:$0x3FFD];
	_ =	sdelay $0x3  }
0x96: {  	_ =	strace s2  }
0x97: {  	_ =	strace $0x8FFFFFFF  }
0x98: {  	s18 =	sld [smem:$0x3FDB];
	_ =	sdelay $0x1  }
0x99: {  	s19 =	simm.s32 $_scs_section_size  }
0x9a: {  	s4 =	simm.s32 $_size__tile_overlayer_lowered;
	s5 =	simm.s32 $_tile_overlayer_lowered  }
0x9b: {  	s22 =	simm.s32 $0x1BFF;
	s21 =	sshll.u32 s5, $0x1;
	s2 =	sadd.s32 s19, s18  }
0x9c: {  	s6 =	simm.s32 $0x0;
	s20 =	sshll.u32 s4, $0x1;
	s4 =	sadd.s32 s21, s2  }
0x9d: {  	[timem:s6], [sflag:s22] =	dma.local [hbm:s4], s20  }
0x9e: {  	_ =	swait.ge [sflag:s22], s20  }
0x9f: {  	s3 =	ssub.s32 $0x0, s20;
	[sflag:s22] =	ssyncset.done $0x0  }
0xa0: {  	[sflag:s22] =	ssyncadd.s32 s3;
	_ =	sdelay $0x1  }
0xa1: {  	s23 =	simm.s32 $0x1B8B  }
0xa2: {  	_ =	swait.ge [sflag:s23], $0x1  }
0xa3: {  	[sflag:s23] =	ssyncset.done $0x0  }
0xa4: {  	s25 =	simm.s32 $0x1B8E;
	s24 =	sld [smem:$0x3FFE];
	[sflag:s23] =	ssyncadd.s32 $0xFFFFFFFF  }
0xa5: {  	s26 =	simm.s32 $execute0_lowered;
	[smem:$0x3FD2] =	sst s25  }
0xa6: {  	s4 =	sshll.u32 s26, $0x1;
	_ =	strace $0x80000046;
	[dreg:$0x1] =	wrdreg $0xFFFFFFFF  }
0xa7: {  	s28 =	simm.s32 $_size_execute0_lowered;
	s2 =	sadd.s32 s2, s4;
	[dreg:$0x0] =	wrdreg $0x0  }
0xa8: {  	s4 =	sshll.u32 s28, $0x1;
	[dreg:$0x2] =	wrdreg s2  }
0xa9: {  	[dreg:$0x3] =	wrdreg s4  }
0xaa: {  	[dreg:$0x4] =	wrdreg $0xC0  }
0xab: {  	_ =	task [dreg:s6], $0x5FFFF  }
0xac: {  	[dreg:$0x1] =	wrdreg $0xFFFFFFFF  }
0xad: {  	[dreg:$0x0] =	wrdreg $0x60  }
0xae: {  	[dreg:$0x2] =	wrdreg s24  }
0xaf: {  	[dreg:$0x3] =	wrdreg $0x2F800  }
0xb0: {  	[dreg:$0x4] =	wrdreg $0x9  }
0xb1: {  	_ =	task.clear_ibuf [dreg:s6], $0x5FFFF;
	_ =	strace $0x90000046  }
0xb2: {  	s29 =	simm.s32 $0x9;
	_ =	strace $0x80000048  }
0xb3: {  	_ =	swait.ge [sflag:s29], $0x1  }
0xb4: {  	[sflag:s29] =	ssyncadd.s32 $0xFFFFFFFF  }
0xb5: {  	_ =	strace $0x90000048  }
0xb6: {  	_ =	sfence  }
0xb7: {  	s30 =	sld [smem:$0x0];
	_ =	sdelay $0x2  }
0xb8: {  	s31 =	sshll.u32 s1, $0xD;
	s1 =	sshrl.u32 s1, $0x2  }
0xb9: {  	s3 =	sand.u32 $0x4000, s31;
	s1 =	sadd.s32 s1, s30  }
0xba: {  	s0 =	sor.u32 s3, s0;
	s1 =	sshll.u32 s1, $0x11  }
0xbb: {  	s0 =	sor.u32 s1, s0  }
0xbc: {  	s0 =	sadd.s32 $0x8F2B, s0  }
0xbd: {  	[sflag:s0] =	ssyncadd.remote.s32 $0x1  }
0xbe: {  	_ =	sfence.sel $0xFFFF  }
0xbf: {  	[dreg:$0x0] =	wrdreg $0xFFFFFFFF;
	(pc) =	sbr.abs _section_cstart, $3  }
0xc0: {  	[dreg:$0x1] =	wrdreg $0xFFFFFFFF  }
0xc1: {  	_ =	task.clear_ibuf [dreg:s6], $0x2FFFF;
	_ =	strace $0x9FFFFFFF  }
0xc2: {  	(tm) =	ssettm $0x7FFFFFFF  }
0xc3: {  	_ =	shalt  }
tec
execute0_lowered:
.L_overlay_start_1:
0x0: {  	(tag) =	ssettag $0x1  }
0x1: {  	s10 =	rddreg [dreg:$0x0]  }
0x2: {  	s1 =	rddreg [dreg:$0x1]  }
0x3: {  	s2 =	srdreg.scid;
	s0 =	rddreg [dreg:$0x2]  }
0x4: {  	s3 =	simm.s32 $0x0;
	s9 =	sand.u32 $0x1, s2;
	s2 =	stileid.u32  }
0x5: {  	s14 =	simm.s32 $0x18400;
	[smem:$0x7FF] =	sst s3;
	s28 =	smul.u32 $0xA000, s2  }
0x6: {  	s4 =	sshll.u32 s9, $0x4;
	_ =	strace $0x80000047;
	s11 =	smul.u32 $0x2800, s2  }
0x7: {  	s6 =	ssub.s32 $0x2, s9;
	p0 =	seq.s32 s9, $0x1;
	s15 =	smul.u32 $0x4F0, s9  }
0x8: {  	s17 =	smul.u32 $0x4F, s2;
	s16 =	sor.u32 s2, s4;
	s29 =	sshrl.u32 s6, $0x1  }
0x9: {  	s14 =	simm.s32 @!p0 $0x1D400;
	s5 =	smul.u32 $0x4F0, s16;
	s4 =	sshrl.u32 s28, $0x2  }
0xa: {  	s13 =	ssub.s32 s6, s29;
	s30 =	sadd.s32 s14, s10;
	s31 =	sshrl.u32 s11, $0x3  }
0xb: {  	s14 =	simm.s32 $0x2780;
	p0 =	seq.s32 s16, $0x1F;
	s8 =	sadd.s32 s4, s1  }
0xc: {  	s4 =	sadd.s32 s11, s1;
	s11 =	smax.u32 s13, $0x1;
	s13 =	sadd.s32 s17, s15  }
0xd: {  	s15 =	simm.s32 $0x2;
	s12 =	sadd.s32 s5, s10;
	s5 =	sadd.s32 $0x800, s8  }
0xe: {  	s6 =	sadd.s32 $0x1000, s8;
	s7 =	sadd.s32 $0x1800, s8;
	s8 =	sadd.s32 $0x2000, s8  }
0xf: {  	v0 =	vimm.f32 $0.0e+00;
	v1 =	vimm.f32 $1.000000000e+00;
	s10 =	sadd.s32 $0x17F50, s10;
	s9 =	sadd.s32 $0xE640, s12;
	s12 =	sadd.s32 s30, s31  }
.LBB2_1:
0x10: {  	s16 =	simm.s32 $0x40;
	s17 =	simm.s32 $0x0  }
.LBB2_2:
0x11: {  	p1 =	sne.s32 s16, $0x1FC0;
	[tilespmem:s17+$0x2780] =	vst v0;
	s17 =	smov.u32 s16;
	s16 =	sadd.s32 $0x40, s16  }
.Ltmp0:
0x12: {  	(pc) =	sbr.rel @p1 .LBB2_2-.Ltmp0, $2  }
0x13: {  	_ =	sdelay $0x2  }
0x14: {  	s17 =	sshra.s32 s17, $0x2  }
0x15: {  	[tilespmem:s17+$0x2780] =	vst v0  }
0x16: {  	[spmem:s4] =	stream.linear.scatter [tilespmem:s14], [sflag:$0x2], $0x800, $0x38;
	[tilespmem:$0x5780] =	vst v63  }
0x17: {  	_ =	swait.ge [sflag:s15], $0x800  }
0x18: {  	[sflag:s15] =	ssyncset.done $0x0  }
0x19: {  	[sflag:s15] =	ssyncadd.s32 $0xFFFFF800  }
0x1a: {  	[spmem:s5] =	stream.linear.scatter [tilespmem:s14], [sflag:$0x2], $0x800, $0x38;
	[tilespmem:$0x5780] =	vst v63  }
0x1b: {  	_ =	swait.ge [sflag:s15], $0x800  }
0x1c: {  	[sflag:s15] =	ssyncset.done $0x0  }
0x1d: {  	[sflag:s15] =	ssyncadd.s32 $0xFFFFF800  }
0x1e: {  	[spmem:s6] =	stream.linear.scatter [tilespmem:s14], [sflag:$0x2], $0x800, $0x38;
	[tilespmem:$0x5780] =	vst v63  }
0x1f: {  	_ =	swait.ge [sflag:s15], $0x800  }
0x20: {  	[sflag:s15] =	ssyncset.done $0x0  }
0x21: {  	[sflag:s15] =	ssyncadd.s32 $0xFFFFF800  }
0x22: {  	[spmem:s7] =	stream.linear.scatter [tilespmem:s14], [sflag:$0x2], $0x800, $0x38;
	[tilespmem:$0x5780] =	vst v63  }
0x23: {  	_ =	swait.ge [sflag:s15], $0x800  }
0x24: {  	[sflag:s15] =	ssyncset.done $0x0  }
0x25: {  	[sflag:s15] =	ssyncadd.s32 $0xFFFFF800  }
0x26: {  	[spmem:s8] =	stream.linear.scatter [tilespmem:s14], [sflag:$0x2], $0x800, $0x38;
	[tilespmem:$0x5780] =	vst v63  }
0x27: {  	_ =	swait.ge [sflag:s15], $0x800  }
0x28: {  	[sflag:s15] =	ssyncset.done $0x0  }
0x29: {  	s16 =	simm.s32 $0x40;
	s17 =	simm.s32 $0x0;
	[sflag:s15] =	ssyncadd.s32 $0xFFFFF800  }
.LBB2_4:
0x2a: {  	p1 =	sne.s32 s16, $0x1FC0;
	[tilespmem:s17+$0x2780] =	vst v1;
	s17 =	smov.u32 s16;
	s16 =	sadd.s32 $0x40, s16  }
.Ltmp1:
0x2b: {  	(pc) =	sbr.rel @p1 .LBB2_4-.Ltmp1, $2  }
0x2c: {  	_ =	sdelay $0x2  }
0x2d: {  	s17 =	sshra.s32 s17, $0x2  }
0x2e: {  	[tilespmem:s17+$0x2780] =	vst v1;
	s16 =	simm.s32 @p0 $0x0  }
0x2f: {  	[tilespmem:s16], [sflag:$0x2] =	stream.linear.gather @p0 [hbm4b:s10+s16], $0x1980, $0x38;
	[tilespmem:$0x5780] =	vst v63  }
0x30: {  	s16 =	simm.s32 @p0 $0x2  }
0x31: {  	_ =	swait.ge @p0 [sflag:s16], $0x1980  }
0x32: {  	[sflag:s16] =	ssyncset.done @p0 $0x0  }
0x33: {  	[sflag:s16] =	ssyncadd.s32 @p0 $0xFFFFE680;
	s16 =	simm.s32 @!p0 $0x0  }
0x34: {  	[tilespmem:s16], [sflag:$0x2] =	stream.linear.gather @!p0 [hbm4b:s9+s16], $0x2780, $0x38;
	[tilespmem:$0x5780] =	vst v63  }
0x35: {  	s16 =	simm.s32 @!p0 $0x2  }
0x36: {  	s18 =	sadd.s32 $0x0, s13;
	_ =	swait.ge @!p0 [sflag:s16], $0x2780  }
0x37: {  	s17 =	simm.s32 $0x0;
	p1 =	sgt.u32 s18, $0x9C3;
	[sflag:s16] =	ssyncset.done @!p0 $0x0  }
0x38: {  	s18 =	simm.s32 $0x80;
	s19 =	simm.s32 @!p1 $0x80;
	[sflag:s16] =	ssyncadd.s32 @!p0 $0xFFFFD880  }
0x39: {  	s20 =	simm.s32 @!p1 $0x2780;
	s16 =	simm.s32 $0x1;
	[bflag:$0x0] =	sbarrier.arrive $0xFFFF  }
.LBB2_6:
0x3a: {  	[spmem:s1] =	stream.indirect.scatter.add.f32 @!p1 [tilespmem:s20], [sflag:$0x1], $0x10, s17, s19, $0xb8;
	[tilespmem:$0x5780] =	vst v63  }
0x3b: {  	s19 =	smov.u32 s16;
	s16 =	sadd.s32 $0x1, s16  }
0x3c: {  	p2 =	sne.s32 s16, $0x4F  }
.Ltmp2:
0x3d: {  	(pc) =	sbr.rel @p2 .LBB2_6-.Ltmp2, $4  }
0x3e: {  	s17 =	smov.u32 s18  }
0x3f: {  	s19 =	sadd.s32 s19, s13  }
0x40: {  	p1 =	sgt.u32 s19, $0x9C3  }
0x41: {  	s18 =	sadd.s32 $0x80, s18;
	s19 =	simm.s32 @!p1 $0x80;
	s20 =	simm.s32 @!p1 $0x2780  }
0x42: {  	[spmem:s1] =	stream.indirect.scatter.add.f32 @!p1 [tilespmem:s20], [sflag:$0x1], $0x10, s17, s19, $0xb8;
	[tilespmem:$0x5780] =	vst v63  }
0x43: {  	s16 =	sadd.s32 $0x0, s13  }
0x44: {  	p1 =	sgt.u32 s16, $0x9C3  }
0x45: {  	s17 =	simm.s32 @!p1 $0x1  }
0x46: {  	_ =	swait.ge @!p1 [sflag:s17], $0x800  }
0x47: {  	s16 =	simm.s32 $0x1;
	[sflag:s17] =	ssyncset.done @!p1 $0x0  }
.LBB2_8:
0x48: {  	[sflag:s17] =	ssyncadd.s32 @!p1 $0xFFFFF800;
	s17 =	smov.u32 s16;
	s16 =	sadd.s32 $0x1, s16  }
0x49: {  	p2 =	sne.s32 s16, $0x4F  }
.Ltmp3:
0x4a: {  	s17 =	sadd.s32 s17, s13;
	(pc) =	sbr.rel @p2 .LBB2_8-.Ltmp3, $4  }
0x4b: {  	p1 =	sgt.u32 s17, $0x9C3  }
0x4c: {  	s17 =	simm.s32 @!p1 $0x1  }
0x4d: {  	_ =	swait.ge @!p1 [sflag:s17], $0x800  }
0x4e: {  	[sflag:s17] =	ssyncset.done @!p1 $0x0  }
0x4f: {  	[sflag:s17] =	ssyncadd.s32 @!p1 $0xFFFFF800;
	s3 =	sadd.s32 $0x1, s3  }
0x50: {  	s16 =	sshll.u32 s2, $0x6;
	s31 =	sshrl.u32 s4, $0x3;
	p1 =	sne.s32 s3, s11  }
.Ltmp4:
0x51: {  	[bflag:$0x0] =	sbarrier.arrive $0xFFFF;
	s16 =	sor.u32 $0x1C02, s16;
	(pc) =	sbr.rel @p1 .LBB2_1-.Ltmp4, $4  }
0x52: {  	[hbm:s12], [sflag:s16] =	dma.local [spmem:s31], $0x500  }
0x53: {  	_ =	swait.ge [sflag:s15], $0x500  }
0x54: {  	[sflag:s15] =	ssyncset.done $0x0  }
0x55: {  	[sflag:s15] =	ssyncadd.s32 $0xFFFFFB00  }
0x56: {  	_ =	sfence.sel $0x180000  }
0x57: {  	[bflag:$0x0] =	sbarrier.arrive $0xFFFF  }
0x58: {  	p0 =	sne.s32 s2, $0x0;
	_ =	strace $0x90000047  }
0x59: {  	s0 =	sadd.s32 @!p0 $0x100000, s0;
	[bflag:$0x2] =	sbarrier.arrive $0xFFFF  }
0x5a: {  	[sflag:s0] =	ssyncadd.tile.s32 @!p0 $0x1;
	_ =	shalt  }
.Lfunc_end2:
_tile_overlayer_lowered:
.L_overlay_start_2:
0x5b: {  	(tag) =	ssettag $0x2  }
0x5c: {  	s0 =	rddreg [dreg:$0x0];
	s2 =	stileid.u32  }
0x5d: {  	s1 =	rddreg [dreg:$0x1];
	p0 =	sne.s32 s2, $0x0  }
0x5e: {  	s3 =	rddreg [dreg:$0x2];
	[bflag:$0x3] =	sbarrier.arrive $0xFFFF;
	s2 =	simm.s32 @!p0 $0x1C02  }
0x5f: {  	[timem:s3], [sflag:s2] =	dma.local @!p0 [hbm:s0], s1  }
0x60: {  	s0 =	simm.s32 @!p0 $0x2  }
0x61: {  	_ =	swait.ge @!p0 [sflag:s0], s1  }
0x62: {  	s1 =	ssub.s32 @!p0 $0x0, s1;
	[sflag:s0] =	ssyncset.done @!p0 $0x0  }
0x63: {  	[sflag:s0] =	ssyncadd.s32 @!p0 s1  }
0x64: {  	[bflag:$0x3] =	sbarrier.arrive $0xFFFF  }
0x65: {  	_ =	shalt  }

</sc_bundles>
